<compile_context>
chip_gen: v7x
topology: tpu7x:2x2x1
jax: 0.10.2.dev20260603
libtpu: 0.0.44.dev20260713+nightly
codegen_flags: <defaults>
</compile_context>

<pallas_src>
import functools

import jax
import jax.numpy as jnp
import numpy as np
from jax import lax
from jax.experimental import pallas as pl
from jax.experimental.pallas import tpu as pltpu
from jax.experimental.pallas import tpu_sc as plsc

N = 10000
E = 320000
D = 128
ED = 16
H = 4
HD = D // H
M = 512
L = 4

NT = 16
CB = 64
NCHC = 160
KG = 32
E_PAD = 2 * NT * NCHC * CB
NPR = NT * 640
BN = 1000
BE = 4096


def _eproj_body(ea_ref, w_ref, out_ref):
    y = jnp.dot(ea_ref[...], w_ref[...], preferred_element_type=jnp.float32)
    out_ref[...] = y.reshape(BE // CB, CB, D)


def _eproj(ea_p, w_edge_l):
    return pl.pallas_call(
        _eproj_body,
        grid=(E_PAD // BE,),
        in_specs=[
            pl.BlockSpec((BE, ED), lambda i: (i, 0)),
            pl.BlockSpec((ED, D), lambda i: (0, 0)),
        ],
        out_specs=pl.BlockSpec((BE // CB, CB, D), lambda i: (i, 0, 0)),
        out_shape=jax.ShapeDtypeStruct((E_PAD // CB, CB, D), jnp.float32),
    )(ea_p, w_edge_l)


def _attn_body(h_ref, b_ref, kvb_ref, k_in_ref, v_in_ref,
               wq_ref, wk_ref, wv_ref, ws_ref, hs_ref, ctx_ref):
    h = h_ref[...]
    q = jnp.dot(h, wq_ref[...], preferred_element_type=jnp.float32)
    k = jnp.dot(k_in_ref[...], wk_ref[...], preferred_element_type=jnp.float32)
    v = jnp.dot(v_in_ref[...], wv_ref[...], preferred_element_type=jnp.float32)
    b = b_ref[0, 0, :]
    kvb = kvb_ref[0, 0, :]
    mask = b[:, None] == kvb[None, :]
    scale = np.float32(1.0 / np.sqrt(HD))
    ctxs = []
    for hh in range(H):
        sl = slice(HD * hh, HD * hh + HD)
        s = jax.lax.dot_general(q[:, sl], k[:, sl],
                                (((1,), (1,)), ((), ())),
                                preferred_element_type=jnp.float32) * scale
        s = jnp.where(mask, s, np.float32(-1e9))
        mx = jnp.max(s, axis=-1, keepdims=True)
        e = jnp.exp(s - mx)
        p = e / jnp.sum(e, axis=-1, keepdims=True)
        ctxs.append(jnp.dot(p, v[:, sl], preferred_element_type=jnp.float32))
    ctx_ref[...] = jnp.concatenate(ctxs, axis=1)
    hs_ref[...] = jnp.dot(h, ws_ref[...], preferred_element_type=jnp.float32)


def _attn(h, batch3, kv3, k_in, v_in, wq, wk, wv, ws):
    return pl.pallas_call(
        _attn_body,
        grid=(N // BN,),
        in_specs=[
            pl.BlockSpec((BN, D), lambda i: (i, 0)),
            pl.BlockSpec((1, 1, BN), lambda i: (i, 0, 0)),
            pl.BlockSpec((1, 1, M), lambda i: (0, 0, 0)),
            pl.BlockSpec((M, D), lambda i: (0, 0)),
            pl.BlockSpec((M, D), lambda i: (0, 0)),
            pl.BlockSpec((D, D), lambda i: (0, 0)),
            pl.BlockSpec((D, D), lambda i: (0, 0)),
            pl.BlockSpec((D, D), lambda i: (0, 0)),
            pl.BlockSpec((D, D), lambda i: (0, 0)),
        ],
        out_specs=[
            pl.BlockSpec((BN, D), lambda i: (i, 0)),
            pl.BlockSpec((BN, D), lambda i: (i, 0)),
        ],
        out_shape=[
            jax.ShapeDtypeStruct((NPR, D), jnp.float32),
            jax.ShapeDtypeStruct((N, D), jnp.float32),
        ],
    )(h, batch3, kv3, k_in, v_in, wq, wk, wv, ws)


@functools.lru_cache(maxsize=None)
def _build_sc_edge():
    mesh = plsc.VectorSubcoreMesh(core_axis_name="c", subcore_axis_name="s")

    @functools.partial(
        pl.kernel,
        mesh=mesh,
        out_type=jax.ShapeDtypeStruct((2, NPR, D), jnp.float32),
        scratch_types=[
            pltpu.VMEM((KG, CB), jnp.int32),
            pltpu.VMEM((KG, CB), jnp.int32),
            pltpu.VMEM((CB, D), jnp.float32),
            pltpu.VMEM((CB, D), jnp.float32),
            pltpu.VMEM((CB, D), jnp.float32),
            pltpu.VMEM((CB, D), jnp.float32),
            pltpu.VMEM_SHARED((NPR, D), jnp.float32),
            pltpu.SemaphoreType.DMA,
            pltpu.SemaphoreType.DMA,
            pltpu.SemaphoreType.DMA,
            pltpu.SemaphoreType.DMA,
        ],
    )
    def sc_edge(hs_hbm, ep_hbm, src_hbm, dst_hbm, z_hbm, out_hbm,
                src_v, dst_v, g0, g1, e0, e1, agg_sh,
                gs0, gs1, es0, es1):
        c = lax.axis_index("c")
        s = lax.axis_index("s")
        rows = NPR // NT
        gb = (g0, g1)
        eb = (e0, e1)
        gsem = (gs0, gs1)
        esem = (es0, es1)
        pltpu.sync_copy(z_hbm.at[pl.ds(s * rows, rows)],
                        agg_sh.at[pl.ds(s * rows, rows)])
        plsc.subcore_barrier()

        def group(g, carry):
            pltpu.sync_copy(src_hbm.at[c, s, pl.ds(g * KG, KG)], src_v)
            pltpu.sync_copy(dst_hbm.at[c, s, pl.ds(g * KG, KG)], dst_v)
            base = (c * NT + s) * NCHC + g * KG
            pltpu.async_copy(hs_hbm.at[src_v.at[0]], gb[0], gsem[0])
            pltpu.async_copy(ep_hbm.at[base], eb[0], esem[0])

            def pair(p, carry1):
                for b in range(2):
                    j = p * 2 + b
                    nb = 1 - b

                    @pl.when(j + 1 < KG)
                    def _issue():
                        pltpu.async_copy(hs_hbm.at[src_v.at[j + 1]],
                                         gb[nb], gsem[nb])
                        pltpu.async_copy(ep_hbm.at[base + j + 1],
                                         eb[nb], esem[nb])

                    pltpu.make_async_copy(hs_hbm.at[src_v.at[j]],
                                          gb[b], gsem[b]).wait()
                    pltpu.make_async_copy(ep_hbm.at[base + j],
                                          eb[b], esem[b]).wait()
                    gbuf = gb[b]
                    ebuf = eb[b]

                    def row(i, carry2):
                        for vv in range(D // 16):
                            slc = pl.ds(vv * 16, 16)
                            m = gbuf[i, slc] + ebuf[i, slc]
                            gbuf[i, slc] = m / (1.0 + jnp.exp(-m))
                        return carry2

                    lax.fori_loop(0, CB, row, 0)
                    pltpu.sync_copy(gbuf, agg_sh.at[dst_v.at[j]], add=True)
                return carry1

            lax.fori_loop(0, KG // 2, pair, 0)
            return carry

        lax.fori_loop(0, NCHC // KG, group, 0)
        plsc.subcore_barrier()
        pltpu.sync_copy(agg_sh.at[pl.ds(s * rows, rows)],
                        out_hbm.at[c, pl.ds(s * rows, rows)])

    return sc_edge


def _sc_edge(hs, ep, src4, dst4, z):
    return _build_sc_edge()(hs, ep, src4, dst4, z)


def _comb_body(h_ref, agg_ref, ctx_ref, wo_ref, out_ref):
    a = agg_ref[0] + agg_ref[1] + ctx_ref[...]
    out_ref[...] = h_ref[...] + jnp.dot(a, wo_ref[...],
                                        preferred_element_type=jnp.float32)


def _comb(h, agg2, ctx, wo):
    return pl.pallas_call(
        _comb_body,
        grid=(N // BN,),
        in_specs=[
            pl.BlockSpec((BN, D), lambda i: (i, 0)),
            pl.BlockSpec((2, BN, D), lambda i: (0, i, 0)),
            pl.BlockSpec((BN, D), lambda i: (i, 0)),
            pl.BlockSpec((D, D), lambda i: (0, 0)),
        ],
        out_specs=pl.BlockSpec((BN, D), lambda i: (i, 0)),
        out_shape=jax.ShapeDtypeStruct((N, D), jnp.float32),
    )(h, agg2, ctx, wo)


def kernel(x, edge_index, edge_attr, batch, K, V, kv_batch,
           W_src, W_edge, W_q, W_k, W_v, W_o):
    src = edge_index[0]
    dst = edge_index[1]
    pad = E_PAD - E
    src4 = jnp.concatenate([src, jnp.zeros((pad,), jnp.int32)]).reshape(
        2, NT, NCHC, CB)
    dst4 = jnp.concatenate([dst, jnp.full((pad,), N, jnp.int32)]).reshape(
        2, NT, NCHC, CB)
    ea_p = jnp.concatenate([edge_attr, jnp.zeros((pad, ED), jnp.float32)],
                           axis=0)
    zeros_np = jnp.zeros((NPR, D), jnp.float32)
    batch3 = batch.reshape(N // BN, 1, BN)
    kv3 = kv_batch.reshape(1, 1, M)

    eps = [_eproj(ea_p, W_edge[l]) for l in range(L)]
    h = x
    for l in range(L):
        hs, ctx = _attn(h, batch3, kv3, K, V, W_q[l], W_k[l], W_v[l], W_src[l])
        agg2 = _sc_edge(hs, eps[l], src4, dst4, zeros_np)
        h = _comb(h, agg2, ctx, W_o[l])
    return h

# --- scband reference (transcript-rebuilt; emitter-appended) ---
"""Pipeline reference for scband-mol-refiner-9852654977523 (READ-ONLY COPY).

The authoritative reference and input builder live on the scoring server;
editing this copy changes nothing except your own understanding.
"""

import jax, jax.numpy as jnp
import numpy as np

N = 10000
E = 320000
D = 128
ED = 16
H = 4
HD = D // H
M = 512
G = 64
L = 4

def setup_inputs(seed: int = 0):
    key = jax.random.key(seed)
    ks = jax.random.split(key, 13)
    x = jax.random.normal(ks[0], (N, D), dtype=jnp.float32)
    edge_index = jax.random.randint(ks[1], (2, E), 0, N, dtype=jnp.int32)
    edge_attr = jax.random.normal(ks[2], (E, ED), dtype=jnp.float32)
    batch = jnp.sort(jax.random.randint(ks[3], (N,), 0, G, dtype=jnp.int32))
    K = jax.random.normal(ks[4], (M, D), dtype=jnp.float32)
    V = jax.random.normal(ks[5], (M, D), dtype=jnp.float32)
    kv_batch = jnp.sort(jax.random.randint(ks[6], (M,), 0, G, dtype=jnp.int32))
    s = 1.0 / np.sqrt(D)
    W_src = jax.random.normal(ks[7], (L, D, D), dtype=jnp.float32) * s
    W_edge = jax.random.normal(ks[8], (L, ED, D), dtype=jnp.float32) * (1.0 / np.sqrt(ED))
    W_q = jax.random.normal(ks[9], (L, D, D), dtype=jnp.float32) * s
    W_k = jax.random.normal(ks[10], (L, D, D), dtype=jnp.float32) * s
    W_v = jax.random.normal(ks[11], (L, D, D), dtype=jnp.float32) * s
    W_o = jax.random.normal(ks[12], (L, D, D), dtype=jnp.float32) * s
    return {"x": x, "edge_index": edge_index, "edge_attr": edge_attr, "batch": batch, "K": K, "V": V, "kv_batch": kv_batch, "W_src": W_src, "W_edge": W_edge, "W_q": W_q, "W_k": W_k, "W_v": W_v, "W_o": W_o}

def reference(x, edge_index, edge_attr, batch, K, V, kv_batch, W_src, W_edge, W_q, W_k, W_v, W_o):
    src = edge_index[0]
    dst = edge_index[1]
    h = x
    for l in range(L):
        msgs = jax.nn.silu(jnp.take(h @ W_src[l], src, axis=0) + edge_attr @ W_edge[l])
        agg = jax.ops.segment_sum(msgs, dst, num_segments=N)
        q = (h @ W_q[l]).reshape(N, H, HD)
        k = (K @ W_k[l]).reshape(M, H, HD)
        v = (V @ W_v[l]).reshape(M, H, HD)
        scores = jnp.einsum('nhd,mhd->nhm', q, k) / np.sqrt(HD)
        mask = (batch[:, None] == kv_batch[None, :])[:, None, :]
        scores = jnp.where(mask, scores, -1e9)
        attn = jax.nn.softmax(scores, axis=-1)
        ctx = jnp.einsum('nhm,mhd->nhd', attn, v).reshape(N, D)
        h = h + (agg + ctx) @ W_o[l]
    return h

if __name__ == "__main__":
    import jax
    _d = setup_inputs()
    print(jax.jit(kernel)(*tuple(_d.values())))

</pallas_src>

<mosaic_0001>
#map = affine_map<(d0, d1) -> (0, 0)>
#map1 = affine_map<(d0, d1) -> (0, 0, 0)>
#map2 = affine_map<(d0, d1) -> (0, 0, 0, 0)>
module attributes {stable_mosaic.version = 14 : i64} {
  func.func @sc_edge(%arg0: i32, %arg1: i32, %arg2: memref<10240x128xf32, #tpu.memory_space<hbm>>, %arg3: memref<5120x64x128xf32, #tpu.memory_space<hbm>>, %arg4: memref<2x16x160x64xi32, #tpu.memory_space<hbm>>, %arg5: memref<2x16x160x64xi32, #tpu.memory_space<hbm>>, %arg6: memref<10240x128xf32, #tpu.memory_space<hbm>>, %arg7: memref<2x10240x128xf32, #tpu.memory_space<hbm>>, %arg8: memref<32x64xi32, #tpu.memory_space<vmem>>, %arg9: memref<32x64xi32, #tpu.memory_space<vmem>>, %arg10: memref<64x128xf32, #tpu.memory_space<vmem>>, %arg11: memref<64x128xf32, #tpu.memory_space<vmem>>, %arg12: memref<64x128xf32, #tpu.memory_space<vmem>>, %arg13: memref<64x128xf32, #tpu.memory_space<vmem>>, %arg14: memref<10240x128xf32, #tpu.memory_space<vmem_shared>>, %arg15: memref<!tpu.dma_semaphore, #tpu.memory_space<semaphore_mem>>, %arg16: memref<!tpu.dma_semaphore, #tpu.memory_space<semaphore_mem>>, %arg17: memref<!tpu.dma_semaphore, #tpu.memory_space<semaphore_mem>>, %arg18: memref<!tpu.dma_semaphore, #tpu.memory_space<semaphore_mem>>) attributes {dimension_semantics = [#tpu.dimension_semantics<core_parallel>, #tpu.dimension_semantics<subcore_parallel>], iteration_bounds = array<i64: 2, 16>, scalar_prefetch = 0 : i64, scratch_operands = 11 : i64, tpu.core_type = #tpu.core_type<sc_vector_subcore>, window_params = [{transform_indices = #map}, {transform_indices = #map1}, {transform_indices = #map2}, {transform_indices = #map2}, {transform_indices = #map}, {transform_indices = #map1}]} {
    %mul3A = arith.constant 640 : i32
    %mul3A_0 = arith.muli %arg1, %mul3A : i32
    %mul3A_1 = arith.constant 640 : i32
    %mul3A_2 = arith.muli %arg1, %mul3A_1 : i32
    "tpu.region"() ({
      %run_scoped3A = tpu.sem_alloc : memref<!tpu.dma_semaphore, #tpu.memory_space<semaphore_mem>>
      %dma_start3A = arith.constant 0 : i32
      %dma_start3A_13 = tpu.memref_slice %arg14[%mul3A_2, %dma_start3A] : memref<10240x128xf32, #tpu.memory_space<vmem_shared>> -> memref<640x128xf32, #tpu.memory_space<vmem_shared>>
      %dma_start3A_14 = arith.constant 0 : i32
      %dma_start3A_15 = tpu.memref_slice %arg6[%mul3A_0, %dma_start3A_14] : memref<10240x128xf32, #tpu.memory_space<hbm>> -> memref<640x128xf32, #tpu.memory_space<hbm>>
      tpu.enqueue_dma source(%dma_start3A_15 : memref<640x128xf32, #tpu.memory_space<hbm>>) target(%dma_start3A_13 : memref<640x128xf32, #tpu.memory_space<vmem_shared>>) target_semaphore(%run_scoped3A : memref<!tpu.dma_semaphore, #tpu.memory_space<semaphore_mem>>)
      %dma_wait3A = arith.constant 0 : i32
      %dma_wait3A_16 = tpu.memref_slice %arg14[%mul3A_2, %dma_wait3A] : memref<10240x128xf32, #tpu.memory_space<vmem_shared>> -> memref<640x128xf32, #tpu.memory_space<vmem_shared>>
      %dma_wait3A_17 = arith.constant 0 : i32
      %dma_wait3A_18 = tpu.memref_slice %arg6[%mul3A_0, %dma_wait3A_17] : memref<10240x128xf32, #tpu.memory_space<hbm>> -> memref<640x128xf32, #tpu.memory_space<hbm>>
      tpu.wait_dma2 semaphore(%run_scoped3A : memref<!tpu.dma_semaphore, #tpu.memory_space<semaphore_mem>>) src(%dma_wait3A_18 : memref<640x128xf32, #tpu.memory_space<hbm>>) dst(%dma_wait3A_16 : memref<640x128xf32, #tpu.memory_space<vmem_shared>>)
      tpu.yield
    }) : () -> ()
    %barrier3A = arith.constant 0 : index
    tpu.barrier barrier_id(%barrier3A)
    %scan3A = arith.constant 0 : i32
    %scan3A_3 = arith.constant 0 : i32
    %scan3A_4 = arith.constant 5 : i32
    %scan3A_5 = arith.addi %scan3A_3, %scan3A_4 : i32
    %scan3A_6 = arith.constant 1 : i32
    scf.for %scan3A_13 = %scan3A_3 to %scan3A_5 step %scan3A_6  : i32 {
      %mul3A_14 = arith.constant 32 : i32
      %mul3A_15 = arith.muli %scan3A_13, %mul3A_14 : i32
      "tpu.region"() ({
        %run_scoped3A = tpu.sem_alloc : memref<!tpu.dma_semaphore, #tpu.memory_space<semaphore_mem>>
        %dma_start3A_45 = arith.constant 0 : i32
        %dma_start3A_46 = tpu.memref_slice %arg4[%arg0, %arg1, %mul3A_15, %dma_start3A_45] : memref<2x16x160x64xi32, #tpu.memory_space<hbm>> -> memref<1x1x32x64xi32, #tpu.memory_space<hbm>>
        %dma_start3A_47 = tpu.memref_squeeze %dma_start3A_46 : memref<1x1x32x64xi32, #tpu.memory_space<hbm>> -> memref<32x64xi32, #tpu.memory_space<hbm>>
        %dma_start3A_48 = arith.constant 0 : i32
        %dma_start3A_49 = tpu.memref_slice %arg4[%arg0, %arg1, %mul3A_15, %dma_start3A_48] : memref<2x16x160x64xi32, #tpu.memory_space<hbm>> -> memref<1x1x32x64xi32, #tpu.memory_space<hbm>>
        %dma_start3A_50 = tpu.memref_squeeze %dma_start3A_49 : memref<1x1x32x64xi32, #tpu.memory_space<hbm>> -> memref<32x64xi32, #tpu.memory_space<hbm>>
        tpu.enqueue_dma source(%dma_start3A_50 : memref<32x64xi32, #tpu.memory_space<hbm>>) target(%arg8 : memref<32x64xi32, #tpu.memory_space<vmem>>) target_semaphore(%run_scoped3A : memref<!tpu.dma_semaphore, #tpu.memory_space<semaphore_mem>>)
        %dma_wait3A = arith.constant 0 : i32
        %dma_wait3A_51 = tpu.memref_slice %arg4[%arg0, %arg1, %mul3A_15, %dma_wait3A] : memref<2x16x160x64xi32, #tpu.memory_space<hbm>> -> memref<1x1x32x64xi32, #tpu.memory_space<hbm>>
        %dma_wait3A_52 = tpu.memref_squeeze %dma_wait3A_51 : memref<1x1x32x64xi32, #tpu.memory_space<hbm>> -> memref<32x64xi32, #tpu.memory_space<hbm>>
        %dma_wait3A_53 = arith.constant 0 : i32
        %dma_wait3A_54 = tpu.memref_slice %arg4[%arg0, %arg1, %mul3A_15, %dma_wait3A_53] : memref<2x16x160x64xi32, #tpu.memory_space<hbm>> -> memref<1x1x32x64xi32, #tpu.memory_space<hbm>>
        %dma_wait3A_55 = tpu.memref_squeeze %dma_wait3A_54 : memref<1x1x32x64xi32, #tpu.memory_space<hbm>> -> memref<32x64xi32, #tpu.memory_space<hbm>>
        tpu.wait_dma2 semaphore(%run_scoped3A : memref<!tpu.dma_semaphore, #tpu.memory_space<semaphore_mem>>) src(%dma_wait3A_55 : memref<32x64xi32, #tpu.memory_space<hbm>>) dst(%arg8 : memref<32x64xi32, #tpu.memory_space<vmem>>)
        tpu.yield
      }) : () -> ()
      %mul3A_16 = arith.constant 32 : i32
      %mul3A_17 = arith.muli %scan3A_13, %mul3A_16 : i32
      "tpu.region"() ({
        %run_scoped3A = tpu.sem_alloc : memref<!tpu.dma_semaphore, #tpu.memory_space<semaphore_mem>>
        %dma_start3A_45 = arith.constant 0 : i32
        %dma_start3A_46 = tpu.memref_slice %arg5[%arg0, %arg1, %mul3A_17, %dma_start3A_45] : memref<2x16x160x64xi32, #tpu.memory_space<hbm>> -> memref<1x1x32x64xi32, #tpu.memory_space<hbm>>
        %dma_start3A_47 = tpu.memref_squeeze %dma_start3A_46 : memref<1x1x32x64xi32, #tpu.memory_space<hbm>> -> memref<32x64xi32, #tpu.memory_space<hbm>>
        %dma_start3A_48 = arith.constant 0 : i32
        %dma_start3A_49 = tpu.memref_slice %arg5[%arg0, %arg1, %mul3A_17, %dma_start3A_48] : memref<2x16x160x64xi32, #tpu.memory_space<hbm>> -> memref<1x1x32x64xi32, #tpu.memory_space<hbm>>
        %dma_start3A_50 = tpu.memref_squeeze %dma_start3A_49 : memref<1x1x32x64xi32, #tpu.memory_space<hbm>> -> memref<32x64xi32, #tpu.memory_space<hbm>>
        tpu.enqueue_dma source(%dma_start3A_50 : memref<32x64xi32, #tpu.memory_space<hbm>>) target(%arg9 : memref<32x64xi32, #tpu.memory_space<vmem>>) target_semaphore(%run_scoped3A : memref<!tpu.dma_semaphore, #tpu.memory_space<semaphore_mem>>)
        %dma_wait3A = arith.constant 0 : i32
        %dma_wait3A_51 = tpu.memref_slice %arg5[%arg0, %arg1, %mul3A_17, %dma_wait3A] : memref<2x16x160x64xi32, #tpu.memory_space<hbm>> -> memref<1x1x32x64xi32, #tpu.memory_space<hbm>>
        %dma_wait3A_52 = tpu.memref_squeeze %dma_wait3A_51 : memref<1x1x32x64xi32, #tpu.memory_space<hbm>> -> memref<32x64xi32, #tpu.memory_space<hbm>>
        %dma_wait3A_53 = arith.constant 0 : i32
        %dma_wait3A_54 = tpu.memref_slice %arg5[%arg0, %arg1, %mul3A_17, %dma_wait3A_53] : memref<2x16x160x64xi32, #tpu.memory_space<hbm>> -> memref<1x1x32x64xi32, #tpu.memory_space<hbm>>
        %dma_wait3A_55 = tpu.memref_squeeze %dma_wait3A_54 : memref<1x1x32x64xi32, #tpu.memory_space<hbm>> -> memref<32x64xi32, #tpu.memory_space<hbm>>
        tpu.wait_dma2 semaphore(%run_scoped3A : memref<!tpu.dma_semaphore, #tpu.memory_space<semaphore_mem>>) src(%dma_wait3A_55 : memref<32x64xi32, #tpu.memory_space<hbm>>) dst(%arg9 : memref<32x64xi32, #tpu.memory_space<vmem>>)
        tpu.yield
      }) : () -> ()
      %mul3A_18 = arith.constant 16 : i32
      %mul3A_19 = arith.muli %arg0, %mul3A_18 : i32
      %add3A = arith.addi %mul3A_19, %arg1 : i32
      %mul3A_20 = arith.constant 160 : i32
      %mul3A_21 = arith.muli %add3A, %mul3A_20 : i32
      %mul3A_22 = arith.constant 32 : i32
      %mul3A_23 = arith.muli %scan3A_13, %mul3A_22 : i32
      %add3A_24 = arith.addi %mul3A_21, %mul3A_23 : i32
      %dma_start3A = arith.constant 0 : i32
      %dma_start3A_25 = arith.constant 0 : i32
      %dma_start3A_26 = tpu.memref_slice %arg8[%dma_start3A, %dma_start3A_25] : memref<32x64xi32, #tpu.memory_space<vmem>> -> memref<1x64xi32, #tpu.memory_space<vmem>>
      %dma_start3A_27 = tpu.memref_squeeze %dma_start3A_26 : memref<1x64xi32, #tpu.memory_space<vmem>> -> memref<64xi32, #tpu.memory_space<vmem>>
      %dma_start3A_28 = arith.constant 0 : i32
      %dma_start3A_29 = arith.constant 0 : i32
      %dma_start3A_30 = tpu.memref_slice %arg2[%dma_start3A_28, %dma_start3A_29] : memref<10240x128xf32, #tpu.memory_space<hbm>> -> memref<10240x128xf32, #tpu.memory_space<hbm>>
      tpu.enqueue_indirect_dma source(%dma_start3A_30 : memref<10240x128xf32, #tpu.memory_space<hbm>>) target(%arg10 : memref<64x128xf32, #tpu.memory_space<vmem>>) offsets(%dma_start3A_27 : memref<64xi32, #tpu.memory_space<vmem>>) semaphore(%arg15 : memref<!tpu.dma_semaphore, #tpu.memory_space<semaphore_mem>>)
      %dma_start3A_31 = arith.constant 0 : i32
      %dma_start3A_32 = arith.constant 0 : i32
      %dma_start3A_33 = tpu.memref_slice %arg3[%add3A_24, %dma_start3A_31, %dma_start3A_32] : memref<5120x64x128xf32, #tpu.memory_space<hbm>> -> memref<1x64x128xf32, #tpu.memory_space<hbm>>
      %dma_start3A_34 = tpu.memref_squeeze %dma_start3A_33 : memref<1x64x128xf32, #tpu.memory_space<hbm>> -> memref<64x128xf32, #tpu.memory_space<hbm>>
      %dma_start3A_35 = arith.constant 0 : i32
      %dma_start3A_36 = arith.constant 0 : i32
      %dma_start3A_37 = tpu.memref_slice %arg3[%add3A_24, %dma_start3A_35, %dma_start3A_36] : memref<5120x64x128xf32, #tpu.memory_space<hbm>> -> memref<1x64x128xf32, #tpu.memory_space<hbm>>
      %dma_start3A_38 = tpu.memref_squeeze %dma_start3A_37 : memref<1x64x128xf32, #tpu.memory_space<hbm>> -> memref<64x128xf32, #tpu.memory_space<hbm>>
      tpu.enqueue_dma source(%dma_start3A_38 : memref<64x128xf32, #tpu.memory_space<hbm>>) target(%arg12 : memref<64x128xf32, #tpu.memory_space<vmem>>) target_semaphore(%arg17 : memref<!tpu.dma_semaphore, #tpu.memory_space<semaphore_mem>>)
      %scan3A_39 = arith.constant 0 : i32
      %scan3A_40 = arith.constant 0 : i32
      %scan3A_41 = arith.constant 16 : i32
      %scan3A_42 = arith.addi %scan3A_40, %scan3A_41 : i32
      %scan3A_43 = arith.constant 1 : i32
      scf.for %scan3A_45 = %scan3A_40 to %scan3A_42 step %scan3A_43  : i32 {
        %mul3A_46 = arith.constant 2 : i32
        %mul3A_47 = arith.muli %scan3A_45, %mul3A_46 : i32
        %add3A_48 = arith.constant 0 : i32
        %add3A_49 = arith.addi %mul3A_47, %add3A_48 : i32
        %add3A_50 = arith.constant 1 : i32
        %add3A_51 = arith.addi %add3A_49, %add3A_50 : i32
        %lt3A = arith.constant 32 : i32
        %lt3A_52 = arith.cmpi slt, %add3A_51, %lt3A : i32
        %convert_element_type3A = arith.extui %lt3A_52 : i1 to i32
        %cond3A = arith.constant 0 : i32
        %cond3A_53 = arith.cmpi ne, %convert_element_type3A, %cond3A : i32
        scf.if %cond3A_53 {
          %add3A_106 = arith.constant 1 : i32
          %add3A_107 = arith.addi %add3A_49, %add3A_106 : i32
          %dma_start3A_108 = arith.constant 0 : i32
          %dma_start3A_109 = tpu.memref_slice %arg8[%add3A_107, %dma_start3A_108] : memref<32x64xi32, #tpu.memory_space<vmem>> -> memref<1x64xi32, #tpu.memory_space<vmem>>
          %dma_start3A_110 = tpu.memref_squeeze %dma_start3A_109 : memref<1x64xi32, #tpu.memory_space<vmem>> -> memref<64xi32, #tpu.memory_space<vmem>>
          %dma_start3A_111 = arith.constant 0 : i32
          %dma_start3A_112 = arith.constant 0 : i32
          %dma_start3A_113 = tpu.memref_slice %arg2[%dma_start3A_111, %dma_start3A_112] : memref<10240x128xf32, #tpu.memory_space<hbm>> -> memref<10240x128xf32, #tpu.memory_space<hbm>>
          tpu.enqueue_indirect_dma source(%dma_start3A_113 : memref<10240x128xf32, #tpu.memory_space<hbm>>) target(%arg11 : memref<64x128xf32, #tpu.memory_space<vmem>>) offsets(%dma_start3A_110 : memref<64xi32, #tpu.memory_space<vmem>>) semaphore(%arg16 : memref<!tpu.dma_semaphore, #tpu.memory_space<semaphore_mem>>)
          %add3A_114 = arith.addi %add3A_24, %add3A_49 : i32
          %add3A_115 = arith.constant 1 : i32
          %add3A_116 = arith.addi %add3A_114, %add3A_115 : i32
          %dma_start3A_117 = arith.constant 0 : i32
          %dma_start3A_118 = arith.constant 0 : i32
          %dma_start3A_119 = tpu.memref_slice %arg3[%add3A_116, %dma_start3A_117, %dma_start3A_118] : memref<5120x64x128xf32, #tpu.memory_space<hbm>> -> memref<1x64x128xf32, #tpu.memory_space<hbm>>
          %dma_start3A_120 = tpu.memref_squeeze %dma_start3A_119 : memref<1x64x128xf32, #tpu.memory_space<hbm>> -> memref<64x128xf32, #tpu.memory_space<hbm>>
          %dma_start3A_121 = arith.constant 0 : i32
          %dma_start3A_122 = arith.constant 0 : i32
          %dma_start3A_123 = tpu.memref_slice %arg3[%add3A_116, %dma_start3A_121, %dma_start3A_122] : memref<5120x64x128xf32, #tpu.memory_space<hbm>> -> memref<1x64x128xf32, #tpu.memory_space<hbm>>
          %dma_start3A_124 = tpu.memref_squeeze %dma_start3A_123 : memref<1x64x128xf32, #tpu.memory_space<hbm>> -> memref<64x128xf32, #tpu.memory_space<hbm>>
          tpu.enqueue_dma source(%dma_start3A_124 : memref<64x128xf32, #tpu.memory_space<hbm>>) target(%arg13 : memref<64x128xf32, #tpu.memory_space<vmem>>) target_semaphore(%arg18 : memref<!tpu.dma_semaphore, #tpu.memory_space<semaphore_mem>>)
        } else {
        }
        %dma_wait3A = arith.constant 0 : i32
        %dma_wait3A_54 = tpu.memref_slice %arg8[%add3A_49, %dma_wait3A] : memref<32x64xi32, #tpu.memory_space<vmem>> -> memref<1x64xi32, #tpu.memory_space<vmem>>
        %dma_wait3A_55 = tpu.memref_squeeze %dma_wait3A_54 : memref<1x64xi32, #tpu.memory_space<vmem>> -> memref<64xi32, #tpu.memory_space<vmem>>
        %dma_wait3A_56 = arith.constant 0 : i32
        %dma_wait3A_57 = arith.constant 0 : i32
        %dma_wait3A_58 = tpu.memref_slice %arg2[%dma_wait3A_56, %dma_wait3A_57] : memref<10240x128xf32, #tpu.memory_space<hbm>> -> memref<10240x128xf32, #tpu.memory_space<hbm>>
        tpu.wait_indirect_dma semaphore(%arg15 : memref<!tpu.dma_semaphore, #tpu.memory_space<semaphore_mem>>) src(%dma_wait3A_58 : memref<10240x128xf32, #tpu.memory_space<hbm>>) dst(%arg10 : memref<64x128xf32, #tpu.memory_space<vmem>>)
        %add3A_59 = arith.addi %add3A_24, %add3A_49 : i32
        %dma_wait3A_60 = arith.constant 0 : i32
        %dma_wait3A_61 = arith.constant 0 : i32
        %dma_wait3A_62 = tpu.memref_slice %arg3[%add3A_59, %dma_wait3A_60, %dma_wait3A_61] : memref<5120x64x128xf32, #tpu.memory_space<hbm>> -> memref<1x64x128xf32, #tpu.memory_space<hbm>>
        %dma_wait3A_63 = tpu.memref_squeeze %dma_wait3A_62 : memref<1x64x128xf32, #tpu.memory_space<hbm>> -> memref<64x128xf32, #tpu.memory_space<hbm>>
        %dma_wait3A_64 = arith.constant 0 : i32
        %dma_wait3A_65 = arith.constant 0 : i32
        %dma_wait3A_66 = tpu.memref_slice %arg3[%add3A_59, %dma_wait3A_64, %dma_wait3A_65] : memref<5120x64x128xf32, #tpu.memory_space<hbm>> -> memref<1x64x128xf32, #tpu.memory_space<hbm>>
        %dma_wait3A_67 = tpu.memref_squeeze %dma_wait3A_66 : memref<1x64x128xf32, #tpu.memory_space<hbm>> -> memref<64x128xf32, #tpu.memory_space<hbm>>
        tpu.wait_dma2 semaphore(%arg17 : memref<!tpu.dma_semaphore, #tpu.memory_space<semaphore_mem>>) src(%dma_wait3A_67 : memref<64x128xf32, #tpu.memory_space<hbm>>) dst(%arg12 : memref<64x128xf32, #tpu.memory_space<vmem>>)
        %scan3A_68 = arith.constant 0 : i32
        %scan3A_69 = arith.constant 0 : i32
        %scan3A_70 = arith.constant 64 : i32
        %scan3A_71 = arith.addi %scan3A_69, %scan3A_70 : i32
        %scan3A_72 = arith.constant 1 : i32
        scf.for %scan3A_106 = %scan3A_69 to %scan3A_71 step %scan3A_72  : i32 {
          %get3A = arith.index_cast %scan3A_106 : i32 to index
          %get3A_107 = arith.constant 0 : index
          %get3A_108 = tpu.vector_load %arg10[%get3A, %get3A_107] {strides = array<i32>} : memref<64x128xf32, #tpu.memory_space<vmem>>, vector<1x16xf32>,
          %get3A_109 = vector.shape_cast %get3A_108 : vector<1x16xf32> to vector<16xf32>
          %get3A_110 = arith.index_cast %scan3A_106 : i32 to index
          %get3A_111 = arith.constant 0 : index
          %get3A_112 = tpu.vector_load %arg12[%get3A_110, %get3A_111] {strides = array<i32>} : memref<64x128xf32, #tpu.memory_space<vmem>>, vector<1x16xf32>,
          %get3A_113 = vector.shape_cast %get3A_112 : vector<1x16xf32> to vector<16xf32>
          %add3A_114 = arith.addf %get3A_109, %get3A_113 : vector<16xf32>
          %neg3A = arith.constant 0.000000e+00 : f32
          %neg3A_115 = vector.broadcast %neg3A : f32 to vector<16xf32>
          %neg3A_116 = arith.subf %neg3A_115, %add3A_114 : vector<16xf32>
          %exp3A = math.exp %neg3A_116 : vector<16xf32>
          %add3A_117 = arith.constant 1.000000e+00 : f32
          %add3A_118 = vector.broadcast %add3A_117 : f32 to vector<16xf32>
          %add3A_119 = arith.addf %add3A_118, %exp3A : vector<16xf32>
          %div3A = arith.divf %add3A_114, %add3A_119 : vector<16xf32>
          %swap3A = arith.index_cast %scan3A_106 : i32 to index
          %swap3A_120 = arith.constant 0 : index
          %swap3A_121 = tpu.vector_load %arg10[%swap3A, %swap3A_120] {strides = array<i32>} : memref<64x128xf32, #tpu.memory_space<vmem>>, vector<1x16xf32>,
          %swap3A_122 = vector.shape_cast %swap3A_121 : vector<1x16xf32> to vector<16xf32>
          %swap3A_123 = vector.shape_cast %div3A : vector<16xf32> to vector<1x16xf32>
          tpu.vector_store %arg10[%swap3A, %swap3A_120], %swap3A_123 {strides = array<i32>} : memref<64x128xf32, #tpu.memory_space<vmem>>, vector<1x16xf32>,
          %get3A_124 = arith.index_cast %scan3A_106 : i32 to index
          %get3A_125 = arith.constant 16 : index
          %get3A_126 = tpu.vector_load %arg10[%get3A_124, %get3A_125] {strides = array<i32>} : memref<64x128xf32, #tpu.memory_space<vmem>>, vector<1x16xf32>,
          %get3A_127 = vector.shape_cast %get3A_126 : vector<1x16xf32> to vector<16xf32>
          %get3A_128 = arith.index_cast %scan3A_106 : i32 to index
          %get3A_129 = arith.constant 16 : index
          %get3A_130 = tpu.vector_load %arg12[%get3A_128, %get3A_129] {strides = array<i32>} : memref<64x128xf32, #tpu.memory_space<vmem>>, vector<1x16xf32>,
          %get3A_131 = vector.shape_cast %get3A_130 : vector<1x16xf32> to vector<16xf32>
          %add3A_132 = arith.addf %get3A_127, %get3A_131 : vector<16xf32>
          %neg3A_133 = arith.constant 0.000000e+00 : f32
          %neg3A_134 = vector.broadcast %neg3A_133 : f32 to vector<16xf32>
          %neg3A_135 = arith.subf %neg3A_134, %add3A_132 : vector<16xf32>
          %exp3A_136 = math.exp %neg3A_135 : vector<16xf32>
          %add3A_137 = arith.constant 1.000000e+00 : f32
          %add3A_138 = vector.broadcast %add3A_137 : f32 to vector<16xf32>
          %add3A_139 = arith.addf %add3A_138, %exp3A_136 : vector<16xf32>
          %div3A_140 = arith.divf %add3A_132, %add3A_139 : vector<16xf32>
          %swap3A_141 = arith.index_cast %scan3A_106 : i32 to index
          %swap3A_142 = arith.constant 16 : index
          %swap3A_143 = tpu.vector_load %arg10[%swap3A_141, %swap3A_142] {strides = array<i32>} : memref<64x128xf32, #tpu.memory_space<vmem>>, vector<1x16xf32>,
          %swap3A_144 = vector.shape_cast %swap3A_143 : vector<1x16xf32> to vector<16xf32>
          %swap3A_145 = vector.shape_cast %div3A_140 : vector<16xf32> to vector<1x16xf32>
          tpu.vector_store %arg10[%swap3A_141, %swap3A_142], %swap3A_145 {strides = array<i32>} : memref<64x128xf32, #tpu.memory_space<vmem>>, vector<1x16xf32>,
          %get3A_146 = arith.index_cast %scan3A_106 : i32 to index
          %get3A_147 = arith.constant 32 : index
          %get3A_148 = tpu.vector_load %arg10[%get3A_146, %get3A_147] {strides = array<i32>} : memref<64x128xf32, #tpu.memory_space<vmem>>, vector<1x16xf32>,
          %get3A_149 = vector.shape_cast %get3A_148 : vector<1x16xf32> to vector<16xf32>
          %get3A_150 = arith.index_cast %scan3A_106 : i32 to index
          %get3A_151 = arith.constant 32 : index
          %get3A_152 = tpu.vector_load %arg12[%get3A_150, %get3A_151] {strides = array<i32>} : memref<64x128xf32, #tpu.memory_space<vmem>>, vector<1x16xf32>,
          %get3A_153 = vector.shape_cast %get3A_152 : vector<1x16xf32> to vector<16xf32>
          %add3A_154 = arith.addf %get3A_149, %get3A_153 : vector<16xf32>
          %neg3A_155 = arith.constant 0.000000e+00 : f32
          %neg3A_156 = vector.broadcast %neg3A_155 : f32 to vector<16xf32>
          %neg3A_157 = arith.subf %neg3A_156, %add3A_154 : vector<16xf32>
          %exp3A_158 = math.exp %neg3A_157 : vector<16xf32>
          %add3A_159 = arith.constant 1.000000e+00 : f32
          %add3A_160 = vector.broadcast %add3A_159 : f32 to vector<16xf32>
          %add3A_161 = arith.addf %add3A_160, %exp3A_158 : vector<16xf32>
          %div3A_162 = arith.divf %add3A_154, %add3A_161 : vector<16xf32>
          %swap3A_163 = arith.index_cast %scan3A_106 : i32 to index
          %swap3A_164 = arith.constant 32 : index
          %swap3A_165 = tpu.vector_load %arg10[%swap3A_163, %swap3A_164] {strides = array<i32>} : memref<64x128xf32, #tpu.memory_space<vmem>>, vector<1x16xf32>,
          %swap3A_166 = vector.shape_cast %swap3A_165 : vector<1x16xf32> to vector<16xf32>
          %swap3A_167 = vector.shape_cast %div3A_162 : vector<16xf32> to vector<1x16xf32>
          tpu.vector_store %arg10[%swap3A_163, %swap3A_164], %swap3A_167 {strides = array<i32>} : memref<64x128xf32, #tpu.memory_space<vmem>>, vector<1x16xf32>,
          %get3A_168 = arith.index_cast %scan3A_106 : i32 to index
          %get3A_169 = arith.constant 48 : index
          %get3A_170 = tpu.vector_load %arg10[%get3A_168, %get3A_169] {strides = array<i32>} : memref<64x128xf32, #tpu.memory_space<vmem>>, vector<1x16xf32>,
          %get3A_171 = vector.shape_cast %get3A_170 : vector<1x16xf32> to vector<16xf32>
          %get3A_172 = arith.index_cast %scan3A_106 : i32 to index
          %get3A_173 = arith.constant 48 : index
          %get3A_174 = tpu.vector_load %arg12[%get3A_172, %get3A_173] {strides = array<i32>} : memref<64x128xf32, #tpu.memory_space<vmem>>, vector<1x16xf32>,
          %get3A_175 = vector.shape_cast %get3A_174 : vector<1x16xf32> to vector<16xf32>
          %add3A_176 = arith.addf %get3A_171, %get3A_175 : vector<16xf32>
          %neg3A_177 = arith.constant 0.000000e+00 : f32
          %neg3A_178 = vector.broadcast %neg3A_177 : f32 to vector<16xf32>
          %neg3A_179 = arith.subf %neg3A_178, %add3A_176 : vector<16xf32>
          %exp3A_180 = math.exp %neg3A_179 : vector<16xf32>
          %add3A_181 = arith.constant 1.000000e+00 : f32
          %add3A_182 = vector.broadcast %add3A_181 : f32 to vector<16xf32>
          %add3A_183 = arith.addf %add3A_182, %exp3A_180 : vector<16xf32>
          %div3A_184 = arith.divf %add3A_176, %add3A_183 : vector<16xf32>
          %swap3A_185 = arith.index_cast %scan3A_106 : i32 to index
          %swap3A_186 = arith.constant 48 : index
          %swap3A_187 = tpu.vector_load %arg10[%swap3A_185, %swap3A_186] {strides = array<i32>} : memref<64x128xf32, #tpu.memory_space<vmem>>, vector<1x16xf32>,
          %swap3A_188 = vector.shape_cast %swap3A_187 : vector<1x16xf32> to vector<16xf32>
          %swap3A_189 = vector.shape_cast %div3A_184 : vector<16xf32> to vector<1x16xf32>
          tpu.vector_store %arg10[%swap3A_185, %swap3A_186], %swap3A_189 {strides = array<i32>} : memref<64x128xf32, #tpu.memory_space<vmem>>, vector<1x16xf32>,
          %get3A_190 = arith.index_cast %scan3A_106 : i32 to index
          %get3A_191 = arith.constant 64 : index
          %get3A_192 = tpu.vector_load %arg10[%get3A_190, %get3A_191] {strides = array<i32>} : memref<64x128xf32, #tpu.memory_space<vmem>>, vector<1x16xf32>,
          %get3A_193 = vector.shape_cast %get3A_192 : vector<1x16xf32> to vector<16xf32>
          %get3A_194 = arith.index_cast %scan3A_106 : i32 to index
          %get3A_195 = arith.constant 64 : index
          %get3A_196 = tpu.vector_load %arg12[%get3A_194, %get3A_195] {strides = array<i32>} : memref<64x128xf32, #tpu.memory_space<vmem>>, vector<1x16xf32>,
          %get3A_197 = vector.shape_cast %get3A_196 : vector<1x16xf32> to vector<16xf32>
          %add3A_198 = arith.addf %get3A_193, %get3A_197 : vector<16xf32>
          %neg3A_199 = arith.constant 0.000000e+00 : f32
          %neg3A_200 = vector.broadcast %neg3A_199 : f32 to vector<16xf32>
          %neg3A_201 = arith.subf %neg3A_200, %add3A_198 : vector<16xf32>
          %exp3A_202 = math.exp %neg3A_201 : vector<16xf32>
          %add3A_203 = arith.constant 1.000000e+00 : f32
          %add3A_204 = vector.broadcast %add3A_203 : f32 to vector<16xf32>
          %add3A_205 = arith.addf %add3A_204, %exp3A_202 : vector<16xf32>
          %div3A_206 = arith.divf %add3A_198, %add3A_205 : vector<16xf32>
          %swap3A_207 = arith.index_cast %scan3A_106 : i32 to index
          %swap3A_208 = arith.constant 64 : index
          %swap3A_209 = tpu.vector_load %arg10[%swap3A_207, %swap3A_208] {strides = array<i32>} : memref<64x128xf32, #tpu.memory_space<vmem>>, vector<1x16xf32>,
          %swap3A_210 = vector.shape_cast %swap3A_209 : vector<1x16xf32> to vector<16xf32>
          %swap3A_211 = vector.shape_cast %div3A_206 : vector<16xf32> to vector<1x16xf32>
          tpu.vector_store %arg10[%swap3A_207, %swap3A_208], %swap3A_211 {strides = array<i32>} : memref<64x128xf32, #tpu.memory_space<vmem>>, vector<1x16xf32>,
          %get3A_212 = arith.index_cast %scan3A_106 : i32 to index
          %get3A_213 = arith.constant 80 : index
          %get3A_214 = tpu.vector_load %arg10[%get3A_212, %get3A_213] {strides = array<i32>} : memref<64x128xf32, #tpu.memory_space<vmem>>, vector<1x16xf32>,
          %get3A_215 = vector.shape_cast %get3A_214 : vector<1x16xf32> to vector<16xf32>
          %get3A_216 = arith.index_cast %scan3A_106 : i32 to index
          %get3A_217 = arith.constant 80 : index
          %get3A_218 = tpu.vector_load %arg12[%get3A_216, %get3A_217] {strides = array<i32>} : memref<64x128xf32, #tpu.memory_space<vmem>>, vector<1x16xf32>,
          %get3A_219 = vector.shape_cast %get3A_218 : vector<1x16xf32> to vector<16xf32>
          %add3A_220 = arith.addf %get3A_215, %get3A_219 : vector<16xf32>
          %neg3A_221 = arith.constant 0.000000e+00 : f32
          %neg3A_222 = vector.broadcast %neg3A_221 : f32 to vector<16xf32>
          %neg3A_223 = arith.subf %neg3A_222, %add3A_220 : vector<16xf32>
          %exp3A_224 = math.exp %neg3A_223 : vector<16xf32>
          %add3A_225 = arith.constant 1.000000e+00 : f32
          %add3A_226 = vector.broadcast %add3A_225 : f32 to vector<16xf32>
          %add3A_227 = arith.addf %add3A_226, %exp3A_224 : vector<16xf32>
          %div3A_228 = arith.divf %add3A_220, %add3A_227 : vector<16xf32>
          %swap3A_229 = arith.index_cast %scan3A_106 : i32 to index
          %swap3A_230 = arith.constant 80 : index
          %swap3A_231 = tpu.vector_load %arg10[%swap3A_229, %swap3A_230] {strides = array<i32>} : memref<64x128xf32, #tpu.memory_space<vmem>>, vector<1x16xf32>,
          %swap3A_232 = vector.shape_cast %swap3A_231 : vector<1x16xf32> to vector<16xf32>
          %swap3A_233 = vector.shape_cast %div3A_228 : vector<16xf32> to vector<1x16xf32>
          tpu.vector_store %arg10[%swap3A_229, %swap3A_230], %swap3A_233 {strides = array<i32>} : memref<64x128xf32, #tpu.memory_space<vmem>>, vector<1x16xf32>,
          %get3A_234 = arith.index_cast %scan3A_106 : i32 to index
          %get3A_235 = arith.constant 96 : index
          %get3A_236 = tpu.vector_load %arg10[%get3A_234, %get3A_235] {strides = array<i32>} : memref<64x128xf32, #tpu.memory_space<vmem>>, vector<1x16xf32>,
          %get3A_237 = vector.shape_cast %get3A_236 : vector<1x16xf32> to vector<16xf32>
          %get3A_238 = arith.index_cast %scan3A_106 : i32 to index
          %get3A_239 = arith.constant 96 : index
          %get3A_240 = tpu.vector_load %arg12[%get3A_238, %get3A_239] {strides = array<i32>} : memref<64x128xf32, #tpu.memory_space<vmem>>, vector<1x16xf32>,
          %get3A_241 = vector.shape_cast %get3A_240 : vector<1x16xf32> to vector<16xf32>
          %add3A_242 = arith.addf %get3A_237, %get3A_241 : vector<16xf32>
          %neg3A_243 = arith.constant 0.000000e+00 : f32
          %neg3A_244 = vector.broadcast %neg3A_243 : f32 to vector<16xf32>
          %neg3A_245 = arith.subf %neg3A_244, %add3A_242 : vector<16xf32>
          %exp3A_246 = math.exp %neg3A_245 : vector<16xf32>
          %add3A_247 = arith.constant 1.000000e+00 : f32
          %add3A_248 = vector.broadcast %add3A_247 : f32 to vector<16xf32>
          %add3A_249 = arith.addf %add3A_248, %exp3A_246 : vector<16xf32>
          %div3A_250 = arith.divf %add3A_242, %add3A_249 : vector<16xf32>
          %swap3A_251 = arith.index_cast %scan3A_106 : i32 to index
          %swap3A_252 = arith.constant 96 : index
          %swap3A_253 = tpu.vector_load %arg10[%swap3A_251, %swap3A_252] {strides = array<i32>} : memref<64x128xf32, #tpu.memory_space<vmem>>, vector<1x16xf32>,
          %swap3A_254 = vector.shape_cast %swap3A_253 : vector<1x16xf32> to vector<16xf32>
          %swap3A_255 = vector.shape_cast %div3A_250 : vector<16xf32> to vector<1x16xf32>
          tpu.vector_store %arg10[%swap3A_251, %swap3A_252], %swap3A_255 {strides = array<i32>} : memref<64x128xf32, #tpu.memory_space<vmem>>, vector<1x16xf32>,
          %get3A_256 = arith.index_cast %scan3A_106 : i32 to index
          %get3A_257 = arith.constant 112 : index
          %get3A_258 = tpu.vector_load %arg10[%get3A_256, %get3A_257] {strides = array<i32>} : memref<64x128xf32, #tpu.memory_space<vmem>>, vector<1x16xf32>,
          %get3A_259 = vector.shape_cast %get3A_258 : vector<1x16xf32> to vector<16xf32>
          %get3A_260 = arith.index_cast %scan3A_106 : i32 to index
          %get3A_261 = arith.constant 112 : index
          %get3A_262 = tpu.vector_load %arg12[%get3A_260, %get3A_261] {strides = array<i32>} : memref<64x128xf32, #tpu.memory_space<vmem>>, vector<1x16xf32>,
          %get3A_263 = vector.shape_cast %get3A_262 : vector<1x16xf32> to vector<16xf32>
          %add3A_264 = arith.addf %get3A_259, %get3A_263 : vector<16xf32>
          %neg3A_265 = arith.constant 0.000000e+00 : f32
          %neg3A_266 = vector.broadcast %neg3A_265 : f32 to vector<16xf32>
          %neg3A_267 = arith.subf %neg3A_266, %add3A_264 : vector<16xf32>
          %exp3A_268 = math.exp %neg3A_267 : vector<16xf32>
          %add3A_269 = arith.constant 1.000000e+00 : f32
          %add3A_270 = vector.broadcast %add3A_269 : f32 to vector<16xf32>
          %add3A_271 = arith.addf %add3A_270, %exp3A_268 : vector<16xf32>
          %div3A_272 = arith.divf %add3A_264, %add3A_271 : vector<16xf32>
          %swap3A_273 = arith.index_cast %scan3A_106 : i32 to index
          %swap3A_274 = arith.constant 112 : index
          %swap3A_275 = tpu.vector_load %arg10[%swap3A_273, %swap3A_274] {strides = array<i32>} : memref<64x128xf32, #tpu.memory_space<vmem>>, vector<1x16xf32>,
          %swap3A_276 = vector.shape_cast %swap3A_275 : vector<1x16xf32> to vector<16xf32>
          %swap3A_277 = vector.shape_cast %div3A_272 : vector<16xf32> to vector<1x16xf32>
          tpu.vector_store %arg10[%swap3A_273, %swap3A_274], %swap3A_277 {strides = array<i32>} : memref<64x128xf32, #tpu.memory_space<vmem>>, vector<1x16xf32>,
        }
        %scan3A_73 = arith.constant 64 : i32
        "tpu.region"() ({
          %run_scoped3A = tpu.sem_alloc : memref<!tpu.dma_semaphore, #tpu.memory_space<semaphore_mem>>
          %dma_start3A_106 = arith.constant 0 : i32
          %dma_start3A_107 = tpu.memref_slice %arg9[%add3A_49, %dma_start3A_106] : memref<32x64xi32, #tpu.memory_space<vmem>> -> memref<1x64xi32, #tpu.memory_space<vmem>>
          %dma_start3A_108 = tpu.memref_squeeze %dma_start3A_107 : memref<1x64xi32, #tpu.memory_space<vmem>> -> memref<64xi32, #tpu.memory_space<vmem>>
          %dma_start3A_109 = arith.constant 0 : i32
          %dma_start3A_110 = arith.constant 0 : i32
          %dma_start3A_111 = tpu.memref_slice %arg14[%dma_start3A_109, %dma_start3A_110] : memref<10240x128xf32, #tpu.memory_space<vmem_shared>> -> memref<10240x128xf32, #tpu.memory_space<vmem_shared>>
          tpu.enqueue_indirect_dma source(%arg10 : memref<64x128xf32, #tpu.memory_space<vmem>>) target(%dma_start3A_111 : memref<10240x128xf32, #tpu.memory_space<vmem_shared>>) offsets(%dma_start3A_108 : memref<64xi32, #tpu.memory_space<vmem>>) semaphore(%run_scoped3A : memref<!tpu.dma_semaphore, #tpu.memory_space<semaphore_mem>>) {add = true}
          %dma_wait3A_112 = arith.constant 0 : i32
          %dma_wait3A_113 = tpu.memref_slice %arg9[%add3A_49, %dma_wait3A_112] : memref<32x64xi32, #tpu.memory_space<vmem>> -> memref<1x64xi32, #tpu.memory_space<vmem>>
          %dma_wait3A_114 = tpu.memref_squeeze %dma_wait3A_113 : memref<1x64xi32, #tpu.memory_space<vmem>> -> memref<64xi32, #tpu.memory_space<vmem>>
          %dma_wait3A_115 = arith.constant 0 : i32
          %dma_wait3A_116 = arith.constant 0 : i32
          %dma_wait3A_117 = tpu.memref_slice %arg14[%dma_wait3A_115, %dma_wait3A_116] : memref<10240x128xf32, #tpu.memory_space<vmem_shared>> -> memref<10240x128xf32, #tpu.memory_space<vmem_shared>>
          tpu.wait_indirect_dma semaphore(%run_scoped3A : memref<!tpu.dma_semaphore, #tpu.memory_space<semaphore_mem>>) src(%arg10 : memref<64x128xf32, #tpu.memory_space<vmem>>) dst(%dma_wait3A_117 : memref<10240x128xf32, #tpu.memory_space<vmem_shared>>)
          tpu.yield
        }) : () -> ()
        %mul3A_74 = arith.constant 2 : i32
        %mul3A_75 = arith.muli %scan3A_45, %mul3A_74 : i32
        %add3A_76 = arith.constant 1 : i32
        %add3A_77 = arith.addi %mul3A_75, %add3A_76 : i32
        %add3A_78 = arith.constant 1 : i32
        %add3A_79 = arith.addi %add3A_77, %add3A_78 : i32
        %lt3A_80 = arith.constant 32 : i32
        %lt3A_81 = arith.cmpi slt, %add3A_79, %lt3A_80 : i32
        %convert_element_type3A_82 = arith.extui %lt3A_81 : i1 to i32
        %cond3A_83 = arith.constant 0 : i32
        %cond3A_84 = arith.cmpi ne, %convert_element_type3A_82, %cond3A_83 : i32
        scf.if %cond3A_84 {
          %add3A_106 = arith.constant 1 : i32
          %add3A_107 = arith.addi %add3A_77, %add3A_106 : i32
          %dma_start3A_108 = arith.constant 0 : i32
          %dma_start3A_109 = tpu.memref_slice %arg8[%add3A_107, %dma_start3A_108] : memref<32x64xi32, #tpu.memory_space<vmem>> -> memref<1x64xi32, #tpu.memory_space<vmem>>
          %dma_start3A_110 = tpu.memref_squeeze %dma_start3A_109 : memref<1x64xi32, #tpu.memory_space<vmem>> -> memref<64xi32, #tpu.memory_space<vmem>>
          %dma_start3A_111 = arith.constant 0 : i32
          %dma_start3A_112 = arith.constant 0 : i32
          %dma_start3A_113 = tpu.memref_slice %arg2[%dma_start3A_111, %dma_start3A_112] : memref<10240x128xf32, #tpu.memory_space<hbm>> -> memref<10240x128xf32, #tpu.memory_space<hbm>>
          tpu.enqueue_indirect_dma source(%dma_start3A_113 : memref<10240x128xf32, #tpu.memory_space<hbm>>) target(%arg10 : memref<64x128xf32, #tpu.memory_space<vmem>>) offsets(%dma_start3A_110 : memref<64xi32, #tpu.memory_space<vmem>>) semaphore(%arg15 : memref<!tpu.dma_semaphore, #tpu.memory_space<semaphore_mem>>)
          %add3A_114 = arith.addi %add3A_24, %add3A_77 : i32
          %add3A_115 = arith.constant 1 : i32
          %add3A_116 = arith.addi %add3A_114, %add3A_115 : i32
          %dma_start3A_117 = arith.constant 0 : i32
          %dma_start3A_118 = arith.constant 0 : i32
          %dma_start3A_119 = tpu.memref_slice %arg3[%add3A_116, %dma_start3A_117, %dma_start3A_118] : memref<5120x64x128xf32, #tpu.memory_space<hbm>> -> memref<1x64x128xf32, #tpu.memory_space<hbm>>
          %dma_start3A_120 = tpu.memref_squeeze %dma_start3A_119 : memref<1x64x128xf32, #tpu.memory_space<hbm>> -> memref<64x128xf32, #tpu.memory_space<hbm>>
          %dma_start3A_121 = arith.constant 0 : i32
          %dma_start3A_122 = arith.constant 0 : i32
          %dma_start3A_123 = tpu.memref_slice %arg3[%add3A_116, %dma_start3A_121, %dma_start3A_122] : memref<5120x64x128xf32, #tpu.memory_space<hbm>> -> memref<1x64x128xf32, #tpu.memory_space<hbm>>
          %dma_start3A_124 = tpu.memref_squeeze %dma_start3A_123 : memref<1x64x128xf32, #tpu.memory_space<hbm>> -> memref<64x128xf32, #tpu.memory_space<hbm>>
          tpu.enqueue_dma source(%dma_start3A_124 : memref<64x128xf32, #tpu.memory_space<hbm>>) target(%arg12 : memref<64x128xf32, #tpu.memory_space<vmem>>) target_semaphore(%arg17 : memref<!tpu.dma_semaphore, #tpu.memory_space<semaphore_mem>>)
        } else {
        }
        %dma_wait3A_85 = arith.constant 0 : i32
        %dma_wait3A_86 = tpu.memref_slice %arg8[%add3A_77, %dma_wait3A_85] : memref<32x64xi32, #tpu.memory_space<vmem>> -> memref<1x64xi32, #tpu.memory_space<vmem>>
        %dma_wait3A_87 = tpu.memref_squeeze %dma_wait3A_86 : memref<1x64xi32, #tpu.memory_space<vmem>> -> memref<64xi32, #tpu.memory_space<vmem>>
        %dma_wait3A_88 = arith.constant 0 : i32
        %dma_wait3A_89 = arith.constant 0 : i32
        %dma_wait3A_90 = tpu.memref_slice %arg2[%dma_wait3A_88, %dma_wait3A_89] : memref<10240x128xf32, #tpu.memory_space<hbm>> -> memref<10240x128xf32, #tpu.memory_space<hbm>>
        tpu.wait_indirect_dma semaphore(%arg16 : memref<!tpu.dma_semaphore, #tpu.memory_space<semaphore_mem>>) src(%dma_wait3A_90 : memref<10240x128xf32, #tpu.memory_space<hbm>>) dst(%arg11 : memref<64x128xf32, #tpu.memory_space<vmem>>)
        %add3A_91 = arith.addi %add3A_24, %add3A_77 : i32
        %dma_wait3A_92 = arith.constant 0 : i32
        %dma_wait3A_93 = arith.constant 0 : i32
        %dma_wait3A_94 = tpu.memref_slice %arg3[%add3A_91, %dma_wait3A_92, %dma_wait3A_93] : memref<5120x64x128xf32, #tpu.memory_space<hbm>> -> memref<1x64x128xf32, #tpu.memory_space<hbm>>
        %dma_wait3A_95 = tpu.memref_squeeze %dma_wait3A_94 : memref<1x64x128xf32, #tpu.memory_space<hbm>> -> memref<64x128xf32, #tpu.memory_space<hbm>>
        %dma_wait3A_96 = arith.constant 0 : i32
        %dma_wait3A_97 = arith.constant 0 : i32
        %dma_wait3A_98 = tpu.memref_slice %arg3[%add3A_91, %dma_wait3A_96, %dma_wait3A_97] : memref<5120x64x128xf32, #tpu.memory_space<hbm>> -> memref<1x64x128xf32, #tpu.memory_space<hbm>>
        %dma_wait3A_99 = tpu.memref_squeeze %dma_wait3A_98 : memref<1x64x128xf32, #tpu.memory_space<hbm>> -> memref<64x128xf32, #tpu.memory_space<hbm>>
        tpu.wait_dma2 semaphore(%arg18 : memref<!tpu.dma_semaphore, #tpu.memory_space<semaphore_mem>>) src(%dma_wait3A_99 : memref<64x128xf32, #tpu.memory_space<hbm>>) dst(%arg13 : memref<64x128xf32, #tpu.memory_space<vmem>>)
        %scan3A_100 = arith.constant 0 : i32
        %scan3A_101 = arith.constant 0 : i32
        %scan3A_102 = arith.constant 64 : i32
        %scan3A_103 = arith.addi %scan3A_101, %scan3A_102 : i32
        %scan3A_104 = arith.constant 1 : i32
        scf.for %scan3A_106 = %scan3A_101 to %scan3A_103 step %scan3A_104  : i32 {
          %get3A = arith.index_cast %scan3A_106 : i32 to index
          %get3A_107 = arith.constant 0 : index
          %get3A_108 = tpu.vector_load %arg11[%get3A, %get3A_107] {strides = array<i32>} : memref<64x128xf32, #tpu.memory_space<vmem>>, vector<1x16xf32>,
          %get3A_109 = vector.shape_cast %get3A_108 : vector<1x16xf32> to vector<16xf32>
          %get3A_110 = arith.index_cast %scan3A_106 : i32 to index
          %get3A_111 = arith.constant 0 : index
          %get3A_112 = tpu.vector_load %arg13[%get3A_110, %get3A_111] {strides = array<i32>} : memref<64x128xf32, #tpu.memory_space<vmem>>, vector<1x16xf32>,
          %get3A_113 = vector.shape_cast %get3A_112 : vector<1x16xf32> to vector<16xf32>
          %add3A_114 = arith.addf %get3A_109, %get3A_113 : vector<16xf32>
          %neg3A = arith.constant 0.000000e+00 : f32
          %neg3A_115 = vector.broadcast %neg3A : f32 to vector<16xf32>
          %neg3A_116 = arith.subf %neg3A_115, %add3A_114 : vector<16xf32>
          %exp3A = math.exp %neg3A_116 : vector<16xf32>
          %add3A_117 = arith.constant 1.000000e+00 : f32
          %add3A_118 = vector.broadcast %add3A_117 : f32 to vector<16xf32>
          %add3A_119 = arith.addf %add3A_118, %exp3A : vector<16xf32>
          %div3A = arith.divf %add3A_114, %add3A_119 : vector<16xf32>
          %swap3A = arith.index_cast %scan3A_106 : i32 to index
          %swap3A_120 = arith.constant 0 : index
          %swap3A_121 = tpu.vector_load %arg11[%swap3A, %swap3A_120] {strides = array<i32>} : memref<64x128xf32, #tpu.memory_space<vmem>>, vector<1x16xf32>,
          %swap3A_122 = vector.shape_cast %swap3A_121 : vector<1x16xf32> to vector<16xf32>
          %swap3A_123 = vector.shape_cast %div3A : vector<16xf32> to vector<1x16xf32>
          tpu.vector_store %arg11[%swap3A, %swap3A_120], %swap3A_123 {strides = array<i32>} : memref<64x128xf32, #tpu.memory_space<vmem>>, vector<1x16xf32>,
          %get3A_124 = arith.index_cast %scan3A_106 : i32 to index
          %get3A_125 = arith.constant 16 : index
          %get3A_126 = tpu.vector_load %arg11[%get3A_124, %get3A_125] {strides = array<i32>} : memref<64x128xf32, #tpu.memory_space<vmem>>, vector<1x16xf32>,
          %get3A_127 = vector.shape_cast %get3A_126 : vector<1x16xf32> to vector<16xf32>
          %get3A_128 = arith.index_cast %scan3A_106 : i32 to index
          %get3A_129 = arith.constant 16 : index
          %get3A_130 = tpu.vector_load %arg13[%get3A_128, %get3A_129] {strides = array<i32>} : memref<64x128xf32, #tpu.memory_space<vmem>>, vector<1x16xf32>,
          %get3A_131 = vector.shape_cast %get3A_130 : vector<1x16xf32> to vector<16xf32>
          %add3A_132 = arith.addf %get3A_127, %get3A_131 : vector<16xf32>
          %neg3A_133 = arith.constant 0.000000e+00 : f32
          %neg3A_134 = vector.broadcast %neg3A_133 : f32 to vector<16xf32>
          %neg3A_135 = arith.subf %neg3A_134, %add3A_132 : vector<16xf32>
          %exp3A_136 = math.exp %neg3A_135 : vector<16xf32>
          %add3A_137 = arith.constant 1.000000e+00 : f32
          %add3A_138 = vector.broadcast %add3A_137 : f32 to vector<16xf32>
          %add3A_139 = arith.addf %add3A_138, %exp3A_136 : vector<16xf32>
          %div3A_140 = arith.divf %add3A_132, %add3A_139 : vector<16xf32>
          %swap3A_141 = arith.index_cast %scan3A_106 : i32 to index
          %swap3A_142 = arith.constant 16 : index
          %swap3A_143 = tpu.vector_load %arg11[%swap3A_141, %swap3A_142] {strides = array<i32>} : memref<64x128xf32, #tpu.memory_space<vmem>>, vector<1x16xf32>,
          %swap3A_144 = vector.shape_cast %swap3A_143 : vector<1x16xf32> to vector<16xf32>
          %swap3A_145 = vector.shape_cast %div3A_140 : vector<16xf32> to vector<1x16xf32>
          tpu.vector_store %arg11[%swap3A_141, %swap3A_142], %swap3A_145 {strides = array<i32>} : memref<64x128xf32, #tpu.memory_space<vmem>>, vector<1x16xf32>,
          %get3A_146 = arith.index_cast %scan3A_106 : i32 to index
          %get3A_147 = arith.constant 32 : index
          %get3A_148 = tpu.vector_load %arg11[%get3A_146, %get3A_147] {strides = array<i32>} : memref<64x128xf32, #tpu.memory_space<vmem>>, vector<1x16xf32>,
          %get3A_149 = vector.shape_cast %get3A_148 : vector<1x16xf32> to vector<16xf32>
          %get3A_150 = arith.index_cast %scan3A_106 : i32 to index
          %get3A_151 = arith.constant 32 : index
          %get3A_152 = tpu.vector_load %arg13[%get3A_150, %get3A_151] {strides = array<i32>} : memref<64x128xf32, #tpu.memory_space<vmem>>, vector<1x16xf32>,
          %get3A_153 = vector.shape_cast %get3A_152 : vector<1x16xf32> to vector<16xf32>
          %add3A_154 = arith.addf %get3A_149, %get3A_153 : vector<16xf32>
          %neg3A_155 = arith.constant 0.000000e+00 : f32
          %neg3A_156 = vector.broadcast %neg3A_155 : f32 to vector<16xf32>
          %neg3A_157 = arith.subf %neg3A_156, %add3A_154 : vector<16xf32>
          %exp3A_158 = math.exp %neg3A_157 : vector<16xf32>
          %add3A_159 = arith.constant 1.000000e+00 : f32
          %add3A_160 = vector.broadcast %add3A_159 : f32 to vector<16xf32>
          %add3A_161 = arith.addf %add3A_160, %exp3A_158 : vector<16xf32>
          %div3A_162 = arith.divf %add3A_154, %add3A_161 : vector<16xf32>
          %swap3A_163 = arith.index_cast %scan3A_106 : i32 to index
          %swap3A_164 = arith.constant 32 : index
          %swap3A_165 = tpu.vector_load %arg11[%swap3A_163, %swap3A_164] {strides = array<i32>} : memref<64x128xf32, #tpu.memory_space<vmem>>, vector<1x16xf32>,
          %swap3A_166 = vector.shape_cast %swap3A_165 : vector<1x16xf32> to vector<16xf32>
          %swap3A_167 = vector.shape_cast %div3A_162 : vector<16xf32> to vector<1x16xf32>
          tpu.vector_store %arg11[%swap3A_163, %swap3A_164], %swap3A_167 {strides = array<i32>} : memref<64x128xf32, #tpu.memory_space<vmem>>, vector<1x16xf32>,
          %get3A_168 = arith.index_cast %scan3A_106 : i32 to index
          %get3A_169 = arith.constant 48 : index
          %get3A_170 = tpu.vector_load %arg11[%get3A_168, %get3A_169] {strides = array<i32>} : memref<64x128xf32, #tpu.memory_space<vmem>>, vector<1x16xf32>,
          %get3A_171 = vector.shape_cast %get3A_170 : vector<1x16xf32> to vector<16xf32>
          %get3A_172 = arith.index_cast %scan3A_106 : i32 to index
          %get3A_173 = arith.constant 48 : index
          %get3A_174 = tpu.vector_load %arg13[%get3A_172, %get3A_173] {strides = array<i32>} : memref<64x128xf32, #tpu.memory_space<vmem>>, vector<1x16xf32>,
          %get3A_175 = vector.shape_cast %get3A_174 : vector<1x16xf32> to vector<16xf32>
          %add3A_176 = arith.addf %get3A_171, %get3A_175 : vector<16xf32>
          %neg3A_177 = arith.constant 0.000000e+00 : f32
          %neg3A_178 = vector.broadcast %neg3A_177 : f32 to vector<16xf32>
          %neg3A_179 = arith.subf %neg3A_178, %add3A_176 : vector<16xf32>
          %exp3A_180 = math.exp %neg3A_179 : vector<16xf32>
          %add3A_181 = arith.constant 1.000000e+00 : f32
          %add3A_182 = vector.broadcast %add3A_181 : f32 to vector<16xf32>
          %add3A_183 = arith.addf %add3A_182, %exp3A_180 : vector<16xf32>
          %div3A_184 = arith.divf %add3A_176, %add3A_183 : vector<16xf32>
          %swap3A_185 = arith.index_cast %scan3A_106 : i32 to index
          %swap3A_186 = arith.constant 48 : index
          %swap3A_187 = tpu.vector_load %arg11[%swap3A_185, %swap3A_186] {strides = array<i32>} : memref<64x128xf32, #tpu.memory_space<vmem>>, vector<1x16xf32>,
          %swap3A_188 = vector.shape_cast %swap3A_187 : vector<1x16xf32> to vector<16xf32>
          %swap3A_189 = vector.shape_cast %div3A_184 : vector<16xf32> to vector<1x16xf32>
          tpu.vector_store %arg11[%swap3A_185, %swap3A_186], %swap3A_189 {strides = array<i32>} : memref<64x128xf32, #tpu.memory_space<vmem>>, vector<1x16xf32>,
          %get3A_190 = arith.index_cast %scan3A_106 : i32 to index
          %get3A_191 = arith.constant 64 : index
          %get3A_192 = tpu.vector_load %arg11[%get3A_190, %get3A_191] {strides = array<i32>} : memref<64x128xf32, #tpu.memory_space<vmem>>, vector<1x16xf32>,
          %get3A_193 = vector.shape_cast %get3A_192 : vector<1x16xf32> to vector<16xf32>
          %get3A_194 = arith.index_cast %scan3A_106 : i32 to index
          %get3A_195 = arith.constant 64 : index
          %get3A_196 = tpu.vector_load %arg13[%get3A_194, %get3A_195] {strides = array<i32>} : memref<64x128xf32, #tpu.memory_space<vmem>>, vector<1x16xf32>,
          %get3A_197 = vector.shape_cast %get3A_196 : vector<1x16xf32> to vector<16xf32>
          %add3A_198 = arith.addf %get3A_193, %get3A_197 : vector<16xf32>
          %neg3A_199 = arith.constant 0.000000e+00 : f32
          %neg3A_200 = vector.broadcast %neg3A_199 : f32 to vector<16xf32>
          %neg3A_201 = arith.subf %neg3A_200, %add3A_198 : vector<16xf32>
          %exp3A_202 = math.exp %neg3A_201 : vector<16xf32>
          %add3A_203 = arith.constant 1.000000e+00 : f32
          %add3A_204 = vector.broadcast %add3A_203 : f32 to vector<16xf32>
          %add3A_205 = arith.addf %add3A_204, %exp3A_202 : vector<16xf32>
          %div3A_206 = arith.divf %add3A_198, %add3A_205 : vector<16xf32>
          %swap3A_207 = arith.index_cast %scan3A_106 : i32 to index
          %swap3A_208 = arith.constant 64 : index
          %swap3A_209 = tpu.vector_load %arg11[%swap3A_207, %swap3A_208] {strides = array<i32>} : memref<64x128xf32, #tpu.memory_space<vmem>>, vector<1x16xf32>,
          %swap3A_210 = vector.shape_cast %swap3A_209 : vector<1x16xf32> to vector<16xf32>
          %swap3A_211 = vector.shape_cast %div3A_206 : vector<16xf32> to vector<1x16xf32>
          tpu.vector_store %arg11[%swap3A_207, %swap3A_208], %swap3A_211 {strides = array<i32>} : memref<64x128xf32, #tpu.memory_space<vmem>>, vector<1x16xf32>,
          %get3A_212 = arith.index_cast %scan3A_106 : i32 to index
          %get3A_213 = arith.constant 80 : index
          %get3A_214 = tpu.vector_load %arg11[%get3A_212, %get3A_213] {strides = array<i32>} : memref<64x128xf32, #tpu.memory_space<vmem>>, vector<1x16xf32>,
          %get3A_215 = vector.shape_cast %get3A_214 : vector<1x16xf32> to vector<16xf32>
          %get3A_216 = arith.index_cast %scan3A_106 : i32 to index
          %get3A_217 = arith.constant 80 : index
          %get3A_218 = tpu.vector_load %arg13[%get3A_216, %get3A_217] {strides = array<i32>} : memref<64x128xf32, #tpu.memory_space<vmem>>, vector<1x16xf32>,
          %get3A_219 = vector.shape_cast %get3A_218 : vector<1x16xf32> to vector<16xf32>
          %add3A_220 = arith.addf %get3A_215, %get3A_219 : vector<16xf32>
          %neg3A_221 = arith.constant 0.000000e+00 : f32
          %neg3A_222 = vector.broadcast %neg3A_221 : f32 to vector<16xf32>
          %neg3A_223 = arith.subf %neg3A_222, %add3A_220 : vector<16xf32>
          %exp3A_224 = math.exp %neg3A_223 : vector<16xf32>
          %add3A_225 = arith.constant 1.000000e+00 : f32
          %add3A_226 = vector.broadcast %add3A_225 : f32 to vector<16xf32>
          %add3A_227 = arith.addf %add3A_226, %exp3A_224 : vector<16xf32>
          %div3A_228 = arith.divf %add3A_220, %add3A_227 : vector<16xf32>
          %swap3A_229 = arith.index_cast %scan3A_106 : i32 to index
          %swap3A_230 = arith.constant 80 : index
          %swap3A_231 = tpu.vector_load %arg11[%swap3A_229, %swap3A_230] {strides = array<i32>} : memref<64x128xf32, #tpu.memory_space<vmem>>, vector<1x16xf32>,
          %swap3A_232 = vector.shape_cast %swap3A_231 : vector<1x16xf32> to vector<16xf32>
          %swap3A_233 = vector.shape_cast %div3A_228 : vector<16xf32> to vector<1x16xf32>
          tpu.vector_store %arg11[%swap3A_229, %swap3A_230], %swap3A_233 {strides = array<i32>} : memref<64x128xf32, #tpu.memory_space<vmem>>, vector<1x16xf32>,
          %get3A_234 = arith.index_cast %scan3A_106 : i32 to index
          %get3A_235 = arith.constant 96 : index
          %get3A_236 = tpu.vector_load %arg11[%get3A_234, %get3A_235] {strides = array<i32>} : memref<64x128xf32, #tpu.memory_space<vmem>>, vector<1x16xf32>,
          %get3A_237 = vector.shape_cast %get3A_236 : vector<1x16xf32> to vector<16xf32>
          %get3A_238 = arith.index_cast %scan3A_106 : i32 to index
          %get3A_239 = arith.constant 96 : index
          %get3A_240 = tpu.vector_load %arg13[%get3A_238, %get3A_239] {strides = array<i32>} : memref<64x128xf32, #tpu.memory_space<vmem>>, vector<1x16xf32>,
          %get3A_241 = vector.shape_cast %get3A_240 : vector<1x16xf32> to vector<16xf32>
          %add3A_242 = arith.addf %get3A_237, %get3A_241 : vector<16xf32>
          %neg3A_243 = arith.constant 0.000000e+00 : f32
          %neg3A_244 = vector.broadcast %neg3A_243 : f32 to vector<16xf32>
          %neg3A_245 = arith.subf %neg3A_244, %add3A_242 : vector<16xf32>
          %exp3A_246 = math.exp %neg3A_245 : vector<16xf32>
          %add3A_247 = arith.constant 1.000000e+00 : f32
          %add3A_248 = vector.broadcast %add3A_247 : f32 to vector<16xf32>
          %add3A_249 = arith.addf %add3A_248, %exp3A_246 : vector<16xf32>
          %div3A_250 = arith.divf %add3A_242, %add3A_249 : vector<16xf32>
          %swap3A_251 = arith.index_cast %scan3A_106 : i32 to index
          %swap3A_252 = arith.constant 96 : index
          %swap3A_253 = tpu.vector_load %arg11[%swap3A_251, %swap3A_252] {strides = array<i32>} : memref<64x128xf32, #tpu.memory_space<vmem>>, vector<1x16xf32>,
          %swap3A_254 = vector.shape_cast %swap3A_253 : vector<1x16xf32> to vector<16xf32>
          %swap3A_255 = vector.shape_cast %div3A_250 : vector<16xf32> to vector<1x16xf32>
          tpu.vector_store %arg11[%swap3A_251, %swap3A_252], %swap3A_255 {strides = array<i32>} : memref<64x128xf32, #tpu.memory_space<vmem>>, vector<1x16xf32>,
          %get3A_256 = arith.index_cast %scan3A_106 : i32 to index
          %get3A_257 = arith.constant 112 : index
          %get3A_258 = tpu.vector_load %arg11[%get3A_256, %get3A_257] {strides = array<i32>} : memref<64x128xf32, #tpu.memory_space<vmem>>, vector<1x16xf32>,
          %get3A_259 = vector.shape_cast %get3A_258 : vector<1x16xf32> to vector<16xf32>
          %get3A_260 = arith.index_cast %scan3A_106 : i32 to index
          %get3A_261 = arith.constant 112 : index
          %get3A_262 = tpu.vector_load %arg13[%get3A_260, %get3A_261] {strides = array<i32>} : memref<64x128xf32, #tpu.memory_space<vmem>>, vector<1x16xf32>,
          %get3A_263 = vector.shape_cast %get3A_262 : vector<1x16xf32> to vector<16xf32>
          %add3A_264 = arith.addf %get3A_259, %get3A_263 : vector<16xf32>
          %neg3A_265 = arith.constant 0.000000e+00 : f32
          %neg3A_266 = vector.broadcast %neg3A_265 : f32 to vector<16xf32>
          %neg3A_267 = arith.subf %neg3A_266, %add3A_264 : vector<16xf32>
          %exp3A_268 = math.exp %neg3A_267 : vector<16xf32>
          %add3A_269 = arith.constant 1.000000e+00 : f32
          %add3A_270 = vector.broadcast %add3A_269 : f32 to vector<16xf32>
          %add3A_271 = arith.addf %add3A_270, %exp3A_268 : vector<16xf32>
          %div3A_272 = arith.divf %add3A_264, %add3A_271 : vector<16xf32>
          %swap3A_273 = arith.index_cast %scan3A_106 : i32 to index
          %swap3A_274 = arith.constant 112 : index
          %swap3A_275 = tpu.vector_load %arg11[%swap3A_273, %swap3A_274] {strides = array<i32>} : memref<64x128xf32, #tpu.memory_space<vmem>>, vector<1x16xf32>,
          %swap3A_276 = vector.shape_cast %swap3A_275 : vector<1x16xf32> to vector<16xf32>
          %swap3A_277 = vector.shape_cast %div3A_272 : vector<16xf32> to vector<1x16xf32>
          tpu.vector_store %arg11[%swap3A_273, %swap3A_274], %swap3A_277 {strides = array<i32>} : memref<64x128xf32, #tpu.memory_space<vmem>>, vector<1x16xf32>,
        }
        %scan3A_105 = arith.constant 64 : i32
        "tpu.region"() ({
          %run_scoped3A = tpu.sem_alloc : memref<!tpu.dma_semaphore, #tpu.memory_space<semaphore_mem>>
          %dma_start3A_106 = arith.constant 0 : i32
          %dma_start3A_107 = tpu.memref_slice %arg9[%add3A_77, %dma_start3A_106] : memref<32x64xi32, #tpu.memory_space<vmem>> -> memref<1x64xi32, #tpu.memory_space<vmem>>
          %dma_start3A_108 = tpu.memref_squeeze %dma_start3A_107 : memref<1x64xi32, #tpu.memory_space<vmem>> -> memref<64xi32, #tpu.memory_space<vmem>>
          %dma_start3A_109 = arith.constant 0 : i32
          %dma_start3A_110 = arith.constant 0 : i32
          %dma_start3A_111 = tpu.memref_slice %arg14[%dma_start3A_109, %dma_start3A_110] : memref<10240x128xf32, #tpu.memory_space<vmem_shared>> -> memref<10240x128xf32, #tpu.memory_space<vmem_shared>>
          tpu.enqueue_indirect_dma source(%arg11 : memref<64x128xf32, #tpu.memory_space<vmem>>) target(%dma_start3A_111 : memref<10240x128xf32, #tpu.memory_space<vmem_shared>>) offsets(%dma_start3A_108 : memref<64xi32, #tpu.memory_space<vmem>>) semaphore(%run_scoped3A : memref<!tpu.dma_semaphore, #tpu.memory_space<semaphore_mem>>) {add = true}
          %dma_wait3A_112 = arith.constant 0 : i32
          %dma_wait3A_113 = tpu.memref_slice %arg9[%add3A_77, %dma_wait3A_112] : memref<32x64xi32, #tpu.memory_space<vmem>> -> memref<1x64xi32, #tpu.memory_space<vmem>>
          %dma_wait3A_114 = tpu.memref_squeeze %dma_wait3A_113 : memref<1x64xi32, #tpu.memory_space<vmem>> -> memref<64xi32, #tpu.memory_space<vmem>>
          %dma_wait3A_115 = arith.constant 0 : i32
          %dma_wait3A_116 = arith.constant 0 : i32
          %dma_wait3A_117 = tpu.memref_slice %arg14[%dma_wait3A_115, %dma_wait3A_116] : memref<10240x128xf32, #tpu.memory_space<vmem_shared>> -> memref<10240x128xf32, #tpu.memory_space<vmem_shared>>
          tpu.wait_indirect_dma semaphore(%run_scoped3A : memref<!tpu.dma_semaphore, #tpu.memory_space<semaphore_mem>>) src(%arg11 : memref<64x128xf32, #tpu.memory_space<vmem>>) dst(%dma_wait3A_117 : memref<10240x128xf32, #tpu.memory_space<vmem_shared>>)
          tpu.yield
        }) : () -> ()
      }
      %scan3A_44 = arith.constant 16 : i32
    }
    %scan3A_7 = arith.constant 5 : i32
    %barrier3A_8 = arith.constant 0 : index
    tpu.barrier barrier_id(%barrier3A_8)
    %mul3A_9 = arith.constant 640 : i32
    %mul3A_10 = arith.muli %arg1, %mul3A_9 : i32
    %mul3A_11 = arith.constant 640 : i32
    %mul3A_12 = arith.muli %arg1, %mul3A_11 : i32
    "tpu.region"() ({
      %run_scoped3A = tpu.sem_alloc : memref<!tpu.dma_semaphore, #tpu.memory_space<semaphore_mem>>
      %dma_start3A = arith.constant 0 : i32
      %dma_start3A_13 = tpu.memref_slice %arg7[%arg0, %mul3A_12, %dma_start3A] : memref<2x10240x128xf32, #tpu.memory_space<hbm>> -> memref<1x640x128xf32, #tpu.memory_space<hbm>>
      %dma_start3A_14 = tpu.memref_squeeze %dma_start3A_13 : memref<1x640x128xf32, #tpu.memory_space<hbm>> -> memref<640x128xf32, #tpu.memory_space<hbm>>
      %dma_start3A_15 = arith.constant 0 : i32
      %dma_start3A_16 = tpu.memref_slice %arg14[%mul3A_10, %dma_start3A_15] : memref<10240x128xf32, #tpu.memory_space<vmem_shared>> -> memref<640x128xf32, #tpu.memory_space<vmem_shared>>
      tpu.enqueue_dma source(%dma_start3A_16 : memref<640x128xf32, #tpu.memory_space<vmem_shared>>) target(%dma_start3A_14 : memref<640x128xf32, #tpu.memory_space<hbm>>) target_semaphore(%run_scoped3A : memref<!tpu.dma_semaphore, #tpu.memory_space<semaphore_mem>>)
      %dma_wait3A = arith.constant 0 : i32
      %dma_wait3A_17 = tpu.memref_slice %arg7[%arg0, %mul3A_12, %dma_wait3A] : memref<2x10240x128xf32, #tpu.memory_space<hbm>> -> memref<1x640x128xf32, #tpu.memory_space<hbm>>
      %dma_wait3A_18 = tpu.memref_squeeze %dma_wait3A_17 : memref<1x640x128xf32, #tpu.memory_space<hbm>> -> memref<640x128xf32, #tpu.memory_space<hbm>>
      %dma_wait3A_19 = arith.constant 0 : i32
      %dma_wait3A_20 = tpu.memref_slice %arg14[%mul3A_10, %dma_wait3A_19] : memref<10240x128xf32, #tpu.memory_space<vmem_shared>> -> memref<640x128xf32, #tpu.memory_space<vmem_shared>>
      tpu.wait_dma2 semaphore(%run_scoped3A : memref<!tpu.dma_semaphore, #tpu.memory_space<semaphore_mem>>) src(%dma_wait3A_20 : memref<640x128xf32, #tpu.memory_space<vmem_shared>>) dst(%dma_wait3A_18 : memref<640x128xf32, #tpu.memory_space<hbm>>)
      tpu.yield
    }) : () -> ()
    return
  }
}

#map = affine_map<(d0, d1) -> (0, 0)>
#map1 = affine_map<(d0, d1) -> (0, 0, 0)>
#map2 = affine_map<(d0, d1) -> (0, 0, 0, 0)>
module attributes {stable_mosaic.version = 14 : i64} {
  func.func @sc_edge(%arg0: i32, %arg1: i32, %arg2: memref<10240x128xf32, #tpu.memory_space<hbm>>, %arg3: memref<5120x64x128xf32, #tpu.memory_space<hbm>>, %arg4: memref<2x16x160x64xi32, #tpu.memory_space<hbm>>, %arg5: memref<2x16x160x64xi32, #tpu.memory_space<hbm>>, %arg6: memref<10240x128xf32, #tpu.memory_space<hbm>>, %arg7: memref<2x10240x128xf32, #tpu.memory_space<hbm>>, %arg8: memref<32x64xi32, #tpu.memory_space<vmem>>, %arg9: memref<32x64xi32, #tpu.memory_space<vmem>>, %arg10: memref<64x128xf32, #tpu.memory_space<vmem>>, %arg11: memref<64x128xf32, #tpu.memory_space<vmem>>, %arg12: memref<64x128xf32, #tpu.memory_space<vmem>>, %arg13: memref<64x128xf32, #tpu.memory_space<vmem>>, %arg14: memref<10240x128xf32, #tpu.memory_space<vmem_shared>>, %arg15: memref<!tpu.dma_semaphore, #tpu.memory_space<semaphore_mem>>, %arg16: memref<!tpu.dma_semaphore, #tpu.memory_space<semaphore_mem>>, %arg17: memref<!tpu.dma_semaphore, #tpu.memory_space<semaphore_mem>>, %arg18: memref<!tpu.dma_semaphore, #tpu.memory_space<semaphore_mem>>) attributes {dimension_semantics = [#tpu.dimension_semantics<core_parallel>, #tpu.dimension_semantics<subcore_parallel>], iteration_bounds = array<i64: 2, 16>, scalar_prefetch = 0 : i64, scratch_operands = 11 : i64, tpu.core_type = #tpu.core_type<sc_vector_subcore>, window_params = [{transform_indices = #map}, {transform_indices = #map1}, {transform_indices = #map2}, {transform_indices = #map2}, {transform_indices = #map}, {transform_indices = #map1}]} {
    %mul3A = arith.constant 640 : i32
    %mul3A_0 = arith.muli %arg1, %mul3A : i32
    %mul3A_1 = arith.constant 640 : i32
    %mul3A_2 = arith.muli %arg1, %mul3A_1 : i32
    "tpu.region"() ({
      %run_scoped3A = tpu.sem_alloc : memref<!tpu.dma_semaphore, #tpu.memory_space<semaphore_mem>>
      %dma_start3A = arith.constant 0 : i32
      %dma_start3A_13 = tpu.memref_slice %arg14[%mul3A_2, %dma_start3A] : memref<10240x128xf32, #tpu.memory_space<vmem_shared>> -> memref<640x128xf32, #tpu.memory_space<vmem_shared>>
      %dma_start3A_14 = arith.constant 0 : i32
      %dma_start3A_15 = tpu.memref_slice %arg6[%mul3A_0, %dma_start3A_14] : memref<10240x128xf32, #tpu.memory_space<hbm>> -> memref<640x128xf32, #tpu.memory_space<hbm>>
      tpu.enqueue_dma source(%dma_start3A_15 : memref<640x128xf32, #tpu.memory_space<hbm>>) target(%dma_start3A_13 : memref<640x128xf32, #tpu.memory_space<vmem_shared>>) target_semaphore(%run_scoped3A : memref<!tpu.dma_semaphore, #tpu.memory_space<semaphore_mem>>)
      %dma_wait3A = arith.constant 0 : i32
      %dma_wait3A_16 = tpu.memref_slice %arg14[%mul3A_2, %dma_wait3A] : memref<10240x128xf32, #tpu.memory_space<vmem_shared>> -> memref<640x128xf32, #tpu.memory_space<vmem_shared>>
      %dma_wait3A_17 = arith.constant 0 : i32
      %dma_wait3A_18 = tpu.memref_slice %arg6[%mul3A_0, %dma_wait3A_17] : memref<10240x128xf32, #tpu.memory_space<hbm>> -> memref<640x128xf32, #tpu.memory_space<hbm>>
      tpu.wait_dma2 semaphore(%run_scoped3A : memref<!tpu.dma_semaphore, #tpu.memory_space<semaphore_mem>>) src(%dma_wait3A_18 : memref<640x128xf32, #tpu.memory_space<hbm>>) dst(%dma_wait3A_16 : memref<640x128xf32, #tpu.memory_space<vmem_shared>>)
      tpu.yield
    }) : () -> ()
    %barrier3A = arith.constant 0 : index
    tpu.barrier barrier_id(%barrier3A)
    %scan3A = arith.constant 0 : i32
    %scan3A_3 = arith.constant 0 : i32
    %scan3A_4 = arith.constant 5 : i32
    %scan3A_5 = arith.addi %scan3A_3, %scan3A_4 : i32
    %scan3A_6 = arith.constant 1 : i32
    scf.for %scan3A_13 = %scan3A_3 to %scan3A_5 step %scan3A_6  : i32 {
      %mul3A_14 = arith.constant 32 : i32
      %mul3A_15 = arith.muli %scan3A_13, %mul3A_14 : i32
      "tpu.region"() ({
        %run_scoped3A = tpu.sem_alloc : memref<!tpu.dma_semaphore, #tpu.memory_space<semaphore_mem>>
        %dma_start3A_45 = arith.constant 0 : i32
        %dma_start3A_46 = tpu.memref_slice %arg4[%arg0, %arg1, %mul3A_15, %dma_start3A_45] : memref<2x16x160x64xi32, #tpu.memory_space<hbm>> -> memref<1x1x32x64xi32, #tpu.memory_space<hbm>>
        %dma_start3A_47 = tpu.memref_squeeze %dma_start3A_46 : memref<1x1x32x64xi32, #tpu.memory_space<hbm>> -> memref<32x64xi32, #tpu.memory_space<hbm>>
        %dma_start3A_48 = arith.constant 0 : i32
        %dma_start3A_49 = tpu.memref_slice %arg4[%arg0, %arg1, %mul3A_15, %dma_start3A_48] : memref<2x16x160x64xi32, #tpu.memory_space<hbm>> -> memref<1x1x32x64xi32, #tpu.memory_space<hbm>>
        %dma_start3A_50 = tpu.memref_squeeze %dma_start3A_49 : memref<1x1x32x64xi32, #tpu.memory_space<hbm>> -> memref<32x64xi32, #tpu.memory_space<hbm>>
        tpu.enqueue_dma source(%dma_start3A_50 : memref<32x64xi32, #tpu.memory_space<hbm>>) target(%arg8 : memref<32x64xi32, #tpu.memory_space<vmem>>) target_semaphore(%run_scoped3A : memref<!tpu.dma_semaphore, #tpu.memory_space<semaphore_mem>>)
        %dma_wait3A = arith.constant 0 : i32
        %dma_wait3A_51 = tpu.memref_slice %arg4[%arg0, %arg1, %mul3A_15, %dma_wait3A] : memref<2x16x160x64xi32, #tpu.memory_space<hbm>> -> memref<1x1x32x64xi32, #tpu.memory_space<hbm>>
        %dma_wait3A_52 = tpu.memref_squeeze %dma_wait3A_51 : memref<1x1x32x64xi32, #tpu.memory_space<hbm>> -> memref<32x64xi32, #tpu.memory_space<hbm>>
        %dma_wait3A_53 = arith.constant 0 : i32
        %dma_wait3A_54 = tpu.memref_slice %arg4[%arg0, %arg1, %mul3A_15, %dma_wait3A_53] : memref<2x16x160x64xi32, #tpu.memory_space<hbm>> -> memref<1x1x32x64xi32, #tpu.memory_space<hbm>>
        %dma_wait3A_55 = tpu.memref_squeeze %dma_wait3A_54 : memref<1x1x32x64xi32, #tpu.memory_space<hbm>> -> memref<32x64xi32, #tpu.memory_space<hbm>>
        tpu.wait_dma2 semaphore(%run_scoped3A : memref<!tpu.dma_semaphore, #tpu.memory_space<semaphore_mem>>) src(%dma_wait3A_55 : memref<32x64xi32, #tpu.memory_space<hbm>>) dst(%arg8 : memref<32x64xi32, #tpu.memory_space<vmem>>)
        tpu.yield
      }) : () -> ()
      %mul3A_16 = arith.constant 32 : i32
      %mul3A_17 = arith.muli %scan3A_13, %mul3A_16 : i32
      "tpu.region"() ({
        %run_scoped3A = tpu.sem_alloc : memref<!tpu.dma_semaphore, #tpu.memory_space<semaphore_mem>>
        %dma_start3A_45 = arith.constant 0 : i32
        %dma_start3A_46 = tpu.memref_slice %arg5[%arg0, %arg1, %mul3A_17, %dma_start3A_45] : memref<2x16x160x64xi32, #tpu.memory_space<hbm>> -> memref<1x1x32x64xi32, #tpu.memory_space<hbm>>
        %dma_start3A_47 = tpu.memref_squeeze %dma_start3A_46 : memref<1x1x32x64xi32, #tpu.memory_space<hbm>> -> memref<32x64xi32, #tpu.memory_space<hbm>>
        %dma_start3A_48 = arith.constant 0 : i32
        %dma_start3A_49 = tpu.memref_slice %arg5[%arg0, %arg1, %mul3A_17, %dma_start3A_48] : memref<2x16x160x64xi32, #tpu.memory_space<hbm>> -> memref<1x1x32x64xi32, #tpu.memory_space<hbm>>
        %dma_start3A_50 = tpu.memref_squeeze %dma_start3A_49 : memref<1x1x32x64xi32, #tpu.memory_space<hbm>> -> memref<32x64xi32, #tpu.memory_space<hbm>>
        tpu.enqueue_dma source(%dma_start3A_50 : memref<32x64xi32, #tpu.memory_space<hbm>>) target(%arg9 : memref<32x64xi32, #tpu.memory_space<vmem>>) target_semaphore(%run_scoped3A : memref<!tpu.dma_semaphore, #tpu.memory_space<semaphore_mem>>)
        %dma_wait3A = arith.constant 0 : i32
        %dma_wait3A_51 = tpu.memref_slice %arg5[%arg0, %arg1, %mul3A_17, %dma_wait3A] : memref<2x16x160x64xi32, #tpu.memory_space<hbm>> -> memref<1x1x32x64xi32, #tpu.memory_space<hbm>>
        %dma_wait3A_52 = tpu.memref_squeeze %dma_wait3A_51 : memref<1x1x32x64xi32, #tpu.memory_space<hbm>> -> memref<32x64xi32, #tpu.memory_space<hbm>>
        %dma_wait3A_53 = arith.constant 0 : i32
        %dma_wait3A_54 = tpu.memref_slice %arg5[%arg0, %arg1, %mul3A_17, %dma_wait3A_53] : memref<2x16x160x64xi32, #tpu.memory_space<hbm>> -> memref<1x1x32x64xi32, #tpu.memory_space<hbm>>
        %dma_wait3A_55 = tpu.memref_squeeze %dma_wait3A_54 : memref<1x1x32x64xi32, #tpu.memory_space<hbm>> -> memref<32x64xi32, #tpu.memory_space<hbm>>
        tpu.wait_dma2 semaphore(%run_scoped3A : memref<!tpu.dma_semaphore, #tpu.memory_space<semaphore_mem>>) src(%dma_wait3A_55 : memref<32x64xi32, #tpu.memory_space<hbm>>) dst(%arg9 : memref<32x64xi32, #tpu.memory_space<vmem>>)
        tpu.yield
      }) : () -> ()
      %mul3A_18 = arith.constant 16 : i32
      %mul3A_19 = arith.muli %arg0, %mul3A_18 : i32
      %add3A = arith.addi %mul3A_19, %arg1 : i32
      %mul3A_20 = arith.constant 160 : i32
      %mul3A_21 = arith.muli %add3A, %mul3A_20 : i32
      %mul3A_22 = arith.constant 32 : i32
      %mul3A_23 = arith.muli %scan3A_13, %mul3A_22 : i32
      %add3A_24 = arith.addi %mul3A_21, %mul3A_23 : i32
      %dma_start3A = arith.constant 0 : i32
      %dma_start3A_25 = arith.constant 0 : i32
      %dma_start3A_26 = tpu.memref_slice %arg8[%dma_start3A, %dma_start3A_25] : memref<32x64xi32, #tpu.memory_space<vmem>> -> memref<1x64xi32, #tpu.memory_space<vmem>>
      %dma_start3A_27 = tpu.memref_squeeze %dma_start3A_26 : memref<1x64xi32, #tpu.memory_space<vmem>> -> memref<64xi32, #tpu.memory_space<vmem>>
      %dma_start3A_28 = arith.constant 0 : i32
      %dma_start3A_29 = arith.constant 0 : i32
      %dma_start3A_30 = tpu.memref_slice %arg2[%dma_start3A_28, %dma_start3A_29] : memref<10240x128xf32, #tpu.memory_space<hbm>> -> memref<10240x128xf32, #tpu.memory_space<hbm>>
      tpu.enqueue_indirect_dma source(%dma_start3A_30 : memref<10240x128xf32, #tpu.memory_space<hbm>>) target(%arg10 : memref<64x128xf32, #tpu.memory_space<vmem>>) offsets(%dma_start3A_27 : memref<64xi32, #tpu.memory_space<vmem>>) semaphore(%arg15 : memref<!tpu.dma_semaphore, #tpu.memory_space<semaphore_mem>>)
      %dma_start3A_31 = arith.constant 0 : i32
      %dma_start3A_32 = arith.constant 0 : i32
      %dma_start3A_33 = tpu.memref_slice %arg3[%add3A_24, %dma_start3A_31, %dma_start3A_32] : memref<5120x64x128xf32, #tpu.memory_space<hbm>> -> memref<1x64x128xf32, #tpu.memory_space<hbm>>
      %dma_start3A_34 = tpu.memref_squeeze %dma_start3A_33 : memref<1x64x128xf32, #tpu.memory_space<hbm>> -> memref<64x128xf32, #tpu.memory_space<hbm>>
      %dma_start3A_35 = arith.constant 0 : i32
      %dma_start3A_36 = arith.constant 0 : i32
      %dma_start3A_37 = tpu.memref_slice %arg3[%add3A_24, %dma_start3A_35, %dma_start3A_36] : memref<5120x64x128xf32, #tpu.memory_space<hbm>> -> memref<1x64x128xf32, #tpu.memory_space<hbm>>
      %dma_start3A_38 = tpu.memref_squeeze %dma_start3A_37 : memref<1x64x128xf32, #tpu.memory_space<hbm>> -> memref<64x128xf32, #tpu.memory_space<hbm>>
      tpu.enqueue_dma source(%dma_start3A_38 : memref<64x128xf32, #tpu.memory_space<hbm>>) target(%arg12 : memref<64x128xf32, #tpu.memory_space<vmem>>) target_semaphore(%arg17 : memref<!tpu.dma_semaphore, #tpu.memory_space<semaphore_mem>>)
      %scan3A_39 = arith.constant 0 : i32
      %scan3A_40 = arith.constant 0 : i32
      %scan3A_41 = arith.constant 16 : i32
      %scan3A_42 = arith.addi %scan3A_40, %scan3A_41 : i32
      %scan3A_43 = arith.constant 1 : i32
      scf.for %scan3A_45 = %scan3A_40 to %scan3A_42 step %scan3A_43  : i32 {
        %mul3A_46 = arith.constant 2 : i32
        %mul3A_47 = arith.muli %scan3A_45, %mul3A_46 : i32
        %add3A_48 = arith.constant 0 : i32
        %add3A_49 = arith.addi %mul3A_47, %add3A_48 : i32
        %add3A_50 = arith.constant 1 : i32
        %add3A_51 = arith.addi %add3A_49, %add3A_50 : i32
        %lt3A = arith.constant 32 : i32
        %lt3A_52 = arith.cmpi slt, %add3A_51, %lt3A : i32
        %convert_element_type3A = arith.extui %lt3A_52 : i1 to i32
        %cond3A = arith.constant 0 : i32
        %cond3A_53 = arith.cmpi ne, %convert_element_type3A, %cond3A : i32
        scf.if %cond3A_53 {
          %add3A_106 = arith.constant 1 : i32
          %add3A_107 = arith.addi %add3A_49, %add3A_106 : i32
          %dma_start3A_108 = arith.constant 0 : i32
          %dma_start3A_109 = tpu.memref_slice %arg8[%add3A_107, %dma_start3A_108] : memref<32x64xi32, #tpu.memory_space<vmem>> -> memref<1x64xi32, #tpu.memory_space<vmem>>
          %dma_start3A_110 = tpu.memref_squeeze %dma_start3A_109 : memref<1x64xi32, #tpu.memory_space<vmem>> -> memref<64xi32, #tpu.memory_space<vmem>>
          %dma_start3A_111 = arith.constant 0 : i32
          %dma_start3A_112 = arith.constant 0 : i32
          %dma_start3A_113 = tpu.memref_slice %arg2[%dma_start3A_111, %dma_start3A_112] : memref<10240x128xf32, #tpu.memory_space<hbm>> -> memref<10240x128xf32, #tpu.memory_space<hbm>>
          tpu.enqueue_indirect_dma source(%dma_start3A_113 : memref<10240x128xf32, #tpu.memory_space<hbm>>) target(%arg11 : memref<64x128xf32, #tpu.memory_space<vmem>>) offsets(%dma_start3A_110 : memref<64xi32, #tpu.memory_space<vmem>>) semaphore(%arg16 : memref<!tpu.dma_semaphore, #tpu.memory_space<semaphore_mem>>)
          %add3A_114 = arith.addi %add3A_24, %add3A_49 : i32
          %add3A_115 = arith.constant 1 : i32
          %add3A_116 = arith.addi %add3A_114, %add3A_115 : i32
          %dma_start3A_117 = arith.constant 0 : i32
          %dma_start3A_118 = arith.constant 0 : i32
          %dma_start3A_119 = tpu.memref_slice %arg3[%add3A_116, %dma_start3A_117, %dma_start3A_118] : memref<5120x64x128xf32, #tpu.memory_space<hbm>> -> memref<1x64x128xf32, #tpu.memory_space<hbm>>
          %dma_start3A_120 = tpu.memref_squeeze %dma_start3A_119 : memref<1x64x128xf32, #tpu.memory_space<hbm>> -> memref<64x128xf32, #tpu.memory_space<hbm>>
          %dma_start3A_121 = arith.constant 0 : i32
          %dma_start3A_122 = arith.constant 0 : i32
          %dma_start3A_123 = tpu.memref_slice %arg3[%add3A_116, %dma_start3A_121, %dma_start3A_122] : memref<5120x64x128xf32, #tpu.memory_space<hbm>> -> memref<1x64x128xf32, #tpu.memory_space<hbm>>
          %dma_start3A_124 = tpu.memref_squeeze %dma_start3A_123 : memref<1x64x128xf32, #tpu.memory_space<hbm>> -> memref<64x128xf32, #tpu.memory_space<hbm>>
          tpu.enqueue_dma source(%dma_start3A_124 : memref<64x128xf32, #tpu.memory_space<hbm>>) target(%arg13 : memref<64x128xf32, #tpu.memory_space<vmem>>) target_semaphore(%arg18 : memref<!tpu.dma_semaphore, #tpu.memory_space<semaphore_mem>>)
        } else {
        }
        %dma_wait3A = arith.constant 0 : i32
        %dma_wait3A_54 = tpu.memref_slice %arg8[%add3A_49, %dma_wait3A] : memref<32x64xi32, #tpu.memory_space<vmem>> -> memref<1x64xi32, #tpu.memory_space<vmem>>
        %dma_wait3A_55 = tpu.memref_squeeze %dma_wait3A_54 : memref<1x64xi32, #tpu.memory_space<vmem>> -> memref<64xi32, #tpu.memory_space<vmem>>
        %dma_wait3A_56 = arith.constant 0 : i32
        %dma_wait3A_57 = arith.constant 0 : i32
        %dma_wait3A_58 = tpu.memref_slice %arg2[%dma_wait3A_56, %dma_wait3A_57] : memref<10240x128xf32, #tpu.memory_space<hbm>> -> memref<10240x128xf32, #tpu.memory_space<hbm>>
        tpu.wait_indirect_dma semaphore(%arg15 : memref<!tpu.dma_semaphore, #tpu.memory_space<semaphore_mem>>) src(%dma_wait3A_58 : memref<10240x128xf32, #tpu.memory_space<hbm>>) dst(%arg10 : memref<64x128xf32, #tpu.memory_space<vmem>>)
        %add3A_59 = arith.addi %add3A_24, %add3A_49 : i32
        %dma_wait3A_60 = arith.constant 0 : i32
        %dma_wait3A_61 = arith.constant 0 : i32
        %dma_wait3A_62 = tpu.memref_slice %arg3[%add3A_59, %dma_wait3A_60, %dma_wait3A_61] : memref<5120x64x128xf32, #tpu.memory_space<hbm>> -> memref<1x64x128xf32, #tpu.memory_space<hbm>>
        %dma_wait3A_63 = tpu.memref_squeeze %dma_wait3A_62 : memref<1x64x128xf32, #tpu.memory_space<hbm>> -> memref<64x128xf32, #tpu.memory_space<hbm>>
        %dma_wait3A_64 = arith.constant 0 : i32
        %dma_wait3A_65 = arith.constant 0 : i32
        %dma_wait3A_66 = tpu.memref_slice %arg3[%add3A_59, %dma_wait3A_64, %dma_wait3A_65] : memref<5120x64x128xf32, #tpu.memory_space<hbm>> -> memref<1x64x128xf32, #tpu.memory_space<hbm>>
        %dma_wait3A_67 = tpu.memref_squeeze %dma_wait3A_66 : memref<1x64x128xf32, #tpu.memory_space<hbm>> -> memref<64x128xf32, #tpu.memory_space<hbm>>
        tpu.wait_dma2 semaphore(%arg17 : memref<!tpu.dma_semaphore, #tpu.memory_space<semaphore_mem>>) src(%dma_wait3A_67 : memref<64x128xf32, #tpu.memory_space<hbm>>) dst(%arg12 : memref<64x128xf32, #tpu.memory_space<vmem>>)
        %scan3A_68 = arith.constant 0 : i32
        %scan3A_69 = arith.constant 0 : i32
        %scan3A_70 = arith.constant 64 : i32
        %scan3A_71 = arith.addi %scan3A_69, %scan3A_70 : i32
        %scan3A_72 = arith.constant 1 : i32
        scf.for %scan3A_106 = %scan3A_69 to %scan3A_71 step %scan3A_72  : i32 {
          %get3A = arith.index_cast %scan3A_106 : i32 to index
          %get3A_107 = arith.constant 0 : index
          %get3A_108 = tpu.vector_load %arg10[%get3A, %get3A_107] {strides = array<i32>} : memref<64x128xf32, #tpu.memory_space<vmem>>, vector<1x16xf32>,
          %get3A_109 = vector.shape_cast %get3A_108 : vector<1x16xf32> to vector<16xf32>
          %get3A_110 = arith.index_cast %scan3A_106 : i32 to index
          %get3A_111 = arith.constant 0 : index
          %get3A_112 = tpu.vector_load %arg12[%get3A_110, %get3A_111] {strides = array<i32>} : memref<64x128xf32, #tpu.memory_space<vmem>>, vector<1x16xf32>,
          %get3A_113 = vector.shape_cast %get3A_112 : vector<1x16xf32> to vector<16xf32>
          %add3A_114 = arith.addf %get3A_109, %get3A_113 : vector<16xf32>
          %neg3A = arith.constant 0.000000e+00 : f32
          %neg3A_115 = vector.broadcast %neg3A : f32 to vector<16xf32>
          %neg3A_116 = arith.subf %neg3A_115, %add3A_114 : vector<16xf32>
          %exp3A = math.exp %neg3A_116 : vector<16xf32>
          %add3A_117 = arith.constant 1.000000e+00 : f32
          %add3A_118 = vector.broadcast %add3A_117 : f32 to vector<16xf32>
          %add3A_119 = arith.addf %add3A_118, %exp3A : vector<16xf32>
          %div3A = arith.divf %add3A_114, %add3A_119 : vector<16xf32>
          %swap3A = arith.index_cast %scan3A_106 : i32 to index
          %swap3A_120 = arith.constant 0 : index
          %swap3A_121 = tpu.vector_load %arg10[%swap3A, %swap3A_120] {strides = array<i32>} : memref<64x128xf32, #tpu.memory_space<vmem>>, vector<1x16xf32>,
          %swap3A_122 = vector.shape_cast %swap3A_121 : vector<1x16xf32> to vector<16xf32>
          %swap3A_123 = vector.shape_cast %div3A : vector<16xf32> to vector<1x16xf32>
          tpu.vector_store %arg10[%swap3A, %swap3A_120], %swap3A_123 {strides = array<i32>} : memref<64x128xf32, #tpu.memory_space<vmem>>, vector<1x16xf32>,
          %get3A_124 = arith.index_cast %scan3A_106 : i32 to index
          %get3A_125 = arith.constant 16 : index
          %get3A_126 = tpu.vector_load %arg10[%get3A_124, %get3A_125] {strides = array<i32>} : memref<64x128xf32, #tpu.memory_space<vmem>>, vector<1x16xf32>,
          %get3A_127 = vector.shape_cast %get3A_126 : vector<1x16xf32> to vector<16xf32>
          %get3A_128 = arith.index_cast %scan3A_106 : i32 to index
          %get3A_129 = arith.constant 16 : index
          %get3A_130 = tpu.vector_load %arg12[%get3A_128, %get3A_129] {strides = array<i32>} : memref<64x128xf32, #tpu.memory_space<vmem>>, vector<1x16xf32>,
          %get3A_131 = vector.shape_cast %get3A_130 : vector<1x16xf32> to vector<16xf32>
          %add3A_132 = arith.addf %get3A_127, %get3A_131 : vector<16xf32>
          %neg3A_133 = arith.constant 0.000000e+00 : f32
          %neg3A_134 = vector.broadcast %neg3A_133 : f32 to vector<16xf32>
          %neg3A_135 = arith.subf %neg3A_134, %add3A_132 : vector<16xf32>
          %exp3A_136 = math.exp %neg3A_135 : vector<16xf32>
          %add3A_137 = arith.constant 1.000000e+00 : f32
          %add3A_138 = vector.broadcast %add3A_137 : f32 to vector<16xf32>
          %add3A_139 = arith.addf %add3A_138, %exp3A_136 : vector<16xf32>
          %div3A_140 = arith.divf %add3A_132, %add3A_139 : vector<16xf32>
          %swap3A_141 = arith.index_cast %scan3A_106 : i32 to index
          %swap3A_142 = arith.constant 16 : index
          %swap3A_143 = tpu.vector_load %arg10[%swap3A_141, %swap3A_142] {strides = array<i32>} : memref<64x128xf32, #tpu.memory_space<vmem>>, vector<1x16xf32>,
          %swap3A_144 = vector.shape_cast %swap3A_143 : vector<1x16xf32> to vector<16xf32>
          %swap3A_145 = vector.shape_cast %div3A_140 : vector<16xf32> to vector<1x16xf32>
          tpu.vector_store %arg10[%swap3A_141, %swap3A_142], %swap3A_145 {strides = array<i32>} : memref<64x128xf32, #tpu.memory_space<vmem>>, vector<1x16xf32>,
          %get3A_146 = arith.index_cast %scan3A_106 : i32 to index
          %get3A_147 = arith.constant 32 : index
          %get3A_148 = tpu.vector_load %arg10[%get3A_146, %get3A_147] {strides = array<i32>} : memref<64x128xf32, #tpu.memory_space<vmem>>, vector<1x16xf32>,
          %get3A_149 = vector.shape_cast %get3A_148 : vector<1x16xf32> to vector<16xf32>
          %get3A_150 = arith.index_cast %scan3A_106 : i32 to index
          %get3A_151 = arith.constant 32 : index
          %get3A_152 = tpu.vector_load %arg12[%get3A_150, %get3A_151] {strides = array<i32>} : memref<64x128xf32, #tpu.memory_space<vmem>>, vector<1x16xf32>,
          %get3A_153 = vector.shape_cast %get3A_152 : vector<1x16xf32> to vector<16xf32>
          %add3A_154 = arith.addf %get3A_149, %get3A_153 : vector<16xf32>
          %neg3A_155 = arith.constant 0.000000e+00 : f32
          %neg3A_156 = vector.broadcast %neg3A_155 : f32 to vector<16xf32>
          %neg3A_157 = arith.subf %neg3A_156, %add3A_154 : vector<16xf32>
          %exp3A_158 = math.exp %neg3A_157 : vector<16xf32>
          %add3A_159 = arith.constant 1.000000e+00 : f32
          %add3A_160 = vector.broadcast %add3A_159 : f32 to vector<16xf32>
          %add3A_161 = arith.addf %add3A_160, %exp3A_158 : vector<16xf32>
          %div3A_162 = arith.divf %add3A_154, %add3A_161 : vector<16xf32>
          %swap3A_163 = arith.index_cast %scan3A_106 : i32 to index
          %swap3A_164 = arith.constant 32 : index
          %swap3A_165 = tpu.vector_load %arg10[%swap3A_163, %swap3A_164] {strides = array<i32>} : memref<64x128xf32, #tpu.memory_space<vmem>>, vector<1x16xf32>,
          %swap3A_166 = vector.shape_cast %swap3A_165 : vector<1x16xf32> to vector<16xf32>
          %swap3A_167 = vector.shape_cast %div3A_162 : vector<16xf32> to vector<1x16xf32>
          tpu.vector_store %arg10[%swap3A_163, %swap3A_164], %swap3A_167 {strides = array<i32>} : memref<64x128xf32, #tpu.memory_space<vmem>>, vector<1x16xf32>,
          %get3A_168 = arith.index_cast %scan3A_106 : i32 to index
          %get3A_169 = arith.constant 48 : index
          %get3A_170 = tpu.vector_load %arg10[%get3A_168, %get3A_169] {strides = array<i32>} : memref<64x128xf32, #tpu.memory_space<vmem>>, vector<1x16xf32>,
          %get3A_171 = vector.shape_cast %get3A_170 : vector<1x16xf32> to vector<16xf32>
          %get3A_172 = arith.index_cast %scan3A_106 : i32 to index
          %get3A_173 = arith.constant 48 : index
          %get3A_174 = tpu.vector_load %arg12[%get3A_172, %get3A_173] {strides = array<i32>} : memref<64x128xf32, #tpu.memory_space<vmem>>, vector<1x16xf32>,
          %get3A_175 = vector.shape_cast %get3A_174 : vector<1x16xf32> to vector<16xf32>
          %add3A_176 = arith.addf %get3A_171, %get3A_175 : vector<16xf32>
          %neg3A_177 = arith.constant 0.000000e+00 : f32
          %neg3A_178 = vector.broadcast %neg3A_177 : f32 to vector<16xf32>
          %neg3A_179 = arith.subf %neg3A_178, %add3A_176 : vector<16xf32>
          %exp3A_180 = math.exp %neg3A_179 : vector<16xf32>
          %add3A_181 = arith.constant 1.000000e+00 : f32
          %add3A_182 = vector.broadcast %add3A_181 : f32 to vector<16xf32>
          %add3A_183 = arith.addf %add3A_182, %exp3A_180 : vector<16xf32>
          %div3A_184 = arith.divf %add3A_176, %add3A_183 : vector<16xf32>
          %swap3A_185 = arith.index_cast %scan3A_106 : i32 to index
          %swap3A_186 = arith.constant 48 : index
          %swap3A_187 = tpu.vector_load %arg10[%swap3A_185, %swap3A_186] {strides = array<i32>} : memref<64x128xf32, #tpu.memory_space<vmem>>, vector<1x16xf32>,
          %swap3A_188 = vector.shape_cast %swap3A_187 : vector<1x16xf32> to vector<16xf32>
          %swap3A_189 = vector.shape_cast %div3A_184 : vector<16xf32> to vector<1x16xf32>
          tpu.vector_store %arg10[%swap3A_185, %swap3A_186], %swap3A_189 {strides = array<i32>} : memref<64x128xf32, #tpu.memory_space<vmem>>, vector<1x16xf32>,
          %get3A_190 = arith.index_cast %scan3A_106 : i32 to index
          %get3A_191 = arith.constant 64 : index
          %get3A_192 = tpu.vector_load %arg10[%get3A_190, %get3A_191] {strides = array<i32>} : memref<64x128xf32, #tpu.memory_space<vmem>>, vector<1x16xf32>,
          %get3A_193 = vector.shape_cast %get3A_192 : vector<1x16xf32> to vector<16xf32>
          %get3A_194 = arith.index_cast %scan3A_106 : i32 to index
          %get3A_195 = arith.constant 64 : index
          %get3A_196 = tpu.vector_load %arg12[%get3A_194, %get3A_195] {strides = array<i32>} : memref<64x128xf32, #tpu.memory_space<vmem>>, vector<1x16xf32>,
          %get3A_197 = vector.shape_cast %get3A_196 : vector<1x16xf32> to vector<16xf32>
          %add3A_198 = arith.addf %get3A_193, %get3A_197 : vector<16xf32>
          %neg3A_199 = arith.constant 0.000000e+00 : f32
          %neg3A_200 = vector.broadcast %neg3A_199 : f32 to vector<16xf32>
          %neg3A_201 = arith.subf %neg3A_200, %add3A_198 : vector<16xf32>
          %exp3A_202 = math.exp %neg3A_201 : vector<16xf32>
          %add3A_203 = arith.constant 1.000000e+00 : f32
          %add3A_204 = vector.broadcast %add3A_203 : f32 to vector<16xf32>
          %add3A_205 = arith.addf %add3A_204, %exp3A_202 : vector<16xf32>
          %div3A_206 = arith.divf %add3A_198, %add3A_205 : vector<16xf32>
          %swap3A_207 = arith.index_cast %scan3A_106 : i32 to index
          %swap3A_208 = arith.constant 64 : index
          %swap3A_209 = tpu.vector_load %arg10[%swap3A_207, %swap3A_208] {strides = array<i32>} : memref<64x128xf32, #tpu.memory_space<vmem>>, vector<1x16xf32>,
          %swap3A_210 = vector.shape_cast %swap3A_209 : vector<1x16xf32> to vector<16xf32>
          %swap3A_211 = vector.shape_cast %div3A_206 : vector<16xf32> to vector<1x16xf32>
          tpu.vector_store %arg10[%swap3A_207, %swap3A_208], %swap3A_211 {strides = array<i32>} : memref<64x128xf32, #tpu.memory_space<vmem>>, vector<1x16xf32>,
          %get3A_212 = arith.index_cast %scan3A_106 : i32 to index
          %get3A_213 = arith.constant 80 : index
          %get3A_214 = tpu.vector_load %arg10[%get3A_212, %get3A_213] {strides = array<i32>} : memref<64x128xf32, #tpu.memory_space<vmem>>, vector<1x16xf32>,
          %get3A_215 = vector.shape_cast %get3A_214 : vector<1x16xf32> to vector<16xf32>
          %get3A_216 = arith.index_cast %scan3A_106 : i32 to index
          %get3A_217 = arith.constant 80 : index
          %get3A_218 = tpu.vector_load %arg12[%get3A_216, %get3A_217] {strides = array<i32>} : memref<64x128xf32, #tpu.memory_space<vmem>>, vector<1x16xf32>,
          %get3A_219 = vector.shape_cast %get3A_218 : vector<1x16xf32> to vector<16xf32>
          %add3A_220 = arith.addf %get3A_215, %get3A_219 : vector<16xf32>
          %neg3A_221 = arith.constant 0.000000e+00 : f32
          %neg3A_222 = vector.broadcast %neg3A_221 : f32 to vector<16xf32>
          %neg3A_223 = arith.subf %neg3A_222, %add3A_220 : vector<16xf32>
          %exp3A_224 = math.exp %neg3A_223 : vector<16xf32>
          %add3A_225 = arith.constant 1.000000e+00 : f32
          %add3A_226 = vector.broadcast %add3A_225 : f32 to vector<16xf32>
          %add3A_227 = arith.addf %add3A_226, %exp3A_224 : vector<16xf32>
          %div3A_228 = arith.divf %add3A_220, %add3A_227 : vector<16xf32>
          %swap3A_229 = arith.index_cast %scan3A_106 : i32 to index
          %swap3A_230 = arith.constant 80 : index
          %swap3A_231 = tpu.vector_load %arg10[%swap3A_229, %swap3A_230] {strides = array<i32>} : memref<64x128xf32, #tpu.memory_space<vmem>>, vector<1x16xf32>,
          %swap3A_232 = vector.shape_cast %swap3A_231 : vector<1x16xf32> to vector<16xf32>
          %swap3A_233 = vector.shape_cast %div3A_228 : vector<16xf32> to vector<1x16xf32>
          tpu.vector_store %arg10[%swap3A_229, %swap3A_230], %swap3A_233 {strides = array<i32>} : memref<64x128xf32, #tpu.memory_space<vmem>>, vector<1x16xf32>,
          %get3A_234 = arith.index_cast %scan3A_106 : i32 to index
          %get3A_235 = arith.constant 96 : index
          %get3A_236 = tpu.vector_load %arg10[%get3A_234, %get3A_235] {strides = array<i32>} : memref<64x128xf32, #tpu.memory_space<vmem>>, vector<1x16xf32>,
          %get3A_237 = vector.shape_cast %get3A_236 : vector<1x16xf32> to vector<16xf32>
          %get3A_238 = arith.index_cast %scan3A_106 : i32 to index
          %get3A_239 = arith.constant 96 : index
          %get3A_240 = tpu.vector_load %arg12[%get3A_238, %get3A_239] {strides = array<i32>} : memref<64x128xf32, #tpu.memory_space<vmem>>, vector<1x16xf32>,
          %get3A_241 = vector.shape_cast %get3A_240 : vector<1x16xf32> to vector<16xf32>
          %add3A_242 = arith.addf %get3A_237, %get3A_241 : vector<16xf32>
          %neg3A_243 = arith.constant 0.000000e+00 : f32
          %neg3A_244 = vector.broadcast %neg3A_243 : f32 to vector<16xf32>
          %neg3A_245 = arith.subf %neg3A_244, %add3A_242 : vector<16xf32>
          %exp3A_246 = math.exp %neg3A_245 : vector<16xf32>
          %add3A_247 = arith.constant 1.000000e+00 : f32
          %add3A_248 = vector.broadcast %add3A_247 : f32 to vector<16xf32>
          %add3A_249 = arith.addf %add3A_248, %exp3A_246 : vector<16xf32>
          %div3A_250 = arith.divf %add3A_242, %add3A_249 : vector<16xf32>
          %swap3A_251 = arith.index_cast %scan3A_106 : i32 to index
          %swap3A_252 = arith.constant 96 : index
          %swap3A_253 = tpu.vector_load %arg10[%swap3A_251, %swap3A_252] {strides = array<i32>} : memref<64x128xf32, #tpu.memory_space<vmem>>, vector<1x16xf32>,
          %swap3A_254 = vector.shape_cast %swap3A_253 : vector<1x16xf32> to vector<16xf32>
          %swap3A_255 = vector.shape_cast %div3A_250 : vector<16xf32> to vector<1x16xf32>
          tpu.vector_store %arg10[%swap3A_251, %swap3A_252], %swap3A_255 {strides = array<i32>} : memref<64x128xf32, #tpu.memory_space<vmem>>, vector<1x16xf32>,
          %get3A_256 = arith.index_cast %scan3A_106 : i32 to index
          %get3A_257 = arith.constant 112 : index
          %get3A_258 = tpu.vector_load %arg10[%get3A_256, %get3A_257] {strides = array<i32>} : memref<64x128xf32, #tpu.memory_space<vmem>>, vector<1x16xf32>,
          %get3A_259 = vector.shape_cast %get3A_258 : vector<1x16xf32> to vector<16xf32>
          %get3A_260 = arith.index_cast %scan3A_106 : i32 to index
          %get3A_261 = arith.constant 112 : index
          %get3A_262 = tpu.vector_load %arg12[%get3A_260, %get3A_261] {strides = array<i32>} : memref<64x128xf32, #tpu.memory_space<vmem>>, vector<1x16xf32>,
          %get3A_263 = vector.shape_cast %get3A_262 : vector<1x16xf32> to vector<16xf32>
          %add3A_264 = arith.addf %get3A_259, %get3A_263 : vector<16xf32>
          %neg3A_265 = arith.constant 0.000000e+00 : f32
          %neg3A_266 = vector.broadcast %neg3A_265 : f32 to vector<16xf32>
          %neg3A_267 = arith.subf %neg3A_266, %add3A_264 : vector<16xf32>
          %exp3A_268 = math.exp %neg3A_267 : vector<16xf32>
          %add3A_269 = arith.constant 1.000000e+00 : f32
          %add3A_270 = vector.broadcast %add3A_269 : f32 to vector<16xf32>
          %add3A_271 = arith.addf %add3A_270, %exp3A_268 : vector<16xf32>
          %div3A_272 = arith.divf %add3A_264, %add3A_271 : vector<16xf32>
          %swap3A_273 = arith.index_cast %scan3A_106 : i32 to index
          %swap3A_274 = arith.constant 112 : index
          %swap3A_275 = tpu.vector_load %arg10[%swap3A_273, %swap3A_274] {strides = array<i32>} : memref<64x128xf32, #tpu.memory_space<vmem>>, vector<1x16xf32>,
          %swap3A_276 = vector.shape_cast %swap3A_275 : vector<1x16xf32> to vector<16xf32>
          %swap3A_277 = vector.shape_cast %div3A_272 : vector<16xf32> to vector<1x16xf32>
          tpu.vector_store %arg10[%swap3A_273, %swap3A_274], %swap3A_277 {strides = array<i32>} : memref<64x128xf32, #tpu.memory_space<vmem>>, vector<1x16xf32>,
        }
        %scan3A_73 = arith.constant 64 : i32
        "tpu.region"() ({
          %run_scoped3A = tpu.sem_alloc : memref<!tpu.dma_semaphore, #tpu.memory_space<semaphore_mem>>
          %dma_start3A_106 = arith.constant 0 : i32
          %dma_start3A_107 = tpu.memref_slice %arg9[%add3A_49, %dma_start3A_106] : memref<32x64xi32, #tpu.memory_space<vmem>> -> memref<1x64xi32, #tpu.memory_space<vmem>>
          %dma_start3A_108 = tpu.memref_squeeze %dma_start3A_107 : memref<1x64xi32, #tpu.memory_space<vmem>> -> memref<64xi32, #tpu.memory_space<vmem>>
          %dma_start3A_109 = arith.constant 0 : i32
          %dma_start3A_110 = arith.constant 0 : i32
          %dma_start3A_111 = tpu.memref_slice %arg14[%dma_start3A_109, %dma_start3A_110] : memref<10240x128xf32, #tpu.memory_space<vmem_shared>> -> memref<10240x128xf32, #tpu.memory_space<vmem_shared>>
          tpu.enqueue_indirect_dma source(%arg10 : memref<64x128xf32, #tpu.memory_space<vmem>>) target(%dma_start3A_111 : memref<10240x128xf32, #tpu.memory_space<vmem_shared>>) offsets(%dma_start3A_108 : memref<64xi32, #tpu.memory_space<vmem>>) semaphore(%run_scoped3A : memref<!tpu.dma_semaphore, #tpu.memory_space<semaphore_mem>>) {add = true}
          %dma_wait3A_112 = arith.constant 0 : i32
          %dma_wait3A_113 = tpu.memref_slice %arg9[%add3A_49, %dma_wait3A_112] : memref<32x64xi32, #tpu.memory_space<vmem>> -> memref<1x64xi32, #tpu.memory_space<vmem>>
          %dma_wait3A_114 = tpu.memref_squeeze %dma_wait3A_113 : memref<1x64xi32, #tpu.memory_space<vmem>> -> memref<64xi32, #tpu.memory_space<vmem>>
          %dma_wait3A_115 = arith.constant 0 : i32
          %dma_wait3A_116 = arith.constant 0 : i32
          %dma_wait3A_117 = tpu.memref_slice %arg14[%dma_wait3A_115, %dma_wait3A_116] : memref<10240x128xf32, #tpu.memory_space<vmem_shared>> -> memref<10240x128xf32, #tpu.memory_space<vmem_shared>>
          tpu.wait_indirect_dma semaphore(%run_scoped3A : memref<!tpu.dma_semaphore, #tpu.memory_space<semaphore_mem>>) src(%arg10 : memref<64x128xf32, #tpu.memory_space<vmem>>) dst(%dma_wait3A_117 : memref<10240x128xf32, #tpu.memory_space<vmem_shared>>)
          tpu.yield
        }) : () -> ()
        %mul3A_74 = arith.constant 2 : i32
        %mul3A_75 = arith.muli %scan3A_45, %mul3A_74 : i32
        %add3A_76 = arith.constant 1 : i32
        %add3A_77 = arith.addi %mul3A_75, %add3A_76 : i32
        %add3A_78 = arith.constant 1 : i32
        %add3A_79 = arith.addi %add3A_77, %add3A_78 : i32
        %lt3A_80 = arith.constant 32 : i32
        %lt3A_81 = arith.cmpi slt, %add3A_79, %lt3A_80 : i32
        %convert_element_type3A_82 = arith.extui %lt3A_81 : i1 to i32
        %cond3A_83 = arith.constant 0 : i32
        %cond3A_84 = arith.cmpi ne, %convert_element_type3A_82, %cond3A_83 : i32
        scf.if %cond3A_84 {
          %add3A_106 = arith.constant 1 : i32
          %add3A_107 = arith.addi %add3A_77, %add3A_106 : i32
          %dma_start3A_108 = arith.constant 0 : i32
          %dma_start3A_109 = tpu.memref_slice %arg8[%add3A_107, %dma_start3A_108] : memref<32x64xi32, #tpu.memory_space<vmem>> -> memref<1x64xi32, #tpu.memory_space<vmem>>
          %dma_start3A_110 = tpu.memref_squeeze %dma_start3A_109 : memref<1x64xi32, #tpu.memory_space<vmem>> -> memref<64xi32, #tpu.memory_space<vmem>>
          %dma_start3A_111 = arith.constant 0 : i32
          %dma_start3A_112 = arith.constant 0 : i32
          %dma_start3A_113 = tpu.memref_slice %arg2[%dma_start3A_111, %dma_start3A_112] : memref<10240x128xf32, #tpu.memory_space<hbm>> -> memref<10240x128xf32, #tpu.memory_space<hbm>>
          tpu.enqueue_indirect_dma source(%dma_start3A_113 : memref<10240x128xf32, #tpu.memory_space<hbm>>) target(%arg10 : memref<64x128xf32, #tpu.memory_space<vmem>>) offsets(%dma_start3A_110 : memref<64xi32, #tpu.memory_space<vmem>>) semaphore(%arg15 : memref<!tpu.dma_semaphore, #tpu.memory_space<semaphore_mem>>)
          %add3A_114 = arith.addi %add3A_24, %add3A_77 : i32
          %add3A_115 = arith.constant 1 : i32
          %add3A_116 = arith.addi %add3A_114, %add3A_115 : i32
          %dma_start3A_117 = arith.constant 0 : i32
          %dma_start3A_118 = arith.constant 0 : i32
          %dma_start3A_119 = tpu.memref_slice %arg3[%add3A_116, %dma_start3A_117, %dma_start3A_118] : memref<5120x64x128xf32, #tpu.memory_space<hbm>> -> memref<1x64x128xf32, #tpu.memory_space<hbm>>
          %dma_start3A_120 = tpu.memref_squeeze %dma_start3A_119 : memref<1x64x128xf32, #tpu.memory_space<hbm>> -> memref<64x128xf32, #tpu.memory_space<hbm>>
          %dma_start3A_121 = arith.constant 0 : i32
          %dma_start3A_122 = arith.constant 0 : i32
          %dma_start3A_123 = tpu.memref_slice %arg3[%add3A_116, %dma_start3A_121, %dma_start3A_122] : memref<5120x64x128xf32, #tpu.memory_space<hbm>> -> memref<1x64x128xf32, #tpu.memory_space<hbm>>
          %dma_start3A_124 = tpu.memref_squeeze %dma_start3A_123 : memref<1x64x128xf32, #tpu.memory_space<hbm>> -> memref<64x128xf32, #tpu.memory_space<hbm>>
          tpu.enqueue_dma source(%dma_start3A_124 : memref<64x128xf32, #tpu.memory_space<hbm>>) target(%arg12 : memref<64x128xf32, #tpu.memory_space<vmem>>) target_semaphore(%arg17 : memref<!tpu.dma_semaphore, #tpu.memory_space<semaphore_mem>>)
        } else {
        }
        %dma_wait3A_85 = arith.constant 0 : i32
        %dma_wait3A_86 = tpu.memref_slice %arg8[%add3A_77, %dma_wait3A_85] : memref<32x64xi32, #tpu.memory_space<vmem>> -> memref<1x64xi32, #tpu.memory_space<vmem>>
        %dma_wait3A_87 = tpu.memref_squeeze %dma_wait3A_86 : memref<1x64xi32, #tpu.memory_space<vmem>> -> memref<64xi32, #tpu.memory_space<vmem>>
        %dma_wait3A_88 = arith.constant 0 : i32
        %dma_wait3A_89 = arith.constant 0 : i32
        %dma_wait3A_90 = tpu.memref_slice %arg2[%dma_wait3A_88, %dma_wait3A_89] : memref<10240x128xf32, #tpu.memory_space<hbm>> -> memref<10240x128xf32, #tpu.memory_space<hbm>>
        tpu.wait_indirect_dma semaphore(%arg16 : memref<!tpu.dma_semaphore, #tpu.memory_space<semaphore_mem>>) src(%dma_wait3A_90 : memref<10240x128xf32, #tpu.memory_space<hbm>>) dst(%arg11 : memref<64x128xf32, #tpu.memory_space<vmem>>)
        %add3A_91 = arith.addi %add3A_24, %add3A_77 : i32
        %dma_wait3A_92 = arith.constant 0 : i32
        %dma_wait3A_93 = arith.constant 0 : i32
        %dma_wait3A_94 = tpu.memref_slice %arg3[%add3A_91, %dma_wait3A_92, %dma_wait3A_93] : memref<5120x64x128xf32, #tpu.memory_space<hbm>> -> memref<1x64x128xf32, #tpu.memory_space<hbm>>
        %dma_wait3A_95 = tpu.memref_squeeze %dma_wait3A_94 : memref<1x64x128xf32, #tpu.memory_space<hbm>> -> memref<64x128xf32, #tpu.memory_space<hbm>>
        %dma_wait3A_96 = arith.constant 0 : i32
        %dma_wait3A_97 = arith.constant 0 : i32
        %dma_wait3A_98 = tpu.memref_slice %arg3[%add3A_91, %dma_wait3A_96, %dma_wait3A_97] : memref<5120x64x128xf32, #tpu.memory_space<hbm>> -> memref<1x64x128xf32, #tpu.memory_space<hbm>>
        %dma_wait3A_99 = tpu.memref_squeeze %dma_wait3A_98 : memref<1x64x128xf32, #tpu.memory_space<hbm>> -> memref<64x128xf32, #tpu.memory_space<hbm>>
        tpu.wait_dma2 semaphore(%arg18 : memref<!tpu.dma_semaphore, #tpu.memory_space<semaphore_mem>>) src(%dma_wait3A_99 : memref<64x128xf32, #tpu.memory_space<hbm>>) dst(%arg13 : memref<64x128xf32, #tpu.memory_space<vmem>>)
        %scan3A_100 = arith.constant 0 : i32
        %scan3A_101 = arith.constant 0 : i32
        %scan3A_102 = arith.constant 64 : i32
        %scan3A_103 = arith.addi %scan3A_101, %scan3A_102 : i32
        %scan3A_104 = arith.constant 1 : i32
        scf.for %scan3A_106 = %scan3A_101 to %scan3A_103 step %scan3A_104  : i32 {
          %get3A = arith.index_cast %scan3A_106 : i32 to index
          %get3A_107 = arith.constant 0 : index
          %get3A_108 = tpu.vector_load %arg11[%get3A, %get3A_107] {strides = array<i32>} : memref<64x128xf32, #tpu.memory_space<vmem>>, vector<1x16xf32>,
          %get3A_109 = vector.shape_cast %get3A_108 : vector<1x16xf32> to vector<16xf32>
          %get3A_110 = arith.index_cast %scan3A_106 : i32 to index
          %get3A_111 = arith.constant 0 : index
          %get3A_112 = tpu.vector_load %arg13[%get3A_110, %get3A_111] {strides = array<i32>} : memref<64x128xf32, #tpu.memory_space<vmem>>, vector<1x16xf32>,
          %get3A_113 = vector.shape_cast %get3A_112 : vector<1x16xf32> to vector<16xf32>
          %add3A_114 = arith.addf %get3A_109, %get3A_113 : vector<16xf32>
          %neg3A = arith.constant 0.000000e+00 : f32
          %neg3A_115 = vector.broadcast %neg3A : f32 to vector<16xf32>
          %neg3A_116 = arith.subf %neg3A_115, %add3A_114 : vector<16xf32>
          %exp3A = math.exp %neg3A_116 : vector<16xf32>
          %add3A_117 = arith.constant 1.000000e+00 : f32
          %add3A_118 = vector.broadcast %add3A_117 : f32 to vector<16xf32>
          %add3A_119 = arith.addf %add3A_118, %exp3A : vector<16xf32>
          %div3A = arith.divf %add3A_114, %add3A_119 : vector<16xf32>
          %swap3A = arith.index_cast %scan3A_106 : i32 to index
          %swap3A_120 = arith.constant 0 : index
          %swap3A_121 = tpu.vector_load %arg11[%swap3A, %swap3A_120] {strides = array<i32>} : memref<64x128xf32, #tpu.memory_space<vmem>>, vector<1x16xf32>,
          %swap3A_122 = vector.shape_cast %swap3A_121 : vector<1x16xf32> to vector<16xf32>
          %swap3A_123 = vector.shape_cast %div3A : vector<16xf32> to vector<1x16xf32>
          tpu.vector_store %arg11[%swap3A, %swap3A_120], %swap3A_123 {strides = array<i32>} : memref<64x128xf32, #tpu.memory_space<vmem>>, vector<1x16xf32>,
          %get3A_124 = arith.index_cast %scan3A_106 : i32 to index
          %get3A_125 = arith.constant 16 : index
          %get3A_126 = tpu.vector_load %arg11[%get3A_124, %get3A_125] {strides = array<i32>} : memref<64x128xf32, #tpu.memory_space<vmem>>, vector<1x16xf32>,
          %get3A_127 = vector.shape_cast %get3A_126 : vector<1x16xf32> to vector<16xf32>
          %get3A_128 = arith.index_cast %scan3A_106 : i32 to index
          %get3A_129 = arith.constant 16 : index
          %get3A_130 = tpu.vector_load %arg13[%get3A_128, %get3A_129] {strides = array<i32>} : memref<64x128xf32, #tpu.memory_space<vmem>>, vector<1x16xf32>,
          %get3A_131 = vector.shape_cast %get3A_130 : vector<1x16xf32> to vector<16xf32>
          %add3A_132 = arith.addf %get3A_127, %get3A_131 : vector<16xf32>
          %neg3A_133 = arith.constant 0.000000e+00 : f32
          %neg3A_134 = vector.broadcast %neg3A_133 : f32 to vector<16xf32>
          %neg3A_135 = arith.subf %neg3A_134, %add3A_132 : vector<16xf32>
          %exp3A_136 = math.exp %neg3A_135 : vector<16xf32>
          %add3A_137 = arith.constant 1.000000e+00 : f32
          %add3A_138 = vector.broadcast %add3A_137 : f32 to vector<16xf32>
          %add3A_139 = arith.addf %add3A_138, %exp3A_136 : vector<16xf32>
          %div3A_140 = arith.divf %add3A_132, %add3A_139 : vector<16xf32>
          %swap3A_141 = arith.index_cast %scan3A_106 : i32 to index
          %swap3A_142 = arith.constant 16 : index
          %swap3A_143 = tpu.vector_load %arg11[%swap3A_141, %swap3A_142] {strides = array<i32>} : memref<64x128xf32, #tpu.memory_space<vmem>>, vector<1x16xf32>,
          %swap3A_144 = vector.shape_cast %swap3A_143 : vector<1x16xf32> to vector<16xf32>
          %swap3A_145 = vector.shape_cast %div3A_140 : vector<16xf32> to vector<1x16xf32>
          tpu.vector_store %arg11[%swap3A_141, %swap3A_142], %swap3A_145 {strides = array<i32>} : memref<64x128xf32, #tpu.memory_space<vmem>>, vector<1x16xf32>,
          %get3A_146 = arith.index_cast %scan3A_106 : i32 to index
          %get3A_147 = arith.constant 32 : index
          %get3A_148 = tpu.vector_load %arg11[%get3A_146, %get3A_147] {strides = array<i32>} : memref<64x128xf32, #tpu.memory_space<vmem>>, vector<1x16xf32>,
          %get3A_149 = vector.shape_cast %get3A_148 : vector<1x16xf32> to vector<16xf32>
          %get3A_150 = arith.index_cast %scan3A_106 : i32 to index
          %get3A_151 = arith.constant 32 : index
          %get3A_152 = tpu.vector_load %arg13[%get3A_150, %get3A_151] {strides = array<i32>} : memref<64x128xf32, #tpu.memory_space<vmem>>, vector<1x16xf32>,
          %get3A_153 = vector.shape_cast %get3A_152 : vector<1x16xf32> to vector<16xf32>
          %add3A_154 = arith.addf %get3A_149, %get3A_153 : vector<16xf32>
          %neg3A_155 = arith.constant 0.000000e+00 : f32
          %neg3A_156 = vector.broadcast %neg3A_155 : f32 to vector<16xf32>
          %neg3A_157 = arith.subf %neg3A_156, %add3A_154 : vector<16xf32>
          %exp3A_158 = math.exp %neg3A_157 : vector<16xf32>
          %add3A_159 = arith.constant 1.000000e+00 : f32
          %add3A_160 = vector.broadcast %add3A_159 : f32 to vector<16xf32>
          %add3A_161 = arith.addf %add3A_160, %exp3A_158 : vector<16xf32>
          %div3A_162 = arith.divf %add3A_154, %add3A_161 : vector<16xf32>
          %swap3A_163 = arith.index_cast %scan3A_106 : i32 to index
          %swap3A_164 = arith.constant 32 : index
          %swap3A_165 = tpu.vector_load %arg11[%swap3A_163, %swap3A_164] {strides = array<i32>} : memref<64x128xf32, #tpu.memory_space<vmem>>, vector<1x16xf32>,
          %swap3A_166 = vector.shape_cast %swap3A_165 : vector<1x16xf32> to vector<16xf32>
          %swap3A_167 = vector.shape_cast %div3A_162 : vector<16xf32> to vector<1x16xf32>
          tpu.vector_store %arg11[%swap3A_163, %swap3A_164], %swap3A_167 {strides = array<i32>} : memref<64x128xf32, #tpu.memory_space<vmem>>, vector<1x16xf32>,
          %get3A_168 = arith.index_cast %scan3A_106 : i32 to index
          %get3A_169 = arith.constant 48 : index
          %get3A_170 = tpu.vector_load %arg11[%get3A_168, %get3A_169] {strides = array<i32>} : memref<64x128xf32, #tpu.memory_space<vmem>>, vector<1x16xf32>,
          %get3A_171 = vector.shape_cast %get3A_170 : vector<1x16xf32> to vector<16xf32>
          %get3A_172 = arith.index_cast %scan3A_106 : i32 to index
          %get3A_173 = arith.constant 48 : index
          %get3A_174 = tpu.vector_load %arg13[%get3A_172, %get3A_173] {strides = array<i32>} : memref<64x128xf32, #tpu.memory_space<vmem>>, vector<1x16xf32>,
          %get3A_175 = vector.shape_cast %get3A_174 : vector<1x16xf32> to vector<16xf32>
          %add3A_176 = arith.addf %get3A_171, %get3A_175 : vector<16xf32>
          %neg3A_177 = arith.constant 0.000000e+00 : f32
          %neg3A_178 = vector.broadcast %neg3A_177 : f32 to vector<16xf32>
          %neg3A_179 = arith.subf %neg3A_178, %add3A_176 : vector<16xf32>
          %exp3A_180 = math.exp %neg3A_179 : vector<16xf32>
          %add3A_181 = arith.constant 1.000000e+00 : f32
          %add3A_182 = vector.broadcast %add3A_181 : f32 to vector<16xf32>
          %add3A_183 = arith.addf %add3A_182, %exp3A_180 : vector<16xf32>
          %div3A_184 = arith.divf %add3A_176, %add3A_183 : vector<16xf32>
          %swap3A_185 = arith.index_cast %scan3A_106 : i32 to index
          %swap3A_186 = arith.constant 48 : index
          %swap3A_187 = tpu.vector_load %arg11[%swap3A_185, %swap3A_186] {strides = array<i32>} : memref<64x128xf32, #tpu.memory_space<vmem>>, vector<1x16xf32>,
          %swap3A_188 = vector.shape_cast %swap3A_187 : vector<1x16xf32> to vector<16xf32>
          %swap3A_189 = vector.shape_cast %div3A_184 : vector<16xf32> to vector<1x16xf32>
          tpu.vector_store %arg11[%swap3A_185, %swap3A_186], %swap3A_189 {strides = array<i32>} : memref<64x128xf32, #tpu.memory_space<vmem>>, vector<1x16xf32>,
          %get3A_190 = arith.index_cast %scan3A_106 : i32 to index
          %get3A_191 = arith.constant 64 : index
          %get3A_192 = tpu.vector_load %arg11[%get3A_190, %get3A_191] {strides = array<i32>} : memref<64x128xf32, #tpu.memory_space<vmem>>, vector<1x16xf32>,
          %get3A_193 = vector.shape_cast %get3A_192 : vector<1x16xf32> to vector<16xf32>
          %get3A_194 = arith.index_cast %scan3A_106 : i32 to index
          %get3A_195 = arith.constant 64 : index
          %get3A_196 = tpu.vector_load %arg13[%get3A_194, %get3A_195] {strides = array<i32>} : memref<64x128xf32, #tpu.memory_space<vmem>>, vector<1x16xf32>,
          %get3A_197 = vector.shape_cast %get3A_196 : vector<1x16xf32> to vector<16xf32>
          %add3A_198 = arith.addf %get3A_193, %get3A_197 : vector<16xf32>
          %neg3A_199 = arith.constant 0.000000e+00 : f32
          %neg3A_200 = vector.broadcast %neg3A_199 : f32 to vector<16xf32>
          %neg3A_201 = arith.subf %neg3A_200, %add3A_198 : vector<16xf32>
          %exp3A_202 = math.exp %neg3A_201 : vector<16xf32>
          %add3A_203 = arith.constant 1.000000e+00 : f32
          %add3A_204 = vector.broadcast %add3A_203 : f32 to vector<16xf32>
          %add3A_205 = arith.addf %add3A_204, %exp3A_202 : vector<16xf32>
          %div3A_206 = arith.divf %add3A_198, %add3A_205 : vector<16xf32>
          %swap3A_207 = arith.index_cast %scan3A_106 : i32 to index
          %swap3A_208 = arith.constant 64 : index
          %swap3A_209 = tpu.vector_load %arg11[%swap3A_207, %swap3A_208] {strides = array<i32>} : memref<64x128xf32, #tpu.memory_space<vmem>>, vector<1x16xf32>,
          %swap3A_210 = vector.shape_cast %swap3A_209 : vector<1x16xf32> to vector<16xf32>
          %swap3A_211 = vector.shape_cast %div3A_206 : vector<16xf32> to vector<1x16xf32>
          tpu.vector_store %arg11[%swap3A_207, %swap3A_208], %swap3A_211 {strides = array<i32>} : memref<64x128xf32, #tpu.memory_space<vmem>>, vector<1x16xf32>,
          %get3A_212 = arith.index_cast %scan3A_106 : i32 to index
          %get3A_213 = arith.constant 80 : index
          %get3A_214 = tpu.vector_load %arg11[%get3A_212, %get3A_213] {strides = array<i32>} : memref<64x128xf32, #tpu.memory_space<vmem>>, vector<1x16xf32>,
          %get3A_215 = vector.shape_cast %get3A_214 : vector<1x16xf32> to vector<16xf32>
          %get3A_216 = arith.index_cast %scan3A_106 : i32 to index
          %get3A_217 = arith.constant 80 : index
          %get3A_218 = tpu.vector_load %arg13[%get3A_216, %get3A_217] {strides = array<i32>} : memref<64x128xf32, #tpu.memory_space<vmem>>, vector<1x16xf32>,
          %get3A_219 = vector.shape_cast %get3A_218 : vector<1x16xf32> to vector<16xf32>
          %add3A_220 = arith.addf %get3A_215, %get3A_219 : vector<16xf32>
          %neg3A_221 = arith.constant 0.000000e+00 : f32
          %neg3A_222 = vector.broadcast %neg3A_221 : f32 to vector<16xf32>
          %neg3A_223 = arith.subf %neg3A_222, %add3A_220 : vector<16xf32>
          %exp3A_224 = math.exp %neg3A_223 : vector<16xf32>
          %add3A_225 = arith.constant 1.000000e+00 : f32
          %add3A_226 = vector.broadcast %add3A_225 : f32 to vector<16xf32>
          %add3A_227 = arith.addf %add3A_226, %exp3A_224 : vector<16xf32>
          %div3A_228 = arith.divf %add3A_220, %add3A_227 : vector<16xf32>
          %swap3A_229 = arith.index_cast %scan3A_106 : i32 to index
          %swap3A_230 = arith.constant 80 : index
          %swap3A_231 = tpu.vector_load %arg11[%swap3A_229, %swap3A_230] {strides = array<i32>} : memref<64x128xf32, #tpu.memory_space<vmem>>, vector<1x16xf32>,
          %swap3A_232 = vector.shape_cast %swap3A_231 : vector<1x16xf32> to vector<16xf32>
          %swap3A_233 = vector.shape_cast %div3A_228 : vector<16xf32> to vector<1x16xf32>
          tpu.vector_store %arg11[%swap3A_229, %swap3A_230], %swap3A_233 {strides = array<i32>} : memref<64x128xf32, #tpu.memory_space<vmem>>, vector<1x16xf32>,
          %get3A_234 = arith.index_cast %scan3A_106 : i32 to index
          %get3A_235 = arith.constant 96 : index
          %get3A_236 = tpu.vector_load %arg11[%get3A_234, %get3A_235] {strides = array<i32>} : memref<64x128xf32, #tpu.memory_space<vmem>>, vector<1x16xf32>,
          %get3A_237 = vector.shape_cast %get3A_236 : vector<1x16xf32> to vector<16xf32>
          %get3A_238 = arith.index_cast %scan3A_106 : i32 to index
          %get3A_239 = arith.constant 96 : index
          %get3A_240 = tpu.vector_load %arg13[%get3A_238, %get3A_239] {strides = array<i32>} : memref<64x128xf32, #tpu.memory_space<vmem>>, vector<1x16xf32>,
          %get3A_241 = vector.shape_cast %get3A_240 : vector<1x16xf32> to vector<16xf32>
          %add3A_242 = arith.addf %get3A_237, %get3A_241 : vector<16xf32>
          %neg3A_243 = arith.constant 0.000000e+00 : f32
          %neg3A_244 = vector.broadcast %neg3A_243 : f32 to vector<16xf32>
          %neg3A_245 = arith.subf %neg3A_244, %add3A_242 : vector<16xf32>
          %exp3A_246 = math.exp %neg3A_245 : vector<16xf32>
          %add3A_247 = arith.constant 1.000000e+00 : f32
          %add3A_248 = vector.broadcast %add3A_247 : f32 to vector<16xf32>
          %add3A_249 = arith.addf %add3A_248, %exp3A_246 : vector<16xf32>
          %div3A_250 = arith.divf %add3A_242, %add3A_249 : vector<16xf32>
          %swap3A_251 = arith.index_cast %scan3A_106 : i32 to index
          %swap3A_252 = arith.constant 96 : index
          %swap3A_253 = tpu.vector_load %arg11[%swap3A_251, %swap3A_252] {strides = array<i32>} : memref<64x128xf32, #tpu.memory_space<vmem>>, vector<1x16xf32>,
          %swap3A_254 = vector.shape_cast %swap3A_253 : vector<1x16xf32> to vector<16xf32>
          %swap3A_255 = vector.shape_cast %div3A_250 : vector<16xf32> to vector<1x16xf32>
          tpu.vector_store %arg11[%swap3A_251, %swap3A_252], %swap3A_255 {strides = array<i32>} : memref<64x128xf32, #tpu.memory_space<vmem>>, vector<1x16xf32>,
          %get3A_256 = arith.index_cast %scan3A_106 : i32 to index
          %get3A_257 = arith.constant 112 : index
          %get3A_258 = tpu.vector_load %arg11[%get3A_256, %get3A_257] {strides = array<i32>} : memref<64x128xf32, #tpu.memory_space<vmem>>, vector<1x16xf32>,
          %get3A_259 = vector.shape_cast %get3A_258 : vector<1x16xf32> to vector<16xf32>
          %get3A_260 = arith.index_cast %scan3A_106 : i32 to index
          %get3A_261 = arith.constant 112 : index
          %get3A_262 = tpu.vector_load %arg13[%get3A_260, %get3A_261] {strides = array<i32>} : memref<64x128xf32, #tpu.memory_space<vmem>>, vector<1x16xf32>,
          %get3A_263 = vector.shape_cast %get3A_262 : vector<1x16xf32> to vector<16xf32>
          %add3A_264 = arith.addf %get3A_259, %get3A_263 : vector<16xf32>
          %neg3A_265 = arith.constant 0.000000e+00 : f32
          %neg3A_266 = vector.broadcast %neg3A_265 : f32 to vector<16xf32>
          %neg3A_267 = arith.subf %neg3A_266, %add3A_264 : vector<16xf32>
          %exp3A_268 = math.exp %neg3A_267 : vector<16xf32>
          %add3A_269 = arith.constant 1.000000e+00 : f32
          %add3A_270 = vector.broadcast %add3A_269 : f32 to vector<16xf32>
          %add3A_271 = arith.addf %add3A_270, %exp3A_268 : vector<16xf32>
          %div3A_272 = arith.divf %add3A_264, %add3A_271 : vector<16xf32>
          %swap3A_273 = arith.index_cast %scan3A_106 : i32 to index
          %swap3A_274 = arith.constant 112 : index
          %swap3A_275 = tpu.vector_load %arg11[%swap3A_273, %swap3A_274] {strides = array<i32>} : memref<64x128xf32, #tpu.memory_space<vmem>>, vector<1x16xf32>,
          %swap3A_276 = vector.shape_cast %swap3A_275 : vector<1x16xf32> to vector<16xf32>
          %swap3A_277 = vector.shape_cast %div3A_272 : vector<16xf32> to vector<1x16xf32>
          tpu.vector_store %arg11[%swap3A_273, %swap3A_274], %swap3A_277 {strides = array<i32>} : memref<64x128xf32, #tpu.memory_space<vmem>>, vector<1x16xf32>,
        }
        %scan3A_105 = arith.constant 64 : i32
        "tpu.region"() ({
          %run_scoped3A = tpu.sem_alloc : memref<!tpu.dma_semaphore, #tpu.memory_space<semaphore_mem>>
          %dma_start3A_106 = arith.constant 0 : i32
          %dma_start3A_107 = tpu.memref_slice %arg9[%add3A_77, %dma_start3A_106] : memref<32x64xi32, #tpu.memory_space<vmem>> -> memref<1x64xi32, #tpu.memory_space<vmem>>
          %dma_start3A_108 = tpu.memref_squeeze %dma_start3A_107 : memref<1x64xi32, #tpu.memory_space<vmem>> -> memref<64xi32, #tpu.memory_space<vmem>>
          %dma_start3A_109 = arith.constant 0 : i32
          %dma_start3A_110 = arith.constant 0 : i32
          %dma_start3A_111 = tpu.memref_slice %arg14[%dma_start3A_109, %dma_start3A_110] : memref<10240x128xf32, #tpu.memory_space<vmem_shared>> -> memref<10240x128xf32, #tpu.memory_space<vmem_shared>>
          tpu.enqueue_indirect_dma source(%arg11 : memref<64x128xf32, #tpu.memory_space<vmem>>) target(%dma_start3A_111 : memref<10240x128xf32, #tpu.memory_space<vmem_shared>>) offsets(%dma_start3A_108 : memref<64xi32, #tpu.memory_space<vmem>>) semaphore(%run_scoped3A : memref<!tpu.dma_semaphore, #tpu.memory_space<semaphore_mem>>) {add = true}
          %dma_wait3A_112 = arith.constant 0 : i32
          %dma_wait3A_113 = tpu.memref_slice %arg9[%add3A_77, %dma_wait3A_112] : memref<32x64xi32, #tpu.memory_space<vmem>> -> memref<1x64xi32, #tpu.memory_space<vmem>>
          %dma_wait3A_114 = tpu.memref_squeeze %dma_wait3A_113 : memref<1x64xi32, #tpu.memory_space<vmem>> -> memref<64xi32, #tpu.memory_space<vmem>>
          %dma_wait3A_115 = arith.constant 0 : i32
          %dma_wait3A_116 = arith.constant 0 : i32
          %dma_wait3A_117 = tpu.memref_slice %arg14[%dma_wait3A_115, %dma_wait3A_116] : memref<10240x128xf32, #tpu.memory_space<vmem_shared>> -> memref<10240x128xf32, #tpu.memory_space<vmem_shared>>
          tpu.wait_indirect_dma semaphore(%run_scoped3A : memref<!tpu.dma_semaphore, #tpu.memory_space<semaphore_mem>>) src(%arg11 : memref<64x128xf32, #tpu.memory_space<vmem>>) dst(%dma_wait3A_117 : memref<10240x128xf32, #tpu.memory_space<vmem_shared>>)
          tpu.yield
        }) : () -> ()
      }
      %scan3A_44 = arith.constant 16 : i32
    }
    %scan3A_7 = arith.constant 5 : i32
    %barrier3A_8 = arith.constant 0 : index
    tpu.barrier barrier_id(%barrier3A_8)
    %mul3A_9 = arith.constant 640 : i32
    %mul3A_10 = arith.muli %arg1, %mul3A_9 : i32
    %mul3A_11 = arith.constant 640 : i32
    %mul3A_12 = arith.muli %arg1, %mul3A_11 : i32
    "tpu.region"() ({
      %run_scoped3A = tpu.sem_alloc : memref<!tpu.dma_semaphore, #tpu.memory_space<semaphore_mem>>
      %dma_start3A = arith.constant 0 : i32
      %dma_start3A_13 = tpu.memref_slice %arg7[%arg0, %mul3A_12, %dma_start3A] : memref<2x10240x128xf32, #tpu.memory_space<hbm>> -> memref<1x640x128xf32, #tpu.memory_space<hbm>>
      %dma_start3A_14 = tpu.memref_squeeze %dma_start3A_13 : memref<1x640x128xf32, #tpu.memory_space<hbm>> -> memref<640x128xf32, #tpu.memory_space<hbm>>
      %dma_start3A_15 = arith.constant 0 : i32
      %dma_start3A_16 = tpu.memref_slice %arg14[%mul3A_10, %dma_start3A_15] : memref<10240x128xf32, #tpu.memory_space<vmem_shared>> -> memref<640x128xf32, #tpu.memory_space<vmem_shared>>
      tpu.enqueue_dma source(%dma_start3A_16 : memref<640x128xf32, #tpu.memory_space<vmem_shared>>) target(%dma_start3A_14 : memref<640x128xf32, #tpu.memory_space<hbm>>) target_semaphore(%run_scoped3A : memref<!tpu.dma_semaphore, #tpu.memory_space<semaphore_mem>>)
      %dma_wait3A = arith.constant 0 : i32
      %dma_wait3A_17 = tpu.memref_slice %arg7[%arg0, %mul3A_12, %dma_wait3A] : memref<2x10240x128xf32, #tpu.memory_space<hbm>> -> memref<1x640x128xf32, #tpu.memory_space<hbm>>
      %dma_wait3A_18 = tpu.memref_squeeze %dma_wait3A_17 : memref<1x640x128xf32, #tpu.memory_space<hbm>> -> memref<640x128xf32, #tpu.memory_space<hbm>>
      %dma_wait3A_19 = arith.constant 0 : i32
      %dma_wait3A_20 = tpu.memref_slice %arg14[%mul3A_10, %dma_wait3A_19] : memref<10240x128xf32, #tpu.memory_space<vmem_shared>> -> memref<640x128xf32, #tpu.memory_space<vmem_shared>>
      tpu.wait_dma2 semaphore(%run_scoped3A : memref<!tpu.dma_semaphore, #tpu.memory_space<semaphore_mem>>) src(%dma_wait3A_20 : memref<640x128xf32, #tpu.memory_space<vmem_shared>>) dst(%dma_wait3A_18 : memref<640x128xf32, #tpu.memory_space<hbm>>)
      tpu.yield
    }) : () -> ()
    return
  }
}

#map = affine_map<(d0, d1) -> (0, 0)>
#map1 = affine_map<(d0, d1) -> (0, 0, 0)>
#map2 = affine_map<(d0, d1) -> (0, 0, 0, 0)>
module attributes {stable_mosaic.version = 14 : i64} {
  func.func @sc_edge(%arg0: i32, %arg1: i32, %arg2: memref<10240x128xf32, #tpu.memory_space<hbm>>, %arg3: memref<5120x64x128xf32, #tpu.memory_space<hbm>>, %arg4: memref<2x16x160x64xi32, #tpu.memory_space<hbm>>, %arg5: memref<2x16x160x64xi32, #tpu.memory_space<hbm>>, %arg6: memref<10240x128xf32, #tpu.memory_space<hbm>>, %arg7: memref<2x10240x128xf32, #tpu.memory_space<hbm>>, %arg8: memref<32x64xi32, #tpu.memory_space<vmem>>, %arg9: memref<32x64xi32, #tpu.memory_space<vmem>>, %arg10: memref<64x128xf32, #tpu.memory_space<vmem>>, %arg11: memref<64x128xf32, #tpu.memory_space<vmem>>, %arg12: memref<64x128xf32, #tpu.memory_space<vmem>>, %arg13: memref<64x128xf32, #tpu.memory_space<vmem>>, %arg14: memref<10240x128xf32, #tpu.memory_space<vmem_shared>>, %arg15: memref<!tpu.dma_semaphore, #tpu.memory_space<semaphore_mem>>, %arg16: memref<!tpu.dma_semaphore, #tpu.memory_space<semaphore_mem>>, %arg17: memref<!tpu.dma_semaphore, #tpu.memory_space<semaphore_mem>>, %arg18: memref<!tpu.dma_semaphore, #tpu.memory_space<semaphore_mem>>) attributes {dimension_semantics = [#tpu.dimension_semantics<core_parallel>, #tpu.dimension_semantics<subcore_parallel>], iteration_bounds = array<i64: 2, 16>, scalar_prefetch = 0 : i64, scratch_operands = 11 : i64, tpu.core_type = #tpu.core_type<sc_vector_subcore>, window_params = [{transform_indices = #map}, {transform_indices = #map1}, {transform_indices = #map2}, {transform_indices = #map2}, {transform_indices = #map}, {transform_indices = #map1}]} {
    %mul3A = arith.constant 640 : i32
    %mul3A_0 = arith.muli %arg1, %mul3A : i32
    %mul3A_1 = arith.constant 640 : i32
    %mul3A_2 = arith.muli %arg1, %mul3A_1 : i32
    "tpu.region"() ({
      %run_scoped3A = tpu.sem_alloc : memref<!tpu.dma_semaphore, #tpu.memory_space<semaphore_mem>>
      %dma_start3A = arith.constant 0 : i32
      %dma_start3A_13 = tpu.memref_slice %arg14[%mul3A_2, %dma_start3A] : memref<10240x128xf32, #tpu.memory_space<vmem_shared>> -> memref<640x128xf32, #tpu.memory_space<vmem_shared>>
      %dma_start3A_14 = arith.constant 0 : i32
      %dma_start3A_15 = tpu.memref_slice %arg6[%mul3A_0, %dma_start3A_14] : memref<10240x128xf32, #tpu.memory_space<hbm>> -> memref<640x128xf32, #tpu.memory_space<hbm>>
      tpu.enqueue_dma source(%dma_start3A_15 : memref<640x128xf32, #tpu.memory_space<hbm>>) target(%dma_start3A_13 : memref<640x128xf32, #tpu.memory_space<vmem_shared>>) target_semaphore(%run_scoped3A : memref<!tpu.dma_semaphore, #tpu.memory_space<semaphore_mem>>)
      %dma_wait3A = arith.constant 0 : i32
      %dma_wait3A_16 = tpu.memref_slice %arg14[%mul3A_2, %dma_wait3A] : memref<10240x128xf32, #tpu.memory_space<vmem_shared>> -> memref<640x128xf32, #tpu.memory_space<vmem_shared>>
      %dma_wait3A_17 = arith.constant 0 : i32
      %dma_wait3A_18 = tpu.memref_slice %arg6[%mul3A_0, %dma_wait3A_17] : memref<10240x128xf32, #tpu.memory_space<hbm>> -> memref<640x128xf32, #tpu.memory_space<hbm>>
      tpu.wait_dma2 semaphore(%run_scoped3A : memref<!tpu.dma_semaphore, #tpu.memory_space<semaphore_mem>>) src(%dma_wait3A_18 : memref<640x128xf32, #tpu.memory_space<hbm>>) dst(%dma_wait3A_16 : memref<640x128xf32, #tpu.memory_space<vmem_shared>>)
      tpu.yield
    }) : () -> ()
    %barrier3A = arith.constant 0 : index
    tpu.barrier barrier_id(%barrier3A)
    %scan3A = arith.constant 0 : i32
    %scan3A_3 = arith.constant 0 : i32
    %scan3A_4 = arith.constant 5 : i32
    %scan3A_5 = arith.addi %scan3A_3, %scan3A_4 : i32
    %scan3A_6 = arith.constant 1 : i32
    scf.for %scan3A_13 = %scan3A_3 to %scan3A_5 step %scan3A_6  : i32 {
      %mul3A_14 = arith.constant 32 : i32
      %mul3A_15 = arith.muli %scan3A_13, %mul3A_14 : i32
      "tpu.region"() ({
        %run_scoped3A = tpu.sem_alloc : memref<!tpu.dma_semaphore, #tpu.memory_space<semaphore_mem>>
        %dma_start3A_45 = arith.constant 0 : i32
        %dma_start3A_46 = tpu.memref_slice %arg4[%arg0, %arg1, %mul3A_15, %dma_start3A_45] : memref<2x16x160x64xi32, #tpu.memory_space<hbm>> -> memref<1x1x32x64xi32, #tpu.memory_space<hbm>>
        %dma_start3A_47 = tpu.memref_squeeze %dma_start3A_46 : memref<1x1x32x64xi32, #tpu.memory_space<hbm>> -> memref<32x64xi32, #tpu.memory_space<hbm>>
        %dma_start3A_48 = arith.constant 0 : i32
        %dma_start3A_49 = tpu.memref_slice %arg4[%arg0, %arg1, %mul3A_15, %dma_start3A_48] : memref<2x16x160x64xi32, #tpu.memory_space<hbm>> -> memref<1x1x32x64xi32, #tpu.memory_space<hbm>>
        %dma_start3A_50 = tpu.memref_squeeze %dma_start3A_49 : memref<1x1x32x64xi32, #tpu.memory_space<hbm>> -> memref<32x64xi32, #tpu.memory_space<hbm>>
        tpu.enqueue_dma source(%dma_start3A_50 : memref<32x64xi32, #tpu.memory_space<hbm>>) target(%arg8 : memref<32x64xi32, #tpu.memory_space<vmem>>) target_semaphore(%run_scoped3A : memref<!tpu.dma_semaphore, #tpu.memory_space<semaphore_mem>>)
        %dma_wait3A = arith.constant 0 : i32
        %dma_wait3A_51 = tpu.memref_slice %arg4[%arg0, %arg1, %mul3A_15, %dma_wait3A] : memref<2x16x160x64xi32, #tpu.memory_space<hbm>> -> memref<1x1x32x64xi32, #tpu.memory_space<hbm>>
        %dma_wait3A_52 = tpu.memref_squeeze %dma_wait3A_51 : memref<1x1x32x64xi32, #tpu.memory_space<hbm>> -> memref<32x64xi32, #tpu.memory_space<hbm>>
        %dma_wait3A_53 = arith.constant 0 : i32
        %dma_wait3A_54 = tpu.memref_slice %arg4[%arg0, %arg1, %mul3A_15, %dma_wait3A_53] : memref<2x16x160x64xi32, #tpu.memory_space<hbm>> -> memref<1x1x32x64xi32, #tpu.memory_space<hbm>>
        %dma_wait3A_55 = tpu.memref_squeeze %dma_wait3A_54 : memref<1x1x32x64xi32, #tpu.memory_space<hbm>> -> memref<32x64xi32, #tpu.memory_space<hbm>>
        tpu.wait_dma2 semaphore(%run_scoped3A : memref<!tpu.dma_semaphore, #tpu.memory_space<semaphore_mem>>) src(%dma_wait3A_55 : memref<32x64xi32, #tpu.memory_space<hbm>>) dst(%arg8 : memref<32x64xi32, #tpu.memory_space<vmem>>)
        tpu.yield
      }) : () -> ()
      %mul3A_16 = arith.constant 32 : i32
      %mul3A_17 = arith.muli %scan3A_13, %mul3A_16 : i32
      "tpu.region"() ({
        %run_scoped3A = tpu.sem_alloc : memref<!tpu.dma_semaphore, #tpu.memory_space<semaphore_mem>>
        %dma_start3A_45 = arith.constant 0 : i32
        %dma_start3A_46 = tpu.memref_slice %arg5[%arg0, %arg1, %mul3A_17, %dma_start3A_45] : memref<2x16x160x64xi32, #tpu.memory_space<hbm>> -> memref<1x1x32x64xi32, #tpu.memory_space<hbm>>
        %dma_start3A_47 = tpu.memref_squeeze %dma_start3A_46 : memref<1x1x32x64xi32, #tpu.memory_space<hbm>> -> memref<32x64xi32, #tpu.memory_space<hbm>>
        %dma_start3A_48 = arith.constant 0 : i32
        %dma_start3A_49 = tpu.memref_slice %arg5[%arg0, %arg1, %mul3A_17, %dma_start3A_48] : memref<2x16x160x64xi32, #tpu.memory_space<hbm>> -> memref<1x1x32x64xi32, #tpu.memory_space<hbm>>
        %dma_start3A_50 = tpu.memref_squeeze %dma_start3A_49 : memref<1x1x32x64xi32, #tpu.memory_space<hbm>> -> memref<32x64xi32, #tpu.memory_space<hbm>>
        tpu.enqueue_dma source(%dma_start3A_50 : memref<32x64xi32, #tpu.memory_space<hbm>>) target(%arg9 : memref<32x64xi32, #tpu.memory_space<vmem>>) target_semaphore(%run_scoped3A : memref<!tpu.dma_semaphore, #tpu.memory_space<semaphore_mem>>)
        %dma_wait3A = arith.constant 0 : i32
        %dma_wait3A_51 = tpu.memref_slice %arg5[%arg0, %arg1, %mul3A_17, %dma_wait3A] : memref<2x16x160x64xi32, #tpu.memory_space<hbm>> -> memref<1x1x32x64xi32, #tpu.memory_space<hbm>>
        %dma_wait3A_52 = tpu.memref_squeeze %dma_wait3A_51 : memref<1x1x32x64xi32, #tpu.memory_space<hbm>> -> memref<32x64xi32, #tpu.memory_space<hbm>>
        %dma_wait3A_53 = arith.constant 0 : i32
        %dma_wait3A_54 = tpu.memref_slice %arg5[%arg0, %arg1, %mul3A_17, %dma_wait3A_53] : memref<2x16x160x64xi32, #tpu.memory_space<hbm>> -> memref<1x1x32x64xi32, #tpu.memory_space<hbm>>
        %dma_wait3A_55 = tpu.memref_squeeze %dma_wait3A_54 : memref<1x1x32x64xi32, #tpu.memory_space<hbm>> -> memref<32x64xi32, #tpu.memory_space<hbm>>
        tpu.wait_dma2 semaphore(%run_scoped3A : memref<!tpu.dma_semaphore, #tpu.memory_space<semaphore_mem>>) src(%dma_wait3A_55 : memref<32x64xi32, #tpu.memory_space<hbm>>) dst(%arg9 : memref<32x64xi32, #tpu.memory_space<vmem>>)
        tpu.yield
      }) : () -> ()
      %mul3A_18 = arith.constant 16 : i32
      %mul3A_19 = arith.muli %arg0, %mul3A_18 : i32
      %add3A = arith.addi %mul3A_19, %arg1 : i32
      %mul3A_20 = arith.constant 160 : i32
      %mul3A_21 = arith.muli %add3A, %mul3A_20 : i32
      %mul3A_22 = arith.constant 32 : i32
      %mul3A_23 = arith.muli %scan3A_13, %mul3A_22 : i32
      %add3A_24 = arith.addi %mul3A_21, %mul3A_23 : i32
      %dma_start3A = arith.constant 0 : i32
      %dma_start3A_25 = arith.constant 0 : i32
      %dma_start3A_26 = tpu.memref_slice %arg8[%dma_start3A, %dma_start3A_25] : memref<32x64xi32, #tpu.memory_space<vmem>> -> memref<1x64xi32, #tpu.memory_space<vmem>>
      %dma_start3A_27 = tpu.memref_squeeze %dma_start3A_26 : memref<1x64xi32, #tpu.memory_space<vmem>> -> memref<64xi32, #tpu.memory_space<vmem>>
      %dma_start3A_28 = arith.constant 0 : i32
      %dma_start3A_29 = arith.constant 0 : i32
      %dma_start3A_30 = tpu.memref_slice %arg2[%dma_start3A_28, %dma_start3A_29] : memref<10240x128xf32, #tpu.memory_space<hbm>> -> memref<10240x128xf32, #tpu.memory_space<hbm>>
      tpu.enqueue_indirect_dma source(%dma_start3A_30 : memref<10240x128xf32, #tpu.memory_space<hbm>>) target(%arg10 : memref<64x128xf32, #tpu.memory_space<vmem>>) offsets(%dma_start3A_27 : memref<64xi32, #tpu.memory_space<vmem>>) semaphore(%arg15 : memref<!tpu.dma_semaphore, #tpu.memory_space<semaphore_mem>>)
      %dma_start3A_31 = arith.constant 0 : i32
      %dma_start3A_32 = arith.constant 0 : i32
      %dma_start3A_33 = tpu.memref_slice %arg3[%add3A_24, %dma_start3A_31, %dma_start3A_32] : memref<5120x64x128xf32, #tpu.memory_space<hbm>> -> memref<1x64x128xf32, #tpu.memory_space<hbm>>
      %dma_start3A_34 = tpu.memref_squeeze %dma_start3A_33 : memref<1x64x128xf32, #tpu.memory_space<hbm>> -> memref<64x128xf32, #tpu.memory_space<hbm>>
      %dma_start3A_35 = arith.constant 0 : i32
      %dma_start3A_36 = arith.constant 0 : i32
      %dma_start3A_37 = tpu.memref_slice %arg3[%add3A_24, %dma_start3A_35, %dma_start3A_36] : memref<5120x64x128xf32, #tpu.memory_space<hbm>> -> memref<1x64x128xf32, #tpu.memory_space<hbm>>
      %dma_start3A_38 = tpu.memref_squeeze %dma_start3A_37 : memref<1x64x128xf32, #tpu.memory_space<hbm>> -> memref<64x128xf32, #tpu.memory_space<hbm>>
      tpu.enqueue_dma source(%dma_start3A_38 : memref<64x128xf32, #tpu.memory_space<hbm>>) target(%arg12 : memref<64x128xf32, #tpu.memory_space<vmem>>) target_semaphore(%arg17 : memref<!tpu.dma_semaphore, #tpu.memory_space<semaphore_mem>>)
      %scan3A_39 = arith.constant 0 : i32
      %scan3A_40 = arith.constant 0 : i32
      %scan3A_41 = arith.constant 16 : i32
      %scan3A_42 = arith.addi %scan3A_40, %scan3A_41 : i32
      %scan3A_43 = arith.constant 1 : i32
      scf.for %scan3A_45 = %scan3A_40 to %scan3A_42 step %scan3A_43  : i32 {
        %mul3A_46 = arith.constant 2 : i32
        %mul3A_47 = arith.muli %scan3A_45, %mul3A_46 : i32
        %add3A_48 = arith.constant 0 : i32
        %add3A_49 = arith.addi %mul3A_47, %add3A_48 : i32
        %add3A_50 = arith.constant 1 : i32
        %add3A_51 = arith.addi %add3A_49, %add3A_50 : i32
        %lt3A = arith.constant 32 : i32
        %lt3A_52 = arith.cmpi slt, %add3A_51, %lt3A : i32
        %convert_element_type3A = arith.extui %lt3A_52 : i1 to i32
        %cond3A = arith.constant 0 : i32
        %cond3A_53 = arith.cmpi ne, %convert_element_type3A, %cond3A : i32
        scf.if %cond3A_53 {
          %add3A_106 = arith.constant 1 : i32
          %add3A_107 = arith.addi %add3A_49, %add3A_106 : i32
          %dma_start3A_108 = arith.constant 0 : i32
          %dma_start3A_109 = tpu.memref_slice %arg8[%add3A_107, %dma_start3A_108] : memref<32x64xi32, #tpu.memory_space<vmem>> -> memref<1x64xi32, #tpu.memory_space<vmem>>
          %dma_start3A_110 = tpu.memref_squeeze %dma_start3A_109 : memref<1x64xi32, #tpu.memory_space<vmem>> -> memref<64xi32, #tpu.memory_space<vmem>>
          %dma_start3A_111 = arith.constant 0 : i32
          %dma_start3A_112 = arith.constant 0 : i32
          %dma_start3A_113 = tpu.memref_slice %arg2[%dma_start3A_111, %dma_start3A_112] : memref<10240x128xf32, #tpu.memory_space<hbm>> -> memref<10240x128xf32, #tpu.memory_space<hbm>>
          tpu.enqueue_indirect_dma source(%dma_start3A_113 : memref<10240x128xf32, #tpu.memory_space<hbm>>) target(%arg11 : memref<64x128xf32, #tpu.memory_space<vmem>>) offsets(%dma_start3A_110 : memref<64xi32, #tpu.memory_space<vmem>>) semaphore(%arg16 : memref<!tpu.dma_semaphore, #tpu.memory_space<semaphore_mem>>)
          %add3A_114 = arith.addi %add3A_24, %add3A_49 : i32
          %add3A_115 = arith.constant 1 : i32
          %add3A_116 = arith.addi %add3A_114, %add3A_115 : i32
          %dma_start3A_117 = arith.constant 0 : i32
          %dma_start3A_118 = arith.constant 0 : i32
          %dma_start3A_119 = tpu.memref_slice %arg3[%add3A_116, %dma_start3A_117, %dma_start3A_118] : memref<5120x64x128xf32, #tpu.memory_space<hbm>> -> memref<1x64x128xf32, #tpu.memory_space<hbm>>
          %dma_start3A_120 = tpu.memref_squeeze %dma_start3A_119 : memref<1x64x128xf32, #tpu.memory_space<hbm>> -> memref<64x128xf32, #tpu.memory_space<hbm>>
          %dma_start3A_121 = arith.constant 0 : i32
          %dma_start3A_122 = arith.constant 0 : i32
          %dma_start3A_123 = tpu.memref_slice %arg3[%add3A_116, %dma_start3A_121, %dma_start3A_122] : memref<5120x64x128xf32, #tpu.memory_space<hbm>> -> memref<1x64x128xf32, #tpu.memory_space<hbm>>
          %dma_start3A_124 = tpu.memref_squeeze %dma_start3A_123 : memref<1x64x128xf32, #tpu.memory_space<hbm>> -> memref<64x128xf32, #tpu.memory_space<hbm>>
          tpu.enqueue_dma source(%dma_start3A_124 : memref<64x128xf32, #tpu.memory_space<hbm>>) target(%arg13 : memref<64x128xf32, #tpu.memory_space<vmem>>) target_semaphore(%arg18 : memref<!tpu.dma_semaphore, #tpu.memory_space<semaphore_mem>>)
        } else {
        }
        %dma_wait3A = arith.constant 0 : i32
        %dma_wait3A_54 = tpu.memref_slice %arg8[%add3A_49, %dma_wait3A] : memref<32x64xi32, #tpu.memory_space<vmem>> -> memref<1x64xi32, #tpu.memory_space<vmem>>
        %dma_wait3A_55 = tpu.memref_squeeze %dma_wait3A_54 : memref<1x64xi32, #tpu.memory_space<vmem>> -> memref<64xi32, #tpu.memory_space<vmem>>
        %dma_wait3A_56 = arith.constant 0 : i32
        %dma_wait3A_57 = arith.constant 0 : i32
        %dma_wait3A_58 = tpu.memref_slice %arg2[%dma_wait3A_56, %dma_wait3A_57] : memref<10240x128xf32, #tpu.memory_space<hbm>> -> memref<10240x128xf32, #tpu.memory_space<hbm>>
        tpu.wait_indirect_dma semaphore(%arg15 : memref<!tpu.dma_semaphore, #tpu.memory_space<semaphore_mem>>) src(%dma_wait3A_58 : memref<10240x128xf32, #tpu.memory_space<hbm>>) dst(%arg10 : memref<64x128xf32, #tpu.memory_space<vmem>>)
        %add3A_59 = arith.addi %add3A_24, %add3A_49 : i32
        %dma_wait3A_60 = arith.constant 0 : i32
        %dma_wait3A_61 = arith.constant 0 : i32
        %dma_wait3A_62 = tpu.memref_slice %arg3[%add3A_59, %dma_wait3A_60, %dma_wait3A_61] : memref<5120x64x128xf32, #tpu.memory_space<hbm>> -> memref<1x64x128xf32, #tpu.memory_space<hbm>>
        %dma_wait3A_63 = tpu.memref_squeeze %dma_wait3A_62 : memref<1x64x128xf32, #tpu.memory_space<hbm>> -> memref<64x128xf32, #tpu.memory_space<hbm>>
        %dma_wait3A_64 = arith.constant 0 : i32
        %dma_wait3A_65 = arith.constant 0 : i32
        %dma_wait3A_66 = tpu.memref_slice %arg3[%add3A_59, %dma_wait3A_64, %dma_wait3A_65] : memref<5120x64x128xf32, #tpu.memory_space<hbm>> -> memref<1x64x128xf32, #tpu.memory_space<hbm>>
        %dma_wait3A_67 = tpu.memref_squeeze %dma_wait3A_66 : memref<1x64x128xf32, #tpu.memory_space<hbm>> -> memref<64x128xf32, #tpu.memory_space<hbm>>
        tpu.wait_dma2 semaphore(%arg17 : memref<!tpu.dma_semaphore, #tpu.memory_space<semaphore_mem>>) src(%dma_wait3A_67 : memref<64x128xf32, #tpu.memory_space<hbm>>) dst(%arg12 : memref<64x128xf32, #tpu.memory_space<vmem>>)
        %scan3A_68 = arith.constant 0 : i32
        %scan3A_69 = arith.constant 0 : i32
        %scan3A_70 = arith.constant 64 : i32
        %scan3A_71 = arith.addi %scan3A_69, %scan3A_70 : i32
        %scan3A_72 = arith.constant 1 : i32
        scf.for %scan3A_106 = %scan3A_69 to %scan3A_71 step %scan3A_72  : i32 {
          %get3A = arith.index_cast %scan3A_106 : i32 to index
          %get3A_107 = arith.constant 0 : index
          %get3A_108 = tpu.vector_load %arg10[%get3A, %get3A_107] {strides = array<i32>} : memref<64x128xf32, #tpu.memory_space<vmem>>, vector<1x16xf32>,
          %get3A_109 = vector.shape_cast %get3A_108 : vector<1x16xf32> to vector<16xf32>
          %get3A_110 = arith.index_cast %scan3A_106 : i32 to index
          %get3A_111 = arith.constant 0 : index
          %get3A_112 = tpu.vector_load %arg12[%get3A_110, %get3A_111] {strides = array<i32>} : memref<64x128xf32, #tpu.memory_space<vmem>>, vector<1x16xf32>,
          %get3A_113 = vector.shape_cast %get3A_112 : vector<1x16xf32> to vector<16xf32>
          %add3A_114 = arith.addf %get3A_109, %get3A_113 : vector<16xf32>
          %neg3A = arith.constant 0.000000e+00 : f32
          %neg3A_115 = vector.broadcast %neg3A : f32 to vector<16xf32>
          %neg3A_116 = arith.subf %neg3A_115, %add3A_114 : vector<16xf32>
          %exp3A = math.exp %neg3A_116 : vector<16xf32>
          %add3A_117 = arith.constant 1.000000e+00 : f32
          %add3A_118 = vector.broadcast %add3A_117 : f32 to vector<16xf32>
          %add3A_119 = arith.addf %add3A_118, %exp3A : vector<16xf32>
          %div3A = arith.divf %add3A_114, %add3A_119 : vector<16xf32>
          %swap3A = arith.index_cast %scan3A_106 : i32 to index
          %swap3A_120 = arith.constant 0 : index
          %swap3A_121 = tpu.vector_load %arg10[%swap3A, %swap3A_120] {strides = array<i32>} : memref<64x128xf32, #tpu.memory_space<vmem>>, vector<1x16xf32>,
          %swap3A_122 = vector.shape_cast %swap3A_121 : vector<1x16xf32> to vector<16xf32>
          %swap3A_123 = vector.shape_cast %div3A : vector<16xf32> to vector<1x16xf32>
          tpu.vector_store %arg10[%swap3A, %swap3A_120], %swap3A_123 {strides = array<i32>} : memref<64x128xf32, #tpu.memory_space<vmem>>, vector<1x16xf32>,
          %get3A_124 = arith.index_cast %scan3A_106 : i32 to index
          %get3A_125 = arith.constant 16 : index
          %get3A_126 = tpu.vector_load %arg10[%get3A_124, %get3A_125] {strides = array<i32>} : memref<64x128xf32, #tpu.memory_space<vmem>>, vector<1x16xf32>,
          %get3A_127 = vector.shape_cast %get3A_126 : vector<1x16xf32> to vector<16xf32>
          %get3A_128 = arith.index_cast %scan3A_106 : i32 to index
          %get3A_129 = arith.constant 16 : index
          %get3A_130 = tpu.vector_load %arg12[%get3A_128, %get3A_129] {strides = array<i32>} : memref<64x128xf32, #tpu.memory_space<vmem>>, vector<1x16xf32>,
          %get3A_131 = vector.shape_cast %get3A_130 : vector<1x16xf32> to vector<16xf32>
          %add3A_132 = arith.addf %get3A_127, %get3A_131 : vector<16xf32>
          %neg3A_133 = arith.constant 0.000000e+00 : f32
          %neg3A_134 = vector.broadcast %neg3A_133 : f32 to vector<16xf32>
          %neg3A_135 = arith.subf %neg3A_134, %add3A_132 : vector<16xf32>
          %exp3A_136 = math.exp %neg3A_135 : vector<16xf32>
          %add3A_137 = arith.constant 1.000000e+00 : f32
          %add3A_138 = vector.broadcast %add3A_137 : f32 to vector<16xf32>
          %add3A_139 = arith.addf %add3A_138, %exp3A_136 : vector<16xf32>
          %div3A_140 = arith.divf %add3A_132, %add3A_139 : vector<16xf32>
          %swap3A_141 = arith.index_cast %scan3A_106 : i32 to index
          %swap3A_142 = arith.constant 16 : index
          %swap3A_143 = tpu.vector_load %arg10[%swap3A_141, %swap3A_142] {strides = array<i32>} : memref<64x128xf32, #tpu.memory_space<vmem>>, vector<1x16xf32>,
          %swap3A_144 = vector.shape_cast %swap3A_143 : vector<1x16xf32> to vector<16xf32>
          %swap3A_145 = vector.shape_cast %div3A_140 : vector<16xf32> to vector<1x16xf32>
          tpu.vector_store %arg10[%swap3A_141, %swap3A_142], %swap3A_145 {strides = array<i32>} : memref<64x128xf32, #tpu.memory_space<vmem>>, vector<1x16xf32>,
          %get3A_146 = arith.index_cast %scan3A_106 : i32 to index
          %get3A_147 = arith.constant 32 : index
          %get3A_148 = tpu.vector_load %arg10[%get3A_146, %get3A_147] {strides = array<i32>} : memref<64x128xf32, #tpu.memory_space<vmem>>, vector<1x16xf32>,
          %get3A_149 = vector.shape_cast %get3A_148 : vector<1x16xf32> to vector<16xf32>
          %get3A_150 = arith.index_cast %scan3A_106 : i32 to index
          %get3A_151 = arith.constant 32 : index
          %get3A_152 = tpu.vector_load %arg12[%get3A_150, %get3A_151] {strides = array<i32>} : memref<64x128xf32, #tpu.memory_space<vmem>>, vector<1x16xf32>,
          %get3A_153 = vector.shape_cast %get3A_152 : vector<1x16xf32> to vector<16xf32>
          %add3A_154 = arith.addf %get3A_149, %get3A_153 : vector<16xf32>
          %neg3A_155 = arith.constant 0.000000e+00 : f32
          %neg3A_156 = vector.broadcast %neg3A_155 : f32 to vector<16xf32>
          %neg3A_157 = arith.subf %neg3A_156, %add3A_154 : vector<16xf32>
          %exp3A_158 = math.exp %neg3A_157 : vector<16xf32>
          %add3A_159 = arith.constant 1.000000e+00 : f32
          %add3A_160 = vector.broadcast %add3A_159 : f32 to vector<16xf32>
          %add3A_161 = arith.addf %add3A_160, %exp3A_158 : vector<16xf32>
          %div3A_162 = arith.divf %add3A_154, %add3A_161 : vector<16xf32>
          %swap3A_163 = arith.index_cast %scan3A_106 : i32 to index
          %swap3A_164 = arith.constant 32 : index
          %swap3A_165 = tpu.vector_load %arg10[%swap3A_163, %swap3A_164] {strides = array<i32>} : memref<64x128xf32, #tpu.memory_space<vmem>>, vector<1x16xf32>,
          %swap3A_166 = vector.shape_cast %swap3A_165 : vector<1x16xf32> to vector<16xf32>
          %swap3A_167 = vector.shape_cast %div3A_162 : vector<16xf32> to vector<1x16xf32>
          tpu.vector_store %arg10[%swap3A_163, %swap3A_164], %swap3A_167 {strides = array<i32>} : memref<64x128xf32, #tpu.memory_space<vmem>>, vector<1x16xf32>,
          %get3A_168 = arith.index_cast %scan3A_106 : i32 to index
          %get3A_169 = arith.constant 48 : index
          %get3A_170 = tpu.vector_load %arg10[%get3A_168, %get3A_169] {strides = array<i32>} : memref<64x128xf32, #tpu.memory_space<vmem>>, vector<1x16xf32>,
          %get3A_171 = vector.shape_cast %get3A_170 : vector<1x16xf32> to vector<16xf32>
          %get3A_172 = arith.index_cast %scan3A_106 : i32 to index
          %get3A_173 = arith.constant 48 : index
          %get3A_174 = tpu.vector_load %arg12[%get3A_172, %get3A_173] {strides = array<i32>} : memref<64x128xf32, #tpu.memory_space<vmem>>, vector<1x16xf32>,
          %get3A_175 = vector.shape_cast %get3A_174 : vector<1x16xf32> to vector<16xf32>
          %add3A_176 = arith.addf %get3A_171, %get3A_175 : vector<16xf32>
          %neg3A_177 = arith.constant 0.000000e+00 : f32
          %neg3A_178 = vector.broadcast %neg3A_177 : f32 to vector<16xf32>
          %neg3A_179 = arith.subf %neg3A_178, %add3A_176 : vector<16xf32>
          %exp3A_180 = math.exp %neg3A_179 : vector<16xf32>
          %add3A_181 = arith.constant 1.000000e+00 : f32
          %add3A_182 = vector.broadcast %add3A_181 : f32 to vector<16xf32>
          %add3A_183 = arith.addf %add3A_182, %exp3A_180 : vector<16xf32>
          %div3A_184 = arith.divf %add3A_176, %add3A_183 : vector<16xf32>
          %swap3A_185 = arith.index_cast %scan3A_106 : i32 to index
          %swap3A_186 = arith.constant 48 : index
          %swap3A_187 = tpu.vector_load %arg10[%swap3A_185, %swap3A_186] {strides = array<i32>} : memref<64x128xf32, #tpu.memory_space<vmem>>, vector<1x16xf32>,
          %swap3A_188 = vector.shape_cast %swap3A_187 : vector<1x16xf32> to vector<16xf32>
          %swap3A_189 = vector.shape_cast %div3A_184 : vector<16xf32> to vector<1x16xf32>
          tpu.vector_store %arg10[%swap3A_185, %swap3A_186], %swap3A_189 {strides = array<i32>} : memref<64x128xf32, #tpu.memory_space<vmem>>, vector<1x16xf32>,
          %get3A_190 = arith.index_cast %scan3A_106 : i32 to index
          %get3A_191 = arith.constant 64 : index
          %get3A_192 = tpu.vector_load %arg10[%get3A_190, %get3A_191] {strides = array<i32>} : memref<64x128xf32, #tpu.memory_space<vmem>>, vector<1x16xf32>,
          %get3A_193 = vector.shape_cast %get3A_192 : vector<1x16xf32> to vector<16xf32>
          %get3A_194 = arith.index_cast %scan3A_106 : i32 to index
          %get3A_195 = arith.constant 64 : index
          %get3A_196 = tpu.vector_load %arg12[%get3A_194, %get3A_195] {strides = array<i32>} : memref<64x128xf32, #tpu.memory_space<vmem>>, vector<1x16xf32>,
          %get3A_197 = vector.shape_cast %get3A_196 : vector<1x16xf32> to vector<16xf32>
          %add3A_198 = arith.addf %get3A_193, %get3A_197 : vector<16xf32>
          %neg3A_199 = arith.constant 0.000000e+00 : f32
          %neg3A_200 = vector.broadcast %neg3A_199 : f32 to vector<16xf32>
          %neg3A_201 = arith.subf %neg3A_200, %add3A_198 : vector<16xf32>
          %exp3A_202 = math.exp %neg3A_201 : vector<16xf32>
          %add3A_203 = arith.constant 1.000000e+00 : f32
          %add3A_204 = vector.broadcast %add3A_203 : f32 to vector<16xf32>
          %add3A_205 = arith.addf %add3A_204, %exp3A_202 : vector<16xf32>
          %div3A_206 = arith.divf %add3A_198, %add3A_205 : vector<16xf32>
          %swap3A_207 = arith.index_cast %scan3A_106 : i32 to index
          %swap3A_208 = arith.constant 64 : index
          %swap3A_209 = tpu.vector_load %arg10[%swap3A_207, %swap3A_208] {strides = array<i32>} : memref<64x128xf32, #tpu.memory_space<vmem>>, vector<1x16xf32>,
          %swap3A_210 = vector.shape_cast %swap3A_209 : vector<1x16xf32> to vector<16xf32>
          %swap3A_211 = vector.shape_cast %div3A_206 : vector<16xf32> to vector<1x16xf32>
          tpu.vector_store %arg10[%swap3A_207, %swap3A_208], %swap3A_211 {strides = array<i32>} : memref<64x128xf32, #tpu.memory_space<vmem>>, vector<1x16xf32>,
          %get3A_212 = arith.index_cast %scan3A_106 : i32 to index
          %get3A_213 = arith.constant 80 : index
          %get3A_214 = tpu.vector_load %arg10[%get3A_212, %get3A_213] {strides = array<i32>} : memref<64x128xf32, #tpu.memory_space<vmem>>, vector<1x16xf32>,
          %get3A_215 = vector.shape_cast %get3A_214 : vector<1x16xf32> to vector<16xf32>
          %get3A_216 = arith.index_cast %scan3A_106 : i32 to index
          %get3A_217 = arith.constant 80 : index
          %get3A_218 = tpu.vector_load %arg12[%get3A_216, %get3A_217] {strides = array<i32>} : memref<64x128xf32, #tpu.memory_space<vmem>>, vector<1x16xf32>,
          %get3A_219 = vector.shape_cast %get3A_218 : vector<1x16xf32> to vector<16xf32>
          %add3A_220 = arith.addf %get3A_215, %get3A_219 : vector<16xf32>
          %neg3A_221 = arith.constant 0.000000e+00 : f32
          %neg3A_222 = vector.broadcast %neg3A_221 : f32 to vector<16xf32>
          %neg3A_223 = arith.subf %neg3A_222, %add3A_220 : vector<16xf32>
          %exp3A_224 = math.exp %neg3A_223 : vector<16xf32>
          %add3A_225 = arith.constant 1.000000e+00 : f32
          %add3A_226 = vector.broadcast %add3A_225 : f32 to vector<16xf32>
          %add3A_227 = arith.addf %add3A_226, %exp3A_224 : vector<16xf32>
          %div3A_228 = arith.divf %add3A_220, %add3A_227 : vector<16xf32>
          %swap3A_229 = arith.index_cast %scan3A_106 : i32 to index
          %swap3A_230 = arith.constant 80 : index
          %swap3A_231 = tpu.vector_load %arg10[%swap3A_229, %swap3A_230] {strides = array<i32>} : memref<64x128xf32, #tpu.memory_space<vmem>>, vector<1x16xf32>,
          %swap3A_232 = vector.shape_cast %swap3A_231 : vector<1x16xf32> to vector<16xf32>
          %swap3A_233 = vector.shape_cast %div3A_228 : vector<16xf32> to vector<1x16xf32>
          tpu.vector_store %arg10[%swap3A_229, %swap3A_230], %swap3A_233 {strides = array<i32>} : memref<64x128xf32, #tpu.memory_space<vmem>>, vector<1x16xf32>,
          %get3A_234 = arith.index_cast %scan3A_106 : i32 to index
          %get3A_235 = arith.constant 96 : index
          %get3A_236 = tpu.vector_load %arg10[%get3A_234, %get3A_235] {strides = array<i32>} : memref<64x128xf32, #tpu.memory_space<vmem>>, vector<1x16xf32>,
          %get3A_237 = vector.shape_cast %get3A_236 : vector<1x16xf32> to vector<16xf32>
          %get3A_238 = arith.index_cast %scan3A_106 : i32 to index
          %get3A_239 = arith.constant 96 : index
          %get3A_240 = tpu.vector_load %arg12[%get3A_238, %get3A_239] {strides = array<i32>} : memref<64x128xf32, #tpu.memory_space<vmem>>, vector<1x16xf32>,
          %get3A_241 = vector.shape_cast %get3A_240 : vector<1x16xf32> to vector<16xf32>
          %add3A_242 = arith.addf %get3A_237, %get3A_241 : vector<16xf32>
          %neg3A_243 = arith.constant 0.000000e+00 : f32
          %neg3A_244 = vector.broadcast %neg3A_243 : f32 to vector<16xf32>
          %neg3A_245 = arith.subf %neg3A_244, %add3A_242 : vector<16xf32>
          %exp3A_246 = math.exp %neg3A_245 : vector<16xf32>
          %add3A_247 = arith.constant 1.000000e+00 : f32
          %add3A_248 = vector.broadcast %add3A_247 : f32 to vector<16xf32>
          %add3A_249 = arith.addf %add3A_248, %exp3A_246 : vector<16xf32>
          %div3A_250 = arith.divf %add3A_242, %add3A_249 : vector<16xf32>
          %swap3A_251 = arith.index_cast %scan3A_106 : i32 to index
          %swap3A_252 = arith.constant 96 : index
          %swap3A_253 = tpu.vector_load %arg10[%swap3A_251, %swap3A_252] {strides = array<i32>} : memref<64x128xf32, #tpu.memory_space<vmem>>, vector<1x16xf32>,
          %swap3A_254 = vector.shape_cast %swap3A_253 : vector<1x16xf32> to vector<16xf32>
          %swap3A_255 = vector.shape_cast %div3A_250 : vector<16xf32> to vector<1x16xf32>
          tpu.vector_store %arg10[%swap3A_251, %swap3A_252], %swap3A_255 {strides = array<i32>} : memref<64x128xf32, #tpu.memory_space<vmem>>, vector<1x16xf32>,
          %get3A_256 = arith.index_cast %scan3A_106 : i32 to index
          %get3A_257 = arith.constant 112 : index
          %get3A_258 = tpu.vector_load %arg10[%get3A_256, %get3A_257] {strides = array<i32>} : memref<64x128xf32, #tpu.memory_space<vmem>>, vector<1x16xf32>,
          %get3A_259 = vector.shape_cast %get3A_258 : vector<1x16xf32> to vector<16xf32>
          %get3A_260 = arith.index_cast %scan3A_106 : i32 to index
          %get3A_261 = arith.constant 112 : index
          %get3A_262 = tpu.vector_load %arg12[%get3A_260, %get3A_261] {strides = array<i32>} : memref<64x128xf32, #tpu.memory_space<vmem>>, vector<1x16xf32>,
          %get3A_263 = vector.shape_cast %get3A_262 : vector<1x16xf32> to vector<16xf32>
          %add3A_264 = arith.addf %get3A_259, %get3A_263 : vector<16xf32>
          %neg3A_265 = arith.constant 0.000000e+00 : f32
          %neg3A_266 = vector.broadcast %neg3A_265 : f32 to vector<16xf32>
          %neg3A_267 = arith.subf %neg3A_266, %add3A_264 : vector<16xf32>
          %exp3A_268 = math.exp %neg3A_267 : vector<16xf32>
          %add3A_269 = arith.constant 1.000000e+00 : f32
          %add3A_270 = vector.broadcast %add3A_269 : f32 to vector<16xf32>
          %add3A_271 = arith.addf %add3A_270, %exp3A_268 : vector<16xf32>
          %div3A_272 = arith.divf %add3A_264, %add3A_271 : vector<16xf32>
          %swap3A_273 = arith.index_cast %scan3A_106 : i32 to index
          %swap3A_274 = arith.constant 112 : index
          %swap3A_275 = tpu.vector_load %arg10[%swap3A_273, %swap3A_274] {strides = array<i32>} : memref<64x128xf32, #tpu.memory_space<vmem>>, vector<1x16xf32>,
          %swap3A_276 = vector.shape_cast %swap3A_275 : vector<1x16xf32> to vector<16xf32>
          %swap3A_277 = vector.shape_cast %div3A_272 : vector<16xf32> to vector<1x16xf32>
          tpu.vector_store %arg10[%swap3A_273, %swap3A_274], %swap3A_277 {strides = array<i32>} : memref<64x128xf32, #tpu.memory_space<vmem>>, vector<1x16xf32>,
        }
        %scan3A_73 = arith.constant 64 : i32
        "tpu.region"() ({
          %run_scoped3A = tpu.sem_alloc : memref<!tpu.dma_semaphore, #tpu.memory_space<semaphore_mem>>
          %dma_start3A_106 = arith.constant 0 : i32
          %dma_start3A_107 = tpu.memref_slice %arg9[%add3A_49, %dma_start3A_106] : memref<32x64xi32, #tpu.memory_space<vmem>> -> memref<1x64xi32, #tpu.memory_space<vmem>>
          %dma_start3A_108 = tpu.memref_squeeze %dma_start3A_107 : memref<1x64xi32, #tpu.memory_space<vmem>> -> memref<64xi32, #tpu.memory_space<vmem>>
          %dma_start3A_109 = arith.constant 0 : i32
          %dma_start3A_110 = arith.constant 0 : i32
          %dma_start3A_111 = tpu.memref_slice %arg14[%dma_start3A_109, %dma_start3A_110] : memref<10240x128xf32, #tpu.memory_space<vmem_shared>> -> memref<10240x128xf32, #tpu.memory_space<vmem_shared>>
          tpu.enqueue_indirect_dma source(%arg10 : memref<64x128xf32, #tpu.memory_space<vmem>>) target(%dma_start3A_111 : memref<10240x128xf32, #tpu.memory_space<vmem_shared>>) offsets(%dma_start3A_108 : memref<64xi32, #tpu.memory_space<vmem>>) semaphore(%run_scoped3A : memref<!tpu.dma_semaphore, #tpu.memory_space<semaphore_mem>>) {add = true}
          %dma_wait3A_112 = arith.constant 0 : i32
          %dma_wait3A_113 = tpu.memref_slice %arg9[%add3A_49, %dma_wait3A_112] : memref<32x64xi32, #tpu.memory_space<vmem>> -> memref<1x64xi32, #tpu.memory_space<vmem>>
          %dma_wait3A_114 = tpu.memref_squeeze %dma_wait3A_113 : memref<1x64xi32, #tpu.memory_space<vmem>> -> memref<64xi32, #tpu.memory_space<vmem>>
          %dma_wait3A_115 = arith.constant 0 : i32
          %dma_wait3A_116 = arith.constant 0 : i32
          %dma_wait3A_117 = tpu.memref_slice %arg14[%dma_wait3A_115, %dma_wait3A_116] : memref<10240x128xf32, #tpu.memory_space<vmem_shared>> -> memref<10240x128xf32, #tpu.memory_space<vmem_shared>>
          tpu.wait_indirect_dma semaphore(%run_scoped3A : memref<!tpu.dma_semaphore, #tpu.memory_space<semaphore_mem>>) src(%arg10 : memref<64x128xf32, #tpu.memory_space<vmem>>) dst(%dma_wait3A_117 : memref<10240x128xf32, #tpu.memory_space<vmem_shared>>)
          tpu.yield
        }) : () -> ()
        %mul3A_74 = arith.constant 2 : i32
        %mul3A_75 = arith.muli %scan3A_45, %mul3A_74 : i32
        %add3A_76 = arith.constant 1 : i32
        %add3A_77 = arith.addi %mul3A_75, %add3A_76 : i32
        %add3A_78 = arith.constant 1 : i32
        %add3A_79 = arith.addi %add3A_77, %add3A_78 : i32
        %lt3A_80 = arith.constant 32 : i32
        %lt3A_81 = arith.cmpi slt, %add3A_79, %lt3A_80 : i32
        %convert_element_type3A_82 = arith.extui %lt3A_81 : i1 to i32
        %cond3A_83 = arith.constant 0 : i32
        %cond3A_84 = arith.cmpi ne, %convert_element_type3A_82, %cond3A_83 : i32
        scf.if %cond3A_84 {
          %add3A_106 = arith.constant 1 : i32
          %add3A_107 = arith.addi %add3A_77, %add3A_106 : i32
          %dma_start3A_108 = arith.constant 0 : i32
          %dma_start3A_109 = tpu.memref_slice %arg8[%add3A_107, %dma_start3A_108] : memref<32x64xi32, #tpu.memory_space<vmem>> -> memref<1x64xi32, #tpu.memory_space<vmem>>
          %dma_start3A_110 = tpu.memref_squeeze %dma_start3A_109 : memref<1x64xi32, #tpu.memory_space<vmem>> -> memref<64xi32, #tpu.memory_space<vmem>>
          %dma_start3A_111 = arith.constant 0 : i32
          %dma_start3A_112 = arith.constant 0 : i32
          %dma_start3A_113 = tpu.memref_slice %arg2[%dma_start3A_111, %dma_start3A_112] : memref<10240x128xf32, #tpu.memory_space<hbm>> -> memref<10240x128xf32, #tpu.memory_space<hbm>>
          tpu.enqueue_indirect_dma source(%dma_start3A_113 : memref<10240x128xf32, #tpu.memory_space<hbm>>) target(%arg10 : memref<64x128xf32, #tpu.memory_space<vmem>>) offsets(%dma_start3A_110 : memref<64xi32, #tpu.memory_space<vmem>>) semaphore(%arg15 : memref<!tpu.dma_semaphore, #tpu.memory_space<semaphore_mem>>)
          %add3A_114 = arith.addi %add3A_24, %add3A_77 : i32
          %add3A_115 = arith.constant 1 : i32
          %add3A_116 = arith.addi %add3A_114, %add3A_115 : i32
          %dma_start3A_117 = arith.constant 0 : i32
          %dma_start3A_118 = arith.constant 0 : i32
          %dma_start3A_119 = tpu.memref_slice %arg3[%add3A_116, %dma_start3A_117, %dma_start3A_118] : memref<5120x64x128xf32, #tpu.memory_space<hbm>> -> memref<1x64x128xf32, #tpu.memory_space<hbm>>
          %dma_start3A_120 = tpu.memref_squeeze %dma_start3A_119 : memref<1x64x128xf32, #tpu.memory_space<hbm>> -> memref<64x128xf32, #tpu.memory_space<hbm>>
          %dma_start3A_121 = arith.constant 0 : i32
          %dma_start3A_122 = arith.constant 0 : i32
          %dma_start3A_123 = tpu.memref_slice %arg3[%add3A_116, %dma_start3A_121, %dma_start3A_122] : memref<5120x64x128xf32, #tpu.memory_space<hbm>> -> memref<1x64x128xf32, #tpu.memory_space<hbm>>
          %dma_start3A_124 = tpu.memref_squeeze %dma_start3A_123 : memref<1x64x128xf32, #tpu.memory_space<hbm>> -> memref<64x128xf32, #tpu.memory_space<hbm>>
          tpu.enqueue_dma source(%dma_start3A_124 : memref<64x128xf32, #tpu.memory_space<hbm>>) target(%arg12 : memref<64x128xf32, #tpu.memory_space<vmem>>) target_semaphore(%arg17 : memref<!tpu.dma_semaphore, #tpu.memory_space<semaphore_mem>>)
        } else {
        }
        %dma_wait3A_85 = arith.constant 0 : i32
        %dma_wait3A_86 = tpu.memref_slice %arg8[%add3A_77, %dma_wait3A_85] : memref<32x64xi32, #tpu.memory_space<vmem>> -> memref<1x64xi32, #tpu.memory_space<vmem>>
        %dma_wait3A_87 = tpu.memref_squeeze %dma_wait3A_86 : memref<1x64xi32, #tpu.memory_space<vmem>> -> memref<64xi32, #tpu.memory_space<vmem>>
        %dma_wait3A_88 = arith.constant 0 : i32
        %dma_wait3A_89 = arith.constant 0 : i32
        %dma_wait3A_90 = tpu.memref_slice %arg2[%dma_wait3A_88, %dma_wait3A_89] : memref<10240x128xf32, #tpu.memory_space<hbm>> -> memref<10240x128xf32, #tpu.memory_space<hbm>>
        tpu.wait_indirect_dma semaphore(%arg16 : memref<!tpu.dma_semaphore, #tpu.memory_space<semaphore_mem>>) src(%dma_wait3A_90 : memref<10240x128xf32, #tpu.memory_space<hbm>>) dst(%arg11 : memref<64x128xf32, #tpu.memory_space<vmem>>)
        %add3A_91 = arith.addi %add3A_24, %add3A_77 : i32
        %dma_wait3A_92 = arith.constant 0 : i32
        %dma_wait3A_93 = arith.constant 0 : i32
        %dma_wait3A_94 = tpu.memref_slice %arg3[%add3A_91, %dma_wait3A_92, %dma_wait3A_93] : memref<5120x64x128xf32, #tpu.memory_space<hbm>> -> memref<1x64x128xf32, #tpu.memory_space<hbm>>
        %dma_wait3A_95 = tpu.memref_squeeze %dma_wait3A_94 : memref<1x64x128xf32, #tpu.memory_space<hbm>> -> memref<64x128xf32, #tpu.memory_space<hbm>>
        %dma_wait3A_96 = arith.constant 0 : i32
        %dma_wait3A_97 = arith.constant 0 : i32
        %dma_wait3A_98 = tpu.memref_slice %arg3[%add3A_91, %dma_wait3A_96, %dma_wait3A_97] : memref<5120x64x128xf32, #tpu.memory_space<hbm>> -> memref<1x64x128xf32, #tpu.memory_space<hbm>>
        %dma_wait3A_99 = tpu.memref_squeeze %dma_wait3A_98 : memref<1x64x128xf32, #tpu.memory_space<hbm>> -> memref<64x128xf32, #tpu.memory_space<hbm>>
        tpu.wait_dma2 semaphore(%arg18 : memref<!tpu.dma_semaphore, #tpu.memory_space<semaphore_mem>>) src(%dma_wait3A_99 : memref<64x128xf32, #tpu.memory_space<hbm>>) dst(%arg13 : memref<64x128xf32, #tpu.memory_space<vmem>>)
        %scan3A_100 = arith.constant 0 : i32
        %scan3A_101 = arith.constant 0 : i32
        %scan3A_102 = arith.constant 64 : i32
        %scan3A_103 = arith.addi %scan3A_101, %scan3A_102 : i32
        %scan3A_104 = arith.constant 1 : i32
        scf.for %scan3A_106 = %scan3A_101 to %scan3A_103 step %scan3A_104  : i32 {
          %get3A = arith.index_cast %scan3A_106 : i32 to index
          %get3A_107 = arith.constant 0 : index
          %get3A_108 = tpu.vector_load %arg11[%get3A, %get3A_107] {strides = array<i32>} : memref<64x128xf32, #tpu.memory_space<vmem>>, vector<1x16xf32>,
          %get3A_109 = vector.shape_cast %get3A_108 : vector<1x16xf32> to vector<16xf32>
          %get3A_110 = arith.index_cast %scan3A_106 : i32 to index
          %get3A_111 = arith.constant 0 : index
          %get3A_112 = tpu.vector_load %arg13[%get3A_110, %get3A_111] {strides = array<i32>} : memref<64x128xf32, #tpu.memory_space<vmem>>, vector<1x16xf32>,
          %get3A_113 = vector.shape_cast %get3A_112 : vector<1x16xf32> to vector<16xf32>
          %add3A_114 = arith.addf %get3A_109, %get3A_113 : vector<16xf32>
          %neg3A = arith.constant 0.000000e+00 : f32
          %neg3A_115 = vector.broadcast %neg3A : f32 to vector<16xf32>
          %neg3A_116 = arith.subf %neg3A_115, %add3A_114 : vector<16xf32>
          %exp3A = math.exp %neg3A_116 : vector<16xf32>
          %add3A_117 = arith.constant 1.000000e+00 : f32
          %add3A_118 = vector.broadcast %add3A_117 : f32 to vector<16xf32>
          %add3A_119 = arith.addf %add3A_118, %exp3A : vector<16xf32>
          %div3A = arith.divf %add3A_114, %add3A_119 : vector<16xf32>
          %swap3A = arith.index_cast %scan3A_106 : i32 to index
          %swap3A_120 = arith.constant 0 : index
          %swap3A_121 = tpu.vector_load %arg11[%swap3A, %swap3A_120] {strides = array<i32>} : memref<64x128xf32, #tpu.memory_space<vmem>>, vector<1x16xf32>,
          %swap3A_122 = vector.shape_cast %swap3A_121 : vector<1x16xf32> to vector<16xf32>
          %swap3A_123 = vector.shape_cast %div3A : vector<16xf32> to vector<1x16xf32>
          tpu.vector_store %arg11[%swap3A, %swap3A_120], %swap3A_123 {strides = array<i32>} : memref<64x128xf32, #tpu.memory_space<vmem>>, vector<1x16xf32>,
          %get3A_124 = arith.index_cast %scan3A_106 : i32 to index
          %get3A_125 = arith.constant 16 : index
          %get3A_126 = tpu.vector_load %arg11[%get3A_124, %get3A_125] {strides = array<i32>} : memref<64x128xf32, #tpu.memory_space<vmem>>, vector<1x16xf32>,
          %get3A_127 = vector.shape_cast %get3A_126 : vector<1x16xf32> to vector<16xf32>
          %get3A_128 = arith.index_cast %scan3A_106 : i32 to index
          %get3A_129 = arith.constant 16 : index
          %get3A_130 = tpu.vector_load %arg13[%get3A_128, %get3A_129] {strides = array<i32>} : memref<64x128xf32, #tpu.memory_space<vmem>>, vector<1x16xf32>,
          %get3A_131 = vector.shape_cast %get3A_130 : vector<1x16xf32> to vector<16xf32>
          %add3A_132 = arith.addf %get3A_127, %get3A_131 : vector<16xf32>
          %neg3A_133 = arith.constant 0.000000e+00 : f32
          %neg3A_134 = vector.broadcast %neg3A_133 : f32 to vector<16xf32>
          %neg3A_135 = arith.subf %neg3A_134, %add3A_132 : vector<16xf32>
          %exp3A_136 = math.exp %neg3A_135 : vector<16xf32>
          %add3A_137 = arith.constant 1.000000e+00 : f32
          %add3A_138 = vector.broadcast %add3A_137 : f32 to vector<16xf32>
          %add3A_139 = arith.addf %add3A_138, %exp3A_136 : vector<16xf32>
          %div3A_140 = arith.divf %add3A_132, %add3A_139 : vector<16xf32>
          %swap3A_141 = arith.index_cast %scan3A_106 : i32 to index
          %swap3A_142 = arith.constant 16 : index
          %swap3A_143 = tpu.vector_load %arg11[%swap3A_141, %swap3A_142] {strides = array<i32>} : memref<64x128xf32, #tpu.memory_space<vmem>>, vector<1x16xf32>,
          %swap3A_144 = vector.shape_cast %swap3A_143 : vector<1x16xf32> to vector<16xf32>
          %swap3A_145 = vector.shape_cast %div3A_140 : vector<16xf32> to vector<1x16xf32>
          tpu.vector_store %arg11[%swap3A_141, %swap3A_142], %swap3A_145 {strides = array<i32>} : memref<64x128xf32, #tpu.memory_space<vmem>>, vector<1x16xf32>,
          %get3A_146 = arith.index_cast %scan3A_106 : i32 to index
          %get3A_147 = arith.constant 32 : index
          %get3A_148 = tpu.vector_load %arg11[%get3A_146, %get3A_147] {strides = array<i32>} : memref<64x128xf32, #tpu.memory_space<vmem>>, vector<1x16xf32>,
          %get3A_149 = vector.shape_cast %get3A_148 : vector<1x16xf32> to vector<16xf32>
          %get3A_150 = arith.index_cast %scan3A_106 : i32 to index
          %get3A_151 = arith.constant 32 : index
          %get3A_152 = tpu.vector_load %arg13[%get3A_150, %get3A_151] {strides = array<i32>} : memref<64x128xf32, #tpu.memory_space<vmem>>, vector<1x16xf32>,
          %get3A_153 = vector.shape_cast %get3A_152 : vector<1x16xf32> to vector<16xf32>
          %add3A_154 = arith.addf %get3A_149, %get3A_153 : vector<16xf32>
          %neg3A_155 = arith.constant 0.000000e+00 : f32
          %neg3A_156 = vector.broadcast %neg3A_155 : f32 to vector<16xf32>
          %neg3A_157 = arith.subf %neg3A_156, %add3A_154 : vector<16xf32>
          %exp3A_158 = math.exp %neg3A_157 : vector<16xf32>
          %add3A_159 = arith.constant 1.000000e+00 : f32
          %add3A_160 = vector.broadcast %add3A_159 : f32 to vector<16xf32>
          %add3A_161 = arith.addf %add3A_160, %exp3A_158 : vector<16xf32>
          %div3A_162 = arith.divf %add3A_154, %add3A_161 : vector<16xf32>
          %swap3A_163 = arith.index_cast %scan3A_106 : i32 to index
          %swap3A_164 = arith.constant 32 : index
          %swap3A_165 = tpu.vector_load %arg11[%swap3A_163, %swap3A_164] {strides = array<i32>} : memref<64x128xf32, #tpu.memory_space<vmem>>, vector<1x16xf32>,
          %swap3A_166 = vector.shape_cast %swap3A_165 : vector<1x16xf32> to vector<16xf32>
          %swap3A_167 = vector.shape_cast %div3A_162 : vector<16xf32> to vector<1x16xf32>
          tpu.vector_store %arg11[%swap3A_163, %swap3A_164], %swap3A_167 {strides = array<i32>} : memref<64x128xf32, #tpu.memory_space<vmem>>, vector<1x16xf32>,
          %get3A_168 = arith.index_cast %scan3A_106 : i32 to index
          %get3A_169 = arith.constant 48 : index
          %get3A_170 = tpu.vector_load %arg11[%get3A_168, %get3A_169] {strides = array<i32>} : memref<64x128xf32, #tpu.memory_space<vmem>>, vector<1x16xf32>,
          %get3A_171 = vector.shape_cast %get3A_170 : vector<1x16xf32> to vector<16xf32>
          %get3A_172 = arith.index_cast %scan3A_106 : i32 to index
          %get3A_173 = arith.constant 48 : index
          %get3A_174 = tpu.vector_load %arg13[%get3A_172, %get3A_173] {strides = array<i32>} : memref<64x128xf32, #tpu.memory_space<vmem>>, vector<1x16xf32>,
          %get3A_175 = vector.shape_cast %get3A_174 : vector<1x16xf32> to vector<16xf32>
          %add3A_176 = arith.addf %get3A_171, %get3A_175 : vector<16xf32>
          %neg3A_177 = arith.constant 0.000000e+00 : f32
          %neg3A_178 = vector.broadcast %neg3A_177 : f32 to vector<16xf32>
          %neg3A_179 = arith.subf %neg3A_178, %add3A_176 : vector<16xf32>
          %exp3A_180 = math.exp %neg3A_179 : vector<16xf32>
          %add3A_181 = arith.constant 1.000000e+00 : f32
          %add3A_182 = vector.broadcast %add3A_181 : f32 to vector<16xf32>
          %add3A_183 = arith.addf %add3A_182, %exp3A_180 : vector<16xf32>
          %div3A_184 = arith.divf %add3A_176, %add3A_183 : vector<16xf32>
          %swap3A_185 = arith.index_cast %scan3A_106 : i32 to index
          %swap3A_186 = arith.constant 48 : index
          %swap3A_187 = tpu.vector_load %arg11[%swap3A_185, %swap3A_186] {strides = array<i32>} : memref<64x128xf32, #tpu.memory_space<vmem>>, vector<1x16xf32>,
          %swap3A_188 = vector.shape_cast %swap3A_187 : vector<1x16xf32> to vector<16xf32>
          %swap3A_189 = vector.shape_cast %div3A_184 : vector<16xf32> to vector<1x16xf32>
          tpu.vector_store %arg11[%swap3A_185, %swap3A_186], %swap3A_189 {strides = array<i32>} : memref<64x128xf32, #tpu.memory_space<vmem>>, vector<1x16xf32>,
          %get3A_190 = arith.index_cast %scan3A_106 : i32 to index
          %get3A_191 = arith.constant 64 : index
          %get3A_192 = tpu.vector_load %arg11[%get3A_190, %get3A_191] {strides = array<i32>} : memref<64x128xf32, #tpu.memory_space<vmem>>, vector<1x16xf32>,
          %get3A_193 = vector.shape_cast %get3A_192 : vector<1x16xf32> to vector<16xf32>
          %get3A_194 = arith.index_cast %scan3A_106 : i32 to index
          %get3A_195 = arith.constant 64 : index
          %get3A_196 = tpu.vector_load %arg13[%get3A_194, %get3A_195] {strides = array<i32>} : memref<64x128xf32, #tpu.memory_space<vmem>>, vector<1x16xf32>,
          %get3A_197 = vector.shape_cast %get3A_196 : vector<1x16xf32> to vector<16xf32>
          %add3A_198 = arith.addf %get3A_193, %get3A_197 : vector<16xf32>
          %neg3A_199 = arith.constant 0.000000e+00 : f32
          %neg3A_200 = vector.broadcast %neg3A_199 : f32 to vector<16xf32>
          %neg3A_201 = arith.subf %neg3A_200, %add3A_198 : vector<16xf32>
          %exp3A_202 = math.exp %neg3A_201 : vector<16xf32>
          %add3A_203 = arith.constant 1.000000e+00 : f32
          %add3A_204 = vector.broadcast %add3A_203 : f32 to vector<16xf32>
          %add3A_205 = arith.addf %add3A_204, %exp3A_202 : vector<16xf32>
          %div3A_206 = arith.divf %add3A_198, %add3A_205 : vector<16xf32>
          %swap3A_207 = arith.index_cast %scan3A_106 : i32 to index
          %swap3A_208 = arith.constant 64 : index
          %swap3A_209 = tpu.vector_load %arg11[%swap3A_207, %swap3A_208] {strides = array<i32>} : memref<64x128xf32, #tpu.memory_space<vmem>>, vector<1x16xf32>,
          %swap3A_210 = vector.shape_cast %swap3A_209 : vector<1x16xf32> to vector<16xf32>
          %swap3A_211 = vector.shape_cast %div3A_206 : vector<16xf32> to vector<1x16xf32>
          tpu.vector_store %arg11[%swap3A_207, %swap3A_208], %swap3A_211 {strides = array<i32>} : memref<64x128xf32, #tpu.memory_space<vmem>>, vector<1x16xf32>,
          %get3A_212 = arith.index_cast %scan3A_106 : i32 to index
          %get3A_213 = arith.constant 80 : index
          %get3A_214 = tpu.vector_load %arg11[%get3A_212, %get3A_213] {strides = array<i32>} : memref<64x128xf32, #tpu.memory_space<vmem>>, vector<1x16xf32>,
          %get3A_215 = vector.shape_cast %get3A_214 : vector<1x16xf32> to vector<16xf32>
          %get3A_216 = arith.index_cast %scan3A_106 : i32 to index
          %get3A_217 = arith.constant 80 : index
          %get3A_218 = tpu.vector_load %arg13[%get3A_216, %get3A_217] {strides = array<i32>} : memref<64x128xf32, #tpu.memory_space<vmem>>, vector<1x16xf32>,
          %get3A_219 = vector.shape_cast %get3A_218 : vector<1x16xf32> to vector<16xf32>
          %add3A_220 = arith.addf %get3A_215, %get3A_219 : vector<16xf32>
          %neg3A_221 = arith.constant 0.000000e+00 : f32
          %neg3A_222 = vector.broadcast %neg3A_221 : f32 to vector<16xf32>
          %neg3A_223 = arith.subf %neg3A_222, %add3A_220 : vector<16xf32>
          %exp3A_224 = math.exp %neg3A_223 : vector<16xf32>
          %add3A_225 = arith.constant 1.000000e+00 : f32
          %add3A_226 = vector.broadcast %add3A_225 : f32 to vector<16xf32>
          %add3A_227 = arith.addf %add3A_226, %exp3A_224 : vector<16xf32>
          %div3A_228 = arith.divf %add3A_220, %add3A_227 : vector<16xf32>
          %swap3A_229 = arith.index_cast %scan3A_106 : i32 to index
          %swap3A_230 = arith.constant 80 : index
          %swap3A_231 = tpu.vector_load %arg11[%swap3A_229, %swap3A_230] {strides = array<i32>} : memref<64x128xf32, #tpu.memory_space<vmem>>, vector<1x16xf32>,
          %swap3A_232 = vector.shape_cast %swap3A_231 : vector<1x16xf32> to vector<16xf32>
          %swap3A_233 = vector.shape_cast %div3A_228 : vector<16xf32> to vector<1x16xf32>
          tpu.vector_store %arg11[%swap3A_229, %swap3A_230], %swap3A_233 {strides = array<i32>} : memref<64x128xf32, #tpu.memory_space<vmem>>, vector<1x16xf32>,
          %get3A_234 = arith.index_cast %scan3A_106 : i32 to index
          %get3A_235 = arith.constant 96 : index
          %get3A_236 = tpu.vector_load %arg11[%get3A_234, %get3A_235] {strides = array<i32>} : memref<64x128xf32, #tpu.memory_space<vmem>>, vector<1x16xf32>,
          %get3A_237 = vector.shape_cast %get3A_236 : vector<1x16xf32> to vector<16xf32>
          %get3A_238 = arith.index_cast %scan3A_106 : i32 to index
          %get3A_239 = arith.constant 96 : index
          %get3A_240 = tpu.vector_load %arg13[%get3A_238, %get3A_239] {strides = array<i32>} : memref<64x128xf32, #tpu.memory_space<vmem>>, vector<1x16xf32>,
          %get3A_241 = vector.shape_cast %get3A_240 : vector<1x16xf32> to vector<16xf32>
          %add3A_242 = arith.addf %get3A_237, %get3A_241 : vector<16xf32>
          %neg3A_243 = arith.constant 0.000000e+00 : f32
          %neg3A_244 = vector.broadcast %neg3A_243 : f32 to vector<16xf32>
          %neg3A_245 = arith.subf %neg3A_244, %add3A_242 : vector<16xf32>
          %exp3A_246 = math.exp %neg3A_245 : vector<16xf32>
          %add3A_247 = arith.constant 1.000000e+00 : f32
          %add3A_248 = vector.broadcast %add3A_247 : f32 to vector<16xf32>
          %add3A_249 = arith.addf %add3A_248, %exp3A_246 : vector<16xf32>
          %div3A_250 = arith.divf %add3A_242, %add3A_249 : vector<16xf32>
          %swap3A_251 = arith.index_cast %scan3A_106 : i32 to index
          %swap3A_252 = arith.constant 96 : index
          %swap3A_253 = tpu.vector_load %arg11[%swap3A_251, %swap3A_252] {strides = array<i32>} : memref<64x128xf32, #tpu.memory_space<vmem>>, vector<1x16xf32>,
          %swap3A_254 = vector.shape_cast %swap3A_253 : vector<1x16xf32> to vector<16xf32>
          %swap3A_255 = vector.shape_cast %div3A_250 : vector<16xf32> to vector<1x16xf32>
          tpu.vector_store %arg11[%swap3A_251, %swap3A_252], %swap3A_255 {strides = array<i32>} : memref<64x128xf32, #tpu.memory_space<vmem>>, vector<1x16xf32>,
          %get3A_256 = arith.index_cast %scan3A_106 : i32 to index
          %get3A_257 = arith.constant 112 : index
          %get3A_258 = tpu.vector_load %arg11[%get3A_256, %get3A_257] {strides = array<i32>} : memref<64x128xf32, #tpu.memory_space<vmem>>, vector<1x16xf32>,
          %get3A_259 = vector.shape_cast %get3A_258 : vector<1x16xf32> to vector<16xf32>
          %get3A_260 = arith.index_cast %scan3A_106 : i32 to index
          %get3A_261 = arith.constant 112 : index
          %get3A_262 = tpu.vector_load %arg13[%get3A_260, %get3A_261] {strides = array<i32>} : memref<64x128xf32, #tpu.memory_space<vmem>>, vector<1x16xf32>,
          %get3A_263 = vector.shape_cast %get3A_262 : vector<1x16xf32> to vector<16xf32>
          %add3A_264 = arith.addf %get3A_259, %get3A_263 : vector<16xf32>
          %neg3A_265 = arith.constant 0.000000e+00 : f32
          %neg3A_266 = vector.broadcast %neg3A_265 : f32 to vector<16xf32>
          %neg3A_267 = arith.subf %neg3A_266, %add3A_264 : vector<16xf32>
          %exp3A_268 = math.exp %neg3A_267 : vector<16xf32>
          %add3A_269 = arith.constant 1.000000e+00 : f32
          %add3A_270 = vector.broadcast %add3A_269 : f32 to vector<16xf32>
          %add3A_271 = arith.addf %add3A_270, %exp3A_268 : vector<16xf32>
          %div3A_272 = arith.divf %add3A_264, %add3A_271 : vector<16xf32>
          %swap3A_273 = arith.index_cast %scan3A_106 : i32 to index
          %swap3A_274 = arith.constant 112 : index
          %swap3A_275 = tpu.vector_load %arg11[%swap3A_273, %swap3A_274] {strides = array<i32>} : memref<64x128xf32, #tpu.memory_space<vmem>>, vector<1x16xf32>,
          %swap3A_276 = vector.shape_cast %swap3A_275 : vector<1x16xf32> to vector<16xf32>
          %swap3A_277 = vector.shape_cast %div3A_272 : vector<16xf32> to vector<1x16xf32>
          tpu.vector_store %arg11[%swap3A_273, %swap3A_274], %swap3A_277 {strides = array<i32>} : memref<64x128xf32, #tpu.memory_space<vmem>>, vector<1x16xf32>,
        }
        %scan3A_105 = arith.constant 64 : i32
        "tpu.region"() ({
          %run_scoped3A = tpu.sem_alloc : memref<!tpu.dma_semaphore, #tpu.memory_space<semaphore_mem>>
          %dma_start3A_106 = arith.constant 0 : i32
          %dma_start3A_107 = tpu.memref_slice %arg9[%add3A_77, %dma_start3A_106] : memref<32x64xi32, #tpu.memory_space<vmem>> -> memref<1x64xi32, #tpu.memory_space<vmem>>
          %dma_start3A_108 = tpu.memref_squeeze %dma_start3A_107 : memref<1x64xi32, #tpu.memory_space<vmem>> -> memref<64xi32, #tpu.memory_space<vmem>>
          %dma_start3A_109 = arith.constant 0 : i32
          %dma_start3A_110 = arith.constant 0 : i32
          %dma_start3A_111 = tpu.memref_slice %arg14[%dma_start3A_109, %dma_start3A_110] : memref<10240x128xf32, #tpu.memory_space<vmem_shared>> -> memref<10240x128xf32, #tpu.memory_space<vmem_shared>>
          tpu.enqueue_indirect_dma source(%arg11 : memref<64x128xf32, #tpu.memory_space<vmem>>) target(%dma_start3A_111 : memref<10240x128xf32, #tpu.memory_space<vmem_shared>>) offsets(%dma_start3A_108 : memref<64xi32, #tpu.memory_space<vmem>>) semaphore(%run_scoped3A : memref<!tpu.dma_semaphore, #tpu.memory_space<semaphore_mem>>) {add = true}
          %dma_wait3A_112 = arith.constant 0 : i32
          %dma_wait3A_113 = tpu.memref_slice %arg9[%add3A_77, %dma_wait3A_112] : memref<32x64xi32, #tpu.memory_space<vmem>> -> memref<1x64xi32, #tpu.memory_space<vmem>>
          %dma_wait3A_114 = tpu.memref_squeeze %dma_wait3A_113 : memref<1x64xi32, #tpu.memory_space<vmem>> -> memref<64xi32, #tpu.memory_space<vmem>>
          %dma_wait3A_115 = arith.constant 0 : i32
          %dma_wait3A_116 = arith.constant 0 : i32
          %dma_wait3A_117 = tpu.memref_slice %arg14[%dma_wait3A_115, %dma_wait3A_116] : memref<10240x128xf32, #tpu.memory_space<vmem_shared>> -> memref<10240x128xf32, #tpu.memory_space<vmem_shared>>
          tpu.wait_indirect_dma semaphore(%run_scoped3A : memref<!tpu.dma_semaphore, #tpu.memory_space<semaphore_mem>>) src(%arg11 : memref<64x128xf32, #tpu.memory_space<vmem>>) dst(%dma_wait3A_117 : memref<10240x128xf32, #tpu.memory_space<vmem_shared>>)
          tpu.yield
        }) : () -> ()
      }
      %scan3A_44 = arith.constant 16 : i32
    }
    %scan3A_7 = arith.constant 5 : i32
    %barrier3A_8 = arith.constant 0 : index
    tpu.barrier barrier_id(%barrier3A_8)
    %mul3A_9 = arith.constant 640 : i32
    %mul3A_10 = arith.muli %arg1, %mul3A_9 : i32
    %mul3A_11 = arith.constant 640 : i32
    %mul3A_12 = arith.muli %arg1, %mul3A_11 : i32
    "tpu.region"() ({
      %run_scoped3A = tpu.sem_alloc : memref<!tpu.dma_semaphore, #tpu.memory_space<semaphore_mem>>
      %dma_start3A = arith.constant 0 : i32
      %dma_start3A_13 = tpu.memref_slice %arg7[%arg0, %mul3A_12, %dma_start3A] : memref<2x10240x128xf32, #tpu.memory_space<hbm>> -> memref<1x640x128xf32, #tpu.memory_space<hbm>>
      %dma_start3A_14 = tpu.memref_squeeze %dma_start3A_13 : memref<1x640x128xf32, #tpu.memory_space<hbm>> -> memref<640x128xf32, #tpu.memory_space<hbm>>
      %dma_start3A_15 = arith.constant 0 : i32
      %dma_start3A_16 = tpu.memref_slice %arg14[%mul3A_10, %dma_start3A_15] : memref<10240x128xf32, #tpu.memory_space<vmem_shared>> -> memref<640x128xf32, #tpu.memory_space<vmem_shared>>
      tpu.enqueue_dma source(%dma_start3A_16 : memref<640x128xf32, #tpu.memory_space<vmem_shared>>) target(%dma_start3A_14 : memref<640x128xf32, #tpu.memory_space<hbm>>) target_semaphore(%run_scoped3A : memref<!tpu.dma_semaphore, #tpu.memory_space<semaphore_mem>>)
      %dma_wait3A = arith.constant 0 : i32
      %dma_wait3A_17 = tpu.memref_slice %arg7[%arg0, %mul3A_12, %dma_wait3A] : memref<2x10240x128xf32, #tpu.memory_space<hbm>> -> memref<1x640x128xf32, #tpu.memory_space<hbm>>
      %dma_wait3A_18 = tpu.memref_squeeze %dma_wait3A_17 : memref<1x640x128xf32, #tpu.memory_space<hbm>> -> memref<640x128xf32, #tpu.memory_space<hbm>>
      %dma_wait3A_19 = arith.constant 0 : i32
      %dma_wait3A_20 = tpu.memref_slice %arg14[%mul3A_10, %dma_wait3A_19] : memref<10240x128xf32, #tpu.memory_space<vmem_shared>> -> memref<640x128xf32, #tpu.memory_space<vmem_shared>>
      tpu.wait_dma2 semaphore(%run_scoped3A : memref<!tpu.dma_semaphore, #tpu.memory_space<semaphore_mem>>) src(%dma_wait3A_20 : memref<640x128xf32, #tpu.memory_space<vmem_shared>>) dst(%dma_wait3A_18 : memref<640x128xf32, #tpu.memory_space<hbm>>)
      tpu.yield
    }) : () -> ()
    return
  }
}

#map = affine_map<(d0, d1) -> (0, 0)>
#map1 = affine_map<(d0, d1) -> (0, 0, 0)>
#map2 = affine_map<(d0, d1) -> (0, 0, 0, 0)>
module attributes {stable_mosaic.version = 14 : i64} {
  func.func @sc_edge(%arg0: i32, %arg1: i32, %arg2: memref<10240x128xf32, #tpu.memory_space<hbm>>, %arg3: memref<5120x64x128xf32, #tpu.memory_space<hbm>>, %arg4: memref<2x16x160x64xi32, #tpu.memory_space<hbm>>, %arg5: memref<2x16x160x64xi32, #tpu.memory_space<hbm>>, %arg6: memref<10240x128xf32, #tpu.memory_space<hbm>>, %arg7: memref<2x10240x128xf32, #tpu.memory_space<hbm>>, %arg8: memref<32x64xi32, #tpu.memory_space<vmem>>, %arg9: memref<32x64xi32, #tpu.memory_space<vmem>>, %arg10: memref<64x128xf32, #tpu.memory_space<vmem>>, %arg11: memref<64x128xf32, #tpu.memory_space<vmem>>, %arg12: memref<64x128xf32, #tpu.memory_space<vmem>>, %arg13: memref<64x128xf32, #tpu.memory_space<vmem>>, %arg14: memref<10240x128xf32, #tpu.memory_space<vmem_shared>>, %arg15: memref<!tpu.dma_semaphore, #tpu.memory_space<semaphore_mem>>, %arg16: memref<!tpu.dma_semaphore, #tpu.memory_space<semaphore_mem>>, %arg17: memref<!tpu.dma_semaphore, #tpu.memory_space<semaphore_mem>>, %arg18: memref<!tpu.dma_semaphore, #tpu.memory_space<semaphore_mem>>) attributes {dimension_semantics = [#tpu.dimension_semantics<core_parallel>, #tpu.dimension_semantics<subcore_parallel>], iteration_bounds = array<i64: 2, 16>, scalar_prefetch = 0 : i64, scratch_operands = 11 : i64, tpu.core_type = #tpu.core_type<sc_vector_subcore>, window_params = [{transform_indices = #map}, {transform_indices = #map1}, {transform_indices = #map2}, {transform_indices = #map2}, {transform_indices = #map}, {transform_indices = #map1}]} {
    %mul3A = arith.constant 640 : i32
    %mul3A_0 = arith.muli %arg1, %mul3A : i32
    %mul3A_1 = arith.constant 640 : i32
    %mul3A_2 = arith.muli %arg1, %mul3A_1 : i32
    "tpu.region"() ({
      %run_scoped3A = tpu.sem_alloc : memref<!tpu.dma_semaphore, #tpu.memory_space<semaphore_mem>>
      %dma_start3A = arith.constant 0 : i32
      %dma_start3A_13 = tpu.memref_slice %arg14[%mul3A_2, %dma_start3A] : memref<10240x128xf32, #tpu.memory_space<vmem_shared>> -> memref<640x128xf32, #tpu.memory_space<vmem_shared>>
      %dma_start3A_14 = arith.constant 0 : i32
      %dma_start3A_15 = tpu.memref_slice %arg6[%mul3A_0, %dma_start3A_14] : memref<10240x128xf32, #tpu.memory_space<hbm>> -> memref<640x128xf32, #tpu.memory_space<hbm>>
      tpu.enqueue_dma source(%dma_start3A_15 : memref<640x128xf32, #tpu.memory_space<hbm>>) target(%dma_start3A_13 : memref<640x128xf32, #tpu.memory_space<vmem_shared>>) target_semaphore(%run_scoped3A : memref<!tpu.dma_semaphore, #tpu.memory_space<semaphore_mem>>)
      %dma_wait3A = arith.constant 0 : i32
      %dma_wait3A_16 = tpu.memref_slice %arg14[%mul3A_2, %dma_wait3A] : memref<10240x128xf32, #tpu.memory_space<vmem_shared>> -> memref<640x128xf32, #tpu.memory_space<vmem_shared>>
      %dma_wait3A_17 = arith.constant 0 : i32
      %dma_wait3A_18 = tpu.memref_slice %arg6[%mul3A_0, %dma_wait3A_17] : memref<10240x128xf32, #tpu.memory_space<hbm>> -> memref<640x128xf32, #tpu.memory_space<hbm>>
      tpu.wait_dma2 semaphore(%run_scoped3A : memref<!tpu.dma_semaphore, #tpu.memory_space<semaphore_mem>>) src(%dma_wait3A_18 : memref<640x128xf32, #tpu.memory_space<hbm>>) dst(%dma_wait3A_16 : memref<640x128xf32, #tpu.memory_space<vmem_shared>>)
      tpu.yield
    }) : () -> ()
    %barrier3A = arith.constant 0 : index
    tpu.barrier barrier_id(%barrier3A)
    %scan3A = arith.constant 0 : i32
    %scan3A_3 = arith.constant 0 : i32
    %scan3A_4 = arith.constant 5 : i32
    %scan3A_5 = arith.addi %scan3A_3, %scan3A_4 : i32
    %scan3A_6 = arith.constant 1 : i32
    scf.for %scan3A_13 = %scan3A_3 to %scan3A_5 step %scan3A_6  : i32 {
      %mul3A_14 = arith.constant 32 : i32
      %mul3A_15 = arith.muli %scan3A_13, %mul3A_14 : i32
      "tpu.region"() ({
        %run_scoped3A = tpu.sem_alloc : memref<!tpu.dma_semaphore, #tpu.memory_space<semaphore_mem>>
        %dma_start3A_45 = arith.constant 0 : i32
        %dma_start3A_46 = tpu.memref_slice %arg4[%arg0, %arg1, %mul3A_15, %dma_start3A_45] : memref<2x16x160x64xi32, #tpu.memory_space<hbm>> -> memref<1x1x32x64xi32, #tpu.memory_space<hbm>>
        %dma_start3A_47 = tpu.memref_squeeze %dma_start3A_46 : memref<1x1x32x64xi32, #tpu.memory_space<hbm>> -> memref<32x64xi32, #tpu.memory_space<hbm>>
        %dma_start3A_48 = arith.constant 0 : i32
        %dma_start3A_49 = tpu.memref_slice %arg4[%arg0, %arg1, %mul3A_15, %dma_start3A_48] : memref<2x16x160x64xi32, #tpu.memory_space<hbm>> -> memref<1x1x32x64xi32, #tpu.memory_space<hbm>>
        %dma_start3A_50 = tpu.memref_squeeze %dma_start3A_49 : memref<1x1x32x64xi32, #tpu.memory_space<hbm>> -> memref<32x64xi32, #tpu.memory_space<hbm>>
        tpu.enqueue_dma source(%dma_start3A_50 : memref<32x64xi32, #tpu.memory_space<hbm>>) target(%arg8 : memref<32x64xi32, #tpu.memory_space<vmem>>) target_semaphore(%run_scoped3A : memref<!tpu.dma_semaphore, #tpu.memory_space<semaphore_mem>>)
        %dma_wait3A = arith.constant 0 : i32
        %dma_wait3A_51 = tpu.memref_slice %arg4[%arg0, %arg1, %mul3A_15, %dma_wait3A] : memref<2x16x160x64xi32, #tpu.memory_space<hbm>> -> memref<1x1x32x64xi32, #tpu.memory_space<hbm>>
        %dma_wait3A_52 = tpu.memref_squeeze %dma_wait3A_51 : memref<1x1x32x64xi32, #tpu.memory_space<hbm>> -> memref<32x64xi32, #tpu.memory_space<hbm>>
        %dma_wait3A_53 = arith.constant 0 : i32
        %dma_wait3A_54 = tpu.memref_slice %arg4[%arg0, %arg1, %mul3A_15, %dma_wait3A_53] : memref<2x16x160x64xi32, #tpu.memory_space<hbm>> -> memref<1x1x32x64xi32, #tpu.memory_space<hbm>>
        %dma_wait3A_55 = tpu.memref_squeeze %dma_wait3A_54 : memref<1x1x32x64xi32, #tpu.memory_space<hbm>> -> memref<32x64xi32, #tpu.memory_space<hbm>>
        tpu.wait_dma2 semaphore(%run_scoped3A : memref<!tpu.dma_semaphore, #tpu.memory_space<semaphore_mem>>) src(%dma_wait3A_55 : memref<32x64xi32, #tpu.memory_space<hbm>>) dst(%arg8 : memref<32x64xi32, #tpu.memory_space<vmem>>)
        tpu.yield
      }) : () -> ()
      %mul3A_16 = arith.constant 32 : i32
      %mul3A_17 = arith.muli %scan3A_13, %mul3A_16 : i32
      "tpu.region"() ({
        %run_scoped3A = tpu.sem_alloc : memref<!tpu.dma_semaphore, #tpu.memory_space<semaphore_mem>>
        %dma_start3A_45 = arith.constant 0 : i32
        %dma_start3A_46 = tpu.memref_slice %arg5[%arg0, %arg1, %mul3A_17, %dma_start3A_45] : memref<2x16x160x64xi32, #tpu.memory_space<hbm>> -> memref<1x1x32x64xi32, #tpu.memory_space<hbm>>
        %dma_start3A_47 = tpu.memref_squeeze %dma_start3A_46 : memref<1x1x32x64xi32, #tpu.memory_space<hbm>> -> memref<32x64xi32, #tpu.memory_space<hbm>>
        %dma_start3A_48 = arith.constant 0 : i32
        %dma_start3A_49 = tpu.memref_slice %arg5[%arg0, %arg1, %mul3A_17, %dma_start3A_48] : memref<2x16x160x64xi32, #tpu.memory_space<hbm>> -> memref<1x1x32x64xi32, #tpu.memory_space<hbm>>
        %dma_start3A_50 = tpu.memref_squeeze %dma_start3A_49 : memref<1x1x32x64xi32, #tpu.memory_space<hbm>> -> memref<32x64xi32, #tpu.memory_space<hbm>>
        tpu.enqueue_dma source(%dma_start3A_50 : memref<32x64xi32, #tpu.memory_space<hbm>>) target(%arg9 : memref<32x64xi32, #tpu.memory_space<vmem>>) target_semaphore(%run_scoped3A : memref<!tpu.dma_semaphore, #tpu.memory_space<semaphore_mem>>)
        %dma_wait3A = arith.constant 0 : i32
        %dma_wait3A_51 = tpu.memref_slice %arg5[%arg0, %arg1, %mul3A_17, %dma_wait3A] : memref<2x16x160x64xi32, #tpu.memory_space<hbm>> -> memref<1x1x32x64xi32, #tpu.memory_space<hbm>>
        %dma_wait3A_52 = tpu.memref_squeeze %dma_wait3A_51 : memref<1x1x32x64xi32, #tpu.memory_space<hbm>> -> memref<32x64xi32, #tpu.memory_space<hbm>>
        %dma_wait3A_53 = arith.constant 0 : i32
        %dma_wait3A_54 = tpu.memref_slice %arg5[%arg0, %arg1, %mul3A_17, %dma_wait3A_53] : memref<2x16x160x64xi32, #tpu.memory_space<hbm>> -> memref<1x1x32x64xi32, #tpu.memory_space<hbm>>
        %dma_wait3A_55 = tpu.memref_squeeze %dma_wait3A_54 : memref<1x1x32x64xi32, #tpu.memory_space<hbm>> -> memref<32x64xi32, #tpu.memory_space<hbm>>
        tpu.wait_dma2 semaphore(%run_scoped3A : memref<!tpu.dma_semaphore, #tpu.memory_space<semaphore_mem>>) src(%dma_wait3A_55 : memref<32x64xi32, #tpu.memory_space<hbm>>) dst(%arg9 : memref<32x64xi32, #tpu.memory_space<vmem>>)
        tpu.yield
      }) : () -> ()
      %mul3A_18 = arith.constant 16 : i32
      %mul3A_19 = arith.muli %arg0, %mul3A_18 : i32
      %add3A = arith.addi %mul3A_19, %arg1 : i32
      %mul3A_20 = arith.constant 160 : i32
      %mul3A_21 = arith.muli %add3A, %mul3A_20 : i32
      %mul3A_22 = arith.constant 32 : i32
      %mul3A_23 = arith.muli %scan3A_13, %mul3A_22 : i32
      %add3A_24 = arith.addi %mul3A_21, %mul3A_23 : i32
      %dma_start3A = arith.constant 0 : i32
      %dma_start3A_25 = arith.constant 0 : i32
      %dma_start3A_26 = tpu.memref_slice %arg8[%dma_start3A, %dma_start3A_25] : memref<32x64xi32, #tpu.memory_space<vmem>> -> memref<1x64xi32, #tpu.memory_space<vmem>>
      %dma_start3A_27 = tpu.memref_squeeze %dma_start3A_26 : memref<1x64xi32, #tpu.memory_space<vmem>> -> memref<64xi32, #tpu.memory_space<vmem>>
      %dma_start3A_28 = arith.constant 0 : i32
      %dma_start3A_29 = arith.constant 0 : i32
      %dma_start3A_30 = tpu.memref_slice %arg2[%dma_start3A_28, %dma_start3A_29] : memref<10240x128xf32, #tpu.memory_space<hbm>> -> memref<10240x128xf32, #tpu.memory_space<hbm>>
      tpu.enqueue_indirect_dma source(%dma_start3A_30 : memref<10240x128xf32, #tpu.memory_space<hbm>>) target(%arg10 : memref<64x128xf32, #tpu.memory_space<vmem>>) offsets(%dma_start3A_27 : memref<64xi32, #tpu.memory_space<vmem>>) semaphore(%arg15 : memref<!tpu.dma_semaphore, #tpu.memory_space<semaphore_mem>>)
      %dma_start3A_31 = arith.constant 0 : i32
      %dma_start3A_32 = arith.constant 0 : i32
      %dma_start3A_33 = tpu.memref_slice %arg3[%add3A_24, %dma_start3A_31, %dma_start3A_32] : memref<5120x64x128xf32, #tpu.memory_space<hbm>> -> memref<1x64x128xf32, #tpu.memory_space<hbm>>
      %dma_start3A_34 = tpu.memref_squeeze %dma_start3A_33 : memref<1x64x128xf32, #tpu.memory_space<hbm>> -> memref<64x128xf32, #tpu.memory_space<hbm>>
      %dma_start3A_35 = arith.constant 0 : i32
      %dma_start3A_36 = arith.constant 0 : i32
      %dma_start3A_37 = tpu.memref_slice %arg3[%add3A_24, %dma_start3A_35, %dma_start3A_36] : memref<5120x64x128xf32, #tpu.memory_space<hbm>> -> memref<1x64x128xf32, #tpu.memory_space<hbm>>
      %dma_start3A_38 = tpu.memref_squeeze %dma_start3A_37 : memref<1x64x128xf32, #tpu.memory_space<hbm>> -> memref<64x128xf32, #tpu.memory_space<hbm>>
      tpu.enqueue_dma source(%dma_start3A_38 : memref<64x128xf32, #tpu.memory_space<hbm>>) target(%arg12 : memref<64x128xf32, #tpu.memory_space<vmem>>) target_semaphore(%arg17 : memref<!tpu.dma_semaphore, #tpu.memory_space<semaphore_mem>>)
      %scan3A_39 = arith.constant 0 : i32
      %scan3A_40 = arith.constant 0 : i32
      %scan3A_41 = arith.constant 16 : i32
      %scan3A_42 = arith.addi %scan3A_40, %scan3A_41 : i32
      %scan3A_43 = arith.constant 1 : i32
      scf.for %scan3A_45 = %scan3A_40 to %scan3A_42 step %scan3A_43  : i32 {
        %mul3A_46 = arith.constant 2 : i32
        %mul3A_47 = arith.muli %scan3A_45, %mul3A_46 : i32
        %add3A_48 = arith.constant 0 : i32
        %add3A_49 = arith.addi %mul3A_47, %add3A_48 : i32
        %add3A_50 = arith.constant 1 : i32
        %add3A_51 = arith.addi %add3A_49, %add3A_50 : i32
        %lt3A = arith.constant 32 : i32
        %lt3A_52 = arith.cmpi slt, %add3A_51, %lt3A : i32
        %convert_element_type3A = arith.extui %lt3A_52 : i1 to i32
        %cond3A = arith.constant 0 : i32
        %cond3A_53 = arith.cmpi ne, %convert_element_type3A, %cond3A : i32
        scf.if %cond3A_53 {
          %add3A_106 = arith.constant 1 : i32
          %add3A_107 = arith.addi %add3A_49, %add3A_106 : i32
          %dma_start3A_108 = arith.constant 0 : i32
          %dma_start3A_109 = tpu.memref_slice %arg8[%add3A_107, %dma_start3A_108] : memref<32x64xi32, #tpu.memory_space<vmem>> -> memref<1x64xi32, #tpu.memory_space<vmem>>
          %dma_start3A_110 = tpu.memref_squeeze %dma_start3A_109 : memref<1x64xi32, #tpu.memory_space<vmem>> -> memref<64xi32, #tpu.memory_space<vmem>>
          %dma_start3A_111 = arith.constant 0 : i32
          %dma_start3A_112 = arith.constant 0 : i32
          %dma_start3A_113 = tpu.memref_slice %arg2[%dma_start3A_111, %dma_start3A_112] : memref<10240x128xf32, #tpu.memory_space<hbm>> -> memref<10240x128xf32, #tpu.memory_space<hbm>>
          tpu.enqueue_indirect_dma source(%dma_start3A_113 : memref<10240x128xf32, #tpu.memory_space<hbm>>) target(%arg11 : memref<64x128xf32, #tpu.memory_space<vmem>>) offsets(%dma_start3A_110 : memref<64xi32, #tpu.memory_space<vmem>>) semaphore(%arg16 : memref<!tpu.dma_semaphore, #tpu.memory_space<semaphore_mem>>)
          %add3A_114 = arith.addi %add3A_24, %add3A_49 : i32
          %add3A_115 = arith.constant 1 : i32
          %add3A_116 = arith.addi %add3A_114, %add3A_115 : i32
          %dma_start3A_117 = arith.constant 0 : i32
          %dma_start3A_118 = arith.constant 0 : i32
          %dma_start3A_119 = tpu.memref_slice %arg3[%add3A_116, %dma_start3A_117, %dma_start3A_118] : memref<5120x64x128xf32, #tpu.memory_space<hbm>> -> memref<1x64x128xf32, #tpu.memory_space<hbm>>
          %dma_start3A_120 = tpu.memref_squeeze %dma_start3A_119 : memref<1x64x128xf32, #tpu.memory_space<hbm>> -> memref<64x128xf32, #tpu.memory_space<hbm>>
          %dma_start3A_121 = arith.constant 0 : i32
          %dma_start3A_122 = arith.constant 0 : i32
          %dma_start3A_123 = tpu.memref_slice %arg3[%add3A_116, %dma_start3A_121, %dma_start3A_122] : memref<5120x64x128xf32, #tpu.memory_space<hbm>> -> memref<1x64x128xf32, #tpu.memory_space<hbm>>
          %dma_start3A_124 = tpu.memref_squeeze %dma_start3A_123 : memref<1x64x128xf32, #tpu.memory_space<hbm>> -> memref<64x128xf32, #tpu.memory_space<hbm>>
          tpu.enqueue_dma source(%dma_start3A_124 : memref<64x128xf32, #tpu.memory_space<hbm>>) target(%arg13 : memref<64x128xf32, #tpu.memory_space<vmem>>) target_semaphore(%arg18 : memref<!tpu.dma_semaphore, #tpu.memory_space<semaphore_mem>>)
        } else {
        }
        %dma_wait3A = arith.constant 0 : i32
        %dma_wait3A_54 = tpu.memref_slice %arg8[%add3A_49, %dma_wait3A] : memref<32x64xi32, #tpu.memory_space<vmem>> -> memref<1x64xi32, #tpu.memory_space<vmem>>
        %dma_wait3A_55 = tpu.memref_squeeze %dma_wait3A_54 : memref<1x64xi32, #tpu.memory_space<vmem>> -> memref<64xi32, #tpu.memory_space<vmem>>
        %dma_wait3A_56 = arith.constant 0 : i32
        %dma_wait3A_57 = arith.constant 0 : i32
        %dma_wait3A_58 = tpu.memref_slice %arg2[%dma_wait3A_56, %dma_wait3A_57] : memref<10240x128xf32, #tpu.memory_space<hbm>> -> memref<10240x128xf32, #tpu.memory_space<hbm>>
        tpu.wait_indirect_dma semaphore(%arg15 : memref<!tpu.dma_semaphore, #tpu.memory_space<semaphore_mem>>) src(%dma_wait3A_58 : memref<10240x128xf32, #tpu.memory_space<hbm>>) dst(%arg10 : memref<64x128xf32, #tpu.memory_space<vmem>>)
        %add3A_59 = arith.addi %add3A_24, %add3A_49 : i32
        %dma_wait3A_60 = arith.constant 0 : i32
        %dma_wait3A_61 = arith.constant 0 : i32
        %dma_wait3A_62 = tpu.memref_slice %arg3[%add3A_59, %dma_wait3A_60, %dma_wait3A_61] : memref<5120x64x128xf32, #tpu.memory_space<hbm>> -> memref<1x64x128xf32, #tpu.memory_space<hbm>>
        %dma_wait3A_63 = tpu.memref_squeeze %dma_wait3A_62 : memref<1x64x128xf32, #tpu.memory_space<hbm>> -> memref<64x128xf32, #tpu.memory_space<hbm>>
        %dma_wait3A_64 = arith.constant 0 : i32
        %dma_wait3A_65 = arith.constant 0 : i32
        %dma_wait3A_66 = tpu.memref_slice %arg3[%add3A_59, %dma_wait3A_64, %dma_wait3A_65] : memref<5120x64x128xf32, #tpu.memory_space<hbm>> -> memref<1x64x128xf32, #tpu.memory_space<hbm>>
        %dma_wait3A_67 = tpu.memref_squeeze %dma_wait3A_66 : memref<1x64x128xf32, #tpu.memory_space<hbm>> -> memref<64x128xf32, #tpu.memory_space<hbm>>
        tpu.wait_dma2 semaphore(%arg17 : memref<!tpu.dma_semaphore, #tpu.memory_space<semaphore_mem>>) src(%dma_wait3A_67 : memref<64x128xf32, #tpu.memory_space<hbm>>) dst(%arg12 : memref<64x128xf32, #tpu.memory_space<vmem>>)
        %scan3A_68 = arith.constant 0 : i32
        %scan3A_69 = arith.constant 0 : i32
        %scan3A_70 = arith.constant 64 : i32
        %scan3A_71 = arith.addi %scan3A_69, %scan3A_70 : i32
        %scan3A_72 = arith.constant 1 : i32
        scf.for %scan3A_106 = %scan3A_69 to %scan3A_71 step %scan3A_72  : i32 {
          %get3A = arith.index_cast %scan3A_106 : i32 to index
          %get3A_107 = arith.constant 0 : index
          %get3A_108 = tpu.vector_load %arg10[%get3A, %get3A_107] {strides = array<i32>} : memref<64x128xf32, #tpu.memory_space<vmem>>, vector<1x16xf32>,
          %get3A_109 = vector.shape_cast %get3A_108 : vector<1x16xf32> to vector<16xf32>
          %get3A_110 = arith.index_cast %scan3A_106 : i32 to index
          %get3A_111 = arith.constant 0 : index
          %get3A_112 = tpu.vector_load %arg12[%get3A_110, %get3A_111] {strides = array<i32>} : memref<64x128xf32, #tpu.memory_space<vmem>>, vector<1x16xf32>,
          %get3A_113 = vector.shape_cast %get3A_112 : vector<1x16xf32> to vector<16xf32>
          %add3A_114 = arith.addf %get3A_109, %get3A_113 : vector<16xf32>
          %neg3A = arith.constant 0.000000e+00 : f32
          %neg3A_115 = vector.broadcast %neg3A : f32 to vector<16xf32>
          %neg3A_116 = arith.subf %neg3A_115, %add3A_114 : vector<16xf32>
          %exp3A = math.exp %neg3A_116 : vector<16xf32>
          %add3A_117 = arith.constant 1.000000e+00 : f32
          %add3A_118 = vector.broadcast %add3A_117 : f32 to vector<16xf32>
          %add3A_119 = arith.addf %add3A_118, %exp3A : vector<16xf32>
          %div3A = arith.divf %add3A_114, %add3A_119 : vector<16xf32>
          %swap3A = arith.index_cast %scan3A_106 : i32 to index
          %swap3A_120 = arith.constant 0 : index
          %swap3A_121 = tpu.vector_load %arg10[%swap3A, %swap3A_120] {strides = array<i32>} : memref<64x128xf32, #tpu.memory_space<vmem>>, vector<1x16xf32>,
          %swap3A_122 = vector.shape_cast %swap3A_121 : vector<1x16xf32> to vector<16xf32>
          %swap3A_123 = vector.shape_cast %div3A : vector<16xf32> to vector<1x16xf32>
          tpu.vector_store %arg10[%swap3A, %swap3A_120], %swap3A_123 {strides = array<i32>} : memref<64x128xf32, #tpu.memory_space<vmem>>, vector<1x16xf32>,
          %get3A_124 = arith.index_cast %scan3A_106 : i32 to index
          %get3A_125 = arith.constant 16 : index
          %get3A_126 = tpu.vector_load %arg10[%get3A_124, %get3A_125] {strides = array<i32>} : memref<64x128xf32, #tpu.memory_space<vmem>>, vector<1x16xf32>,
          %get3A_127 = vector.shape_cast %get3A_126 : vector<1x16xf32> to vector<16xf32>
          %get3A_128 = arith.index_cast %scan3A_106 : i32 to index
          %get3A_129 = arith.constant 16 : index
          %get3A_130 = tpu.vector_load %arg12[%get3A_128, %get3A_129] {strides = array<i32>} : memref<64x128xf32, #tpu.memory_space<vmem>>, vector<1x16xf32>,
          %get3A_131 = vector.shape_cast %get3A_130 : vector<1x16xf32> to vector<16xf32>
          %add3A_132 = arith.addf %get3A_127, %get3A_131 : vector<16xf32>
          %neg3A_133 = arith.constant 0.000000e+00 : f32
          %neg3A_134 = vector.broadcast %neg3A_133 : f32 to vector<16xf32>
          %neg3A_135 = arith.subf %neg3A_134, %add3A_132 : vector<16xf32>
          %exp3A_136 = math.exp %neg3A_135 : vector<16xf32>
          %add3A_137 = arith.constant 1.000000e+00 : f32
          %add3A_138 = vector.broadcast %add3A_137 : f32 to vector<16xf32>
          %add3A_139 = arith.addf %add3A_138, %exp3A_136 : vector<16xf32>
          %div3A_140 = arith.divf %add3A_132, %add3A_139 : vector<16xf32>
          %swap3A_141 = arith.index_cast %scan3A_106 : i32 to index
          %swap3A_142 = arith.constant 16 : index
          %swap3A_143 = tpu.vector_load %arg10[%swap3A_141, %swap3A_142] {strides = array<i32>} : memref<64x128xf32, #tpu.memory_space<vmem>>, vector<1x16xf32>,
          %swap3A_144 = vector.shape_cast %swap3A_143 : vector<1x16xf32> to vector<16xf32>
          %swap3A_145 = vector.shape_cast %div3A_140 : vector<16xf32> to vector<1x16xf32>
          tpu.vector_store %arg10[%swap3A_141, %swap3A_142], %swap3A_145 {strides = array<i32>} : memref<64x128xf32, #tpu.memory_space<vmem>>, vector<1x16xf32>,
          %get3A_146 = arith.index_cast %scan3A_106 : i32 to index
          %get3A_147 = arith.constant 32 : index
          %get3A_148 = tpu.vector_load %arg10[%get3A_146, %get3A_147] {strides = array<i32>} : memref<64x128xf32, #tpu.memory_space<vmem>>, vector<1x16xf32>,
          %get3A_149 = vector.shape_cast %get3A_148 : vector<1x16xf32> to vector<16xf32>
          %get3A_150 = arith.index_cast %scan3A_106 : i32 to index
          %get3A_151 = arith.constant 32 : index
          %get3A_152 = tpu.vector_load %arg12[%get3A_150, %get3A_151] {strides = array<i32>} : memref<64x128xf32, #tpu.memory_space<vmem>>, vector<1x16xf32>,
          %get3A_153 = vector.shape_cast %get3A_152 : vector<1x16xf32> to vector<16xf32>
          %add3A_154 = arith.addf %get3A_149, %get3A_153 : vector<16xf32>
          %neg3A_155 = arith.constant 0.000000e+00 : f32
          %neg3A_156 = vector.broadcast %neg3A_155 : f32 to vector<16xf32>
          %neg3A_157 = arith.subf %neg3A_156, %add3A_154 : vector<16xf32>
          %exp3A_158 = math.exp %neg3A_157 : vector<16xf32>
          %add3A_159 = arith.constant 1.000000e+00 : f32
          %add3A_160 = vector.broadcast %add3A_159 : f32 to vector<16xf32>
          %add3A_161 = arith.addf %add3A_160, %exp3A_158 : vector<16xf32>
          %div3A_162 = arith.divf %add3A_154, %add3A_161 : vector<16xf32>
          %swap3A_163 = arith.index_cast %scan3A_106 : i32 to index
          %swap3A_164 = arith.constant 32 : index
          %swap3A_165 = tpu.vector_load %arg10[%swap3A_163, %swap3A_164] {strides = array<i32>} : memref<64x128xf32, #tpu.memory_space<vmem>>, vector<1x16xf32>,
          %swap3A_166 = vector.shape_cast %swap3A_165 : vector<1x16xf32> to vector<16xf32>
          %swap3A_167 = vector.shape_cast %div3A_162 : vector<16xf32> to vector<1x16xf32>
          tpu.vector_store %arg10[%swap3A_163, %swap3A_164], %swap3A_167 {strides = array<i32>} : memref<64x128xf32, #tpu.memory_space<vmem>>, vector<1x16xf32>,
          %get3A_168 = arith.index_cast %scan3A_106 : i32 to index
          %get3A_169 = arith.constant 48 : index
          %get3A_170 = tpu.vector_load %arg10[%get3A_168, %get3A_169] {strides = array<i32>} : memref<64x128xf32, #tpu.memory_space<vmem>>, vector<1x16xf32>,
          %get3A_171 = vector.shape_cast %get3A_170 : vector<1x16xf32> to vector<16xf32>
          %get3A_172 = arith.index_cast %scan3A_106 : i32 to index
          %get3A_173 = arith.constant 48 : index
          %get3A_174 = tpu.vector_load %arg12[%get3A_172, %get3A_173] {strides = array<i32>} : memref<64x128xf32, #tpu.memory_space<vmem>>, vector<1x16xf32>,
          %get3A_175 = vector.shape_cast %get3A_174 : vector<1x16xf32> to vector<16xf32>
          %add3A_176 = arith.addf %get3A_171, %get3A_175 : vector<16xf32>
          %neg3A_177 = arith.constant 0.000000e+00 : f32
          %neg3A_178 = vector.broadcast %neg3A_177 : f32 to vector<16xf32>
          %neg3A_179 = arith.subf %neg3A_178, %add3A_176 : vector<16xf32>
          %exp3A_180 = math.exp %neg3A_179 : vector<16xf32>
          %add3A_181 = arith.constant 1.000000e+00 : f32
          %add3A_182 = vector.broadcast %add3A_181 : f32 to vector<16xf32>
          %add3A_183 = arith.addf %add3A_182, %exp3A_180 : vector<16xf32>
          %div3A_184 = arith.divf %add3A_176, %add3A_183 : vector<16xf32>
          %swap3A_185 = arith.index_cast %scan3A_106 : i32 to index
          %swap3A_186 = arith.constant 48 : index
          %swap3A_187 = tpu.vector_load %arg10[%swap3A_185, %swap3A_186] {strides = array<i32>} : memref<64x128xf32, #tpu.memory_space<vmem>>, vector<1x16xf32>,
          %swap3A_188 = vector.shape_cast %swap3A_187 : vector<1x16xf32> to vector<16xf32>
          %swap3A_189 = vector.shape_cast %div3A_184 : vector<16xf32> to vector<1x16xf32>
          tpu.vector_store %arg10[%swap3A_185, %swap3A_186], %swap3A_189 {strides = array<i32>} : memref<64x128xf32, #tpu.memory_space<vmem>>, vector<1x16xf32>,
          %get3A_190 = arith.index_cast %scan3A_106 : i32 to index
          %get3A_191 = arith.constant 64 : index
          %get3A_192 = tpu.vector_load %arg10[%get3A_190, %get3A_191] {strides = array<i32>} : memref<64x128xf32, #tpu.memory_space<vmem>>, vector<1x16xf32>,
          %get3A_193 = vector.shape_cast %get3A_192 : vector<1x16xf32> to vector<16xf32>
          %get3A_194 = arith.index_cast %scan3A_106 : i32 to index
          %get3A_195 = arith.constant 64 : index
          %get3A_196 = tpu.vector_load %arg12[%get3A_194, %get3A_195] {strides = array<i32>} : memref<64x128xf32, #tpu.memory_space<vmem>>, vector<1x16xf32>,
          %get3A_197 = vector.shape_cast %get3A_196 : vector<1x16xf32> to vector<16xf32>
          %add3A_198 = arith.addf %get3A_193, %get3A_197 : vector<16xf32>
          %neg3A_199 = arith.constant 0.000000e+00 : f32
          %neg3A_200 = vector.broadcast %neg3A_199 : f32 to vector<16xf32>
          %neg3A_201 = arith.subf %neg3A_200, %add3A_198 : vector<16xf32>
          %exp3A_202 = math.exp %neg3A_201 : vector<16xf32>
          %add3A_203 = arith.constant 1.000000e+00 : f32
          %add3A_204 = vector.broadcast %add3A_203 : f32 to vector<16xf32>
          %add3A_205 = arith.addf %add3A_204, %exp3A_202 : vector<16xf32>
          %div3A_206 = arith.divf %add3A_198, %add3A_205 : vector<16xf32>
          %swap3A_207 = arith.index_cast %scan3A_106 : i32 to index
          %swap3A_208 = arith.constant 64 : index
          %swap3A_209 = tpu.vector_load %arg10[%swap3A_207, %swap3A_208] {strides = array<i32>} : memref<64x128xf32, #tpu.memory_space<vmem>>, vector<1x16xf32>,
          %swap3A_210 = vector.shape_cast %swap3A_209 : vector<1x16xf32> to vector<16xf32>
          %swap3A_211 = vector.shape_cast %div3A_206 : vector<16xf32> to vector<1x16xf32>
          tpu.vector_store %arg10[%swap3A_207, %swap3A_208], %swap3A_211 {strides = array<i32>} : memref<64x128xf32, #tpu.memory_space<vmem>>, vector<1x16xf32>,
          %get3A_212 = arith.index_cast %scan3A_106 : i32 to index
          %get3A_213 = arith.constant 80 : index
          %get3A_214 = tpu.vector_load %arg10[%get3A_212, %get3A_213] {strides = array<i32>} : memref<64x128xf32, #tpu.memory_space<vmem>>, vector<1x16xf32>,
          %get3A_215 = vector.shape_cast %get3A_214 : vector<1x16xf32> to vector<16xf32>
          %get3A_216 = arith.index_cast %scan3A_106 : i32 to index
          %get3A_217 = arith.constant 80 : index
          %get3A_218 = tpu.vector_load %arg12[%get3A_216, %get3A_217] {strides = array<i32>} : memref<64x128xf32, #tpu.memory_space<vmem>>, vector<1x16xf32>,
          %get3A_219 = vector.shape_cast %get3A_218 : vector<1x16xf32> to vector<16xf32>
          %add3A_220 = arith.addf %get3A_215, %get3A_219 : vector<16xf32>
          %neg3A_221 = arith.constant 0.000000e+00 : f32
          %neg3A_222 = vector.broadcast %neg3A_221 : f32 to vector<16xf32>
          %neg3A_223 = arith.subf %neg3A_222, %add3A_220 : vector<16xf32>
          %exp3A_224 = math.exp %neg3A_223 : vector<16xf32>
          %add3A_225 = arith.constant 1.000000e+00 : f32
          %add3A_226 = vector.broadcast %add3A_225 : f32 to vector<16xf32>
          %add3A_227 = arith.addf %add3A_226, %exp3A_224 : vector<16xf32>
          %div3A_228 = arith.divf %add3A_220, %add3A_227 : vector<16xf32>
          %swap3A_229 = arith.index_cast %scan3A_106 : i32 to index
          %swap3A_230 = arith.constant 80 : index
          %swap3A_231 = tpu.vector_load %arg10[%swap3A_229, %swap3A_230] {strides = array<i32>} : memref<64x128xf32, #tpu.memory_space<vmem>>, vector<1x16xf32>,
          %swap3A_232 = vector.shape_cast %swap3A_231 : vector<1x16xf32> to vector<16xf32>
          %swap3A_233 = vector.shape_cast %div3A_228 : vector<16xf32> to vector<1x16xf32>
          tpu.vector_store %arg10[%swap3A_229, %swap3A_230], %swap3A_233 {strides = array<i32>} : memref<64x128xf32, #tpu.memory_space<vmem>>, vector<1x16xf32>,
          %get3A_234 = arith.index_cast %scan3A_106 : i32 to index
          %get3A_235 = arith.constant 96 : index
          %get3A_236 = tpu.vector_load %arg10[%get3A_234, %get3A_235] {strides = array<i32>} : memref<64x128xf32, #tpu.memory_space<vmem>>, vector<1x16xf32>,
          %get3A_237 = vector.shape_cast %get3A_236 : vector<1x16xf32> to vector<16xf32>
          %get3A_238 = arith.index_cast %scan3A_106 : i32 to index
          %get3A_239 = arith.constant 96 : index
          %get3A_240 = tpu.vector_load %arg12[%get3A_238, %get3A_239] {strides = array<i32>} : memref<64x128xf32, #tpu.memory_space<vmem>>, vector<1x16xf32>,
          %get3A_241 = vector.shape_cast %get3A_240 : vector<1x16xf32> to vector<16xf32>
          %add3A_242 = arith.addf %get3A_237, %get3A_241 : vector<16xf32>
          %neg3A_243 = arith.constant 0.000000e+00 : f32
          %neg3A_244 = vector.broadcast %neg3A_243 : f32 to vector<16xf32>
          %neg3A_245 = arith.subf %neg3A_244, %add3A_242 : vector<16xf32>
          %exp3A_246 = math.exp %neg3A_245 : vector<16xf32>
          %add3A_247 = arith.constant 1.000000e+00 : f32
          %add3A_248 = vector.broadcast %add3A_247 : f32 to vector<16xf32>
          %add3A_249 = arith.addf %add3A_248, %exp3A_246 : vector<16xf32>
          %div3A_250 = arith.divf %add3A_242, %add3A_249 : vector<16xf32>
          %swap3A_251 = arith.index_cast %scan3A_106 : i32 to index
          %swap3A_252 = arith.constant 96 : index
          %swap3A_253 = tpu.vector_load %arg10[%swap3A_251, %swap3A_252] {strides = array<i32>} : memref<64x128xf32, #tpu.memory_space<vmem>>, vector<1x16xf32>,
          %swap3A_254 = vector.shape_cast %swap3A_253 : vector<1x16xf32> to vector<16xf32>
          %swap3A_255 = vector.shape_cast %div3A_250 : vector<16xf32> to vector<1x16xf32>
          tpu.vector_store %arg10[%swap3A_251, %swap3A_252], %swap3A_255 {strides = array<i32>} : memref<64x128xf32, #tpu.memory_space<vmem>>, vector<1x16xf32>,
          %get3A_256 = arith.index_cast %scan3A_106 : i32 to index
          %get3A_257 = arith.constant 112 : index
          %get3A_258 = tpu.vector_load %arg10[%get3A_256, %get3A_257] {strides = array<i32>} : memref<64x128xf32, #tpu.memory_space<vmem>>, vector<1x16xf32>,
          %get3A_259 = vector.shape_cast %get3A_258 : vector<1x16xf32> to vector<16xf32>
          %get3A_260 = arith.index_cast %scan3A_106 : i32 to index
          %get3A_261 = arith.constant 112 : index
          %get3A_262 = tpu.vector_load %arg12[%get3A_260, %get3A_261] {strides = array<i32>} : memref<64x128xf32, #tpu.memory_space<vmem>>, vector<1x16xf32>,
          %get3A_263 = vector.shape_cast %get3A_262 : vector<1x16xf32> to vector<16xf32>
          %add3A_264 = arith.addf %get3A_259, %get3A_263 : vector<16xf32>
          %neg3A_265 = arith.constant 0.000000e+00 : f32
          %neg3A_266 = vector.broadcast %neg3A_265 : f32 to vector<16xf32>
          %neg3A_267 = arith.subf %neg3A_266, %add3A_264 : vector<16xf32>
          %exp3A_268 = math.exp %neg3A_267 : vector<16xf32>
          %add3A_269 = arith.constant 1.000000e+00 : f32
          %add3A_270 = vector.broadcast %add3A_269 : f32 to vector<16xf32>
          %add3A_271 = arith.addf %add3A_270, %exp3A_268 : vector<16xf32>
          %div3A_272 = arith.divf %add3A_264, %add3A_271 : vector<16xf32>
          %swap3A_273 = arith.index_cast %scan3A_106 : i32 to index
          %swap3A_274 = arith.constant 112 : index
          %swap3A_275 = tpu.vector_load %arg10[%swap3A_273, %swap3A_274] {strides = array<i32>} : memref<64x128xf32, #tpu.memory_space<vmem>>, vector<1x16xf32>,
          %swap3A_276 = vector.shape_cast %swap3A_275 : vector<1x16xf32> to vector<16xf32>
          %swap3A_277 = vector.shape_cast %div3A_272 : vector<16xf32> to vector<1x16xf32>
          tpu.vector_store %arg10[%swap3A_273, %swap3A_274], %swap3A_277 {strides = array<i32>} : memref<64x128xf32, #tpu.memory_space<vmem>>, vector<1x16xf32>,
        }
        %scan3A_73 = arith.constant 64 : i32
        "tpu.region"() ({
          %run_scoped3A = tpu.sem_alloc : memref<!tpu.dma_semaphore, #tpu.memory_space<semaphore_mem>>
          %dma_start3A_106 = arith.constant 0 : i32
          %dma_start3A_107 = tpu.memref_slice %arg9[%add3A_49, %dma_start3A_106] : memref<32x64xi32, #tpu.memory_space<vmem>> -> memref<1x64xi32, #tpu.memory_space<vmem>>
          %dma_start3A_108 = tpu.memref_squeeze %dma_start3A_107 : memref<1x64xi32, #tpu.memory_space<vmem>> -> memref<64xi32, #tpu.memory_space<vmem>>
          %dma_start3A_109 = arith.constant 0 : i32
          %dma_start3A_110 = arith.constant 0 : i32
          %dma_start3A_111 = tpu.memref_slice %arg14[%dma_start3A_109, %dma_start3A_110] : memref<10240x128xf32, #tpu.memory_space<vmem_shared>> -> memref<10240x128xf32, #tpu.memory_space<vmem_shared>>
          tpu.enqueue_indirect_dma source(%arg10 : memref<64x128xf32, #tpu.memory_space<vmem>>) target(%dma_start3A_111 : memref<10240x128xf32, #tpu.memory_space<vmem_shared>>) offsets(%dma_start3A_108 : memref<64xi32, #tpu.memory_space<vmem>>) semaphore(%run_scoped3A : memref<!tpu.dma_semaphore, #tpu.memory_space<semaphore_mem>>) {add = true}
          %dma_wait3A_112 = arith.constant 0 : i32
          %dma_wait3A_113 = tpu.memref_slice %arg9[%add3A_49, %dma_wait3A_112] : memref<32x64xi32, #tpu.memory_space<vmem>> -> memref<1x64xi32, #tpu.memory_space<vmem>>
          %dma_wait3A_114 = tpu.memref_squeeze %dma_wait3A_113 : memref<1x64xi32, #tpu.memory_space<vmem>> -> memref<64xi32, #tpu.memory_space<vmem>>
          %dma_wait3A_115 = arith.constant 0 : i32
          %dma_wait3A_116 = arith.constant 0 : i32
          %dma_wait3A_117 = tpu.memref_slice %arg14[%dma_wait3A_115, %dma_wait3A_116] : memref<10240x128xf32, #tpu.memory_space<vmem_shared>> -> memref<10240x128xf32, #tpu.memory_space<vmem_shared>>
          tpu.wait_indirect_dma semaphore(%run_scoped3A : memref<!tpu.dma_semaphore, #tpu.memory_space<semaphore_mem>>) src(%arg10 : memref<64x128xf32, #tpu.memory_space<vmem>>) dst(%dma_wait3A_117 : memref<10240x128xf32, #tpu.memory_space<vmem_shared>>)
          tpu.yield
        }) : () -> ()
        %mul3A_74 = arith.constant 2 : i32
        %mul3A_75 = arith.muli %scan3A_45, %mul3A_74 : i32
        %add3A_76 = arith.constant 1 : i32
        %add3A_77 = arith.addi %mul3A_75, %add3A_76 : i32
        %add3A_78 = arith.constant 1 : i32
        %add3A_79 = arith.addi %add3A_77, %add3A_78 : i32
        %lt3A_80 = arith.constant 32 : i32
        %lt3A_81 = arith.cmpi slt, %add3A_79, %lt3A_80 : i32
        %convert_element_type3A_82 = arith.extui %lt3A_81 : i1 to i32
        %cond3A_83 = arith.constant 0 : i32
        %cond3A_84 = arith.cmpi ne, %convert_element_type3A_82, %cond3A_83 : i32
        scf.if %cond3A_84 {
          %add3A_106 = arith.constant 1 : i32
          %add3A_107 = arith.addi %add3A_77, %add3A_106 : i32
          %dma_start3A_108 = arith.constant 0 : i32
          %dma_start3A_109 = tpu.memref_slice %arg8[%add3A_107, %dma_start3A_108] : memref<32x64xi32, #tpu.memory_space<vmem>> -> memref<1x64xi32, #tpu.memory_space<vmem>>
          %dma_start3A_110 = tpu.memref_squeeze %dma_start3A_109 : memref<1x64xi32, #tpu.memory_space<vmem>> -> memref<64xi32, #tpu.memory_space<vmem>>
          %dma_start3A_111 = arith.constant 0 : i32
          %dma_start3A_112 = arith.constant 0 : i32
          %dma_start3A_113 = tpu.memref_slice %arg2[%dma_start3A_111, %dma_start3A_112] : memref<10240x128xf32, #tpu.memory_space<hbm>> -> memref<10240x128xf32, #tpu.memory_space<hbm>>
          tpu.enqueue_indirect_dma source(%dma_start3A_113 : memref<10240x128xf32, #tpu.memory_space<hbm>>) target(%arg10 : memref<64x128xf32, #tpu.memory_space<vmem>>) offsets(%dma_start3A_110 : memref<64xi32, #tpu.memory_space<vmem>>) semaphore(%arg15 : memref<!tpu.dma_semaphore, #tpu.memory_space<semaphore_mem>>)
          %add3A_114 = arith.addi %add3A_24, %add3A_77 : i32
          %add3A_115 = arith.constant 1 : i32
          %add3A_116 = arith.addi %add3A_114, %add3A_115 : i32
          %dma_start3A_117 = arith.constant 0 : i32
          %dma_start3A_118 = arith.constant 0 : i32
          %dma_start3A_119 = tpu.memref_slice %arg3[%add3A_116, %dma_start3A_117, %dma_start3A_118] : memref<5120x64x128xf32, #tpu.memory_space<hbm>> -> memref<1x64x128xf32, #tpu.memory_space<hbm>>
          %dma_start3A_120 = tpu.memref_squeeze %dma_start3A_119 : memref<1x64x128xf32, #tpu.memory_space<hbm>> -> memref<64x128xf32, #tpu.memory_space<hbm>>
          %dma_start3A_121 = arith.constant 0 : i32
          %dma_start3A_122 = arith.constant 0 : i32
          %dma_start3A_123 = tpu.memref_slice %arg3[%add3A_116, %dma_start3A_121, %dma_start3A_122] : memref<5120x64x128xf32, #tpu.memory_space<hbm>> -> memref<1x64x128xf32, #tpu.memory_space<hbm>>
          %dma_start3A_124 = tpu.memref_squeeze %dma_start3A_123 : memref<1x64x128xf32, #tpu.memory_space<hbm>> -> memref<64x128xf32, #tpu.memory_space<hbm>>
          tpu.enqueue_dma source(%dma_start3A_124 : memref<64x128xf32, #tpu.memory_space<hbm>>) target(%arg12 : memref<64x128xf32, #tpu.memory_space<vmem>>) target_semaphore(%arg17 : memref<!tpu.dma_semaphore, #tpu.memory_space<semaphore_mem>>)
        } else {
        }
        %dma_wait3A_85 = arith.constant 0 : i32
        %dma_wait3A_86 = tpu.memref_slice %arg8[%add3A_77, %dma_wait3A_85] : memref<32x64xi32, #tpu.memory_space<vmem>> -> memref<1x64xi32, #tpu.memory_space<vmem>>
        %dma_wait3A_87 = tpu.memref_squeeze %dma_wait3A_86 : memref<1x64xi32, #tpu.memory_space<vmem>> -> memref<64xi32, #tpu.memory_space<vmem>>
        %dma_wait3A_88 = arith.constant 0 : i32
        %dma_wait3A_89 = arith.constant 0 : i32
        %dma_wait3A_90 = tpu.memref_slice %arg2[%dma_wait3A_88, %dma_wait3A_89] : memref<10240x128xf32, #tpu.memory_space<hbm>> -> memref<10240x128xf32, #tpu.memory_space<hbm>>
        tpu.wait_indirect_dma semaphore(%arg16 : memref<!tpu.dma_semaphore, #tpu.memory_space<semaphore_mem>>) src(%dma_wait3A_90 : memref<10240x128xf32, #tpu.memory_space<hbm>>) dst(%arg11 : memref<64x128xf32, #tpu.memory_space<vmem>>)
        %add3A_91 = arith.addi %add3A_24, %add3A_77 : i32
        %dma_wait3A_92 = arith.constant 0 : i32
        %dma_wait3A_93 = arith.constant 0 : i32
        %dma_wait3A_94 = tpu.memref_slice %arg3[%add3A_91, %dma_wait3A_92, %dma_wait3A_93] : memref<5120x64x128xf32, #tpu.memory_space<hbm>> -> memref<1x64x128xf32, #tpu.memory_space<hbm>>
        %dma_wait3A_95 = tpu.memref_squeeze %dma_wait3A_94 : memref<1x64x128xf32, #tpu.memory_space<hbm>> -> memref<64x128xf32, #tpu.memory_space<hbm>>
        %dma_wait3A_96 = arith.constant 0 : i32
        %dma_wait3A_97 = arith.constant 0 : i32
        %dma_wait3A_98 = tpu.memref_slice %arg3[%add3A_91, %dma_wait3A_96, %dma_wait3A_97] : memref<5120x64x128xf32, #tpu.memory_space<hbm>> -> memref<1x64x128xf32, #tpu.memory_space<hbm>>
        %dma_wait3A_99 = tpu.memref_squeeze %dma_wait3A_98 : memref<1x64x128xf32, #tpu.memory_space<hbm>> -> memref<64x128xf32, #tpu.memory_space<hbm>>
        tpu.wait_dma2 semaphore(%arg18 : memref<!tpu.dma_semaphore, #tpu.memory_space<semaphore_mem>>) src(%dma_wait3A_99 : memref<64x128xf32, #tpu.memory_space<hbm>>) dst(%arg13 : memref<64x128xf32, #tpu.memory_space<vmem>>)
        %scan3A_100 = arith.constant 0 : i32
        %scan3A_101 = arith.constant 0 : i32
        %scan3A_102 = arith.constant 64 : i32
        %scan3A_103 = arith.addi %scan3A_101, %scan3A_102 : i32
        %scan3A_104 = arith.constant 1 : i32
        scf.for %scan3A_106 = %scan3A_101 to %scan3A_103 step %scan3A_104  : i32 {
          %get3A = arith.index_cast %scan3A_106 : i32 to index
          %get3A_107 = arith.constant 0 : index
          %get3A_108 = tpu.vector_load %arg11[%get3A, %get3A_107] {strides = array<i32>} : memref<64x128xf32, #tpu.memory_space<vmem>>, vector<1x16xf32>,
          %get3A_109 = vector.shape_cast %get3A_108 : vector<1x16xf32> to vector<16xf32>
          %get3A_110 = arith.index_cast %scan3A_106 : i32 to index
          %get3A_111 = arith.constant 0 : index
          %get3A_112 = tpu.vector_load %arg13[%get3A_110, %get3A_111] {strides = array<i32>} : memref<64x128xf32, #tpu.memory_space<vmem>>, vector<1x16xf32>,
          %get3A_113 = vector.shape_cast %get3A_112 : vector<1x16xf32> to vector<16xf32>
          %add3A_114 = arith.addf %get3A_109, %get3A_113 : vector<16xf32>
          %neg3A = arith.constant 0.000000e+00 : f32
          %neg3A_115 = vector.broadcast %neg3A : f32 to vector<16xf32>
          %neg3A_116 = arith.subf %neg3A_115, %add3A_114 : vector<16xf32>
          %exp3A = math.exp %neg3A_116 : vector<16xf32>
          %add3A_117 = arith.constant 1.000000e+00 : f32
          %add3A_118 = vector.broadcast %add3A_117 : f32 to vector<16xf32>
          %add3A_119 = arith.addf %add3A_118, %exp3A : vector<16xf32>
          %div3A = arith.divf %add3A_114, %add3A_119 : vector<16xf32>
          %swap3A = arith.index_cast %scan3A_106 : i32 to index
          %swap3A_120 = arith.constant 0 : index
          %swap3A_121 = tpu.vector_load %arg11[%swap3A, %swap3A_120] {strides = array<i32>} : memref<64x128xf32, #tpu.memory_space<vmem>>, vector<1x16xf32>,
          %swap3A_122 = vector.shape_cast %swap3A_121 : vector<1x16xf32> to vector<16xf32>
          %swap3A_123 = vector.shape_cast %div3A : vector<16xf32> to vector<1x16xf32>
          tpu.vector_store %arg11[%swap3A, %swap3A_120], %swap3A_123 {strides = array<i32>} : memref<64x128xf32, #tpu.memory_space<vmem>>, vector<1x16xf32>,
          %get3A_124 = arith.index_cast %scan3A_106 : i32 to index
          %get3A_125 = arith.constant 16 : index
          %get3A_126 = tpu.vector_load %arg11[%get3A_124, %get3A_125] {strides = array<i32>} : memref<64x128xf32, #tpu.memory_space<vmem>>, vector<1x16xf32>,
          %get3A_127 = vector.shape_cast %get3A_126 : vector<1x16xf32> to vector<16xf32>
          %get3A_128 = arith.index_cast %scan3A_106 : i32 to index
          %get3A_129 = arith.constant 16 : index
          %get3A_130 = tpu.vector_load %arg13[%get3A_128, %get3A_129] {strides = array<i32>} : memref<64x128xf32, #tpu.memory_space<vmem>>, vector<1x16xf32>,
          %get3A_131 = vector.shape_cast %get3A_130 : vector<1x16xf32> to vector<16xf32>
          %add3A_132 = arith.addf %get3A_127, %get3A_131 : vector<16xf32>
          %neg3A_133 = arith.constant 0.000000e+00 : f32
          %neg3A_134 = vector.broadcast %neg3A_133 : f32 to vector<16xf32>
          %neg3A_135 = arith.subf %neg3A_134, %add3A_132 : vector<16xf32>
          %exp3A_136 = math.exp %neg3A_135 : vector<16xf32>
          %add3A_137 = arith.constant 1.000000e+00 : f32
          %add3A_138 = vector.broadcast %add3A_137 : f32 to vector<16xf32>
          %add3A_139 = arith.addf %add3A_138, %exp3A_136 : vector<16xf32>
          %div3A_140 = arith.divf %add3A_132, %add3A_139 : vector<16xf32>
          %swap3A_141 = arith.index_cast %scan3A_106 : i32 to index
          %swap3A_142 = arith.constant 16 : index
          %swap3A_143 = tpu.vector_load %arg11[%swap3A_141, %swap3A_142] {strides = array<i32>} : memref<64x128xf32, #tpu.memory_space<vmem>>, vector<1x16xf32>,
          %swap3A_144 = vector.shape_cast %swap3A_143 : vector<1x16xf32> to vector<16xf32>
          %swap3A_145 = vector.shape_cast %div3A_140 : vector<16xf32> to vector<1x16xf32>
          tpu.vector_store %arg11[%swap3A_141, %swap3A_142], %swap3A_145 {strides = array<i32>} : memref<64x128xf32, #tpu.memory_space<vmem>>, vector<1x16xf32>,
          %get3A_146 = arith.index_cast %scan3A_106 : i32 to index
          %get3A_147 = arith.constant 32 : index
          %get3A_148 = tpu.vector_load %arg11[%get3A_146, %get3A_147] {strides = array<i32>} : memref<64x128xf32, #tpu.memory_space<vmem>>, vector<1x16xf32>,
          %get3A_149 = vector.shape_cast %get3A_148 : vector<1x16xf32> to vector<16xf32>
          %get3A_150 = arith.index_cast %scan3A_106 : i32 to index
          %get3A_151 = arith.constant 32 : index
          %get3A_152 = tpu.vector_load %arg13[%get3A_150, %get3A_151] {strides = array<i32>} : memref<64x128xf32, #tpu.memory_space<vmem>>, vector<1x16xf32>,
          %get3A_153 = vector.shape_cast %get3A_152 : vector<1x16xf32> to vector<16xf32>
          %add3A_154 = arith.addf %get3A_149, %get3A_153 : vector<16xf32>
          %neg3A_155 = arith.constant 0.000000e+00 : f32
          %neg3A_156 = vector.broadcast %neg3A_155 : f32 to vector<16xf32>
          %neg3A_157 = arith.subf %neg3A_156, %add3A_154 : vector<16xf32>
          %exp3A_158 = math.exp %neg3A_157 : vector<16xf32>
          %add3A_159 = arith.constant 1.000000e+00 : f32
          %add3A_160 = vector.broadcast %add3A_159 : f32 to vector<16xf32>
          %add3A_161 = arith.addf %add3A_160, %exp3A_158 : vector<16xf32>
          %div3A_162 = arith.divf %add3A_154, %add3A_161 : vector<16xf32>
          %swap3A_163 = arith.index_cast %scan3A_106 : i32 to index
          %swap3A_164 = arith.constant 32 : index
          %swap3A_165 = tpu.vector_load %arg11[%swap3A_163, %swap3A_164] {strides = array<i32>} : memref<64x128xf32, #tpu.memory_space<vmem>>, vector<1x16xf32>,
          %swap3A_166 = vector.shape_cast %swap3A_165 : vector<1x16xf32> to vector<16xf32>
          %swap3A_167 = vector.shape_cast %div3A_162 : vector<16xf32> to vector<1x16xf32>
          tpu.vector_store %arg11[%swap3A_163, %swap3A_164], %swap3A_167 {strides = array<i32>} : memref<64x128xf32, #tpu.memory_space<vmem>>, vector<1x16xf32>,
          %get3A_168 = arith.index_cast %scan3A_106 : i32 to index
          %get3A_169 = arith.constant 48 : index
          %get3A_170 = tpu.vector_load %arg11[%get3A_168, %get3A_169] {strides = array<i32>} : memref<64x128xf32, #tpu.memory_space<vmem>>, vector<1x16xf32>,
          %get3A_171 = vector.shape_cast %get3A_170 : vector<1x16xf32> to vector<16xf32>
          %get3A_172 = arith.index_cast %scan3A_106 : i32 to index
          %get3A_173 = arith.constant 48 : index
          %get3A_174 = tpu.vector_load %arg13[%get3A_172, %get3A_173] {strides = array<i32>} : memref<64x128xf32, #tpu.memory_space<vmem>>, vector<1x16xf32>,
          %get3A_175 = vector.shape_cast %get3A_174 : vector<1x16xf32> to vector<16xf32>
          %add3A_176 = arith.addf %get3A_171, %get3A_175 : vector<16xf32>
          %neg3A_177 = arith.constant 0.000000e+00 : f32
          %neg3A_178 = vector.broadcast %neg3A_177 : f32 to vector<16xf32>
          %neg3A_179 = arith.subf %neg3A_178, %add3A_176 : vector<16xf32>
          %exp3A_180 = math.exp %neg3A_179 : vector<16xf32>
          %add3A_181 = arith.constant 1.000000e+00 : f32
          %add3A_182 = vector.broadcast %add3A_181 : f32 to vector<16xf32>
          %add3A_183 = arith.addf %add3A_182, %exp3A_180 : vector<16xf32>
          %div3A_184 = arith.divf %add3A_176, %add3A_183 : vector<16xf32>
          %swap3A_185 = arith.index_cast %scan3A_106 : i32 to index
          %swap3A_186 = arith.constant 48 : index
          %swap3A_187 = tpu.vector_load %arg11[%swap3A_185, %swap3A_186] {strides = array<i32>} : memref<64x128xf32, #tpu.memory_space<vmem>>, vector<1x16xf32>,
          %swap3A_188 = vector.shape_cast %swap3A_187 : vector<1x16xf32> to vector<16xf32>
          %swap3A_189 = vector.shape_cast %div3A_184 : vector<16xf32> to vector<1x16xf32>
          tpu.vector_store %arg11[%swap3A_185, %swap3A_186], %swap3A_189 {strides = array<i32>} : memref<64x128xf32, #tpu.memory_space<vmem>>, vector<1x16xf32>,
          %get3A_190 = arith.index_cast %scan3A_106 : i32 to index
          %get3A_191 = arith.constant 64 : index
          %get3A_192 = tpu.vector_load %arg11[%get3A_190, %get3A_191] {strides = array<i32>} : memref<64x128xf32, #tpu.memory_space<vmem>>, vector<1x16xf32>,
          %get3A_193 = vector.shape_cast %get3A_192 : vector<1x16xf32> to vector<16xf32>
          %get3A_194 = arith.index_cast %scan3A_106 : i32 to index
          %get3A_195 = arith.constant 64 : index
          %get3A_196 = tpu.vector_load %arg13[%get3A_194, %get3A_195] {strides = array<i32>} : memref<64x128xf32, #tpu.memory_space<vmem>>, vector<1x16xf32>,
          %get3A_197 = vector.shape_cast %get3A_196 : vector<1x16xf32> to vector<16xf32>
          %add3A_198 = arith.addf %get3A_193, %get3A_197 : vector<16xf32>
          %neg3A_199 = arith.constant 0.000000e+00 : f32
          %neg3A_200 = vector.broadcast %neg3A_199 : f32 to vector<16xf32>
          %neg3A_201 = arith.subf %neg3A_200, %add3A_198 : vector<16xf32>
          %exp3A_202 = math.exp %neg3A_201 : vector<16xf32>
          %add3A_203 = arith.constant 1.000000e+00 : f32
          %add3A_204 = vector.broadcast %add3A_203 : f32 to vector<16xf32>
          %add3A_205 = arith.addf %add3A_204, %exp3A_202 : vector<16xf32>
          %div3A_206 = arith.divf %add3A_198, %add3A_205 : vector<16xf32>
          %swap3A_207 = arith.index_cast %scan3A_106 : i32 to index
          %swap3A_208 = arith.constant 64 : index
          %swap3A_209 = tpu.vector_load %arg11[%swap3A_207, %swap3A_208] {strides = array<i32>} : memref<64x128xf32, #tpu.memory_space<vmem>>, vector<1x16xf32>,
          %swap3A_210 = vector.shape_cast %swap3A_209 : vector<1x16xf32> to vector<16xf32>
          %swap3A_211 = vector.shape_cast %div3A_206 : vector<16xf32> to vector<1x16xf32>
          tpu.vector_store %arg11[%swap3A_207, %swap3A_208], %swap3A_211 {strides = array<i32>} : memref<64x128xf32, #tpu.memory_space<vmem>>, vector<1x16xf32>,
          %get3A_212 = arith.index_cast %scan3A_106 : i32 to index
          %get3A_213 = arith.constant 80 : index
          %get3A_214 = tpu.vector_load %arg11[%get3A_212, %get3A_213] {strides = array<i32>} : memref<64x128xf32, #tpu.memory_space<vmem>>, vector<1x16xf32>,
          %get3A_215 = vector.shape_cast %get3A_214 : vector<1x16xf32> to vector<16xf32>
          %get3A_216 = arith.index_cast %scan3A_106 : i32 to index
          %get3A_217 = arith.constant 80 : index
          %get3A_218 = tpu.vector_load %arg13[%get3A_216, %get3A_217] {strides = array<i32>} : memref<64x128xf32, #tpu.memory_space<vmem>>, vector<1x16xf32>,
          %get3A_219 = vector.shape_cast %get3A_218 : vector<1x16xf32> to vector<16xf32>
          %add3A_220 = arith.addf %get3A_215, %get3A_219 : vector<16xf32>
          %neg3A_221 = arith.constant 0.000000e+00 : f32
          %neg3A_222 = vector.broadcast %neg3A_221 : f32 to vector<16xf32>
          %neg3A_223 = arith.subf %neg3A_222, %add3A_220 : vector<16xf32>
          %exp3A_224 = math.exp %neg3A_223 : vector<16xf32>
          %add3A_225 = arith.constant 1.000000e+00 : f32
          %add3A_226 = vector.broadcast %add3A_225 : f32 to vector<16xf32>
          %add3A_227 = arith.addf %add3A_226, %exp3A_224 : vector<16xf32>
          %div3A_228 = arith.divf %add3A_220, %add3A_227 : vector<16xf32>
          %swap3A_229 = arith.index_cast %scan3A_106 : i32 to index
          %swap3A_230 = arith.constant 80 : index
          %swap3A_231 = tpu.vector_load %arg11[%swap3A_229, %swap3A_230] {strides = array<i32>} : memref<64x128xf32, #tpu.memory_space<vmem>>, vector<1x16xf32>,
          %swap3A_232 = vector.shape_cast %swap3A_231 : vector<1x16xf32> to vector<16xf32>
          %swap3A_233 = vector.shape_cast %div3A_228 : vector<16xf32> to vector<1x16xf32>
          tpu.vector_store %arg11[%swap3A_229, %swap3A_230], %swap3A_233 {strides = array<i32>} : memref<64x128xf32, #tpu.memory_space<vmem>>, vector<1x16xf32>,
          %get3A_234 = arith.index_cast %scan3A_106 : i32 to index
          %get3A_235 = arith.constant 96 : index
          %get3A_236 = tpu.vector_load %arg11[%get3A_234, %get3A_235] {strides = array<i32>} : memref<64x128xf32, #tpu.memory_space<vmem>>, vector<1x16xf32>,
          %get3A_237 = vector.shape_cast %get3A_236 : vector<1x16xf32> to vector<16xf32>
          %get3A_238 = arith.index_cast %scan3A_106 : i32 to index
          %get3A_239 = arith.constant 96 : index
          %get3A_240 = tpu.vector_load %arg13[%get3A_238, %get3A_239] {strides = array<i32>} : memref<64x128xf32, #tpu.memory_space<vmem>>, vector<1x16xf32>,
          %get3A_241 = vector.shape_cast %get3A_240 : vector<1x16xf32> to vector<16xf32>
          %add3A_242 = arith.addf %get3A_237, %get3A_241 : vector<16xf32>
          %neg3A_243 = arith.constant 0.000000e+00 : f32
          %neg3A_244 = vector.broadcast %neg3A_243 : f32 to vector<16xf32>
          %neg3A_245 = arith.subf %neg3A_244, %add3A_242 : vector<16xf32>
          %exp3A_246 = math.exp %neg3A_245 : vector<16xf32>
          %add3A_247 = arith.constant 1.000000e+00 : f32
          %add3A_248 = vector.broadcast %add3A_247 : f32 to vector<16xf32>
          %add3A_249 = arith.addf %add3A_248, %exp3A_246 : vector<16xf32>
          %div3A_250 = arith.divf %add3A_242, %add3A_249 : vector<16xf32>
          %swap3A_251 = arith.index_cast %scan3A_106 : i32 to index
          %swap3A_252 = arith.constant 96 : index
          %swap3A_253 = tpu.vector_load %arg11[%swap3A_251, %swap3A_252] {strides = array<i32>} : memref<64x128xf32, #tpu.memory_space<vmem>>, vector<1x16xf32>,
          %swap3A_254 = vector.shape_cast %swap3A_253 : vector<1x16xf32> to vector<16xf32>
          %swap3A_255 = vector.shape_cast %div3A_250 : vector<16xf32> to vector<1x16xf32>
          tpu.vector_store %arg11[%swap3A_251, %swap3A_252], %swap3A_255 {strides = array<i32>} : memref<64x128xf32, #tpu.memory_space<vmem>>, vector<1x16xf32>,
          %get3A_256 = arith.index_cast %scan3A_106 : i32 to index
          %get3A_257 = arith.constant 112 : index
          %get3A_258 = tpu.vector_load %arg11[%get3A_256, %get3A_257] {strides = array<i32>} : memref<64x128xf32, #tpu.memory_space<vmem>>, vector<1x16xf32>,
          %get3A_259 = vector.shape_cast %get3A_258 : vector<1x16xf32> to vector<16xf32>
          %get3A_260 = arith.index_cast %scan3A_106 : i32 to index
          %get3A_261 = arith.constant 112 : index
          %get3A_262 = tpu.vector_load %arg13[%get3A_260, %get3A_261] {strides = array<i32>} : memref<64x128xf32, #tpu.memory_space<vmem>>, vector<1x16xf32>,
          %get3A_263 = vector.shape_cast %get3A_262 : vector<1x16xf32> to vector<16xf32>
          %add3A_264 = arith.addf %get3A_259, %get3A_263 : vector<16xf32>
          %neg3A_265 = arith.constant 0.000000e+00 : f32
          %neg3A_266 = vector.broadcast %neg3A_265 : f32 to vector<16xf32>
          %neg3A_267 = arith.subf %neg3A_266, %add3A_264 : vector<16xf32>
          %exp3A_268 = math.exp %neg3A_267 : vector<16xf32>
          %add3A_269 = arith.constant 1.000000e+00 : f32
          %add3A_270 = vector.broadcast %add3A_269 : f32 to vector<16xf32>
          %add3A_271 = arith.addf %add3A_270, %exp3A_268 : vector<16xf32>
          %div3A_272 = arith.divf %add3A_264, %add3A_271 : vector<16xf32>
          %swap3A_273 = arith.index_cast %scan3A_106 : i32 to index
          %swap3A_274 = arith.constant 112 : index
          %swap3A_275 = tpu.vector_load %arg11[%swap3A_273, %swap3A_274] {strides = array<i32>} : memref<64x128xf32, #tpu.memory_space<vmem>>, vector<1x16xf32>,
          %swap3A_276 = vector.shape_cast %swap3A_275 : vector<1x16xf32> to vector<16xf32>
          %swap3A_277 = vector.shape_cast %div3A_272 : vector<16xf32> to vector<1x16xf32>
          tpu.vector_store %arg11[%swap3A_273, %swap3A_274], %swap3A_277 {strides = array<i32>} : memref<64x128xf32, #tpu.memory_space<vmem>>, vector<1x16xf32>,
        }
        %scan3A_105 = arith.constant 64 : i32
        "tpu.region"() ({
          %run_scoped3A = tpu.sem_alloc : memref<!tpu.dma_semaphore, #tpu.memory_space<semaphore_mem>>
          %dma_start3A_106 = arith.constant 0 : i32
          %dma_start3A_107 = tpu.memref_slice %arg9[%add3A_77, %dma_start3A_106] : memref<32x64xi32, #tpu.memory_space<vmem>> -> memref<1x64xi32, #tpu.memory_space<vmem>>
          %dma_start3A_108 = tpu.memref_squeeze %dma_start3A_107 : memref<1x64xi32, #tpu.memory_space<vmem>> -> memref<64xi32, #tpu.memory_space<vmem>>
          %dma_start3A_109 = arith.constant 0 : i32
          %dma_start3A_110 = arith.constant 0 : i32
          %dma_start3A_111 = tpu.memref_slice %arg14[%dma_start3A_109, %dma_start3A_110] : memref<10240x128xf32, #tpu.memory_space<vmem_shared>> -> memref<10240x128xf32, #tpu.memory_space<vmem_shared>>
          tpu.enqueue_indirect_dma source(%arg11 : memref<64x128xf32, #tpu.memory_space<vmem>>) target(%dma_start3A_111 : memref<10240x128xf32, #tpu.memory_space<vmem_shared>>) offsets(%dma_start3A_108 : memref<64xi32, #tpu.memory_space<vmem>>) semaphore(%run_scoped3A : memref<!tpu.dma_semaphore, #tpu.memory_space<semaphore_mem>>) {add = true}
          %dma_wait3A_112 = arith.constant 0 : i32
          %dma_wait3A_113 = tpu.memref_slice %arg9[%add3A_77, %dma_wait3A_112] : memref<32x64xi32, #tpu.memory_space<vmem>> -> memref<1x64xi32, #tpu.memory_space<vmem>>
          %dma_wait3A_114 = tpu.memref_squeeze %dma_wait3A_113 : memref<1x64xi32, #tpu.memory_space<vmem>> -> memref<64xi32, #tpu.memory_space<vmem>>
          %dma_wait3A_115 = arith.constant 0 : i32
          %dma_wait3A_116 = arith.constant 0 : i32
          %dma_wait3A_117 = tpu.memref_slice %arg14[%dma_wait3A_115, %dma_wait3A_116] : memref<10240x128xf32, #tpu.memory_space<vmem_shared>> -> memref<10240x128xf32, #tpu.memory_space<vmem_shared>>
          tpu.wait_indirect_dma semaphore(%run_scoped3A : memref<!tpu.dma_semaphore, #tpu.memory_space<semaphore_mem>>) src(%arg11 : memref<64x128xf32, #tpu.memory_space<vmem>>) dst(%dma_wait3A_117 : memref<10240x128xf32, #tpu.memory_space<vmem_shared>>)
          tpu.yield
        }) : () -> ()
      }
      %scan3A_44 = arith.constant 16 : i32
    }
    %scan3A_7 = arith.constant 5 : i32
    %barrier3A_8 = arith.constant 0 : index
    tpu.barrier barrier_id(%barrier3A_8)
    %mul3A_9 = arith.constant 640 : i32
    %mul3A_10 = arith.muli %arg1, %mul3A_9 : i32
    %mul3A_11 = arith.constant 640 : i32
    %mul3A_12 = arith.muli %arg1, %mul3A_11 : i32
    "tpu.region"() ({
      %run_scoped3A = tpu.sem_alloc : memref<!tpu.dma_semaphore, #tpu.memory_space<semaphore_mem>>
      %dma_start3A = arith.constant 0 : i32
      %dma_start3A_13 = tpu.memref_slice %arg7[%arg0, %mul3A_12, %dma_start3A] : memref<2x10240x128xf32, #tpu.memory_space<hbm>> -> memref<1x640x128xf32, #tpu.memory_space<hbm>>
      %dma_start3A_14 = tpu.memref_squeeze %dma_start3A_13 : memref<1x640x128xf32, #tpu.memory_space<hbm>> -> memref<640x128xf32, #tpu.memory_space<hbm>>
      %dma_start3A_15 = arith.constant 0 : i32
      %dma_start3A_16 = tpu.memref_slice %arg14[%mul3A_10, %dma_start3A_15] : memref<10240x128xf32, #tpu.memory_space<vmem_shared>> -> memref<640x128xf32, #tpu.memory_space<vmem_shared>>
      tpu.enqueue_dma source(%dma_start3A_16 : memref<640x128xf32, #tpu.memory_space<vmem_shared>>) target(%dma_start3A_14 : memref<640x128xf32, #tpu.memory_space<hbm>>) target_semaphore(%run_scoped3A : memref<!tpu.dma_semaphore, #tpu.memory_space<semaphore_mem>>)
      %dma_wait3A = arith.constant 0 : i32
      %dma_wait3A_17 = tpu.memref_slice %arg7[%arg0, %mul3A_12, %dma_wait3A] : memref<2x10240x128xf32, #tpu.memory_space<hbm>> -> memref<1x640x128xf32, #tpu.memory_space<hbm>>
      %dma_wait3A_18 = tpu.memref_squeeze %dma_wait3A_17 : memref<1x640x128xf32, #tpu.memory_space<hbm>> -> memref<640x128xf32, #tpu.memory_space<hbm>>
      %dma_wait3A_19 = arith.constant 0 : i32
      %dma_wait3A_20 = tpu.memref_slice %arg14[%mul3A_10, %dma_wait3A_19] : memref<10240x128xf32, #tpu.memory_space<vmem_shared>> -> memref<640x128xf32, #tpu.memory_space<vmem_shared>>
      tpu.wait_dma2 semaphore(%run_scoped3A : memref<!tpu.dma_semaphore, #tpu.memory_space<semaphore_mem>>) src(%dma_wait3A_20 : memref<640x128xf32, #tpu.memory_space<vmem_shared>>) dst(%dma_wait3A_18 : memref<640x128xf32, #tpu.memory_space<hbm>>)
      tpu.yield
    }) : () -> ()
    return
  }
}

module attributes {stable_mosaic.version = 14 : i64} {
  func.func @_eproj_body(%arg0: i32, %arg1: memref<4096x16xf32, #tpu.memory_space<vmem>>, %arg2: memref<16x128xf32, #tpu.memory_space<vmem>>, %arg3: memref<64x64x128xf32, #tpu.memory_space<vmem>>) attributes {dimension_semantics = [#tpu.dimension_semantics<arbitrary>], iteration_bounds = array<i64: 80>, scalar_prefetch = 0 : i64, scratch_operands = 0 : i64, tpu.core_type = #tpu.core_type<tc>, window_params = [{transform_indices = @transform_0, window_bounds = array<i64: 4096, 16>}, {pipeline_mode = #tpu.pipeline_mode<synchronous>, transform_indices = @transform_1, window_bounds = array<i64: 16, 128>}, {transform_indices = @transform_2, window_bounds = array<i64: 64, 64, 128>}]} {
    %get3A = arith.constant 0 : index
    %get3A_0 = arith.constant 0 : index
    %get3A_1 = vector.load %arg1[%get3A, %get3A_0] : memref<4096x16xf32, #tpu.memory_space<vmem>>, vector<4096x16xf32>
    %get3A_2 = arith.constant 0 : index
    %get3A_3 = arith.constant 0 : index
    %get3A_4 = vector.load %arg2[%get3A_2, %get3A_3] : memref<16x128xf32, #tpu.memory_space<vmem>>, vector<16x128xf32>
    %dot_general3A = arith.constant dense<0.000000e+00> : vector<4096x128xf32>
    %dot_general3A_5 = tpu.matmul %get3A_1, %get3A_4, %dot_general3A {dimension_numbers = #tpu.dot_dimension_numbers<[1], [0], [0], [1], [0, 0, 1, 1], [], []>, transpose_lhs_hint = false} : vector<4096x16xf32>, vector<16x128xf32>, vector<4096x128xf32> -> vector<4096x128xf32>
    %reshape3A = vector.shape_cast %dot_general3A_5 : vector<4096x128xf32> to vector<64x64x128xf32>
    %swap3A = arith.constant 0 : index
    %swap3A_6 = arith.constant 0 : index
    %swap3A_7 = arith.constant 0 : index
    %swap3A_8 = vector.load %arg3[%swap3A, %swap3A_6, %swap3A_7] : memref<64x64x128xf32, #tpu.memory_space<vmem>>, vector<64x64x128xf32>
    tpu.vector_store %arg3[%swap3A, %swap3A_6, %swap3A_7], %reshape3A {strides = array<i32>} : memref<64x64x128xf32, #tpu.memory_space<vmem>>, vector<64x64x128xf32>,
    return
  }
  func.func @transform_0(%arg0: i32) -> (i32, i32) {
    %c0_i32 = arith.constant 0 : i32
    %c0_i32_0 = arith.constant 0 : i32
    return %arg0, %c0_i32 : i32, i32
  }
  func.func @transform_1(%arg0: i32) -> (i32, i32) {
    %c0_i32 = arith.constant 0 : i32
    %c0_i32_0 = arith.constant 0 : i32
    %c0_i32_1 = arith.constant 0 : i32
    return %c0_i32, %c0_i32_0 : i32, i32
  }
  func.func @transform_2(%arg0: i32) -> (i32, i32, i32) {
    %c0_i32 = arith.constant 0 : i32
    %c0_i32_0 = arith.constant 0 : i32
    %c0_i32_1 = arith.constant 0 : i32
    return %arg0, %c0_i32, %c0_i32_0 : i32, i32, i32
  }
}

module attributes {stable_mosaic.version = 14 : i64} {
  func.func @_attn_body(%arg0: i32, %arg1: memref<1000x128xf32, #tpu.memory_space<vmem>>, %arg2: memref<1x1x1000xi32, #tpu.memory_space<vmem>>, %arg3: memref<1x1x512xi32, #tpu.memory_space<vmem>>, %arg4: memref<512x128xf32, #tpu.memory_space<vmem>>, %arg5: memref<512x128xf32, #tpu.memory_space<vmem>>, %arg6: memref<128x128xf32, #tpu.memory_space<vmem>>, %arg7: memref<128x128xf32, #tpu.memory_space<vmem>>, %arg8: memref<128x128xf32, #tpu.memory_space<vmem>>, %arg9: memref<128x128xf32, #tpu.memory_space<vmem>>, %arg10: memref<1000x128xf32, #tpu.memory_space<vmem>>, %arg11: memref<1000x128xf32, #tpu.memory_space<vmem>>) attributes {dimension_semantics = [#tpu.dimension_semantics<arbitrary>], iteration_bounds = array<i64: 10>, scalar_prefetch = 0 : i64, scratch_operands = 0 : i64, tpu.core_type = #tpu.core_type<tc>, window_params = [{transform_indices = @transform_0, window_bounds = array<i64: 1000, 128>}, {transform_indices = @transform_1, window_bounds = array<i64: 1, 1, 1000>}, {pipeline_mode = #tpu.pipeline_mode<synchronous>, transform_indices = @transform_2, window_bounds = array<i64: 1, 1, 512>}, {pipeline_mode = #tpu.pipeline_mode<synchronous>, transform_indices = @transform_3, window_bounds = array<i64: 512, 128>}, {pipeline_mode = #tpu.pipeline_mode<synchronous>, transform_indices = @transform_4, window_bounds = array<i64: 512, 128>}, {pipeline_mode = #tpu.pipeline_mode<synchronous>, transform_indices = @transform_5, window_bounds = array<i64: 128, 128>}, {pipeline_mode = #tpu.pipeline_mode<synchronous>, transform_indices = @transform_6, window_bounds = array<i64: 128, 128>}, {pipeline_mode = #tpu.pipeline_mode<synchronous>, transform_indices = @transform_7, window_bounds = array<i64: 128, 128>}, {pipeline_mode = #tpu.pipeline_mode<synchronous>, transform_indices = @transform_8, window_bounds = array<i64: 128, 128>}, {transform_indices = @transform_9, window_bounds = array<i64: 1000, 128>}, {transform_indices = @transform_10, window_bounds = array<i64: 1000, 128>}]} {
    %get3A = arith.constant 0 : index
    %get3A_0 = arith.constant 0 : index
    %get3A_1 = vector.load %arg1[%get3A, %get3A_0] : memref<1000x128xf32, #tpu.memory_space<vmem>>, vector<1000x128xf32>
    %get3A_2 = arith.constant 0 : index
    %get3A_3 = arith.constant 0 : index
    %get3A_4 = vector.load %arg6[%get3A_2, %get3A_3] : memref<128x128xf32, #tpu.memory_space<vmem>>, vector<128x128xf32>
    %dot_general3A = arith.constant dense<0.000000e+00> : vector<1000x128xf32>
    %dot_general3A_5 = tpu.matmul %get3A_1, %get3A_4, %dot_general3A {dimension_numbers = #tpu.dot_dimension_numbers<[1], [0], [0], [1], [0, 0, 1, 1], [], []>, transpose_lhs_hint = false} : vector<1000x128xf32>, vector<128x128xf32>, vector<1000x128xf32> -> vector<1000x128xf32>
    %get3A_6 = arith.constant 0 : index
    %get3A_7 = arith.constant 0 : index
    %get3A_8 = vector.load %arg4[%get3A_6, %get3A_7] : memref<512x128xf32, #tpu.memory_space<vmem>>, vector<512x128xf32>
    %get3A_9 = arith.constant 0 : index
    %get3A_10 = arith.constant 0 : index
    %get3A_11 = vector.load %arg7[%get3A_9, %get3A_10] : memref<128x128xf32, #tpu.memory_space<vmem>>, vector<128x128xf32>
    %dot_general3A_12 = arith.constant dense<0.000000e+00> : vector<512x128xf32>
    %dot_general3A_13 = tpu.matmul %get3A_8, %get3A_11, %dot_general3A_12 {dimension_numbers = #tpu.dot_dimension_numbers<[1], [0], [0], [1], [0, 0, 1, 1], [], []>, transpose_lhs_hint = false} : vector<512x128xf32>, vector<128x128xf32>, vector<512x128xf32> -> vector<512x128xf32>
    %get3A_14 = arith.constant 0 : index
    %get3A_15 = arith.constant 0 : index
    %get3A_16 = vector.load %arg5[%get3A_14, %get3A_15] : memref<512x128xf32, #tpu.memory_space<vmem>>, vector<512x128xf32>
    %get3A_17 = arith.constant 0 : index
    %get3A_18 = arith.constant 0 : index
    %get3A_19 = vector.load %arg8[%get3A_17, %get3A_18] : memref<128x128xf32, #tpu.memory_space<vmem>>, vector<128x128xf32>
    %dot_general3A_20 = arith.constant dense<0.000000e+00> : vector<512x128xf32>
    %dot_general3A_21 = tpu.matmul %get3A_16, %get3A_19, %dot_general3A_20 {dimension_numbers = #tpu.dot_dimension_numbers<[1], [0], [0], [1], [0, 0, 1, 1], [], []>, transpose_lhs_hint = false} : vector<512x128xf32>, vector<128x128xf32>, vector<512x128xf32> -> vector<512x128xf32>
    %get3A_22 = arith.constant 0 : index
    %get3A_23 = arith.constant 0 : index
    %get3A_24 = arith.constant 0 : index
    %get3A_25 = vector.load %arg2[%get3A_22, %get3A_23, %get3A_24] : memref<1x1x1000xi32, #tpu.memory_space<vmem>>, vector<1x1x1000xi32>
    %get3A_26 = vector.shape_cast %get3A_25 : vector<1x1x1000xi32> to vector<1000xi32>
    %get3A_27 = arith.constant 0 : index
    %get3A_28 = arith.constant 0 : index
    %get3A_29 = arith.constant 0 : index
    %get3A_30 = vector.load %arg3[%get3A_27, %get3A_28, %get3A_29] : memref<1x1x512xi32, #tpu.memory_space<vmem>>, vector<1x1x512xi32>
    %get3A_31 = vector.shape_cast %get3A_30 : vector<1x1x512xi32> to vector<512xi32>
    %broadcast_in_dim3A = vector.shape_cast %get3A_26 : vector<1000xi32> to vector<1000x1xi32>
    %broadcast_in_dim3A_32 = vector.shape_cast %get3A_31 : vector<512xi32> to vector<1x512xi32>
    %eq3A = vector.broadcast %broadcast_in_dim3A : vector<1000x1xi32> to vector<1000x512xi32>
    %eq3A_33 = vector.broadcast %broadcast_in_dim3A_32 : vector<1x512xi32> to vector<1000x512xi32>
    %eq3A_34 = arith.cmpi eq, %eq3A, %eq3A_33 : vector<1000x512xi32>
    %slice3A = vector.extract_strided_slice %dot_general3A_5 {offsets = [0, 0], sizes = [1000, 32], strides = [1, 1]} : vector<1000x128xf32> to vector<1000x32xf32>
    %slice3A_35 = vector.extract_strided_slice %dot_general3A_13 {offsets = [0, 0], sizes = [512, 32], strides = [1, 1]} : vector<512x128xf32> to vector<512x32xf32>
    %dot_general3A_36 = arith.constant dense<0.000000e+00> : vector<1000x512xf32>
    %dot_general3A_37 = tpu.matmul %slice3A, %slice3A_35, %dot_general3A_36 {dimension_numbers = #tpu.dot_dimension_numbers<[1], [1], [0], [0], [0, 0, 1, 0], [], []>, transpose_lhs_hint = false} : vector<1000x32xf32>, vector<512x32xf32>, vector<1000x512xf32> -> vector<1000x512xf32>
    %mul3A = arith.constant 0.176776692 : f32
    %mul3A_38 = vector.broadcast %mul3A : f32 to vector<1000x512xf32>
    %mul3A_39 = arith.mulf %dot_general3A_37, %mul3A_38 : vector<1000x512xf32>
    %jit3A = arith.constant -1.000000e+09 : f32
    %broadcast_in_dim3A_40 = vector.broadcast %jit3A : f32 to vector<1000x512xf32>
    %select_n3A = arith.select %eq3A_34, %mul3A_39, %broadcast_in_dim3A_40 : vector<1000x512xi1>, vector<1000x512xf32>
    %reduce_max3A = arith.constant dense<0xFF800000> : vector<1000xf32>
    %reduce_max3A_41 = vector.multi_reduction <maximumf>, %select_n3A, %reduce_max3A [1] : vector<1000x512xf32> to vector<1000xf32>
    %broadcast_in_dim3A_42 = vector.shape_cast %reduce_max3A_41 : vector<1000xf32> to vector<1000x1xf32>
    %sub3A = vector.broadcast %broadcast_in_dim3A_42 : vector<1000x1xf32> to vector<1000x512xf32>
    %sub3A_43 = arith.subf %select_n3A, %sub3A : vector<1000x512xf32>
    %exp3A = math.exp %sub3A_43 : vector<1000x512xf32>
    %reduce_sum3A = arith.constant dense<0.000000e+00> : vector<1000xf32>
    %reduce_sum3A_44 = vector.multi_reduction <add>, %exp3A, %reduce_sum3A [1] : vector<1000x512xf32> to vector<1000xf32>
    %broadcast_in_dim3A_45 = vector.shape_cast %reduce_sum3A_44 : vector<1000xf32> to vector<1000x1xf32>
    %div3A = vector.broadcast %broadcast_in_dim3A_45 : vector<1000x1xf32> to vector<1000x512xf32>
    %div3A_46 = arith.divf %exp3A, %div3A : vector<1000x512xf32>
    %slice3A_47 = vector.extract_strided_slice %dot_general3A_21 {offsets = [0, 0], sizes = [512, 32], strides = [1, 1]} : vector<512x128xf32> to vector<512x32xf32>
    %dot_general3A_48 = arith.constant dense<0.000000e+00> : vector<1000x32xf32>
    %dot_general3A_49 = tpu.matmul %div3A_46, %slice3A_47, %dot_general3A_48 {dimension_numbers = #tpu.dot_dimension_numbers<[1], [0], [0], [1], [0, 0, 1, 1], [], []>, transpose_lhs_hint = false} : vector<1000x512xf32>, vector<512x32xf32>, vector<1000x32xf32> -> vector<1000x32xf32>
    %slice3A_50 = vector.extract_strided_slice %dot_general3A_5 {offsets = [0, 32], sizes = [1000, 32], strides = [1, 1]} : vector<1000x128xf32> to vector<1000x32xf32>
    %slice3A_51 = vector.extract_strided_slice %dot_general3A_13 {offsets = [0, 32], sizes = [512, 32], strides = [1, 1]} : vector<512x128xf32> to vector<512x32xf32>
    %dot_general3A_52 = arith.constant dense<0.000000e+00> : vector<1000x512xf32>
    %dot_general3A_53 = tpu.matmul %slice3A_50, %slice3A_51, %dot_general3A_52 {dimension_numbers = #tpu.dot_dimension_numbers<[1], [1], [0], [0], [0, 0, 1, 0], [], []>, transpose_lhs_hint = false} : vector<1000x32xf32>, vector<512x32xf32>, vector<1000x512xf32> -> vector<1000x512xf32>
    %mul3A_54 = arith.constant 0.176776692 : f32
    %mul3A_55 = vector.broadcast %mul3A_54 : f32 to vector<1000x512xf32>
    %mul3A_56 = arith.mulf %dot_general3A_53, %mul3A_55 : vector<1000x512xf32>
    %jit3A_57 = arith.constant -1.000000e+09 : f32
    %broadcast_in_dim3A_58 = vector.broadcast %jit3A_57 : f32 to vector<1000x512xf32>
    %select_n3A_59 = arith.select %eq3A_34, %mul3A_56, %broadcast_in_dim3A_58 : vector<1000x512xi1>, vector<1000x512xf32>
    %reduce_max3A_60 = arith.constant dense<0xFF800000> : vector<1000xf32>
    %reduce_max3A_61 = vector.multi_reduction <maximumf>, %select_n3A_59, %reduce_max3A_60 [1] : vector<1000x512xf32> to vector<1000xf32>
    %broadcast_in_dim3A_62 = vector.shape_cast %reduce_max3A_61 : vector<1000xf32> to vector<1000x1xf32>
    %sub3A_63 = vector.broadcast %broadcast_in_dim3A_62 : vector<1000x1xf32> to vector<1000x512xf32>
    %sub3A_64 = arith.subf %select_n3A_59, %sub3A_63 : vector<1000x512xf32>
    %exp3A_65 = math.exp %sub3A_64 : vector<1000x512xf32>
    %reduce_sum3A_66 = arith.constant dense<0.000000e+00> : vector<1000xf32>
    %reduce_sum3A_67 = vector.multi_reduction <add>, %exp3A_65, %reduce_sum3A_66 [1] : vector<1000x512xf32> to vector<1000xf32>
    %broadcast_in_dim3A_68 = vector.shape_cast %reduce_sum3A_67 : vector<1000xf32> to vector<1000x1xf32>
    %div3A_69 = vector.broadcast %broadcast_in_dim3A_68 : vector<1000x1xf32> to vector<1000x512xf32>
    %div3A_70 = arith.divf %exp3A_65, %div3A_69 : vector<1000x512xf32>
    %slice3A_71 = vector.extract_strided_slice %dot_general3A_21 {offsets = [0, 32], sizes = [512, 32], strides = [1, 1]} : vector<512x128xf32> to vector<512x32xf32>
    %dot_general3A_72 = arith.constant dense<0.000000e+00> : vector<1000x32xf32>
    %dot_general3A_73 = tpu.matmul %div3A_70, %slice3A_71, %dot_general3A_72 {dimension_numbers = #tpu.dot_dimension_numbers<[1], [0], [0], [1], [0, 0, 1, 1], [], []>, transpose_lhs_hint = false} : vector<1000x512xf32>, vector<512x32xf32>, vector<1000x32xf32> -> vector<1000x32xf32>
    %slice3A_74 = vector.extract_strided_slice %dot_general3A_5 {offsets = [0, 64], sizes = [1000, 32], strides = [1, 1]} : vector<1000x128xf32> to vector<1000x32xf32>
    %slice3A_75 = vector.extract_strided_slice %dot_general3A_13 {offsets = [0, 64], sizes = [512, 32], strides = [1, 1]} : vector<512x128xf32> to vector<512x32xf32>
    %dot_general3A_76 = arith.constant dense<0.000000e+00> : vector<1000x512xf32>
    %dot_general3A_77 = tpu.matmul %slice3A_74, %slice3A_75, %dot_general3A_76 {dimension_numbers = #tpu.dot_dimension_numbers<[1], [1], [0], [0], [0, 0, 1, 0], [], []>, transpose_lhs_hint = false} : vector<1000x32xf32>, vector<512x32xf32>, vector<1000x512xf32> -> vector<1000x512xf32>
    %mul3A_78 = arith.constant 0.176776692 : f32
    %mul3A_79 = vector.broadcast %mul3A_78 : f32 to vector<1000x512xf32>
    %mul3A_80 = arith.mulf %dot_general3A_77, %mul3A_79 : vector<1000x512xf32>
    %jit3A_81 = arith.constant -1.000000e+09 : f32
    %broadcast_in_dim3A_82 = vector.broadcast %jit3A_81 : f32 to vector<1000x512xf32>
    %select_n3A_83 = arith.select %eq3A_34, %mul3A_80, %broadcast_in_dim3A_82 : vector<1000x512xi1>, vector<1000x512xf32>
    %reduce_max3A_84 = arith.constant dense<0xFF800000> : vector<1000xf32>
    %reduce_max3A_85 = vector.multi_reduction <maximumf>, %select_n3A_83, %reduce_max3A_84 [1] : vector<1000x512xf32> to vector<1000xf32>
    %broadcast_in_dim3A_86 = vector.shape_cast %reduce_max3A_85 : vector<1000xf32> to vector<1000x1xf32>
    %sub3A_87 = vector.broadcast %broadcast_in_dim3A_86 : vector<1000x1xf32> to vector<1000x512xf32>
    %sub3A_88 = arith.subf %select_n3A_83, %sub3A_87 : vector<1000x512xf32>
    %exp3A_89 = math.exp %sub3A_88 : vector<1000x512xf32>
    %reduce_sum3A_90 = arith.constant dense<0.000000e+00> : vector<1000xf32>
    %reduce_sum3A_91 = vector.multi_reduction <add>, %exp3A_89, %reduce_sum3A_90 [1] : vector<1000x512xf32> to vector<1000xf32>
    %broadcast_in_dim3A_92 = vector.shape_cast %reduce_sum3A_91 : vector<1000xf32> to vector<1000x1xf32>
    %div3A_93 = vector.broadcast %broadcast_in_dim3A_92 : vector<1000x1xf32> to vector<1000x512xf32>
    %div3A_94 = arith.divf %exp3A_89, %div3A_93 : vector<1000x512xf32>
    %slice3A_95 = vector.extract_strided_slice %dot_general3A_21 {offsets = [0, 64], sizes = [512, 32], strides = [1, 1]} : vector<512x128xf32> to vector<512x32xf32>
    %dot_general3A_96 = arith.constant dense<0.000000e+00> : vector<1000x32xf32>
    %dot_general3A_97 = tpu.matmul %div3A_94, %slice3A_95, %dot_general3A_96 {dimension_numbers = #tpu.dot_dimension_numbers<[1], [0], [0], [1], [0, 0, 1, 1], [], []>, transpose_lhs_hint = false} : vector<1000x512xf32>, vector<512x32xf32>, vector<1000x32xf32> -> vector<1000x32xf32>
    %slice3A_98 = vector.extract_strided_slice %dot_general3A_5 {offsets = [0, 96], sizes = [1000, 32], strides = [1, 1]} : vector<1000x128xf32> to vector<1000x32xf32>
    %slice3A_99 = vector.extract_strided_slice %dot_general3A_13 {offsets = [0, 96], sizes = [512, 32], strides = [1, 1]} : vector<512x128xf32> to vector<512x32xf32>
    %dot_general3A_100 = arith.constant dense<0.000000e+00> : vector<1000x512xf32>
    %dot_general3A_101 = tpu.matmul %slice3A_98, %slice3A_99, %dot_general3A_100 {dimension_numbers = #tpu.dot_dimension_numbers<[1], [1], [0], [0], [0, 0, 1, 0], [], []>, transpose_lhs_hint = false} : vector<1000x32xf32>, vector<512x32xf32>, vector<1000x512xf32> -> vector<1000x512xf32>
    %mul3A_102 = arith.constant 0.176776692 : f32
    %mul3A_103 = vector.broadcast %mul3A_102 : f32 to vector<1000x512xf32>
    %mul3A_104 = arith.mulf %dot_general3A_101, %mul3A_103 : vector<1000x512xf32>
    %jit3A_105 = arith.constant -1.000000e+09 : f32
    %broadcast_in_dim3A_106 = vector.broadcast %jit3A_105 : f32 to vector<1000x512xf32>
    %select_n3A_107 = arith.select %eq3A_34, %mul3A_104, %broadcast_in_dim3A_106 : vector<1000x512xi1>, vector<1000x512xf32>
    %reduce_max3A_108 = arith.constant dense<0xFF800000> : vector<1000xf32>
    %reduce_max3A_109 = vector.multi_reduction <maximumf>, %select_n3A_107, %reduce_max3A_108 [1] : vector<1000x512xf32> to vector<1000xf32>
    %broadcast_in_dim3A_110 = vector.shape_cast %reduce_max3A_109 : vector<1000xf32> to vector<1000x1xf32>
    %sub3A_111 = vector.broadcast %broadcast_in_dim3A_110 : vector<1000x1xf32> to vector<1000x512xf32>
    %sub3A_112 = arith.subf %select_n3A_107, %sub3A_111 : vector<1000x512xf32>
    %exp3A_113 = math.exp %sub3A_112 : vector<1000x512xf32>
    %reduce_sum3A_114 = arith.constant dense<0.000000e+00> : vector<1000xf32>
    %reduce_sum3A_115 = vector.multi_reduction <add>, %exp3A_113, %reduce_sum3A_114 [1] : vector<1000x512xf32> to vector<1000xf32>
    %broadcast_in_dim3A_116 = vector.shape_cast %reduce_sum3A_115 : vector<1000xf32> to vector<1000x1xf32>
    %div3A_117 = vector.broadcast %broadcast_in_dim3A_116 : vector<1000x1xf32> to vector<1000x512xf32>
    %div3A_118 = arith.divf %exp3A_113, %div3A_117 : vector<1000x512xf32>
    %slice3A_119 = vector.extract_strided_slice %dot_general3A_21 {offsets = [0, 96], sizes = [512, 32], strides = [1, 1]} : vector<512x128xf32> to vector<512x32xf32>
    %dot_general3A_120 = arith.constant dense<0.000000e+00> : vector<1000x32xf32>
    %dot_general3A_121 = tpu.matmul %div3A_118, %slice3A_119, %dot_general3A_120 {dimension_numbers = #tpu.dot_dimension_numbers<[1], [0], [0], [1], [0, 0, 1, 1], [], []>, transpose_lhs_hint = false} : vector<1000x512xf32>, vector<512x32xf32>, vector<1000x32xf32> -> vector<1000x32xf32>
    %concatenate3A = tpu.concatenate %dot_general3A_49, %dot_general3A_73, %dot_general3A_97, %dot_general3A_121 in 1 : vector<1000x32xf32>, vector<1000x32xf32>, vector<1000x32xf32>, vector<1000x32xf32> -> vector<1000x128xf32>
    %swap3A = arith.constant 0 : index
    %swap3A_122 = arith.constant 0 : index
    %swap3A_123 = vector.load %arg11[%swap3A, %swap3A_122] : memref<1000x128xf32, #tpu.memory_space<vmem>>, vector<1000x128xf32>
    tpu.vector_store %arg11[%swap3A, %swap3A_122], %concatenate3A {strides = array<i32>} : memref<1000x128xf32, #tpu.memory_space<vmem>>, vector<1000x128xf32>,
    %get3A_124 = arith.constant 0 : index
    %get3A_125 = arith.constant 0 : index
    %get3A_126 = vector.load %arg9[%get3A_124, %get3A_125] : memref<128x128xf32, #tpu.memory_space<vmem>>, vector<128x128xf32>
    %dot_general3A_127 = arith.constant dense<0.000000e+00> : vector<1000x128xf32>
    %dot_general3A_128 = tpu.matmul %get3A_1, %get3A_126, %dot_general3A_127 {dimension_numbers = #tpu.dot_dimension_numbers<[1], [0], [0], [1], [0, 0, 1, 1], [], []>, transpose_lhs_hint = false} : vector<1000x128xf32>, vector<128x128xf32>, vector<1000x128xf32> -> vector<1000x128xf32>
    %swap3A_129 = arith.constant 0 : index
    %swap3A_130 = arith.constant 0 : index
    %swap3A_131 = vector.load %arg10[%swap3A_129, %swap3A_130] : memref<1000x128xf32, #tpu.memory_space<vmem>>, vector<1000x128xf32>
    tpu.vector_store %arg10[%swap3A_129, %swap3A_130], %dot_general3A_128 {strides = array<i32>} : memref<1000x128xf32, #tpu.memory_space<vmem>>, vector<1000x128xf32>,
    return
  }
  func.func @transform_0(%arg0: i32) -> (i32, i32) {
    %c0_i32 = arith.constant 0 : i32
    %c0_i32_0 = arith.constant 0 : i32
    return %arg0, %c0_i32 : i32, i32
  }
  func.func @transform_1(%arg0: i32) -> (i32, i32, i32) {
    %c0_i32 = arith.constant 0 : i32
    %c0_i32_0 = arith.constant 0 : i32
    %c0_i32_1 = arith.constant 0 : i32
    return %arg0, %c0_i32, %c0_i32_0 : i32, i32, i32
  }
  func.func @transform_2(%arg0: i32) -> (i32, i32, i32) {
    %c0_i32 = arith.constant 0 : i32
    %c0_i32_0 = arith.constant 0 : i32
    %c0_i32_1 = arith.constant 0 : i32
    %c0_i32_2 = arith.constant 0 : i32
    return %c0_i32, %c0_i32_0, %c0_i32_1 : i32, i32, i32
  }
  func.func @transform_3(%arg0: i32) -> (i32, i32) {
    %c0_i32 = arith.constant 0 : i32
    %c0_i32_0 = arith.constant 0 : i32
    %c0_i32_1 = arith.constant 0 : i32
    return %c0_i32, %c0_i32_0 : i32, i32
  }
  func.func @transform_4(%arg0: i32) -> (i32, i32) {
    %c0_i32 = arith.constant 0 : i32
    %c0_i32_0 = arith.constant 0 : i32
    %c0_i32_1 = arith.constant 0 : i32
    return %c0_i32, %c0_i32_0 : i32, i32
  }
  func.func @transform_5(%arg0: i32) -> (i32, i32) {
    %c0_i32 = arith.constant 0 : i32
    %c0_i32_0 = arith.constant 0 : i32
    %c0_i32_1 = arith.constant 0 : i32
    return %c0_i32, %c0_i32_0 : i32, i32
  }
  func.func @transform_6(%arg0: i32) -> (i32, i32) {
    %c0_i32 = arith.constant 0 : i32
    %c0_i32_0 = arith.constant 0 : i32
    %c0_i32_1 = arith.constant 0 : i32
    return %c0_i32, %c0_i32_0 : i32, i32
  }
  func.func @transform_7(%arg0: i32) -> (i32, i32) {
    %c0_i32 = arith.constant 0 : i32
    %c0_i32_0 = arith.constant 0 : i32
    %c0_i32_1 = arith.constant 0 : i32
    return %c0_i32, %c0_i32_0 : i32, i32
  }
  func.func @transform_8(%arg0: i32) -> (i32, i32) {
    %c0_i32 = arith.constant 0 : i32
    %c0_i32_0 = arith.constant 0 : i32
    %c0_i32_1 = arith.constant 0 : i32
    return %c0_i32, %c0_i32_0 : i32, i32
  }
  func.func @transform_9(%arg0: i32) -> (i32, i32) {
    %c0_i32 = arith.constant 0 : i32
    %c0_i32_0 = arith.constant 0 : i32
    return %arg0, %c0_i32 : i32, i32
  }
  func.func @transform_10(%arg0: i32) -> (i32, i32) {
    %c0_i32 = arith.constant 0 : i32
    %c0_i32_0 = arith.constant 0 : i32
    return %arg0, %c0_i32 : i32, i32
  }
}

module attributes {stable_mosaic.version = 14 : i64} {
  func.func @_comb_body(%arg0: i32, %arg1: memref<1000x128xf32, #tpu.memory_space<vmem>>, %arg2: memref<2x1000x128xf32, #tpu.memory_space<vmem>>, %arg3: memref<1000x128xf32, #tpu.memory_space<vmem>>, %arg4: memref<128x128xf32, #tpu.memory_space<vmem>>, %arg5: memref<1000x128xf32, #tpu.memory_space<vmem>>) attributes {dimension_semantics = [#tpu.dimension_semantics<arbitrary>], iteration_bounds = array<i64: 10>, scalar_prefetch = 0 : i64, scratch_operands = 0 : i64, tpu.core_type = #tpu.core_type<tc>, window_params = [{transform_indices = @transform_0, window_bounds = array<i64: 1000, 128>}, {transform_indices = @transform_1, window_bounds = array<i64: 2, 1000, 128>}, {transform_indices = @transform_2, window_bounds = array<i64: 1000, 128>}, {pipeline_mode = #tpu.pipeline_mode<synchronous>, transform_indices = @transform_3, window_bounds = array<i64: 128, 128>}, {transform_indices = @transform_4, window_bounds = array<i64: 1000, 128>}]} {
    %get3A = arith.constant 0 : index
    %get3A_0 = arith.constant 0 : index
    %get3A_1 = arith.constant 0 : index
    %get3A_2 = vector.load %arg2[%get3A, %get3A_0, %get3A_1] : memref<2x1000x128xf32, #tpu.memory_space<vmem>>, vector<1x1000x128xf32>
    %get3A_3 = vector.shape_cast %get3A_2 : vector<1x1000x128xf32> to vector<1000x128xf32>
    %get3A_4 = arith.constant 1 : index
    %get3A_5 = arith.constant 0 : index
    %get3A_6 = arith.constant 0 : index
    %get3A_7 = vector.load %arg2[%get3A_4, %get3A_5, %get3A_6] : memref<2x1000x128xf32, #tpu.memory_space<vmem>>, vector<1x1000x128xf32>
    %get3A_8 = vector.shape_cast %get3A_7 : vector<1x1000x128xf32> to vector<1000x128xf32>
    %add3A = arith.addf %get3A_3, %get3A_8 : vector<1000x128xf32>
    %get3A_9 = arith.constant 0 : index
    %get3A_10 = arith.constant 0 : index
    %get3A_11 = vector.load %arg3[%get3A_9, %get3A_10] : memref<1000x128xf32, #tpu.memory_space<vmem>>, vector<1000x128xf32>
    %add3A_12 = arith.addf %add3A, %get3A_11 : vector<1000x128xf32>
    %get3A_13 = arith.constant 0 : index
    %get3A_14 = arith.constant 0 : index
    %get3A_15 = vector.load %arg1[%get3A_13, %get3A_14] : memref<1000x128xf32, #tpu.memory_space<vmem>>, vector<1000x128xf32>
    %get3A_16 = arith.constant 0 : index
    %get3A_17 = arith.constant 0 : index
    %get3A_18 = vector.load %arg4[%get3A_16, %get3A_17] : memref<128x128xf32, #tpu.memory_space<vmem>>, vector<128x128xf32>
    %dot_general3A = arith.constant dense<0.000000e+00> : vector<1000x128xf32>
    %dot_general3A_19 = tpu.matmul %add3A_12, %get3A_18, %dot_general3A {dimension_numbers = #tpu.dot_dimension_numbers<[1], [0], [0], [1], [0, 0, 1, 1], [], []>, transpose_lhs_hint = false} : vector<1000x128xf32>, vector<128x128xf32>, vector<1000x128xf32> -> vector<1000x128xf32>
    %add3A_20 = arith.addf %get3A_15, %dot_general3A_19 : vector<1000x128xf32>
    %swap3A = arith.constant 0 : index
    %swap3A_21 = arith.constant 0 : index
    %swap3A_22 = vector.load %arg5[%swap3A, %swap3A_21] : memref<1000x128xf32, #tpu.memory_space<vmem>>, vector<1000x128xf32>
    tpu.vector_store %arg5[%swap3A, %swap3A_21], %add3A_20 {strides = array<i32>} : memref<1000x128xf32, #tpu.memory_space<vmem>>, vector<1000x128xf32>,
    return
  }
  func.func @transform_0(%arg0: i32) -> (i32, i32) {
    %c0_i32 = arith.constant 0 : i32
    %c0_i32_0 = arith.constant 0 : i32
    return %arg0, %c0_i32 : i32, i32
  }
  func.func @transform_1(%arg0: i32) -> (i32, i32, i32) {
    %c0_i32 = arith.constant 0 : i32
    %c0_i32_0 = arith.constant 0 : i32
    %c0_i32_1 = arith.constant 0 : i32
    return %c0_i32, %arg0, %c0_i32_0 : i32, i32, i32
  }
  func.func @transform_2(%arg0: i32) -> (i32, i32) {
    %c0_i32 = arith.constant 0 : i32
    %c0_i32_0 = arith.constant 0 : i32
    return %arg0, %c0_i32 : i32, i32
  }
  func.func @transform_3(%arg0: i32) -> (i32, i32) {
    %c0_i32 = arith.constant 0 : i32
    %c0_i32_0 = arith.constant 0 : i32
    %c0_i32_1 = arith.constant 0 : i32
    return %c0_i32, %c0_i32_0 : i32, i32
  }
  func.func @transform_4(%arg0: i32) -> (i32, i32) {
    %c0_i32 = arith.constant 0 : i32
    %c0_i32_0 = arith.constant 0 : i32
    return %arg0, %c0_i32 : i32, i32
  }
}

module attributes {stable_mosaic.version = 14 : i64} {
  func.func @_comb_body(%arg0: i32, %arg1: memref<1000x128xf32, #tpu.memory_space<vmem>>, %arg2: memref<2x1000x128xf32, #tpu.memory_space<vmem>>, %arg3: memref<1000x128xf32, #tpu.memory_space<vmem>>, %arg4: memref<128x128xf32, #tpu.memory_space<vmem>>, %arg5: memref<1000x128xf32, #tpu.memory_space<vmem>>) attributes {dimension_semantics = [#tpu.dimension_semantics<arbitrary>], iteration_bounds = array<i64: 10>, scalar_prefetch = 0 : i64, scratch_operands = 0 : i64, tpu.core_type = #tpu.core_type<tc>, window_params = [{transform_indices = @transform_0, window_bounds = array<i64: 1000, 128>}, {transform_indices = @transform_1, window_bounds = array<i64: 2, 1000, 128>}, {transform_indices = @transform_2, window_bounds = array<i64: 1000, 128>}, {pipeline_mode = #tpu.pipeline_mode<synchronous>, transform_indices = @transform_3, window_bounds = array<i64: 128, 128>}, {transform_indices = @transform_4, window_bounds = array<i64: 1000, 128>}]} {
    %get3A = arith.constant 0 : index
    %get3A_0 = arith.constant 0 : index
    %get3A_1 = arith.constant 0 : index
    %get3A_2 = vector.load %arg2[%get3A, %get3A_0, %get3A_1] : memref<2x1000x128xf32, #tpu.memory_space<vmem>>, vector<1x1000x128xf32>
    %get3A_3 = vector.shape_cast %get3A_2 : vector<1x1000x128xf32> to vector<1000x128xf32>
    %get3A_4 = arith.constant 1 : index
    %get3A_5 = arith.constant 0 : index
    %get3A_6 = arith.constant 0 : index
    %get3A_7 = vector.load %arg2[%get3A_4, %get3A_5, %get3A_6] : memref<2x1000x128xf32, #tpu.memory_space<vmem>>, vector<1x1000x128xf32>
    %get3A_8 = vector.shape_cast %get3A_7 : vector<1x1000x128xf32> to vector<1000x128xf32>
    %add3A = arith.addf %get3A_3, %get3A_8 : vector<1000x128xf32>
    %get3A_9 = arith.constant 0 : index
    %get3A_10 = arith.constant 0 : index
    %get3A_11 = vector.load %arg3[%get3A_9, %get3A_10] : memref<1000x128xf32, #tpu.memory_space<vmem>>, vector<1000x128xf32>
    %add3A_12 = arith.addf %add3A, %get3A_11 : vector<1000x128xf32>
    %get3A_13 = arith.constant 0 : index
    %get3A_14 = arith.constant 0 : index
    %get3A_15 = vector.load %arg1[%get3A_13, %get3A_14] : memref<1000x128xf32, #tpu.memory_space<vmem>>, vector<1000x128xf32>
    %get3A_16 = arith.constant 0 : index
    %get3A_17 = arith.constant 0 : index
    %get3A_18 = vector.load %arg4[%get3A_16, %get3A_17] : memref<128x128xf32, #tpu.memory_space<vmem>>, vector<128x128xf32>
    %dot_general3A = arith.constant dense<0.000000e+00> : vector<1000x128xf32>
    %dot_general3A_19 = tpu.matmul %add3A_12, %get3A_18, %dot_general3A {dimension_numbers = #tpu.dot_dimension_numbers<[1], [0], [0], [1], [0, 0, 1, 1], [], []>, transpose_lhs_hint = false} : vector<1000x128xf32>, vector<128x128xf32>, vector<1000x128xf32> -> vector<1000x128xf32>
    %add3A_20 = arith.addf %get3A_15, %dot_general3A_19 : vector<1000x128xf32>
    %swap3A = arith.constant 0 : index
    %swap3A_21 = arith.constant 0 : index
    %swap3A_22 = vector.load %arg5[%swap3A, %swap3A_21] : memref<1000x128xf32, #tpu.memory_space<vmem>>, vector<1000x128xf32>
    tpu.vector_store %arg5[%swap3A, %swap3A_21], %add3A_20 {strides = array<i32>} : memref<1000x128xf32, #tpu.memory_space<vmem>>, vector<1000x128xf32>,
    return
  }
  func.func @transform_0(%arg0: i32) -> (i32, i32) {
    %c0_i32 = arith.constant 0 : i32
    %c0_i32_0 = arith.constant 0 : i32
    return %arg0, %c0_i32 : i32, i32
  }
  func.func @transform_1(%arg0: i32) -> (i32, i32, i32) {
    %c0_i32 = arith.constant 0 : i32
    %c0_i32_0 = arith.constant 0 : i32
    %c0_i32_1 = arith.constant 0 : i32
    return %c0_i32, %arg0, %c0_i32_0 : i32, i32, i32
  }
  func.func @transform_2(%arg0: i32) -> (i32, i32) {
    %c0_i32 = arith.constant 0 : i32
    %c0_i32_0 = arith.constant 0 : i32
    return %arg0, %c0_i32 : i32, i32
  }
  func.func @transform_3(%arg0: i32) -> (i32, i32) {
    %c0_i32 = arith.constant 0 : i32
    %c0_i32_0 = arith.constant 0 : i32
    %c0_i32_1 = arith.constant 0 : i32
    return %c0_i32, %c0_i32_0 : i32, i32
  }
  func.func @transform_4(%arg0: i32) -> (i32, i32) {
    %c0_i32 = arith.constant 0 : i32
    %c0_i32_0 = arith.constant 0 : i32
    return %arg0, %c0_i32 : i32, i32
  }
}

</mosaic_0001>

<sc_bundles>
// kernel: kernel.18.cloned.1.call-start
scs
__scs_entry_jumppad:
0x0: {  	(pc) =	sbr.rel $0x88, $3  }
0x1: {  	(tag) =	ssettag $0x0;
	lr =	simm.s32 $0x1  }
0x2: {  	[smem:$0x3F94] =	sst lr;
	_ =	strace $0xD0000000  }
0x3: {  	_ = 	snop  }
0x4: {  	_ = 	snop  }
0x5: {  	_ = 	snop  }
0x6: {  	_ = 	snop  }
0x7: {  	_ = 	snop  }
__scs_overlays_trampoline_lowered:
0x8: {  	[smem:$0x3FA3] =	sst s0  }
0x9: {  	[smem:$0x3FA4] =	sst s1  }
0xa: {  	[smem:$0x3FA5] =	sst s2  }
0xb: {  	[smem:$0x3FA6] =	sst s3  }
0xc: {  	[smem:$0x3FA7] =	sst s4  }
0xd: {  	[smem:$0x3FA8] =	sst s5  }
0xe: {  	[smem:$0x3FA9] =	sst s6  }
0xf: {  	[smem:$0x3FAA] =	sst s7  }
0x10: {  	[smem:$0x3FAB] =	sst s8  }
0x11: {  	[smem:$0x3FAC] =	sst s9;
	s0 =	simm.s32 @!p0 $0x0  }
0x12: {  	s1 =	sld [smem:$0x3F92];
	s0 =	simm.s32 @p0 $0x1  }
0x13: {  	[smem:$0x3FAD] =	sst s0;
	s0 =	simm.s32 @!p1 $0x0  }
0x14: {  	s2 =	sld [smem:$0x3F91];
	s0 =	simm.s32 @p1 $0x1  }
0x15: {  	[smem:$0x3FAE] =	sst s0;
	s0 =	simm.s32 @!p2 $0x0  }
0x16: {  	s3 =	sld [smem:$0x3FDB];
	s0 =	simm.s32 @p2 $0x1  }
0x17: {  	s4 =	simm.s32 $0x1BF5;
	[smem:$0x3FB0] =	sst s0  }
0x18: {  	s0 =	sld [smem:$0x3F93];
	_ =	swait.ge [sflag:s4], $0x0  }
0x19: {  	s7 =	sld [smem:$0x3F94]  }
0x1a: {  	s8 =	sadd.s32 $0xFFFFE003, lr  }
0x1b: {  	s9 =	sadd.s32 $0xFFFFFEF7, lr;
	s5 =	simm.s32 $0xFFFFFFFF;
	p2 =	slt.u32 s8, $0xFFFFF086  }
0x1c: {  	p1 =	slt.u32 s9, $0xF7A;
	s5 =	simm.s32 @!p2 $0x0  }
0x1d: {  	s5 =	simm.s32 @p1 $0x1;
	p0 =	seq.s32 s7, s2  }
0x1e: {  	s7 =	smul.u32 @!p0 $0xF7A, s2;
	p2 =	seq.s32 @!p0 s5, $0x0  }
0x1f: {  	s9 =	smul.u32 $0xF7A, s1;
	s8 =	simm.s32 @!p0 $0x1BF5;
	p2 =	por !p2, p0  }
0x20: {  	[sflag:s8] =	ssyncset.s32 @!p0 $0xFFFFF086;
	s6 =	sadd.s32 @!p0 s3, s7;
	s7 =	simm.s32 @!p0 $0x108  }
0x21: {  	s3 =	sadd.s32 s3, s9;
	s6 =	sadd.s32 @!p0 $0x88, s6;
	s7 =	simm.s32 @p2 $0x1082  }
0x22: {  	[simem:s7], [sflag:s8] =	dma.local @!p0 [hbm:s6], $0xF7A  }
0x23: {  	s9 =	sor.u32 $0xD0000000, s2;
	s6 =	simm.s32 $0x108;
	_ =	swait.ge @!p0 [sflag:s8], $0x0  }
0x24: {  	s3 =	sadd.s32 $0x88, s3;
	s6 =	simm.s32 @!p1 $0x1082;
	[sflag:s4] =	ssyncset.s32 $0xFFFFF086  }
0x25: {  	[simem:s6], [sflag:s4] =	dma.local [hbm:s3], $0xF7A  }
0x26: {  	[smem:$0x3F94] =	sst s1;
	(tag) =	ssettag s2;
	_ =	strace s9  }
0x27: {  	s1 =	sld [smem:$0x3FA4]  }
0x28: {  	s2 =	sld [smem:$0x3FA5]  }
0x29: {  	s4 =	sld [smem:$0x3FA7]  }
0x2a: {  	p0 =	seq.s32 s5, $0x0;
	s5 =	sld [smem:$0x3FA8]  }
0x2b: {  	s6 =	sld [smem:$0x3FA9]  }
0x2c: {  	s7 =	sld [smem:$0x3FAA]  }
0x2d: {  	s3 =	simm.s32 $0x108;
	s8 =	sld [smem:$0x3FAB]  }
0x2e: {  	s3 =	simm.s32 @!p0 $0x1082;
	s9 =	sld [smem:$0x3FAC]  }
0x2f: {  	lr =	sadd.s32 s0, s3;
	s0 =	sld [smem:$0x3FA3]  }
0x30: {  	s3 =	sld [smem:$0x3FA6]  }
0x31: {  	[smem:$0x3FAF] =	sst s10  }
0x32: {  	s10 =	sld [smem:$0x3FAD];
	_ =	sdelay $0x3  }
0x33: {  	p0 =	seq.s32 s10, $0x1;
	s10 =	sld [smem:$0x3FAF];
	_ =	sdelay $0x3  }
0x34: {  	[smem:$0x3FAF] =	sst s10  }
0x35: {  	s10 =	sld [smem:$0x3FAE];
	_ =	sdelay $0x3  }
0x36: {  	p1 =	seq.s32 s10, $0x1;
	s10 =	sld [smem:$0x3FAF];
	_ =	sdelay $0x3  }
0x37: {  	[smem:$0x3FAF] =	sst s10  }
0x38: {  	s10 =	sld [smem:$0x3FB0]  }
0x39: {  	_ = 	snop;
	(pc) =	sbr.ind lr, $3  }
0x3a: {  	_ = 	snop  }
0x3b: {  	_ = 	snop  }
0x3c: {  	p2 =	seq.s32 s10, $0x1;
	s10 =	sld [smem:$0x3FAF]  }
0x3d: {  	_ =	shalt  }
0x3e: {  	_ =	shalt  }
0x3f: {  	_ =	shalt  }
0x40: {  	_ =	shalt  }
0x41: {  	_ =	shalt  }
0x42: {  	_ =	shalt  }
0x43: {  	_ =	shalt  }
0x44: {  	_ =	shalt  }
0x45: {  	_ =	shalt  }
0x46: {  	_ =	shalt  }
0x47: {  	_ =	shalt  }
0x48: {  	_ =	shalt  }
0x49: {  	_ =	shalt  }
0x4a: {  	_ =	shalt  }
0x4b: {  	_ =	shalt  }
0x4c: {  	_ =	shalt  }
0x4d: {  	_ =	shalt  }
0x4e: {  	_ =	shalt  }
0x4f: {  	_ =	shalt  }
0x50: {  	_ =	shalt  }
0x51: {  	_ =	shalt  }
0x52: {  	_ =	shalt  }
0x53: {  	_ =	shalt  }
0x54: {  	_ =	shalt  }
0x55: {  	_ =	shalt  }
0x56: {  	_ =	shalt  }
0x57: {  	_ =	shalt  }
0x58: {  	_ =	shalt  }
0x59: {  	_ =	shalt  }
0x5a: {  	_ =	shalt  }
0x5b: {  	_ =	shalt  }
0x5c: {  	_ =	shalt  }
0x5d: {  	_ =	shalt  }
0x5e: {  	_ =	shalt  }
0x5f: {  	_ =	shalt  }
0x60: {  	_ =	shalt  }
0x61: {  	_ =	shalt  }
0x62: {  	_ =	shalt  }
0x63: {  	_ =	shalt  }
0x64: {  	_ =	shalt  }
0x65: {  	_ =	shalt  }
0x66: {  	_ =	shalt  }
0x67: {  	_ =	shalt  }
0x68: {  	_ =	shalt  }
0x69: {  	_ =	shalt  }
0x6a: {  	_ =	shalt  }
0x6b: {  	_ =	shalt  }
0x6c: {  	_ =	shalt  }
0x6d: {  	_ =	shalt  }
0x6e: {  	_ =	shalt  }
0x6f: {  	_ =	shalt  }
0x70: {  	_ =	shalt  }
0x71: {  	_ =	shalt  }
0x72: {  	_ =	shalt  }
0x73: {  	_ =	shalt  }
0x74: {  	_ =	shalt  }
0x75: {  	_ =	shalt  }
0x76: {  	_ =	shalt  }
0x77: {  	_ =	shalt  }
0x78: {  	_ =	shalt  }
0x79: {  	_ =	shalt  }
0x7a: {  	_ =	shalt  }
0x7b: {  	_ =	shalt  }
0x7c: {  	_ =	shalt  }
0x7d: {  	_ =	shalt  }
0x7e: {  	_ =	shalt  }
0x7f: {  	_ =	shalt  }
0x80: {  	_ =	shalt  }
0x81: {  	_ =	shalt  }
0x82: {  	_ =	shalt  }
0x83: {  	_ =	shalt  }
0x84: {  	_ =	shalt  }
0x85: {  	_ =	shalt  }
0x86: {  	_ =	shalt  }
0x87: {  	_ =	shalt  }
.Lfunc_end0:
.L_simem_size_0:
called_computation_lowered:
.L_overlay_start_0:
0x88: {  	s2 =	sld [smem:$0x3FD9]  }
0x89: {  	s3 =	sld [smem:$0x3FFE];
	_ =	sdelay $0x1  }
0x8a: {  	s1 =	srdreg.scid  }
0x8b: {  	s0 =	sand.u32 $0x1, s1  }
0x8c: {  	s16 =	sshll.u32 s0, $0xA;
	s2 =	sadd.s32 s3, s2  }
0x8d: {  	s2 =	sadd.s32 s2, s16  }
0x8e: {  	[smem:$0x3FBB] =	sst s2  }
0x8f: {  	_ = 	snop  }
0x90: {  	(tm) =	ssettm $0x1  }
0x91: {  	s17 =	sld [smem:$0x3FFB];
	_ =	sdelay $0x3  }
0x92: {  	_ =	strace s17  }
0x93: {  	s2 =	sld [smem:$0x3FFC];
	_ =	sdelay $0x3  }
0x94: {  	_ =	strace s2  }
0x95: {  	s2 =	sld [smem:$0x3FFD];
	_ =	sdelay $0x3  }
0x96: {  	_ =	strace s2  }
0x97: {  	_ =	strace $0x8FFFFFFF  }
0x98: {  	s18 =	sld [smem:$0x3FDB];
	_ =	sdelay $0x1  }
0x99: {  	s19 =	simm.s32 $_scs_section_size  }
0x9a: {  	s4 =	simm.s32 $_size__tile_overlayer_lowered;
	s5 =	simm.s32 $_tile_overlayer_lowered  }
0x9b: {  	s22 =	simm.s32 $0x1BFF;
	s21 =	sshll.u32 s5, $0x1;
	s2 =	sadd.s32 s19, s18  }
0x9c: {  	s6 =	simm.s32 $0x0;
	s20 =	sshll.u32 s4, $0x1;
	s4 =	sadd.s32 s21, s2  }
0x9d: {  	[timem:s6], [sflag:s22] =	dma.local [hbm:s4], s20  }
0x9e: {  	_ =	swait.ge [sflag:s22], s20  }
0x9f: {  	s3 =	ssub.s32 $0x0, s20;
	[sflag:s22] =	ssyncset.done $0x0  }
0xa0: {  	[sflag:s22] =	ssyncadd.s32 s3;
	_ =	sdelay $0x1  }
0xa1: {  	s23 =	simm.s32 $0x1B8B  }
0xa2: {  	_ =	swait.ge [sflag:s23], $0x1  }
0xa3: {  	[sflag:s23] =	ssyncset.done $0x0  }
0xa4: {  	s25 =	simm.s32 $0x1B8E;
	s24 =	sld [smem:$0x3FFE];
	[sflag:s23] =	ssyncadd.s32 $0xFFFFFFFF  }
0xa5: {  	s26 =	simm.s32 $execute0_lowered;
	[smem:$0x3FD2] =	sst s25  }
0xa6: {  	s4 =	sshll.u32 s26, $0x1;
	_ =	strace $0x80000046;
	[dreg:$0x1] =	wrdreg $0xFFFFFFFF  }
0xa7: {  	s28 =	simm.s32 $_size_execute0_lowered;
	s2 =	sadd.s32 s2, s4;
	[dreg:$0x0] =	wrdreg $0x0  }
0xa8: {  	s4 =	sshll.u32 s28, $0x1;
	[dreg:$0x2] =	wrdreg s2  }
0xa9: {  	[dreg:$0x3] =	wrdreg s4  }
0xaa: {  	[dreg:$0x4] =	wrdreg $0xC0  }
0xab: {  	_ =	task [dreg:s6], $0x5FFFF  }
0xac: {  	[dreg:$0x1] =	wrdreg $0xFFFFFFFF  }
0xad: {  	[dreg:$0x0] =	wrdreg $0x60  }
0xae: {  	[dreg:$0x2] =	wrdreg s24  }
0xaf: {  	[dreg:$0x3] =	wrdreg $0xA0000  }
0xb0: {  	[dreg:$0x4] =	wrdreg $0x9  }
0xb1: {  	_ =	task.clear_ibuf [dreg:s6], $0x5FFFF;
	_ =	strace $0x90000046  }
0xb2: {  	s29 =	simm.s32 $0x9;
	_ =	strace $0x80000048  }
0xb3: {  	_ =	swait.ge [sflag:s29], $0x1  }
0xb4: {  	[sflag:s29] =	ssyncadd.s32 $0xFFFFFFFF  }
0xb5: {  	_ =	strace $0x90000048  }
0xb6: {  	_ =	sfence  }
0xb7: {  	s30 =	sld [smem:$0x0];
	_ =	sdelay $0x2  }
0xb8: {  	s31 =	sshll.u32 s1, $0xD;
	s1 =	sshrl.u32 s1, $0x2  }
0xb9: {  	s3 =	sand.u32 $0x4000, s31;
	s1 =	sadd.s32 s1, s30  }
0xba: {  	s0 =	sor.u32 s3, s0;
	s1 =	sshll.u32 s1, $0x11  }
0xbb: {  	s0 =	sor.u32 s1, s0  }
0xbc: {  	s0 =	sadd.s32 $0x8F2B, s0  }
0xbd: {  	[sflag:s0] =	ssyncadd.remote.s32 $0x1  }
0xbe: {  	_ =	sfence.sel $0xFFFF  }
0xbf: {  	[dreg:$0x0] =	wrdreg $0xFFFFFFFF;
	(pc) =	sbr.abs _section_cstart, $3  }
0xc0: {  	[dreg:$0x1] =	wrdreg $0xFFFFFFFF  }
0xc1: {  	_ =	task.clear_ibuf [dreg:s6], $0x2FFFF;
	_ =	strace $0x9FFFFFFF  }
0xc2: {  	(tm) =	ssettm $0x7FFFFFFF  }
0xc3: {  	_ =	shalt  }
tec
execute0_lowered:
.L_overlay_start_1:
0x0: {  	(tag) =	ssettag $0x1  }
0x1: {  	s0 =	rddreg [dreg:$0x0]  }
0x2: {  	s2 =	rddreg [dreg:$0x1];
	s3 =	simm.s32 $0x0  }
0x3: {  	s14 =	stileid.u32;
	s1 =	srdreg.scid;
	s16 =	simm.s32 $0x5  }
0x4: {  	s17 =	simm.s32 $0x1000;
	s18 =	simm.s32 $0x40;
	s19 =	simm.s32 $0x2000  }
0x5: {  	s20 =	simm.s32 $0x6000;
	s21 =	simm.s32 $0x4000;
	s22 =	simm.s32 $0x8000  }
0x6: {  	s23 =	simm.s32 $0x1;
	s29 =	simm.s32 $0x0;
	[smem:$0x7FF] =	sst s3  }
0x7: {  	s8 =	smul.u32 $0x14000, s14;
	s1 =	sand.u32 $0x1, s1;
	s4 =	sadd.s32 $0xA200, s0  }
0x8: {  	s5 =	sadd.s32 $0xA1C000, s0;
	s6 =	sadd.s32 $0x4EC800, s0;
	s11 =	smul.u32 $0x50000, s14  }
0x9: {  	s7 =	sadd.s32 $0x500800, s0;
	s26 =	smul.u32 $0x5000, s14;
	s28 =	sshll.u32 s14, $0x6  }
0xa: {  	_ =	strace $0x80000047;
	s9 =	smul.u32 $0x140000, s1;
	s24 =	ssub.s32 $0x2, s1  }
0xb: {  	s25 =	smul.u32 $0x50000, s1;
	s1 =	sshll.u32 s1, $0x4;
	s10 =	sshrl.u32 s8, $0x3  }
0xc: {  	s12 =	sshrl.u32 s24, $0x1;
	s11 =	sshrl.u32 s11, $0x2;
	s1 =	sor.u32 s14, s1  }
0xd: {  	s14 =	sor.u32 $0x1C05, s28;
	s8 =	sadd.s32 s8, s9;
	s10 =	sadd.s32 s10, s0  }
0xe: {  	s9 =	ssub.s32 s24, s12;
	s13 =	sadd.s32 s11, s2;
	s11 =	smul.u32 $0xA0, s1  }
0xf: {  	s12 =	sadd.s32 $0xA1C400, s0;
	s24 =	simm.s32 $0x3;
	s10 =	sadd.s32 $0x32200, s10  }
0x10: {  	s8 =	sshrl.u32 s8, $0x3;
	s31 =	smax.u32 s9, $0x1;
	[dreg:$0x3] =	wrdreg s10  }
0x11: {  	s1 =	sshrl.u32 s13, $0x3;
	s8 =	sadd.s32 s8, s0;
	[dreg:$0x5] =	wrdreg s31  }
0x12: {  	s10 =	sadd.s32 s26, s25;
	[dreg:$0x6] =	wrdreg s1;
	s30 =	sadd.s32 $0x5A200, s8  }
0x13: {  	s25 =	simm.s32 $0x2;
	s26 =	simm.s32 $0x4;
	[dreg:$0x4] =	wrdreg s30  }
.LBB2_1:
0x14: {  	s0 =	rddreg [dreg:$0x3]  }
0x15: {  	[spmem:s1], [sflag:s14] =	dma.local [hbm:s0], $0x2800  }
0x16: {  	_ =	swait.ge [sflag:s16], $0x2800  }
0x17: {  	[sflag:s16] =	ssyncset.done $0x0  }
0x18: {  	[sflag:s16] =	ssyncadd.s32 $0xFFFFD800  }
0x19: {  	s15 =	smov.u32 s14;
	s28 =	simm.s32 $0x0;
	[bflag:$0x0] =	sbarrier.arrive $0xFFFF  }
.LBB2_2:
0x1a: {  	s0 =	sshll.u32 s28, $0xC  }
0x1b: {  	s0 =	sadd.s32 s0, s10  }
0x1c: {  	s0 =	sshrl.u32 s0, $0x3  }
0x1d: {  	s1 =	sadd.s32 s6, s0  }
0x1e: {  	[tilespmem:s29], [sflag:$0x5] =	stream.linear.gather [hbm4b:s1+s29], $0x1000, $0x38;
	[tilespmem:$0x1E000] =	vst v63  }
0x1f: {  	_ =	swait.ge [sflag:s16], $0x1000  }
0x20: {  	[sflag:s16] =	ssyncset.done $0x0  }
0x21: {  	s0 =	sadd.s32 s7, s0;
	[sflag:s16] =	ssyncadd.s32 $0xFFFFF000  }
0x22: {  	[tilespmem:s17], [sflag:$0x5] =	stream.linear.gather [hbm4b:s0+s29], $0x1000, $0x38;
	[tilespmem:$0x1E000] =	vst v63  }
0x23: {  	s14 =	sshll.u32 s28, $0x5;
	_ =	swait.ge [sflag:s16], $0x1000  }
0x24: {  	s30 =	sadd.s32 s11, s14;
	[sflag:s16] =	ssyncset.done $0x0  }
0x25: {  	s0 =	sshll.u32 s30, $0xA;
	[sflag:s16] =	ssyncadd.s32 $0xFFFFF000  }
0x26: {  	[tilespmem:s19], [sflag:$0x1] =	stream.indirect.gather [hbm4b:s4+s18], $0x80, s29, s18, $0xb8;
	[tilespmem:$0x1E000] =	vst v63  }
0x27: {  	s31 =	simm.s32 $0x0;
	s0 =	sadd.s32 s5, s0  }
0x28: {  	[tilespmem:s20], [sflag:$0x3] =	stream.linear.gather [hbm4b:s0+s29], $0x2000, $0x38;
	[tilespmem:$0x1E000] =	vst v63  }
.LBB2_3:
0x29: {  	s1 =	sshllo.u32 s31, $0x1;
	s8 =	sshll.u32 s31, $0x1  }
0x2a: {  	s0 =	sshll.u32 s1, $0x9;
	s8 =	sadd.s32 s30, s8  }
0x2b: {  	s0 =	sshrl.u32 s0, $0x2;
	s8 =	sshll.u32 s8, $0xA  }
0x2c: {  	[tilespmem:s21], [sflag:$0x2] =	stream.indirect.gather [hbm4b:s4+s18], $0x80, s0, s18, $0xb8;
	[tilespmem:$0x1E000] =	vst v63  }
0x2d: {  	s8 =	sadd.s32 s8, s12  }
0x2e: {  	[tilespmem:s22], [sflag:$0x4] =	stream.linear.gather [hbm4b:s8+s29], $0x2000, $0x38;
	[tilespmem:$0x1E000] =	vst v63  }
0x2f: {  	_ =	swait.ge [sflag:s23], $0x2000  }
0x30: {  	[sflag:s23] =	ssyncset.done $0x0  }
0x31: {  	[sflag:s23] =	ssyncadd.s32 $0xFFFFE000  }
0x32: {  	_ =	swait.ge [sflag:s24], $0x2000  }
0x33: {  	[sflag:s24] =	ssyncset.done $0x0  }
0x34: {  	s8 =	simm.s32 $0x0;
	[sflag:s24] =	ssyncadd.s32 $0xFFFFE000  }
0x35: {  	v0 =	vld [tilespmem:s8+$0x6020]  }
0x36: {  	v1 =	vld [tilespmem:s8+$0x6040]  }
0x37: {  	v4 =	vld [tilespmem:s8+$0x6060]  }
0x38: {  	v5 =	vld [tilespmem:s8+$0x6070]  }
0x39: {  	v2 =	vld [tilespmem:s8+$0x6050]  }
0x3a: {  	v3 =	vld [tilespmem:s8+$0x2050]  }
0x3b: {  	v6 =	vld [tilespmem:s8+$0x2040]  }
0x3c: {  	v7 =	vld [tilespmem:s8+$0x2070]  }
0x3d: {  	v8 =	vld [tilespmem:s8+$0x2060]  }
0x3e: {  	v9 =	vld [tilespmem:s8+$0x2020]  }
0x3f: {  	v2 =	vadd.f32 v2, v3  }
0x40: {  	v3 =	vadd.f32 v1, v6  }
0x41: {  	v6 =	vadd.f32 v5, v7;
	v7 =	vld [tilespmem:s8+$0x6030];
	v1 =	vsub.f32 $0.0e+00, v2  }
0x42: {  	v5 =	vadd.f32 v4, v8;
	v4 =	vld [tilespmem:s8+$0x2030];
	v12 =	vsub.f32 $0.0e+00, v3  }
0x43: {  	v10 =	vld [tilespmem:s8+$0x6010];
	v8 =	vmul.f32 $1.442695020e+00, v1;
	v1 =	vadd.f32 v0, v9;
	v0 =	vsub.f32 $0.0e+00, v6  }
0x44: {  	v11 =	vld [tilespmem:s8+$0x6000];
	v13 =	vsub.f32 $0.0e+00, v5;
	v12 =	vmul.f32 $1.442695020e+00, v12  }
0x45: {  	v9 =	vld [tilespmem:s8+$0x2010];
	(erf) = vpow2.f32 v8;
	v8 =	vsub.f32 $0.0e+00, v1;
	v0 =	vmul.f32 $1.442695020e+00, v0  }
0x46: {  	v14 =	vld [tilespmem:s8+$0x2000];
	v63 =	vmul.f32 $1.442695020e+00, v13;
	(erf) = vpow2.f32 v12  }
0x47: {  	v7 =	vadd.f32 v7, v4;
	v8 =	vmul.f32 $1.442695020e+00, v8;
	(erf) = vpow2.f32 v0  }
0x48: {  	(erf) = vpow2.f32 v63  }
0x49: {  	(erf) = vpow2.f32 v8;
	v8 =	vsub.f32 $0.0e+00, v7  }
0x4a: {  	v4 =	vadd.f32 v10, v9  }
0x4b: {  	v0 =	vadd.f32 v11, v14;
	v8 =	vmul.f32 $1.442695020e+00, v8  }
0x4c: {  	v9 =	vsub.f32 $0.0e+00, v4  }
0x4d: {  	v10 =	vsub.f32 $0.0e+00, v0  }
0x4e: {  	v9 =	vmul.f32 $1.442695020e+00, v9  }
0x4f: {  	v10 =	vmul.f32 $1.442695020e+00, v10;
	(erf) = vpow2.f32 v8;
	v8 =	vpop (erf)  }
0x50: {  	(erf) = vpow2.f32 v9;
	v8 =	vadd.f32 $1.000000000e+00, v8  }
0x51: {  	(erf) = vpow2.f32 v10  }
0x52: {  	v9 =	vpop (erf);
	(erf) = vrcp.f32 v8  }
0x53: {  	v9 =	vadd.f32 $1.000000000e+00, v9  }
0x54: {  	v10 =	vpop (erf)  }
0x55: {  	(erf) = vrcp.f32 v9;
	v8 =	vpop (erf)  }
0x56: {  	s14 =	simm.s32 $0x200;
	s13 =	simm.s32 $0x400;
	v9 =	vadd.f32 $1.000000000e+00, v10;
	v8 =	vadd.f32 $1.000000000e+00, v8;
	v10 =	vpop (erf)  }
.LBB2_4:
0x57: {  	p0 =	sne.s32 s13, $0x7E00  }
0x58: {  	s9 =	sshra.s32 s14, $0x2;
	v10 =	vadd.f32 $1.000000000e+00, v10;
	v11 =	vpop (erf);
	(erf) = vrcp.f32 v9;
	s14 =	smov.u32 s13;
	s13 =	sadd.s32 $0x200, s13  }
0x59: {  	v9 =	vld [tilespmem:s9+$0x6020];
	v14 =	vadd.f32 $1.000000000e+00, v11;
	v12 =	vpop (erf);
	(erf) = vrcp.f32 v8  }
0x5a: {  	v8 =	vld [tilespmem:s9+$0x6040];
	v12 =	vadd.f32 $1.000000000e+00, v12;
	v13 =	vpop (erf);
	(erf) = vrcp.f32 v10  }
0x5b: {  	v10 =	vld [tilespmem:s9+$0x6060];
	v13 =	vadd.f32 $1.000000000e+00, v13;
	(erf) = vrcp.f32 v14;
	v11 =	vpop (erf)  }
0x5c: {  	v14 =	vld [tilespmem:s9+$0x6070];
	v15 =	vmul.f32 v11, v2;
	(erf) = vrcp.f32 v12  }
0x5d: {  	v11 =	vld [tilespmem:s9+$0x6050];
	(erf) = vrcp.f32 v13  }
0x5e: {  	v12 =	vld [tilespmem:s9+$0x6010];
	[tilespmem:s8+$0x2050] =	vst v15;
	v2 =	vpop (erf)  }
0x5f: {  	v13 =	vld [tilespmem:s9+$0x2050];
	v3 =	vmul.f32 v2, v3;
	_ =	sdelay $0x1  }
0x60: {  	[tilespmem:s8+$0x2040] =	vst v3;
	v2 =	vpop (erf)  }
0x61: {  	v3 =	vld [tilespmem:s9+$0x2040];
	v18 =	vmul.f32 v2, v6;
	v2 =	vpop (erf)  }
0x62: {  	v15 =	vld [tilespmem:s9+$0x6000];
	v19 =	vmul.f32 v2, v5;
	v16 =	vpop (erf)  }
0x63: {  	v17 =	vld [tilespmem:s9+$0x6030];
	v2 =	vadd.f32 v11, v13;
	v16 =	vmul.f32 v16, v1;
	[tilespmem:s8+$0x2070] =	vst v18;
	v6 =	vpop (erf)  }
0x64: {  	v11 =	vld [tilespmem:s9+$0x2070];
	v6 =	vmul.f32 v6, v7;
	[tilespmem:s8+$0x2060] =	vst v19;
	v5 =	vpop (erf)  }
0x65: {  	v7 =	vsub.f32 $0.0e+00, v2;
	v13 =	vld [tilespmem:s9+$0x2060];
	v4 =	vmul.f32 v5, v4;
	[tilespmem:s8+$0x2020] =	vst v16;
	v1 =	vpop (erf)  }
0x66: {  	v16 =	vld [tilespmem:s9+$0x2020];
	v3 =	vadd.f32 v8, v3;
	v0 =	vmul.f32 v1, v0;
	[tilespmem:s8+$0x2030] =	vst v6  }
0x67: {  	v8 =	vld [tilespmem:s9+$0x2030];
	v1 =	vmul.f32 $1.442695020e+00, v7;
	[tilespmem:s8+$0x2010] =	vst v4  }
0x68: {  	v4 =	vld [tilespmem:s9+$0x2010];
	v5 =	vsub.f32 $0.0e+00, v3;
	[tilespmem:s8+$0x2000] =	vst v0;
	s8 =	smov.u32 s9  }
0x69: {  	v0 =	vld [tilespmem:s8+$0x2000];
	v6 =	vadd.f32 v14, v11;
	(erf) = vpow2.f32 v1  }
0x6a: {  	v11 =	vmul.f32 $1.442695020e+00, v5;
	v5 =	vadd.f32 v10, v13  }
0x6b: {  	v1 =	vadd.f32 v9, v16;
	v9 =	vsub.f32 $0.0e+00, v6  }
0x6c: {  	v7 =	vadd.f32 v17, v8;
	v8 =	vsub.f32 $0.0e+00, v5;
	(erf) = vpow2.f32 v11  }
0x6d: {  	v4 =	vadd.f32 v12, v4;
	v10 =	vsub.f32 $0.0e+00, v1;
	v9 =	vmul.f32 $1.442695020e+00, v9  }
0x6e: {  	v0 =	vadd.f32 v15, v0;
	v11 =	vsub.f32 $0.0e+00, v7;
	v8 =	vmul.f32 $1.442695020e+00, v8  }
0x6f: {  	v12 =	vsub.f32 $0.0e+00, v4;
	v13 =	vmul.f32 $1.442695020e+00, v10;
	(erf) = vpow2.f32 v9  }
0x70: {  	v9 =	vsub.f32 $0.0e+00, v0;
	v11 =	vmul.f32 $1.442695020e+00, v11;
	(erf) = vpow2.f32 v8  }
0x71: {  	v8 =	vmul.f32 $1.442695020e+00, v12;
	(erf) = vpow2.f32 v13  }
0x72: {  	v9 =	vmul.f32 $1.442695020e+00, v9;
	(erf) = vpow2.f32 v11;
	v10 =	vpop (erf)  }
0x73: {  	v10 =	vadd.f32 $1.000000000e+00, v10;
	(erf) = vpow2.f32 v8  }
0x74: {  	(erf) = vpow2.f32 v9  }
0x75: {  	v8 =	vpop (erf);
	(erf) = vrcp.f32 v10  }
.Ltmp0:
0x76: {  	v9 =	vadd.f32 $1.000000000e+00, v8;
	(pc) =	sbr.rel @p0 .LBB2_4-.Ltmp0, $4  }
0x77: {  	_ = 	snop  }
0x78: {  	(erf) = vrcp.f32 v9;
	v8 =	vpop (erf)  }
0x79: {  	v9 =	vadd.f32 $1.000000000e+00, v8;
	v8 =	vpop (erf)  }
0x7a: {  	v8 =	vadd.f32 $1.000000000e+00, v8;
	v10 =	vpop (erf)  }
0x7b: {  	_ = 	snop  }
0x7c: {  	s13 =	sshra.s32 s14, $0x2;
	v11 =	vpop (erf)  }
0x7d: {  	(erf) = vrcp.f32 v9;
	v9 =	vld [tilespmem:s13+$0x6020];
	v12 =	vpop (erf)  }
0x7e: {  	v13 =	vld [tilespmem:s13+$0x6040];
	(erf) = vrcp.f32 v8;
	v8 =	vpop (erf)  }
0x7f: {  	v14 =	vld [tilespmem:s13+$0x6060];
	v15 =	vpop (erf)  }
0x80: {  	v10 =	vadd.f32 $1.000000000e+00, v10;
	v16 =	vld [tilespmem:s13+$0x6070];
	v2 =	vmul.f32 v15, v2  }
0x81: {  	v57 =	vld [tilespmem:s13+$0x6010];
	v17 =	vpop (erf)  }
0x82: {  	(erf) = vrcp.f32 v10;
	v10 =	vld [tilespmem:s13+$0x6050];
	[tilespmem:s8+$0x2050] =	vst v2;
	v2 =	vmul.f32 v17, v3  }
0x83: {  	v11 =	vadd.f32 $1.000000000e+00, v11;
	_ =	sdelay $0x1  }
0x84: {  	(erf) = vrcp.f32 v11;
	v11 =	vadd.f32 $1.000000000e+00, v12  }
0x85: {  	v8 =	vadd.f32 $1.000000000e+00, v8;
	v3 =	vld [tilespmem:s13+$0x2050];
	[tilespmem:s8+$0x2040] =	vst v2;
	v2 =	vpop (erf)  }
0x86: {  	(erf) = vrcp.f32 v11;
	v2 =	vmul.f32 v2, v6  }
0x87: {  	(erf) = vrcp.f32 v8  }
0x88: {  	v11 =	vld [tilespmem:s13+$0x2040]  }
0x89: {  	v58 =	vld [tilespmem:s13+$0x6030];
	v8 =	vpop (erf)  }
0x8a: {  	v6 =	vld [tilespmem:s13+$0x6000];
	[tilespmem:s8+$0x2070] =	vst v2;
	v2 =	vpop (erf)  }
0x8b: {  	v1 =	vmul.f32 v2, v1  }
0x8c: {  	v5 =	vmul.f32 v8, v5  }
0x8d: {  	v2 =	vpop (erf)  }
0x8e: {  	v8 =	vld [tilespmem:s13+$0x2070];
	[tilespmem:s8+$0x2060] =	vst v5;
	v2 =	vmul.f32 v2, v7  }
0x8f: {  	v5 =	vld [tilespmem:s13+$0x2060];
	[tilespmem:s8+$0x2020] =	vst v1;
	v1 =	vpop (erf)  }
0x90: {  	v7 =	vld [tilespmem:s13+$0x2020];
	[tilespmem:s8+$0x2030] =	vst v2;
	v2 =	vadd.f32 v10, v3;
	v1 =	vmul.f32 v1, v4;
	v3 =	vpop (erf)  }
0x91: {  	v0 =	vmul.f32 v3, v0  }
0x92: {  	v10 =	vadd.f32 v13, v11;
	v4 =	vld [tilespmem:s13+$0x2030];
	[tilespmem:s8+$0x2010] =	vst v1;
	v1 =	vsub.f32 $0.0e+00, v2  }
0x93: {  	v3 =	vld [tilespmem:s13+$0x2010];
	[tilespmem:s8+$0x2000] =	vst v0  }
0x94: {  	v11 =	vsub.f32 $0.0e+00, v10;
	v0 =	vmul.f32 $1.442695020e+00, v1;
	v1 =	vld [tilespmem:s13+$0x2000]  }
0x95: {  	v8 =	vadd.f32 v16, v8  }
0x96: {  	v5 =	vadd.f32 v14, v5;
	v11 =	vmul.f32 $1.442695020e+00, v11  }
0x97: {  	(erf) = vpow2.f32 v0;
	v0 =	vadd.f32 v9, v7;
	v7 =	vsub.f32 $0.0e+00, v8  }
0x98: {  	v4 =	vadd.f32 v58, v4;
	v9 =	vsub.f32 $0.0e+00, v5;
	(erf) = vpow2.f32 v11  }
0x99: {  	v11 =	vsub.f32 $0.0e+00, v0;
	v7 =	vmul.f32 $1.442695020e+00, v7;
	v1 =	vadd.f32 v6, v1  }
0x9a: {  	v3 =	vadd.f32 v57, v3;
	v9 =	vmul.f32 $1.442695020e+00, v9;
	v6 =	vsub.f32 $0.0e+00, v4  }
0x9b: {  	v11 =	vmul.f32 $1.442695020e+00, v11;
	(erf) = vpow2.f32 v7;
	v7 =	vsub.f32 $0.0e+00, v1  }
0x9c: {  	v59 =	vsub.f32 $0.0e+00, v3;
	v6 =	vmul.f32 $1.442695020e+00, v6;
	(erf) = vpow2.f32 v9  }
0x9d: {  	(erf) = vpow2.f32 v11;
	v7 =	vmul.f32 $1.442695020e+00, v7  }
0x9e: {  	v9 =	vmul.f32 $1.442695020e+00, v59;
	(erf) = vpow2.f32 v6;
	_ =	sdelay $0x1  }
0x9f: {  	(erf) = vpow2.f32 v9;
	v6 =	vpop (erf)  }
0xa0: {  	(erf) = vpow2.f32 v7;
	v6 =	vadd.f32 $1.000000000e+00, v6;
	v7 =	vpop (erf)  }
0xa1: {  	v7 =	vadd.f32 $1.000000000e+00, v7  }
0xa2: {  	(erf) = vrcp.f32 v6  }
0xa3: {  	v9 =	vpop (erf);
	(erf) = vrcp.f32 v7  }
0xa4: {  	v6 =	vadd.f32 $1.000000000e+00, v9;
	v9 =	vpop (erf)  }
0xa5: {  	v7 =	vadd.f32 $1.000000000e+00, v9;
	v9 =	vpop (erf)  }
0xa6: {  	v9 =	vadd.f32 $1.000000000e+00, v9;
	v11 =	vpop (erf);
	(erf) = vrcp.f32 v6  }
0xa7: {  	v6 =	vadd.f32 $1.000000000e+00, v11;
	(erf) = vrcp.f32 v7  }
0xa8: {  	(erf) = vrcp.f32 v9  }
0xa9: {  	v11 =	vpop (erf)  }
0xaa: {  	v7 =	vadd.f32 $1.000000000e+00, v11;
	v11 =	vpop (erf)  }
0xab: {  	v9 =	vadd.f32 $1.000000000e+00, v11;
	(erf) = vrcp.f32 v6;
	v6 =	vpop (erf)  }
0xac: {  	(erf) = vrcp.f32 v7;
	v2 =	vmul.f32 v6, v2;
	v6 =	vpop (erf)  }
0xad: {  	(erf) = vrcp.f32 v9;
	v6 =	vmul.f32 v6, v10;
	_ =	sdelay $0x1  }
0xae: {  	v7 =	vpop (erf)  }
0xaf: {  	[tilespmem:s13+$0x2050] =	vst v2;
	v2 =	vmul.f32 v7, v8;
	v7 =	vpop (erf)  }
0xb0: {  	[tilespmem:s13+$0x2040] =	vst v6;
	v6 =	vpop (erf)  }
0xb1: {  	v0 =	vmul.f32 v6, v0  }
0xb2: {  	v5 =	vmul.f32 v7, v5  }
0xb3: {  	[tilespmem:s13+$0x2070] =	vst v2;
	v2 =	vpop (erf)  }
0xb4: {  	[tilespmem:s13+$0x2060] =	vst v5;
	v2 =	vmul.f32 v2, v4;
	v4 =	vpop (erf)  }
0xb5: {  	[tilespmem:s13+$0x2020] =	vst v0;
	v3 =	vmul.f32 v4, v3;
	v0 =	vpop (erf)  }
0xb6: {  	s8 =	sshll.u32 s31, $0xA;
	[tilespmem:s13+$0x2030] =	vst v2;
	v0 =	vmul.f32 v0, v1  }
0xb7: {  	s9 =	sshrl.u32 s8, $0x2;
	[tilespmem:s13+$0x2010] =	vst v3  }
0xb8: {  	p0 =	seq.s32 s31, $0xF;
	s9 =	sadd.s32 $0x1000, s9;
	[tilespmem:s13+$0x2000] =	vst v0  }
0xb9: {  	[spmem:s2] =	stream.indirect.scatter.add.f32 [tilespmem:s19], [sflag:$0x5], $0x80, s9, s18, $0xb8;
	[tilespmem:$0x1E000] =	vst v63  }
0xba: {  	s1 =	sadd.s32 @!p0 s30, s1;
	s8 =	sshrl.u32 @!p0 s8, $0x2;
	_ =	swait.ge [sflag:s16], $0x2000  }
0xbb: {  	s1 =	sshll.u32 @!p0 s1, $0xA;
	s8 =	sadd.s32 @!p0 $0x100, s8;
	[sflag:s16] =	ssyncset.done $0x0  }
0xbc: {  	s13 =	simm.s32 @!p0 $0x2000;
	s9 =	simm.s32 @!p0 $0x40;
	[sflag:s16] =	ssyncadd.s32 $0xFFFFE000  }
0xbd: {  	[tilespmem:s13], [sflag:$0x1] =	stream.indirect.gather @!p0 [hbm4b:s4+s9], $0x80, s8, s9, $0xb8;
	[tilespmem:$0x1E000] =	vst v63  }
0xbe: {  	s1 =	sadd.s32 @!p0 s1, s12;
	s8 =	simm.s32 @!p0 $0x0;
	s9 =	simm.s32 @!p0 $0x6000  }
0xbf: {  	[tilespmem:s9], [sflag:$0x3] =	stream.linear.gather @!p0 [hbm4b:s1+s8], $0x2000, $0x38;
	[tilespmem:$0x1E000] =	vst v63  }
0xc0: {  	_ =	swait.ge [sflag:s25], $0x2000  }
0xc1: {  	[sflag:s25] =	ssyncset.done $0x0  }
0xc2: {  	[sflag:s25] =	ssyncadd.s32 $0xFFFFE000  }
0xc3: {  	_ =	swait.ge [sflag:s26], $0x2000  }
0xc4: {  	[sflag:s26] =	ssyncset.done $0x0  }
0xc5: {  	s1 =	simm.s32 $0x0;
	[sflag:s26] =	ssyncadd.s32 $0xFFFFE000  }
0xc6: {  	v0 =	vld [tilespmem:s1+$0x8020]  }
0xc7: {  	v1 =	vld [tilespmem:s1+$0x8040]  }
0xc8: {  	v4 =	vld [tilespmem:s1+$0x8060]  }
0xc9: {  	v5 =	vld [tilespmem:s1+$0x8070]  }
0xca: {  	v2 =	vld [tilespmem:s1+$0x8050]  }
0xcb: {  	v3 =	vld [tilespmem:s1+$0x4050]  }
0xcc: {  	v6 =	vld [tilespmem:s1+$0x4040]  }
0xcd: {  	v7 =	vld [tilespmem:s1+$0x4070]  }
0xce: {  	v8 =	vld [tilespmem:s1+$0x4060]  }
0xcf: {  	v9 =	vld [tilespmem:s1+$0x4020]  }
0xd0: {  	v2 =	vadd.f32 v2, v3  }
0xd1: {  	v3 =	vadd.f32 v1, v6  }
0xd2: {  	v6 =	vadd.f32 v5, v7;
	v7 =	vld [tilespmem:s1+$0x8030];
	v1 =	vsub.f32 $0.0e+00, v2  }
0xd3: {  	v5 =	vadd.f32 v4, v8;
	v4 =	vld [tilespmem:s1+$0x4030];
	v60 =	vsub.f32 $0.0e+00, v3  }
0xd4: {  	v10 =	vld [tilespmem:s1+$0x8010];
	v8 =	vmul.f32 $1.442695020e+00, v1;
	v1 =	vadd.f32 v0, v9;
	v0 =	vsub.f32 $0.0e+00, v6  }
0xd5: {  	v61 =	vsub.f32 $0.0e+00, v5;
	v9 =	vld [tilespmem:s1+$0x4010];
	v12 =	vmul.f32 $1.442695020e+00, v60  }
0xd6: {  	v11 =	vld [tilespmem:s1+$0x8000];
	(erf) = vpow2.f32 v8;
	v8 =	vsub.f32 $0.0e+00, v1;
	v0 =	vmul.f32 $1.442695020e+00, v0  }
0xd7: {  	v62 =	vld [tilespmem:s1+$0x4000];
	v63 =	vmul.f32 $1.442695020e+00, v61;
	(erf) = vpow2.f32 v12  }
0xd8: {  	v7 =	vadd.f32 v7, v4;
	v8 =	vmul.f32 $1.442695020e+00, v8;
	(erf) = vpow2.f32 v0  }
0xd9: {  	(erf) = vpow2.f32 v63  }
0xda: {  	v4 =	vadd.f32 v10, v9;
	(erf) = vpow2.f32 v8;
	v8 =	vsub.f32 $0.0e+00, v7;
	_ =	sdelay $0x1  }
0xdb: {  	v0 =	vadd.f32 v11, v62;
	v9 =	vsub.f32 $0.0e+00, v4;
	v8 =	vmul.f32 $1.442695020e+00, v8;
	_ =	sdelay $0x1  }
0xdc: {  	v10 =	vsub.f32 $0.0e+00, v0;
	v9 =	vmul.f32 $1.442695020e+00, v9;
	_ =	sdelay $0x1  }
0xdd: {  	v10 =	vmul.f32 $1.442695020e+00, v10;
	(erf) = vpow2.f32 v8;
	v8 =	vpop (erf)  }
0xde: {  	(erf) = vpow2.f32 v9;
	v8 =	vadd.f32 $1.000000000e+00, v8  }
0xdf: {  	v9 =	vpop (erf);
	(erf) = vpow2.f32 v10  }
0xe0: {  	(erf) = vrcp.f32 v8  }
0xe1: {  	v9 =	vadd.f32 $1.000000000e+00, v9  }
0xe2: {  	v10 =	vpop (erf)  }
0xe3: {  	(erf) = vrcp.f32 v9;
	v8 =	vpop (erf)  }
0xe4: {  	s13 =	simm.s32 $0x200;
	s8 =	simm.s32 $0x400;
	v9 =	vadd.f32 $1.000000000e+00, v10;
	v8 =	vadd.f32 $1.000000000e+00, v8;
	v10 =	vpop (erf)  }
.LBB2_6:
0xe5: {  	p0 =	sne.s32 s8, $0x7E00  }
0xe6: {  	s9 =	sshra.s32 s13, $0x2;
	v10 =	vadd.f32 $1.000000000e+00, v10;
	v11 =	vpop (erf);
	(erf) = vrcp.f32 v9;
	s13 =	smov.u32 s8;
	s8 =	sadd.s32 $0x200, s8  }
0xe7: {  	v9 =	vld [tilespmem:s9+$0x8020];
	v14 =	vadd.f32 $1.000000000e+00, v11;
	v12 =	vpop (erf);
	(erf) = vrcp.f32 v8  }
0xe8: {  	v8 =	vld [tilespmem:s9+$0x8040];
	v12 =	vadd.f32 $1.000000000e+00, v12;
	v13 =	vpop (erf);
	(erf) = vrcp.f32 v10  }
0xe9: {  	v10 =	vld [tilespmem:s9+$0x8060];
	v13 =	vadd.f32 $1.000000000e+00, v13;
	(erf) = vrcp.f32 v14;
	v11 =	vpop (erf)  }
0xea: {  	v14 =	vld [tilespmem:s9+$0x8070];
	v15 =	vmul.f32 v11, v2;
	(erf) = vrcp.f32 v12  }
0xeb: {  	v11 =	vld [tilespmem:s9+$0x8050];
	(erf) = vrcp.f32 v13  }
0xec: {  	v12 =	vld [tilespmem:s9+$0x8010];
	[tilespmem:s1+$0x4050] =	vst v15;
	v2 =	vpop (erf)  }
0xed: {  	v13 =	vld [tilespmem:s9+$0x4050];
	v3 =	vmul.f32 v2, v3;
	_ =	sdelay $0x1  }
0xee: {  	[tilespmem:s1+$0x4040] =	vst v3;
	v2 =	vpop (erf)  }
0xef: {  	v3 =	vld [tilespmem:s9+$0x4040];
	v18 =	vmul.f32 v2, v6;
	v2 =	vpop (erf)  }
0xf0: {  	v15 =	vld [tilespmem:s9+$0x8000];
	v19 =	vmul.f32 v2, v5;
	v16 =	vpop (erf)  }
0xf1: {  	v17 =	vld [tilespmem:s9+$0x8030];
	v2 =	vadd.f32 v11, v13;
	v16 =	vmul.f32 v16, v1;
	[tilespmem:s1+$0x4070] =	vst v18;
	v6 =	vpop (erf)  }
0xf2: {  	v11 =	vld [tilespmem:s9+$0x4070];
	v6 =	vmul.f32 v6, v7;
	[tilespmem:s1+$0x4060] =	vst v19;
	v5 =	vpop (erf)  }
0xf3: {  	v7 =	vsub.f32 $0.0e+00, v2;
	v13 =	vld [tilespmem:s9+$0x4060];
	v4 =	vmul.f32 v5, v4;
	[tilespmem:s1+$0x4020] =	vst v16;
	v1 =	vpop (erf)  }
0xf4: {  	v16 =	vld [tilespmem:s9+$0x4020];
	v3 =	vadd.f32 v8, v3;
	v0 =	vmul.f32 v1, v0;
	[tilespmem:s1+$0x4030] =	vst v6  }
0xf5: {  	v8 =	vld [tilespmem:s9+$0x4030];
	v1 =	vmul.f32 $1.442695020e+00, v7;
	[tilespmem:s1+$0x4010] =	vst v4  }
0xf6: {  	v4 =	vld [tilespmem:s9+$0x4010];
	v5 =	vsub.f32 $0.0e+00, v3;
	[tilespmem:s1+$0x4000] =	vst v0;
	s1 =	smov.u32 s9  }
0xf7: {  	v0 =	vld [tilespmem:s1+$0x4000];
	v6 =	vadd.f32 v14, v11;
	(erf) = vpow2.f32 v1  }
0xf8: {  	v11 =	vmul.f32 $1.442695020e+00, v5;
	v5 =	vadd.f32 v10, v13  }
0xf9: {  	v1 =	vadd.f32 v9, v16;
	v9 =	vsub.f32 $0.0e+00, v6  }
0xfa: {  	v7 =	vadd.f32 v17, v8;
	v8 =	vsub.f32 $0.0e+00, v5;
	(erf) = vpow2.f32 v11  }
0xfb: {  	v4 =	vadd.f32 v12, v4;
	v10 =	vsub.f32 $0.0e+00, v1;
	v9 =	vmul.f32 $1.442695020e+00, v9  }
0xfc: {  	v0 =	vadd.f32 v15, v0;
	v11 =	vsub.f32 $0.0e+00, v7;
	v8 =	vmul.f32 $1.442695020e+00, v8  }
0xfd: {  	v12 =	vsub.f32 $0.0e+00, v4;
	v13 =	vmul.f32 $1.442695020e+00, v10;
	(erf) = vpow2.f32 v9  }
0xfe: {  	v9 =	vsub.f32 $0.0e+00, v0;
	v11 =	vmul.f32 $1.442695020e+00, v11;
	(erf) = vpow2.f32 v8  }
0xff: {  	v8 =	vmul.f32 $1.442695020e+00, v12;
	(erf) = vpow2.f32 v13  }
0x100: {  	v9 =	vmul.f32 $1.442695020e+00, v9;
	(erf) = vpow2.f32 v11;
	v10 =	vpop (erf)  }
0x101: {  	v10 =	vadd.f32 $1.000000000e+00, v10;
	(erf) = vpow2.f32 v8  }
0x102: {  	(erf) = vpow2.f32 v9  }
0x103: {  	v8 =	vpop (erf);
	(erf) = vrcp.f32 v10  }
.Ltmp1:
0x104: {  	v9 =	vadd.f32 $1.000000000e+00, v8;
	(pc) =	sbr.rel @p0 .LBB2_6-.Ltmp1, $4  }
0x105: {  	_ = 	snop  }
0x106: {  	(erf) = vrcp.f32 v9;
	v8 =	vpop (erf)  }
0x107: {  	v9 =	vadd.f32 $1.000000000e+00, v8;
	v8 =	vpop (erf)  }
0x108: {  	v8 =	vadd.f32 $1.000000000e+00, v8;
	v10 =	vpop (erf)  }
0x109: {  	(erf) = vrcp.f32 v9;
	_ =	sdelay $0x3  }
0x10a: {  	v11 =	vpop (erf);
	v10 =	vadd.f32 $1.000000000e+00, v10  }
0x10b: {  	v12 =	vpop (erf);
	(erf) = vrcp.f32 v8;
	v11 =	vadd.f32 $1.000000000e+00, v11  }
0x10c: {  	s8 =	sshra.s32 s13, $0x2;
	v58 =	vpop (erf);
	(erf) = vrcp.f32 v10;
	v61 =	vadd.f32 $1.000000000e+00, v12  }
0x10d: {  	v57 =	vld [tilespmem:s8+$0x8020];
	v15 =	vpop (erf);
	(erf) = vrcp.f32 v11;
	v8 =	vadd.f32 $1.000000000e+00, v58  }
0x10e: {  	v13 =	vld [tilespmem:s8+$0x8040];
	(erf) = vrcp.f32 v61;
	v17 =	vpop (erf)  }
0x10f: {  	v14 =	vld [tilespmem:s8+$0x8060];
	v12 =	vpop (erf);
	(erf) = vrcp.f32 v8  }
0x110: {  	v16 =	vld [tilespmem:s8+$0x8070];
	v2 =	vmul.f32 v15, v2  }
0x111: {  	v59 =	vld [tilespmem:s8+$0x8050];
	v62 =	vmul.f32 v17, v3  }
0x112: {  	v60 =	vld [tilespmem:s8+$0x8010];
	[tilespmem:s1+$0x4050] =	vst v2  }
0x113: {  	v63 =	vld [tilespmem:s8+$0x4050];
	[tilespmem:s1+$0x4040] =	vst v62  }
0x114: {  	v17 =	vld [tilespmem:s8+$0x4040];
	v2 =	vmul.f32 v12, v6;
	v19 =	vpop (erf)  }
0x115: {  	v18 =	vld [tilespmem:s8+$0x8000];
	v5 =	vmul.f32 v19, v5;
	v21 =	vpop (erf)  }
0x116: {  	v20 =	vld [tilespmem:s8+$0x8030];
	[tilespmem:s1+$0x4070] =	vst v2;
	v1 =	vmul.f32 v21, v1;
	v23 =	vpop (erf)  }
0x117: {  	v22 =	vld [tilespmem:s8+$0x4070];
	[tilespmem:s1+$0x4060] =	vst v5;
	v2 =	vmul.f32 v23, v7;
	v24 =	vpop (erf)  }
0x118: {  	v26 =	vadd.f32 v59, v63;
	v5 =	vld [tilespmem:s8+$0x4060];
	[tilespmem:s1+$0x4020] =	vst v1;
	v1 =	vmul.f32 v24, v4;
	v27 =	vpop (erf)  }
0x119: {  	v25 =	vld [tilespmem:s8+$0x4020];
	[tilespmem:s1+$0x4030] =	vst v2;
	v29 =	vadd.f32 v13, v17;
	v0 =	vmul.f32 v27, v0  }
0x11a: {  	v30 =	vsub.f32 $0.0e+00, v26;
	v28 =	vld [tilespmem:s8+$0x4030];
	[tilespmem:s1+$0x4010] =	vst v1  }
0x11b: {  	v31 =	vld [tilespmem:s8+$0x4010];
	v11 =	vsub.f32 $0.0e+00, v29;
	[tilespmem:s1+$0x4000] =	vst v0  }
0x11c: {  	v32 =	vmul.f32 $1.442695020e+00, v30;
	v8 =	vadd.f32 v16, v22;
	v33 =	vld [tilespmem:s8+$0x4000]  }
0x11d: {  	v11 =	vmul.f32 $1.442695020e+00, v11;
	v5 =	vadd.f32 v14, v5  }
0x11e: {  	(erf) = vpow2.f32 v32;
	v34 =	vadd.f32 v57, v25;
	v35 =	vsub.f32 $0.0e+00, v8  }
0x11f: {  	v4 =	vadd.f32 v20, v28;
	v36 =	vsub.f32 $0.0e+00, v5;
	(erf) = vpow2.f32 v11  }
0x120: {  	v3 =	vadd.f32 v60, v31;
	v37 =	vsub.f32 $0.0e+00, v34;
	v7 =	vmul.f32 $1.442695020e+00, v35  }
0x121: {  	v38 =	vsub.f32 $0.0e+00, v4;
	v9 =	vmul.f32 $1.442695020e+00, v36;
	v1 =	vadd.f32 v18, v33  }
0x122: {  	v39 =	vsub.f32 $0.0e+00, v3;
	v11 =	vmul.f32 $1.442695020e+00, v37;
	(erf) = vpow2.f32 v7  }
0x123: {  	v6 =	vmul.f32 $1.442695020e+00, v38;
	(erf) = vpow2.f32 v9;
	v40 =	vsub.f32 $0.0e+00, v1  }
0x124: {  	v41 =	vmul.f32 $1.442695020e+00, v39;
	(erf) = vpow2.f32 v11  }
0x125: {  	(erf) = vpow2.f32 v6;
	v7 =	vmul.f32 $1.442695020e+00, v40  }
0x126: {  	(erf) = vpow2.f32 v41  }
0x127: {  	(erf) = vpow2.f32 v7;
	_ =	sdelay $0x1  }
0x128: {  	v42 =	vpop (erf)  }
0x129: {  	v6 =	vadd.f32 $1.000000000e+00, v42;
	v43 =	vpop (erf)  }
0x12a: {  	v7 =	vadd.f32 $1.000000000e+00, v43;
	v44 =	vpop (erf)  }
0x12b: {  	(erf) = vrcp.f32 v6;
	v45 =	vadd.f32 $1.000000000e+00, v44;
	v46 =	vpop (erf)  }
0x12c: {  	(erf) = vrcp.f32 v7;
	v47 =	vadd.f32 $1.000000000e+00, v46;
	v48 =	vpop (erf)  }
0x12d: {  	v9 =	vadd.f32 $1.000000000e+00, v48;
	v49 =	vpop (erf);
	(erf) = vrcp.f32 v45  }
0x12e: {  	v50 =	vadd.f32 $1.000000000e+00, v49;
	v51 =	vpop (erf);
	(erf) = vrcp.f32 v47  }
0x12f: {  	v52 =	vadd.f32 $1.000000000e+00, v51;
	(erf) = vrcp.f32 v9;
	v53 =	vpop (erf)  }
0x130: {  	(erf) = vrcp.f32 v50;
	v54 =	vadd.f32 $1.000000000e+00, v53  }
0x131: {  	(erf) = vrcp.f32 v52  }
0x132: {  	(erf) = vrcp.f32 v54;
	_ =	sdelay $0x1  }
0x133: {  	v55 =	vpop (erf)  }
0x134: {  	v2 =	vmul.f32 v55, v26;
	v56 =	vpop (erf)  }
0x135: {  	v6 =	vmul.f32 v56, v29;
	v57 =	vpop (erf)  }
0x136: {  	[tilespmem:s8+$0x4050] =	vst v2;
	v58 =	vmul.f32 v57, v8;
	v59 =	vpop (erf)  }
0x137: {  	[tilespmem:s8+$0x4040] =	vst v6;
	v5 =	vmul.f32 v59, v5;
	v60 =	vpop (erf)  }
0x138: {  	v0 =	vmul.f32 v60, v34;
	[tilespmem:s8+$0x4070] =	vst v58;
	v61 =	vpop (erf)  }
0x139: {  	v2 =	vmul.f32 v61, v4;
	[tilespmem:s8+$0x4060] =	vst v5;
	v62 =	vpop (erf)  }
0x13a: {  	v3 =	vmul.f32 v62, v3;
	[tilespmem:s8+$0x4020] =	vst v0;
	v63 =	vpop (erf)  }
0x13b: {  	s31 =	sadd.s32 $0x1, s31;
	[tilespmem:s8+$0x4030] =	vst v2;
	v0 =	vmul.f32 v63, v1  }
0x13c: {  	p0 =	sne.s32 s31, $0x10;
	[tilespmem:s8+$0x4010] =	vst v3  }
.Ltmp2:
0x13d: {  	s0 =	sadd.s32 $0x1000, s0;
	[tilespmem:s8+$0x4000] =	vst v0;
	(pc) =	sbr.rel @p0 .LBB2_3-.Ltmp2, $4  }
0x13e: {  	[spmem:s2] =	stream.indirect.scatter.add.f32 [tilespmem:s21], [sflag:$0x5], $0x80, s0, s18, $0xb8;
	[tilespmem:$0x1E000] =	vst v63  }
0x13f: {  	_ =	swait.ge [sflag:s16], $0x2000  }
0x140: {  	[sflag:s16] =	ssyncset.done $0x0  }
0x141: {  	[sflag:s16] =	ssyncadd.s32 $0xFFFFE000  }
0x142: {  	s28 =	sadd.s32 $0x1, s28  }
0x143: {  	p0 =	sne.s32 s28, $0x5  }
.Ltmp3:
0x144: {  	_ = 	snop;
	(pc) =	sbr.rel @p0 .LBB2_2-.Ltmp3, $1  }
0x145: {  	_ =	sdelay $0x3  }
0x146: {  	[bflag:$0x0] =	sbarrier.arrive $0xFFFF  }
0x147: {  	s0 =	rddreg [dreg:$0x4]  }
0x148: {  	s1 =	rddreg [dreg:$0x6]  }
0x149: {  	[hbm:s0], [sflag:s15] =	dma.local [spmem:s1], $0x2800  }
0x14a: {  	_ =	swait.ge [sflag:s16], $0x2800  }
0x14b: {  	s3 =	sadd.s32 $0x1, s3;
	s31 =	rddreg [dreg:$0x5]  }
0x14c: {  	p0 =	sne.s32 s3, s31  }
.Ltmp4:
0x14d: {  	_ = 	snop;
	(pc) =	sbr.rel @p0 .LBB2_1-.Ltmp4, $3  }
0x14e: {  	_ =	sdelay $0x1  }
0x14f: {  	[sflag:s16] =	ssyncset.done $0x0  }
0x150: {  	s14 =	smov.u32 s15;
	[sflag:s16] =	ssyncadd.s32 $0xFFFFD800  }
0x151: {  	_ =	sfence.sel $0x180000  }
0x152: {  	[bflag:$0x0] =	sbarrier.arrive $0xFFFF  }
0x153: {  	_ =	strace $0x90000047  }
0x154: {  	s0 =	stileid.u32;
	[bflag:$0x2] =	sbarrier.arrive $0xFFFF  }
0x155: {  	p0 =	sne.s32 s0, $0x0;
	s0 =	rddreg [dreg:$0x2]  }
0x156: {  	s0 =	sadd.s32 @!p0 $0x100000, s0  }
0x157: {  	[sflag:s0] =	ssyncadd.tile.s32 @!p0 $0x1;
	_ =	shalt  }
.Lfunc_end2:
_tile_overlayer_lowered:
.L_overlay_start_2:
0x158: {  	(tag) =	ssettag $0x2  }
0x159: {  	s0 =	rddreg [dreg:$0x0];
	s2 =	stileid.u32  }
0x15a: {  	s1 =	rddreg [dreg:$0x1];
	p0 =	sne.s32 s2, $0x0  }
0x15b: {  	s3 =	rddreg [dreg:$0x2];
	[bflag:$0x3] =	sbarrier.arrive $0xFFFF;
	s2 =	simm.s32 @!p0 $0x1C05  }
0x15c: {  	[timem:s3], [sflag:s2] =	dma.local @!p0 [hbm:s0], s1  }
0x15d: {  	s0 =	simm.s32 @!p0 $0x5  }
0x15e: {  	_ =	swait.ge @!p0 [sflag:s0], s1  }
0x15f: {  	s1 =	ssub.s32 @!p0 $0x0, s1;
	[sflag:s0] =	ssyncset.done @!p0 $0x0  }
0x160: {  	[sflag:s0] =	ssyncadd.s32 @!p0 s1  }
0x161: {  	[bflag:$0x3] =	sbarrier.arrive $0xFFFF  }
0x162: {  	_ =	shalt  }

// kernel: kernel.21.cloned.1.call-start
scs
__scs_entry_jumppad:
0x0: {  	(pc) =	sbr.rel $0x88, $3  }
0x1: {  	(tag) =	ssettag $0x0;
	lr =	simm.s32 $0x1  }
0x2: {  	[smem:$0x3F94] =	sst lr;
	_ =	strace $0xD0000000  }
0x3: {  	_ = 	snop  }
0x4: {  	_ = 	snop  }
0x5: {  	_ = 	snop  }
0x6: {  	_ = 	snop  }
0x7: {  	_ = 	snop  }
__scs_overlays_trampoline_lowered:
0x8: {  	[smem:$0x3FA3] =	sst s0  }
0x9: {  	[smem:$0x3FA4] =	sst s1  }
0xa: {  	[smem:$0x3FA5] =	sst s2  }
0xb: {  	[smem:$0x3FA6] =	sst s3  }
0xc: {  	[smem:$0x3FA7] =	sst s4  }
0xd: {  	[smem:$0x3FA8] =	sst s5  }
0xe: {  	[smem:$0x3FA9] =	sst s6  }
0xf: {  	[smem:$0x3FAA] =	sst s7  }
0x10: {  	[smem:$0x3FAB] =	sst s8  }
0x11: {  	[smem:$0x3FAC] =	sst s9;
	s0 =	simm.s32 @!p0 $0x0  }
0x12: {  	s1 =	sld [smem:$0x3F92];
	s0 =	simm.s32 @p0 $0x1  }
0x13: {  	[smem:$0x3FAD] =	sst s0;
	s0 =	simm.s32 @!p1 $0x0  }
0x14: {  	s2 =	sld [smem:$0x3F91];
	s0 =	simm.s32 @p1 $0x1  }
0x15: {  	[smem:$0x3FAE] =	sst s0;
	s0 =	simm.s32 @!p2 $0x0  }
0x16: {  	s3 =	sld [smem:$0x3FDB];
	s0 =	simm.s32 @p2 $0x1  }
0x17: {  	s4 =	simm.s32 $0x1BF5;
	[smem:$0x3FB0] =	sst s0  }
0x18: {  	s0 =	sld [smem:$0x3F93];
	_ =	swait.ge [sflag:s4], $0x0  }
0x19: {  	s7 =	sld [smem:$0x3F94]  }
0x1a: {  	s8 =	sadd.s32 $0xFFFFE003, lr  }
0x1b: {  	s9 =	sadd.s32 $0xFFFFFEF7, lr;
	s5 =	simm.s32 $0xFFFFFFFF;
	p2 =	slt.u32 s8, $0xFFFFF086  }
0x1c: {  	p1 =	slt.u32 s9, $0xF7A;
	s5 =	simm.s32 @!p2 $0x0  }
0x1d: {  	s5 =	simm.s32 @p1 $0x1;
	p0 =	seq.s32 s7, s2  }
0x1e: {  	s7 =	smul.u32 @!p0 $0xF7A, s2;
	p2 =	seq.s32 @!p0 s5, $0x0  }
0x1f: {  	s9 =	smul.u32 $0xF7A, s1;
	s8 =	simm.s32 @!p0 $0x1BF5;
	p2 =	por !p2, p0  }
0x20: {  	[sflag:s8] =	ssyncset.s32 @!p0 $0xFFFFF086;
	s6 =	sadd.s32 @!p0 s3, s7;
	s7 =	simm.s32 @!p0 $0x108  }
0x21: {  	s3 =	sadd.s32 s3, s9;
	s6 =	sadd.s32 @!p0 $0x88, s6;
	s7 =	simm.s32 @p2 $0x1082  }
0x22: {  	[simem:s7], [sflag:s8] =	dma.local @!p0 [hbm:s6], $0xF7A  }
0x23: {  	s9 =	sor.u32 $0xD0000000, s2;
	s6 =	simm.s32 $0x108;
	_ =	swait.ge @!p0 [sflag:s8], $0x0  }
0x24: {  	s3 =	sadd.s32 $0x88, s3;
	s6 =	simm.s32 @!p1 $0x1082;
	[sflag:s4] =	ssyncset.s32 $0xFFFFF086  }
0x25: {  	[simem:s6], [sflag:s4] =	dma.local [hbm:s3], $0xF7A  }
0x26: {  	[smem:$0x3F94] =	sst s1;
	(tag) =	ssettag s2;
	_ =	strace s9  }
0x27: {  	s1 =	sld [smem:$0x3FA4]  }
0x28: {  	s2 =	sld [smem:$0x3FA5]  }
0x29: {  	s4 =	sld [smem:$0x3FA7]  }
0x2a: {  	p0 =	seq.s32 s5, $0x0;
	s5 =	sld [smem:$0x3FA8]  }
0x2b: {  	s6 =	sld [smem:$0x3FA9]  }
0x2c: {  	s7 =	sld [smem:$0x3FAA]  }
0x2d: {  	s3 =	simm.s32 $0x108;
	s8 =	sld [smem:$0x3FAB]  }
0x2e: {  	s3 =	simm.s32 @!p0 $0x1082;
	s9 =	sld [smem:$0x3FAC]  }
0x2f: {  	lr =	sadd.s32 s0, s3;
	s0 =	sld [smem:$0x3FA3]  }
0x30: {  	s3 =	sld [smem:$0x3FA6]  }
0x31: {  	[smem:$0x3FAF] =	sst s10  }
0x32: {  	s10 =	sld [smem:$0x3FAD];
	_ =	sdelay $0x3  }
0x33: {  	p0 =	seq.s32 s10, $0x1;
	s10 =	sld [smem:$0x3FAF];
	_ =	sdelay $0x3  }
0x34: {  	[smem:$0x3FAF] =	sst s10  }
0x35: {  	s10 =	sld [smem:$0x3FAE];
	_ =	sdelay $0x3  }
0x36: {  	p1 =	seq.s32 s10, $0x1;
	s10 =	sld [smem:$0x3FAF];
	_ =	sdelay $0x3  }
0x37: {  	[smem:$0x3FAF] =	sst s10  }
0x38: {  	s10 =	sld [smem:$0x3FB0]  }
0x39: {  	_ = 	snop;
	(pc) =	sbr.ind lr, $3  }
0x3a: {  	_ = 	snop  }
0x3b: {  	_ = 	snop  }
0x3c: {  	p2 =	seq.s32 s10, $0x1;
	s10 =	sld [smem:$0x3FAF]  }
0x3d: {  	_ =	shalt  }
0x3e: {  	_ =	shalt  }
0x3f: {  	_ =	shalt  }
0x40: {  	_ =	shalt  }
0x41: {  	_ =	shalt  }
0x42: {  	_ =	shalt  }
0x43: {  	_ =	shalt  }
0x44: {  	_ =	shalt  }
0x45: {  	_ =	shalt  }
0x46: {  	_ =	shalt  }
0x47: {  	_ =	shalt  }
0x48: {  	_ =	shalt  }
0x49: {  	_ =	shalt  }
0x4a: {  	_ =	shalt  }
0x4b: {  	_ =	shalt  }
0x4c: {  	_ =	shalt  }
0x4d: {  	_ =	shalt  }
0x4e: {  	_ =	shalt  }
0x4f: {  	_ =	shalt  }
0x50: {  	_ =	shalt  }
0x51: {  	_ =	shalt  }
0x52: {  	_ =	shalt  }
0x53: {  	_ =	shalt  }
0x54: {  	_ =	shalt  }
0x55: {  	_ =	shalt  }
0x56: {  	_ =	shalt  }
0x57: {  	_ =	shalt  }
0x58: {  	_ =	shalt  }
0x59: {  	_ =	shalt  }
0x5a: {  	_ =	shalt  }
0x5b: {  	_ =	shalt  }
0x5c: {  	_ =	shalt  }
0x5d: {  	_ =	shalt  }
0x5e: {  	_ =	shalt  }
0x5f: {  	_ =	shalt  }
0x60: {  	_ =	shalt  }
0x61: {  	_ =	shalt  }
0x62: {  	_ =	shalt  }
0x63: {  	_ =	shalt  }
0x64: {  	_ =	shalt  }
0x65: {  	_ =	shalt  }
0x66: {  	_ =	shalt  }
0x67: {  	_ =	shalt  }
0x68: {  	_ =	shalt  }
0x69: {  	_ =	shalt  }
0x6a: {  	_ =	shalt  }
0x6b: {  	_ =	shalt  }
0x6c: {  	_ =	shalt  }
0x6d: {  	_ =	shalt  }
0x6e: {  	_ =	shalt  }
0x6f: {  	_ =	shalt  }
0x70: {  	_ =	shalt  }
0x71: {  	_ =	shalt  }
0x72: {  	_ =	shalt  }
0x73: {  	_ =	shalt  }
0x74: {  	_ =	shalt  }
0x75: {  	_ =	shalt  }
0x76: {  	_ =	shalt  }
0x77: {  	_ =	shalt  }
0x78: {  	_ =	shalt  }
0x79: {  	_ =	shalt  }
0x7a: {  	_ =	shalt  }
0x7b: {  	_ =	shalt  }
0x7c: {  	_ =	shalt  }
0x7d: {  	_ =	shalt  }
0x7e: {  	_ =	shalt  }
0x7f: {  	_ =	shalt  }
0x80: {  	_ =	shalt  }
0x81: {  	_ =	shalt  }
0x82: {  	_ =	shalt  }
0x83: {  	_ =	shalt  }
0x84: {  	_ =	shalt  }
0x85: {  	_ =	shalt  }
0x86: {  	_ =	shalt  }
0x87: {  	_ =	shalt  }
.Lfunc_end0:
.L_simem_size_0:
called_computation.1_lowered:
.L_overlay_start_0:
0x88: {  	s2 =	sld [smem:$0x3FD9]  }
0x89: {  	s3 =	sld [smem:$0x3FFE];
	_ =	sdelay $0x1  }
0x8a: {  	s1 =	srdreg.scid  }
0x8b: {  	s0 =	sand.u32 $0x1, s1  }
0x8c: {  	s16 =	sshll.u32 s0, $0xA;
	s2 =	sadd.s32 s3, s2  }
0x8d: {  	s2 =	sadd.s32 s2, s16  }
0x8e: {  	[smem:$0x3FBB] =	sst s2  }
0x8f: {  	_ = 	snop  }
0x90: {  	(tm) =	ssettm $0x1  }
0x91: {  	s17 =	sld [smem:$0x3FFB];
	_ =	sdelay $0x3  }
0x92: {  	_ =	strace s17  }
0x93: {  	s2 =	sld [smem:$0x3FFC];
	_ =	sdelay $0x3  }
0x94: {  	_ =	strace s2  }
0x95: {  	s2 =	sld [smem:$0x3FFD];
	_ =	sdelay $0x3  }
0x96: {  	_ =	strace s2  }
0x97: {  	_ =	strace $0x8FFFFFFF  }
0x98: {  	s18 =	sld [smem:$0x3FDB];
	_ =	sdelay $0x1  }
0x99: {  	s19 =	simm.s32 $_scs_section_size  }
0x9a: {  	s4 =	simm.s32 $_size__tile_overlayer_lowered;
	s5 =	simm.s32 $_tile_overlayer_lowered  }
0x9b: {  	s22 =	simm.s32 $0x1BFF;
	s21 =	sshll.u32 s5, $0x1;
	s2 =	sadd.s32 s19, s18  }
0x9c: {  	s6 =	simm.s32 $0x0;
	s20 =	sshll.u32 s4, $0x1;
	s4 =	sadd.s32 s21, s2  }
0x9d: {  	[timem:s6], [sflag:s22] =	dma.local [hbm:s4], s20  }
0x9e: {  	_ =	swait.ge [sflag:s22], s20  }
0x9f: {  	s3 =	ssub.s32 $0x0, s20;
	[sflag:s22] =	ssyncset.done $0x0  }
0xa0: {  	[sflag:s22] =	ssyncadd.s32 s3;
	_ =	sdelay $0x1  }
0xa1: {  	s23 =	simm.s32 $0x1B8B  }
0xa2: {  	_ =	swait.ge [sflag:s23], $0x1  }
0xa3: {  	[sflag:s23] =	ssyncset.done $0x0  }
0xa4: {  	s25 =	simm.s32 $0x1B8E;
	s24 =	sld [smem:$0x3FFE];
	[sflag:s23] =	ssyncadd.s32 $0xFFFFFFFF  }
0xa5: {  	s26 =	simm.s32 $execute0_lowered;
	[smem:$0x3FD2] =	sst s25  }
0xa6: {  	s4 =	sshll.u32 s26, $0x1;
	_ =	strace $0x80000049;
	[dreg:$0x1] =	wrdreg $0xFFFFFFFF  }
0xa7: {  	s28 =	simm.s32 $_size_execute0_lowered;
	s2 =	sadd.s32 s2, s4;
	[dreg:$0x0] =	wrdreg $0x0  }
0xa8: {  	s4 =	sshll.u32 s28, $0x1;
	[dreg:$0x2] =	wrdreg s2  }
0xa9: {  	[dreg:$0x3] =	wrdreg s4  }
0xaa: {  	[dreg:$0x4] =	wrdreg $0xC0  }
0xab: {  	_ =	task [dreg:s6], $0x5FFFF  }
0xac: {  	[dreg:$0x1] =	wrdreg $0xFFFFFFFF  }
0xad: {  	[dreg:$0x0] =	wrdreg $0x60  }
0xae: {  	[dreg:$0x2] =	wrdreg s24  }
0xaf: {  	[dreg:$0x3] =	wrdreg $0xA0000  }
0xb0: {  	[dreg:$0x4] =	wrdreg $0x9  }
0xb1: {  	_ =	task.clear_ibuf [dreg:s6], $0x5FFFF;
	_ =	strace $0x90000049  }
0xb2: {  	s29 =	simm.s32 $0x9;
	_ =	strace $0x8000004B  }
0xb3: {  	_ =	swait.ge [sflag:s29], $0x1  }
0xb4: {  	[sflag:s29] =	ssyncadd.s32 $0xFFFFFFFF  }
0xb5: {  	_ =	strace $0x9000004B  }
0xb6: {  	_ =	sfence  }
0xb7: {  	s30 =	sld [smem:$0x0];
	_ =	sdelay $0x2  }
0xb8: {  	s31 =	sshll.u32 s1, $0xD;
	s1 =	sshrl.u32 s1, $0x2  }
0xb9: {  	s3 =	sand.u32 $0x4000, s31;
	s1 =	sadd.s32 s1, s30  }
0xba: {  	s0 =	sor.u32 s3, s0;
	s1 =	sshll.u32 s1, $0x11  }
0xbb: {  	s0 =	sor.u32 s1, s0  }
0xbc: {  	s0 =	sadd.s32 $0x8F2B, s0  }
0xbd: {  	[sflag:s0] =	ssyncadd.remote.s32 $0x1  }
0xbe: {  	_ =	sfence.sel $0xFFFF  }
0xbf: {  	[dreg:$0x0] =	wrdreg $0xFFFFFFFF;
	(pc) =	sbr.abs _section_cstart, $3  }
0xc0: {  	[dreg:$0x1] =	wrdreg $0xFFFFFFFF  }
0xc1: {  	_ =	task.clear_ibuf [dreg:s6], $0x2FFFF;
	_ =	strace $0x9FFFFFFF  }
0xc2: {  	(tm) =	ssettm $0x7FFFFFFF  }
0xc3: {  	_ =	shalt  }
tec
execute0_lowered:
.L_overlay_start_1:
0x0: {  	(tag) =	ssettag $0x1  }
0x1: {  	s0 =	rddreg [dreg:$0x0]  }
0x2: {  	s2 =	rddreg [dreg:$0x1];
	s3 =	simm.s32 $0x0  }
0x3: {  	s14 =	stileid.u32;
	s1 =	srdreg.scid;
	s16 =	simm.s32 $0x5  }
0x4: {  	s17 =	simm.s32 $0x1000;
	s18 =	simm.s32 $0x40;
	s19 =	simm.s32 $0x2000  }
0x5: {  	s20 =	simm.s32 $0x6000;
	s21 =	simm.s32 $0x4000;
	s22 =	simm.s32 $0x8000  }
0x6: {  	s23 =	simm.s32 $0x1;
	s29 =	simm.s32 $0x0;
	[smem:$0x7FF] =	sst s3  }
0x7: {  	s8 =	smul.u32 $0x14000, s14;
	s1 =	sand.u32 $0x1, s1;
	s4 =	sadd.s32 $0xA200, s0  }
0x8: {  	s5 =	sadd.s32 $0xF1C000, s0;
	s6 =	sadd.s32 $0x4EC800, s0;
	s11 =	smul.u32 $0x50000, s14  }
0x9: {  	s7 =	sadd.s32 $0x500800, s0;
	s26 =	smul.u32 $0x5000, s14;
	s28 =	sshll.u32 s14, $0x6  }
0xa: {  	_ =	strace $0x8000004A;
	s9 =	smul.u32 $0x140000, s1;
	s24 =	ssub.s32 $0x2, s1  }
0xb: {  	s25 =	smul.u32 $0x50000, s1;
	s1 =	sshll.u32 s1, $0x4;
	s10 =	sshrl.u32 s8, $0x3  }
0xc: {  	s12 =	sshrl.u32 s24, $0x1;
	s11 =	sshrl.u32 s11, $0x2;
	s1 =	sor.u32 s14, s1  }
0xd: {  	s14 =	sor.u32 $0x1C05, s28;
	s8 =	sadd.s32 s8, s9;
	s10 =	sadd.s32 s10, s0  }
0xe: {  	s9 =	ssub.s32 s24, s12;
	s13 =	sadd.s32 s11, s2;
	s11 =	smul.u32 $0xA0, s1  }
0xf: {  	s12 =	sadd.s32 $0xF1C400, s0;
	s24 =	simm.s32 $0x3;
	s10 =	sadd.s32 $0x32200, s10  }
0x10: {  	s8 =	sshrl.u32 s8, $0x3;
	s31 =	smax.u32 s9, $0x1;
	[dreg:$0x3] =	wrdreg s10  }
0x11: {  	s1 =	sshrl.u32 s13, $0x3;
	s8 =	sadd.s32 s8, s0;
	[dreg:$0x5] =	wrdreg s31  }
0x12: {  	s10 =	sadd.s32 s26, s25;
	[dreg:$0x6] =	wrdreg s1;
	s30 =	sadd.s32 $0x81400, s8  }
0x13: {  	s25 =	simm.s32 $0x2;
	s26 =	simm.s32 $0x4;
	[dreg:$0x4] =	wrdreg s30  }
.LBB2_1:
0x14: {  	s0 =	rddreg [dreg:$0x3]  }
0x15: {  	[spmem:s1], [sflag:s14] =	dma.local [hbm:s0], $0x2800  }
0x16: {  	_ =	swait.ge [sflag:s16], $0x2800  }
0x17: {  	[sflag:s16] =	ssyncset.done $0x0  }
0x18: {  	[sflag:s16] =	ssyncadd.s32 $0xFFFFD800  }
0x19: {  	s15 =	smov.u32 s14;
	s28 =	simm.s32 $0x0;
	[bflag:$0x0] =	sbarrier.arrive $0xFFFF  }
.LBB2_2:
0x1a: {  	s0 =	sshll.u32 s28, $0xC  }
0x1b: {  	s0 =	sadd.s32 s0, s10  }
0x1c: {  	s0 =	sshrl.u32 s0, $0x3  }
0x1d: {  	s1 =	sadd.s32 s6, s0  }
0x1e: {  	[tilespmem:s29], [sflag:$0x5] =	stream.linear.gather [hbm4b:s1+s29], $0x1000, $0x38;
	[tilespmem:$0x1E000] =	vst v63  }
0x1f: {  	_ =	swait.ge [sflag:s16], $0x1000  }
0x20: {  	[sflag:s16] =	ssyncset.done $0x0  }
0x21: {  	s0 =	sadd.s32 s7, s0;
	[sflag:s16] =	ssyncadd.s32 $0xFFFFF000  }
0x22: {  	[tilespmem:s17], [sflag:$0x5] =	stream.linear.gather [hbm4b:s0+s29], $0x1000, $0x38;
	[tilespmem:$0x1E000] =	vst v63  }
0x23: {  	s14 =	sshll.u32 s28, $0x5;
	_ =	swait.ge [sflag:s16], $0x1000  }
0x24: {  	s30 =	sadd.s32 s11, s14;
	[sflag:s16] =	ssyncset.done $0x0  }
0x25: {  	s0 =	sshll.u32 s30, $0xA;
	[sflag:s16] =	ssyncadd.s32 $0xFFFFF000  }
0x26: {  	[tilespmem:s19], [sflag:$0x1] =	stream.indirect.gather [hbm4b:s4+s18], $0x80, s29, s18, $0xb8;
	[tilespmem:$0x1E000] =	vst v63  }
0x27: {  	s31 =	simm.s32 $0x0;
	s0 =	sadd.s32 s5, s0  }
0x28: {  	[tilespmem:s20], [sflag:$0x3] =	stream.linear.gather [hbm4b:s0+s29], $0x2000, $0x38;
	[tilespmem:$0x1E000] =	vst v63  }
.LBB2_3:
0x29: {  	s1 =	sshllo.u32 s31, $0x1;
	s8 =	sshll.u32 s31, $0x1  }
0x2a: {  	s0 =	sshll.u32 s1, $0x9;
	s8 =	sadd.s32 s30, s8  }
0x2b: {  	s0 =	sshrl.u32 s0, $0x2;
	s8 =	sshll.u32 s8, $0xA  }
0x2c: {  	[tilespmem:s21], [sflag:$0x2] =	stream.indirect.gather [hbm4b:s4+s18], $0x80, s0, s18, $0xb8;
	[tilespmem:$0x1E000] =	vst v63  }
0x2d: {  	s8 =	sadd.s32 s8, s12  }
0x2e: {  	[tilespmem:s22], [sflag:$0x4] =	stream.linear.gather [hbm4b:s8+s29], $0x2000, $0x38;
	[tilespmem:$0x1E000] =	vst v63  }
0x2f: {  	_ =	swait.ge [sflag:s23], $0x2000  }
0x30: {  	[sflag:s23] =	ssyncset.done $0x0  }
0x31: {  	[sflag:s23] =	ssyncadd.s32 $0xFFFFE000  }
0x32: {  	_ =	swait.ge [sflag:s24], $0x2000  }
0x33: {  	[sflag:s24] =	ssyncset.done $0x0  }
0x34: {  	s8 =	simm.s32 $0x0;
	[sflag:s24] =	ssyncadd.s32 $0xFFFFE000  }
0x35: {  	v0 =	vld [tilespmem:s8+$0x6020]  }
0x36: {  	v1 =	vld [tilespmem:s8+$0x6040]  }
0x37: {  	v4 =	vld [tilespmem:s8+$0x6060]  }
0x38: {  	v5 =	vld [tilespmem:s8+$0x6070]  }
0x39: {  	v2 =	vld [tilespmem:s8+$0x6050]  }
0x3a: {  	v3 =	vld [tilespmem:s8+$0x2050]  }
0x3b: {  	v6 =	vld [tilespmem:s8+$0x2040]  }
0x3c: {  	v7 =	vld [tilespmem:s8+$0x2070]  }
0x3d: {  	v8 =	vld [tilespmem:s8+$0x2060]  }
0x3e: {  	v9 =	vld [tilespmem:s8+$0x2020]  }
0x3f: {  	v2 =	vadd.f32 v2, v3  }
0x40: {  	v3 =	vadd.f32 v1, v6  }
0x41: {  	v6 =	vadd.f32 v5, v7;
	v7 =	vld [tilespmem:s8+$0x6030];
	v1 =	vsub.f32 $0.0e+00, v2  }
0x42: {  	v5 =	vadd.f32 v4, v8;
	v4 =	vld [tilespmem:s8+$0x2030];
	v12 =	vsub.f32 $0.0e+00, v3  }
0x43: {  	v10 =	vld [tilespmem:s8+$0x6010];
	v8 =	vmul.f32 $1.442695020e+00, v1;
	v1 =	vadd.f32 v0, v9;
	v0 =	vsub.f32 $0.0e+00, v6  }
0x44: {  	v11 =	vld [tilespmem:s8+$0x6000];
	v13 =	vsub.f32 $0.0e+00, v5;
	v12 =	vmul.f32 $1.442695020e+00, v12  }
0x45: {  	v9 =	vld [tilespmem:s8+$0x2010];
	(erf) = vpow2.f32 v8;
	v8 =	vsub.f32 $0.0e+00, v1;
	v0 =	vmul.f32 $1.442695020e+00, v0  }
0x46: {  	v14 =	vld [tilespmem:s8+$0x2000];
	v63 =	vmul.f32 $1.442695020e+00, v13;
	(erf) = vpow2.f32 v12  }
0x47: {  	v7 =	vadd.f32 v7, v4;
	v8 =	vmul.f32 $1.442695020e+00, v8;
	(erf) = vpow2.f32 v0  }
0x48: {  	(erf) = vpow2.f32 v63  }
0x49: {  	(erf) = vpow2.f32 v8;
	v8 =	vsub.f32 $0.0e+00, v7  }
0x4a: {  	v4 =	vadd.f32 v10, v9  }
0x4b: {  	v0 =	vadd.f32 v11, v14;
	v8 =	vmul.f32 $1.442695020e+00, v8  }
0x4c: {  	v9 =	vsub.f32 $0.0e+00, v4  }
0x4d: {  	v10 =	vsub.f32 $0.0e+00, v0  }
0x4e: {  	v9 =	vmul.f32 $1.442695020e+00, v9  }
0x4f: {  	v10 =	vmul.f32 $1.442695020e+00, v10;
	(erf) = vpow2.f32 v8;
	v8 =	vpop (erf)  }
0x50: {  	(erf) = vpow2.f32 v9;
	v8 =	vadd.f32 $1.000000000e+00, v8  }
0x51: {  	(erf) = vpow2.f32 v10  }
0x52: {  	v9 =	vpop (erf);
	(erf) = vrcp.f32 v8  }
0x53: {  	v9 =	vadd.f32 $1.000000000e+00, v9  }
0x54: {  	v10 =	vpop (erf)  }
0x55: {  	(erf) = vrcp.f32 v9;
	v8 =	vpop (erf)  }
0x56: {  	s14 =	simm.s32 $0x200;
	s13 =	simm.s32 $0x400;
	v9 =	vadd.f32 $1.000000000e+00, v10;
	v8 =	vadd.f32 $1.000000000e+00, v8;
	v10 =	vpop (erf)  }
.LBB2_4:
0x57: {  	p0 =	sne.s32 s13, $0x7E00  }
0x58: {  	s9 =	sshra.s32 s14, $0x2;
	v10 =	vadd.f32 $1.000000000e+00, v10;
	v11 =	vpop (erf);
	(erf) = vrcp.f32 v9;
	s14 =	smov.u32 s13;
	s13 =	sadd.s32 $0x200, s13  }
0x59: {  	v9 =	vld [tilespmem:s9+$0x6020];
	v14 =	vadd.f32 $1.000000000e+00, v11;
	v12 =	vpop (erf);
	(erf) = vrcp.f32 v8  }
0x5a: {  	v8 =	vld [tilespmem:s9+$0x6040];
	v12 =	vadd.f32 $1.000000000e+00, v12;
	v13 =	vpop (erf);
	(erf) = vrcp.f32 v10  }
0x5b: {  	v10 =	vld [tilespmem:s9+$0x6060];
	v13 =	vadd.f32 $1.000000000e+00, v13;
	(erf) = vrcp.f32 v14;
	v11 =	vpop (erf)  }
0x5c: {  	v14 =	vld [tilespmem:s9+$0x6070];
	v15 =	vmul.f32 v11, v2;
	(erf) = vrcp.f32 v12  }
0x5d: {  	v11 =	vld [tilespmem:s9+$0x6050];
	(erf) = vrcp.f32 v13  }
0x5e: {  	v12 =	vld [tilespmem:s9+$0x6010];
	[tilespmem:s8+$0x2050] =	vst v15;
	v2 =	vpop (erf)  }
0x5f: {  	v13 =	vld [tilespmem:s9+$0x2050];
	v3 =	vmul.f32 v2, v3;
	_ =	sdelay $0x1  }
0x60: {  	[tilespmem:s8+$0x2040] =	vst v3;
	v2 =	vpop (erf)  }
0x61: {  	v3 =	vld [tilespmem:s9+$0x2040];
	v18 =	vmul.f32 v2, v6;
	v2 =	vpop (erf)  }
0x62: {  	v15 =	vld [tilespmem:s9+$0x6000];
	v19 =	vmul.f32 v2, v5;
	v16 =	vpop (erf)  }
0x63: {  	v17 =	vld [tilespmem:s9+$0x6030];
	v2 =	vadd.f32 v11, v13;
	v16 =	vmul.f32 v16, v1;
	[tilespmem:s8+$0x2070] =	vst v18;
	v6 =	vpop (erf)  }
0x64: {  	v11 =	vld [tilespmem:s9+$0x2070];
	v6 =	vmul.f32 v6, v7;
	[tilespmem:s8+$0x2060] =	vst v19;
	v5 =	vpop (erf)  }
0x65: {  	v7 =	vsub.f32 $0.0e+00, v2;
	v13 =	vld [tilespmem:s9+$0x2060];
	v4 =	vmul.f32 v5, v4;
	[tilespmem:s8+$0x2020] =	vst v16;
	v1 =	vpop (erf)  }
0x66: {  	v16 =	vld [tilespmem:s9+$0x2020];
	v3 =	vadd.f32 v8, v3;
	v0 =	vmul.f32 v1, v0;
	[tilespmem:s8+$0x2030] =	vst v6  }
0x67: {  	v8 =	vld [tilespmem:s9+$0x2030];
	v1 =	vmul.f32 $1.442695020e+00, v7;
	[tilespmem:s8+$0x2010] =	vst v4  }
0x68: {  	v4 =	vld [tilespmem:s9+$0x2010];
	v5 =	vsub.f32 $0.0e+00, v3;
	[tilespmem:s8+$0x2000] =	vst v0;
	s8 =	smov.u32 s9  }
0x69: {  	v0 =	vld [tilespmem:s8+$0x2000];
	v6 =	vadd.f32 v14, v11;
	(erf) = vpow2.f32 v1  }
0x6a: {  	v11 =	vmul.f32 $1.442695020e+00, v5;
	v5 =	vadd.f32 v10, v13  }
0x6b: {  	v1 =	vadd.f32 v9, v16;
	v9 =	vsub.f32 $0.0e+00, v6  }
0x6c: {  	v7 =	vadd.f32 v17, v8;
	v8 =	vsub.f32 $0.0e+00, v5;
	(erf) = vpow2.f32 v11  }
0x6d: {  	v4 =	vadd.f32 v12, v4;
	v10 =	vsub.f32 $0.0e+00, v1;
	v9 =	vmul.f32 $1.442695020e+00, v9  }
0x6e: {  	v0 =	vadd.f32 v15, v0;
	v11 =	vsub.f32 $0.0e+00, v7;
	v8 =	vmul.f32 $1.442695020e+00, v8  }
0x6f: {  	v12 =	vsub.f32 $0.0e+00, v4;
	v13 =	vmul.f32 $1.442695020e+00, v10;
	(erf) = vpow2.f32 v9  }
0x70: {  	v9 =	vsub.f32 $0.0e+00, v0;
	v11 =	vmul.f32 $1.442695020e+00, v11;
	(erf) = vpow2.f32 v8  }
0x71: {  	v8 =	vmul.f32 $1.442695020e+00, v12;
	(erf) = vpow2.f32 v13  }
0x72: {  	v9 =	vmul.f32 $1.442695020e+00, v9;
	(erf) = vpow2.f32 v11;
	v10 =	vpop (erf)  }
0x73: {  	v10 =	vadd.f32 $1.000000000e+00, v10;
	(erf) = vpow2.f32 v8  }
0x74: {  	(erf) = vpow2.f32 v9  }
0x75: {  	v8 =	vpop (erf);
	(erf) = vrcp.f32 v10  }
.Ltmp0:
0x76: {  	v9 =	vadd.f32 $1.000000000e+00, v8;
	(pc) =	sbr.rel @p0 .LBB2_4-.Ltmp0, $4  }
0x77: {  	_ = 	snop  }
0x78: {  	(erf) = vrcp.f32 v9;
	v8 =	vpop (erf)  }
0x79: {  	v9 =	vadd.f32 $1.000000000e+00, v8;
	v8 =	vpop (erf)  }
0x7a: {  	v8 =	vadd.f32 $1.000000000e+00, v8;
	v10 =	vpop (erf)  }
0x7b: {  	_ = 	snop  }
0x7c: {  	s13 =	sshra.s32 s14, $0x2;
	v11 =	vpop (erf)  }
0x7d: {  	(erf) = vrcp.f32 v9;
	v9 =	vld [tilespmem:s13+$0x6020];
	v12 =	vpop (erf)  }
0x7e: {  	v13 =	vld [tilespmem:s13+$0x6040];
	(erf) = vrcp.f32 v8;
	v8 =	vpop (erf)  }
0x7f: {  	v14 =	vld [tilespmem:s13+$0x6060];
	v15 =	vpop (erf)  }
0x80: {  	v10 =	vadd.f32 $1.000000000e+00, v10;
	v16 =	vld [tilespmem:s13+$0x6070];
	v2 =	vmul.f32 v15, v2  }
0x81: {  	v57 =	vld [tilespmem:s13+$0x6010];
	v17 =	vpop (erf)  }
0x82: {  	(erf) = vrcp.f32 v10;
	v10 =	vld [tilespmem:s13+$0x6050];
	[tilespmem:s8+$0x2050] =	vst v2;
	v2 =	vmul.f32 v17, v3  }
0x83: {  	v11 =	vadd.f32 $1.000000000e+00, v11;
	_ =	sdelay $0x1  }
0x84: {  	(erf) = vrcp.f32 v11;
	v11 =	vadd.f32 $1.000000000e+00, v12  }
0x85: {  	v8 =	vadd.f32 $1.000000000e+00, v8;
	v3 =	vld [tilespmem:s13+$0x2050];
	[tilespmem:s8+$0x2040] =	vst v2;
	v2 =	vpop (erf)  }
0x86: {  	(erf) = vrcp.f32 v11;
	v2 =	vmul.f32 v2, v6  }
0x87: {  	(erf) = vrcp.f32 v8  }
0x88: {  	v11 =	vld [tilespmem:s13+$0x2040]  }
0x89: {  	v58 =	vld [tilespmem:s13+$0x6030];
	v8 =	vpop (erf)  }
0x8a: {  	v6 =	vld [tilespmem:s13+$0x6000];
	[tilespmem:s8+$0x2070] =	vst v2;
	v2 =	vpop (erf)  }
0x8b: {  	v1 =	vmul.f32 v2, v1  }
0x8c: {  	v5 =	vmul.f32 v8, v5  }
0x8d: {  	v2 =	vpop (erf)  }
0x8e: {  	v8 =	vld [tilespmem:s13+$0x2070];
	[tilespmem:s8+$0x2060] =	vst v5;
	v2 =	vmul.f32 v2, v7  }
0x8f: {  	v5 =	vld [tilespmem:s13+$0x2060];
	[tilespmem:s8+$0x2020] =	vst v1;
	v1 =	vpop (erf)  }
0x90: {  	v7 =	vld [tilespmem:s13+$0x2020];
	[tilespmem:s8+$0x2030] =	vst v2;
	v2 =	vadd.f32 v10, v3;
	v1 =	vmul.f32 v1, v4;
	v3 =	vpop (erf)  }
0x91: {  	v0 =	vmul.f32 v3, v0  }
0x92: {  	v10 =	vadd.f32 v13, v11;
	v4 =	vld [tilespmem:s13+$0x2030];
	[tilespmem:s8+$0x2010] =	vst v1;
	v1 =	vsub.f32 $0.0e+00, v2  }
0x93: {  	v3 =	vld [tilespmem:s13+$0x2010];
	[tilespmem:s8+$0x2000] =	vst v0  }
0x94: {  	v11 =	vsub.f32 $0.0e+00, v10;
	v0 =	vmul.f32 $1.442695020e+00, v1;
	v1 =	vld [tilespmem:s13+$0x2000]  }
0x95: {  	v8 =	vadd.f32 v16, v8  }
0x96: {  	v5 =	vadd.f32 v14, v5;
	v11 =	vmul.f32 $1.442695020e+00, v11  }
0x97: {  	(erf) = vpow2.f32 v0;
	v0 =	vadd.f32 v9, v7;
	v7 =	vsub.f32 $0.0e+00, v8  }
0x98: {  	v4 =	vadd.f32 v58, v4;
	v9 =	vsub.f32 $0.0e+00, v5;
	(erf) = vpow2.f32 v11  }
0x99: {  	v11 =	vsub.f32 $0.0e+00, v0;
	v7 =	vmul.f32 $1.442695020e+00, v7;
	v1 =	vadd.f32 v6, v1  }
0x9a: {  	v3 =	vadd.f32 v57, v3;
	v9 =	vmul.f32 $1.442695020e+00, v9;
	v6 =	vsub.f32 $0.0e+00, v4  }
0x9b: {  	v11 =	vmul.f32 $1.442695020e+00, v11;
	(erf) = vpow2.f32 v7;
	v7 =	vsub.f32 $0.0e+00, v1  }
0x9c: {  	v59 =	vsub.f32 $0.0e+00, v3;
	v6 =	vmul.f32 $1.442695020e+00, v6;
	(erf) = vpow2.f32 v9  }
0x9d: {  	(erf) = vpow2.f32 v11;
	v7 =	vmul.f32 $1.442695020e+00, v7  }
0x9e: {  	v9 =	vmul.f32 $1.442695020e+00, v59;
	(erf) = vpow2.f32 v6;
	_ =	sdelay $0x1  }
0x9f: {  	(erf) = vpow2.f32 v9;
	v6 =	vpop (erf)  }
0xa0: {  	(erf) = vpow2.f32 v7;
	v6 =	vadd.f32 $1.000000000e+00, v6;
	v7 =	vpop (erf)  }
0xa1: {  	v7 =	vadd.f32 $1.000000000e+00, v7  }
0xa2: {  	(erf) = vrcp.f32 v6  }
0xa3: {  	v9 =	vpop (erf);
	(erf) = vrcp.f32 v7  }
0xa4: {  	v6 =	vadd.f32 $1.000000000e+00, v9;
	v9 =	vpop (erf)  }
0xa5: {  	v7 =	vadd.f32 $1.000000000e+00, v9;
	v9 =	vpop (erf)  }
0xa6: {  	v9 =	vadd.f32 $1.000000000e+00, v9;
	v11 =	vpop (erf);
	(erf) = vrcp.f32 v6  }
0xa7: {  	v6 =	vadd.f32 $1.000000000e+00, v11;
	(erf) = vrcp.f32 v7  }
0xa8: {  	(erf) = vrcp.f32 v9  }
0xa9: {  	v11 =	vpop (erf)  }
0xaa: {  	v7 =	vadd.f32 $1.000000000e+00, v11;
	v11 =	vpop (erf)  }
0xab: {  	v9 =	vadd.f32 $1.000000000e+00, v11;
	(erf) = vrcp.f32 v6;
	v6 =	vpop (erf)  }
0xac: {  	(erf) = vrcp.f32 v7;
	v2 =	vmul.f32 v6, v2;
	v6 =	vpop (erf)  }
0xad: {  	(erf) = vrcp.f32 v9;
	v6 =	vmul.f32 v6, v10;
	_ =	sdelay $0x1  }
0xae: {  	v7 =	vpop (erf)  }
0xaf: {  	[tilespmem:s13+$0x2050] =	vst v2;
	v2 =	vmul.f32 v7, v8;
	v7 =	vpop (erf)  }
0xb0: {  	[tilespmem:s13+$0x2040] =	vst v6;
	v6 =	vpop (erf)  }
0xb1: {  	v0 =	vmul.f32 v6, v0  }
0xb2: {  	v5 =	vmul.f32 v7, v5  }
0xb3: {  	[tilespmem:s13+$0x2070] =	vst v2;
	v2 =	vpop (erf)  }
0xb4: {  	[tilespmem:s13+$0x2060] =	vst v5;
	v2 =	vmul.f32 v2, v4;
	v4 =	vpop (erf)  }
0xb5: {  	[tilespmem:s13+$0x2020] =	vst v0;
	v3 =	vmul.f32 v4, v3;
	v0 =	vpop (erf)  }
0xb6: {  	s8 =	sshll.u32 s31, $0xA;
	[tilespmem:s13+$0x2030] =	vst v2;
	v0 =	vmul.f32 v0, v1  }
0xb7: {  	s9 =	sshrl.u32 s8, $0x2;
	[tilespmem:s13+$0x2010] =	vst v3  }
0xb8: {  	p0 =	seq.s32 s31, $0xF;
	s9 =	sadd.s32 $0x1000, s9;
	[tilespmem:s13+$0x2000] =	vst v0  }
0xb9: {  	[spmem:s2] =	stream.indirect.scatter.add.f32 [tilespmem:s19], [sflag:$0x5], $0x80, s9, s18, $0xb8;
	[tilespmem:$0x1E000] =	vst v63  }
0xba: {  	s1 =	sadd.s32 @!p0 s30, s1;
	s8 =	sshrl.u32 @!p0 s8, $0x2;
	_ =	swait.ge [sflag:s16], $0x2000  }
0xbb: {  	s1 =	sshll.u32 @!p0 s1, $0xA;
	s8 =	sadd.s32 @!p0 $0x100, s8;
	[sflag:s16] =	ssyncset.done $0x0  }
0xbc: {  	s13 =	simm.s32 @!p0 $0x2000;
	s9 =	simm.s32 @!p0 $0x40;
	[sflag:s16] =	ssyncadd.s32 $0xFFFFE000  }
0xbd: {  	[tilespmem:s13], [sflag:$0x1] =	stream.indirect.gather @!p0 [hbm4b:s4+s9], $0x80, s8, s9, $0xb8;
	[tilespmem:$0x1E000] =	vst v63  }
0xbe: {  	s1 =	sadd.s32 @!p0 s1, s12;
	s8 =	simm.s32 @!p0 $0x0;
	s9 =	simm.s32 @!p0 $0x6000  }
0xbf: {  	[tilespmem:s9], [sflag:$0x3] =	stream.linear.gather @!p0 [hbm4b:s1+s8], $0x2000, $0x38;
	[tilespmem:$0x1E000] =	vst v63  }
0xc0: {  	_ =	swait.ge [sflag:s25], $0x2000  }
0xc1: {  	[sflag:s25] =	ssyncset.done $0x0  }
0xc2: {  	[sflag:s25] =	ssyncadd.s32 $0xFFFFE000  }
0xc3: {  	_ =	swait.ge [sflag:s26], $0x2000  }
0xc4: {  	[sflag:s26] =	ssyncset.done $0x0  }
0xc5: {  	s1 =	simm.s32 $0x0;
	[sflag:s26] =	ssyncadd.s32 $0xFFFFE000  }
0xc6: {  	v0 =	vld [tilespmem:s1+$0x8020]  }
0xc7: {  	v1 =	vld [tilespmem:s1+$0x8040]  }
0xc8: {  	v4 =	vld [tilespmem:s1+$0x8060]  }
0xc9: {  	v5 =	vld [tilespmem:s1+$0x8070]  }
0xca: {  	v2 =	vld [tilespmem:s1+$0x8050]  }
0xcb: {  	v3 =	vld [tilespmem:s1+$0x4050]  }
0xcc: {  	v6 =	vld [tilespmem:s1+$0x4040]  }
0xcd: {  	v7 =	vld [tilespmem:s1+$0x4070]  }
0xce: {  	v8 =	vld [tilespmem:s1+$0x4060]  }
0xcf: {  	v9 =	vld [tilespmem:s1+$0x4020]  }
0xd0: {  	v2 =	vadd.f32 v2, v3  }
0xd1: {  	v3 =	vadd.f32 v1, v6  }
0xd2: {  	v6 =	vadd.f32 v5, v7;
	v7 =	vld [tilespmem:s1+$0x8030];
	v1 =	vsub.f32 $0.0e+00, v2  }
0xd3: {  	v5 =	vadd.f32 v4, v8;
	v4 =	vld [tilespmem:s1+$0x4030];
	v60 =	vsub.f32 $0.0e+00, v3  }
0xd4: {  	v10 =	vld [tilespmem:s1+$0x8010];
	v8 =	vmul.f32 $1.442695020e+00, v1;
	v1 =	vadd.f32 v0, v9;
	v0 =	vsub.f32 $0.0e+00, v6  }
0xd5: {  	v61 =	vsub.f32 $0.0e+00, v5;
	v9 =	vld [tilespmem:s1+$0x4010];
	v12 =	vmul.f32 $1.442695020e+00, v60  }
0xd6: {  	v11 =	vld [tilespmem:s1+$0x8000];
	(erf) = vpow2.f32 v8;
	v8 =	vsub.f32 $0.0e+00, v1;
	v0 =	vmul.f32 $1.442695020e+00, v0  }
0xd7: {  	v62 =	vld [tilespmem:s1+$0x4000];
	v63 =	vmul.f32 $1.442695020e+00, v61;
	(erf) = vpow2.f32 v12  }
0xd8: {  	v7 =	vadd.f32 v7, v4;
	v8 =	vmul.f32 $1.442695020e+00, v8;
	(erf) = vpow2.f32 v0  }
0xd9: {  	(erf) = vpow2.f32 v63  }
0xda: {  	v4 =	vadd.f32 v10, v9;
	(erf) = vpow2.f32 v8;
	v8 =	vsub.f32 $0.0e+00, v7;
	_ =	sdelay $0x1  }
0xdb: {  	v0 =	vadd.f32 v11, v62;
	v9 =	vsub.f32 $0.0e+00, v4;
	v8 =	vmul.f32 $1.442695020e+00, v8;
	_ =	sdelay $0x1  }
0xdc: {  	v10 =	vsub.f32 $0.0e+00, v0;
	v9 =	vmul.f32 $1.442695020e+00, v9;
	_ =	sdelay $0x1  }
0xdd: {  	v10 =	vmul.f32 $1.442695020e+00, v10;
	(erf) = vpow2.f32 v8;
	v8 =	vpop (erf)  }
0xde: {  	(erf) = vpow2.f32 v9;
	v8 =	vadd.f32 $1.000000000e+00, v8  }
0xdf: {  	v9 =	vpop (erf);
	(erf) = vpow2.f32 v10  }
0xe0: {  	(erf) = vrcp.f32 v8  }
0xe1: {  	v9 =	vadd.f32 $1.000000000e+00, v9  }
0xe2: {  	v10 =	vpop (erf)  }
0xe3: {  	(erf) = vrcp.f32 v9;
	v8 =	vpop (erf)  }
0xe4: {  	s13 =	simm.s32 $0x200;
	s8 =	simm.s32 $0x400;
	v9 =	vadd.f32 $1.000000000e+00, v10;
	v8 =	vadd.f32 $1.000000000e+00, v8;
	v10 =	vpop (erf)  }
.LBB2_6:
0xe5: {  	p0 =	sne.s32 s8, $0x7E00  }
0xe6: {  	s9 =	sshra.s32 s13, $0x2;
	v10 =	vadd.f32 $1.000000000e+00, v10;
	v11 =	vpop (erf);
	(erf) = vrcp.f32 v9;
	s13 =	smov.u32 s8;
	s8 =	sadd.s32 $0x200, s8  }
0xe7: {  	v9 =	vld [tilespmem:s9+$0x8020];
	v14 =	vadd.f32 $1.000000000e+00, v11;
	v12 =	vpop (erf);
	(erf) = vrcp.f32 v8  }
0xe8: {  	v8 =	vld [tilespmem:s9+$0x8040];
	v12 =	vadd.f32 $1.000000000e+00, v12;
	v13 =	vpop (erf);
	(erf) = vrcp.f32 v10  }
0xe9: {  	v10 =	vld [tilespmem:s9+$0x8060];
	v13 =	vadd.f32 $1.000000000e+00, v13;
	(erf) = vrcp.f32 v14;
	v11 =	vpop (erf)  }
0xea: {  	v14 =	vld [tilespmem:s9+$0x8070];
	v15 =	vmul.f32 v11, v2;
	(erf) = vrcp.f32 v12  }
0xeb: {  	v11 =	vld [tilespmem:s9+$0x8050];
	(erf) = vrcp.f32 v13  }
0xec: {  	v12 =	vld [tilespmem:s9+$0x8010];
	[tilespmem:s1+$0x4050] =	vst v15;
	v2 =	vpop (erf)  }
0xed: {  	v13 =	vld [tilespmem:s9+$0x4050];
	v3 =	vmul.f32 v2, v3;
	_ =	sdelay $0x1  }
0xee: {  	[tilespmem:s1+$0x4040] =	vst v3;
	v2 =	vpop (erf)  }
0xef: {  	v3 =	vld [tilespmem:s9+$0x4040];
	v18 =	vmul.f32 v2, v6;
	v2 =	vpop (erf)  }
0xf0: {  	v15 =	vld [tilespmem:s9+$0x8000];
	v19 =	vmul.f32 v2, v5;
	v16 =	vpop (erf)  }
0xf1: {  	v17 =	vld [tilespmem:s9+$0x8030];
	v2 =	vadd.f32 v11, v13;
	v16 =	vmul.f32 v16, v1;
	[tilespmem:s1+$0x4070] =	vst v18;
	v6 =	vpop (erf)  }
0xf2: {  	v11 =	vld [tilespmem:s9+$0x4070];
	v6 =	vmul.f32 v6, v7;
	[tilespmem:s1+$0x4060] =	vst v19;
	v5 =	vpop (erf)  }
0xf3: {  	v7 =	vsub.f32 $0.0e+00, v2;
	v13 =	vld [tilespmem:s9+$0x4060];
	v4 =	vmul.f32 v5, v4;
	[tilespmem:s1+$0x4020] =	vst v16;
	v1 =	vpop (erf)  }
0xf4: {  	v16 =	vld [tilespmem:s9+$0x4020];
	v3 =	vadd.f32 v8, v3;
	v0 =	vmul.f32 v1, v0;
	[tilespmem:s1+$0x4030] =	vst v6  }
0xf5: {  	v8 =	vld [tilespmem:s9+$0x4030];
	v1 =	vmul.f32 $1.442695020e+00, v7;
	[tilespmem:s1+$0x4010] =	vst v4  }
0xf6: {  	v4 =	vld [tilespmem:s9+$0x4010];
	v5 =	vsub.f32 $0.0e+00, v3;
	[tilespmem:s1+$0x4000] =	vst v0;
	s1 =	smov.u32 s9  }
0xf7: {  	v0 =	vld [tilespmem:s1+$0x4000];
	v6 =	vadd.f32 v14, v11;
	(erf) = vpow2.f32 v1  }
0xf8: {  	v11 =	vmul.f32 $1.442695020e+00, v5;
	v5 =	vadd.f32 v10, v13  }
0xf9: {  	v1 =	vadd.f32 v9, v16;
	v9 =	vsub.f32 $0.0e+00, v6  }
0xfa: {  	v7 =	vadd.f32 v17, v8;
	v8 =	vsub.f32 $0.0e+00, v5;
	(erf) = vpow2.f32 v11  }
0xfb: {  	v4 =	vadd.f32 v12, v4;
	v10 =	vsub.f32 $0.0e+00, v1;
	v9 =	vmul.f32 $1.442695020e+00, v9  }
0xfc: {  	v0 =	vadd.f32 v15, v0;
	v11 =	vsub.f32 $0.0e+00, v7;
	v8 =	vmul.f32 $1.442695020e+00, v8  }
0xfd: {  	v12 =	vsub.f32 $0.0e+00, v4;
	v13 =	vmul.f32 $1.442695020e+00, v10;
	(erf) = vpow2.f32 v9  }
0xfe: {  	v9 =	vsub.f32 $0.0e+00, v0;
	v11 =	vmul.f32 $1.442695020e+00, v11;
	(erf) = vpow2.f32 v8  }
0xff: {  	v8 =	vmul.f32 $1.442695020e+00, v12;
	(erf) = vpow2.f32 v13  }
0x100: {  	v9 =	vmul.f32 $1.442695020e+00, v9;
	(erf) = vpow2.f32 v11;
	v10 =	vpop (erf)  }
0x101: {  	v10 =	vadd.f32 $1.000000000e+00, v10;
	(erf) = vpow2.f32 v8  }
0x102: {  	(erf) = vpow2.f32 v9  }
0x103: {  	v8 =	vpop (erf);
	(erf) = vrcp.f32 v10  }
.Ltmp1:
0x104: {  	v9 =	vadd.f32 $1.000000000e+00, v8;
	(pc) =	sbr.rel @p0 .LBB2_6-.Ltmp1, $4  }
0x105: {  	_ = 	snop  }
0x106: {  	(erf) = vrcp.f32 v9;
	v8 =	vpop (erf)  }
0x107: {  	v9 =	vadd.f32 $1.000000000e+00, v8;
	v8 =	vpop (erf)  }
0x108: {  	v8 =	vadd.f32 $1.000000000e+00, v8;
	v10 =	vpop (erf)  }
0x109: {  	(erf) = vrcp.f32 v9;
	_ =	sdelay $0x3  }
0x10a: {  	v11 =	vpop (erf);
	v10 =	vadd.f32 $1.000000000e+00, v10  }
0x10b: {  	v12 =	vpop (erf);
	(erf) = vrcp.f32 v8;
	v11 =	vadd.f32 $1.000000000e+00, v11  }
0x10c: {  	s8 =	sshra.s32 s13, $0x2;
	v58 =	vpop (erf);
	(erf) = vrcp.f32 v10;
	v61 =	vadd.f32 $1.000000000e+00, v12  }
0x10d: {  	v57 =	vld [tilespmem:s8+$0x8020];
	v15 =	vpop (erf);
	(erf) = vrcp.f32 v11;
	v8 =	vadd.f32 $1.000000000e+00, v58  }
0x10e: {  	v13 =	vld [tilespmem:s8+$0x8040];
	(erf) = vrcp.f32 v61;
	v17 =	vpop (erf)  }
0x10f: {  	v14 =	vld [tilespmem:s8+$0x8060];
	v12 =	vpop (erf);
	(erf) = vrcp.f32 v8  }
0x110: {  	v16 =	vld [tilespmem:s8+$0x8070];
	v2 =	vmul.f32 v15, v2  }
0x111: {  	v59 =	vld [tilespmem:s8+$0x8050];
	v62 =	vmul.f32 v17, v3  }
0x112: {  	v60 =	vld [tilespmem:s8+$0x8010];
	[tilespmem:s1+$0x4050] =	vst v2  }
0x113: {  	v63 =	vld [tilespmem:s8+$0x4050];
	[tilespmem:s1+$0x4040] =	vst v62  }
0x114: {  	v17 =	vld [tilespmem:s8+$0x4040];
	v2 =	vmul.f32 v12, v6;
	v19 =	vpop (erf)  }
0x115: {  	v18 =	vld [tilespmem:s8+$0x8000];
	v5 =	vmul.f32 v19, v5;
	v21 =	vpop (erf)  }
0x116: {  	v20 =	vld [tilespmem:s8+$0x8030];
	[tilespmem:s1+$0x4070] =	vst v2;
	v1 =	vmul.f32 v21, v1;
	v23 =	vpop (erf)  }
0x117: {  	v22 =	vld [tilespmem:s8+$0x4070];
	[tilespmem:s1+$0x4060] =	vst v5;
	v2 =	vmul.f32 v23, v7;
	v24 =	vpop (erf)  }
0x118: {  	v26 =	vadd.f32 v59, v63;
	v5 =	vld [tilespmem:s8+$0x4060];
	[tilespmem:s1+$0x4020] =	vst v1;
	v1 =	vmul.f32 v24, v4;
	v27 =	vpop (erf)  }
0x119: {  	v25 =	vld [tilespmem:s8+$0x4020];
	[tilespmem:s1+$0x4030] =	vst v2;
	v29 =	vadd.f32 v13, v17;
	v0 =	vmul.f32 v27, v0  }
0x11a: {  	v30 =	vsub.f32 $0.0e+00, v26;
	v28 =	vld [tilespmem:s8+$0x4030];
	[tilespmem:s1+$0x4010] =	vst v1  }
0x11b: {  	v31 =	vld [tilespmem:s8+$0x4010];
	v11 =	vsub.f32 $0.0e+00, v29;
	[tilespmem:s1+$0x4000] =	vst v0  }
0x11c: {  	v32 =	vmul.f32 $1.442695020e+00, v30;
	v8 =	vadd.f32 v16, v22;
	v33 =	vld [tilespmem:s8+$0x4000]  }
0x11d: {  	v11 =	vmul.f32 $1.442695020e+00, v11;
	v5 =	vadd.f32 v14, v5  }
0x11e: {  	(erf) = vpow2.f32 v32;
	v34 =	vadd.f32 v57, v25;
	v35 =	vsub.f32 $0.0e+00, v8  }
0x11f: {  	v4 =	vadd.f32 v20, v28;
	v36 =	vsub.f32 $0.0e+00, v5;
	(erf) = vpow2.f32 v11  }
0x120: {  	v3 =	vadd.f32 v60, v31;
	v37 =	vsub.f32 $0.0e+00, v34;
	v7 =	vmul.f32 $1.442695020e+00, v35  }
0x121: {  	v38 =	vsub.f32 $0.0e+00, v4;
	v9 =	vmul.f32 $1.442695020e+00, v36;
	v1 =	vadd.f32 v18, v33  }
0x122: {  	v39 =	vsub.f32 $0.0e+00, v3;
	v11 =	vmul.f32 $1.442695020e+00, v37;
	(erf) = vpow2.f32 v7  }
0x123: {  	v6 =	vmul.f32 $1.442695020e+00, v38;
	(erf) = vpow2.f32 v9;
	v40 =	vsub.f32 $0.0e+00, v1  }
0x124: {  	v41 =	vmul.f32 $1.442695020e+00, v39;
	(erf) = vpow2.f32 v11  }
0x125: {  	(erf) = vpow2.f32 v6;
	v7 =	vmul.f32 $1.442695020e+00, v40  }
0x126: {  	(erf) = vpow2.f32 v41  }
0x127: {  	(erf) = vpow2.f32 v7;
	_ =	sdelay $0x1  }
0x128: {  	v42 =	vpop (erf)  }
0x129: {  	v6 =	vadd.f32 $1.000000000e+00, v42;
	v43 =	vpop (erf)  }
0x12a: {  	v7 =	vadd.f32 $1.000000000e+00, v43;
	v44 =	vpop (erf)  }
0x12b: {  	(erf) = vrcp.f32 v6;
	v45 =	vadd.f32 $1.000000000e+00, v44;
	v46 =	vpop (erf)  }
0x12c: {  	(erf) = vrcp.f32 v7;
	v47 =	vadd.f32 $1.000000000e+00, v46;
	v48 =	vpop (erf)  }
0x12d: {  	v9 =	vadd.f32 $1.000000000e+00, v48;
	v49 =	vpop (erf);
	(erf) = vrcp.f32 v45  }
0x12e: {  	v50 =	vadd.f32 $1.000000000e+00, v49;
	v51 =	vpop (erf);
	(erf) = vrcp.f32 v47  }
0x12f: {  	v52 =	vadd.f32 $1.000000000e+00, v51;
	(erf) = vrcp.f32 v9;
	v53 =	vpop (erf)  }
0x130: {  	(erf) = vrcp.f32 v50;
	v54 =	vadd.f32 $1.000000000e+00, v53  }
0x131: {  	(erf) = vrcp.f32 v52  }
0x132: {  	(erf) = vrcp.f32 v54;
	_ =	sdelay $0x1  }
0x133: {  	v55 =	vpop (erf)  }
0x134: {  	v2 =	vmul.f32 v55, v26;
	v56 =	vpop (erf)  }
0x135: {  	v6 =	vmul.f32 v56, v29;
	v57 =	vpop (erf)  }
0x136: {  	[tilespmem:s8+$0x4050] =	vst v2;
	v58 =	vmul.f32 v57, v8;
	v59 =	vpop (erf)  }
0x137: {  	[tilespmem:s8+$0x4040] =	vst v6;
	v5 =	vmul.f32 v59, v5;
	v60 =	vpop (erf)  }
0x138: {  	v0 =	vmul.f32 v60, v34;
	[tilespmem:s8+$0x4070] =	vst v58;
	v61 =	vpop (erf)  }
0x139: {  	v2 =	vmul.f32 v61, v4;
	[tilespmem:s8+$0x4060] =	vst v5;
	v62 =	vpop (erf)  }
0x13a: {  	v3 =	vmul.f32 v62, v3;
	[tilespmem:s8+$0x4020] =	vst v0;
	v63 =	vpop (erf)  }
0x13b: {  	s31 =	sadd.s32 $0x1, s31;
	[tilespmem:s8+$0x4030] =	vst v2;
	v0 =	vmul.f32 v63, v1  }
0x13c: {  	p0 =	sne.s32 s31, $0x10;
	[tilespmem:s8+$0x4010] =	vst v3  }
.Ltmp2:
0x13d: {  	s0 =	sadd.s32 $0x1000, s0;
	[tilespmem:s8+$0x4000] =	vst v0;
	(pc) =	sbr.rel @p0 .LBB2_3-.Ltmp2, $4  }
0x13e: {  	[spmem:s2] =	stream.indirect.scatter.add.f32 [tilespmem:s21], [sflag:$0x5], $0x80, s0, s18, $0xb8;
	[tilespmem:$0x1E000] =	vst v63  }
0x13f: {  	_ =	swait.ge [sflag:s16], $0x2000  }
0x140: {  	[sflag:s16] =	ssyncset.done $0x0  }
0x141: {  	[sflag:s16] =	ssyncadd.s32 $0xFFFFE000  }
0x142: {  	s28 =	sadd.s32 $0x1, s28  }
0x143: {  	p0 =	sne.s32 s28, $0x5  }
.Ltmp3:
0x144: {  	_ = 	snop;
	(pc) =	sbr.rel @p0 .LBB2_2-.Ltmp3, $1  }
0x145: {  	_ =	sdelay $0x3  }
0x146: {  	[bflag:$0x0] =	sbarrier.arrive $0xFFFF  }
0x147: {  	s0 =	rddreg [dreg:$0x4]  }
0x148: {  	s1 =	rddreg [dreg:$0x6]  }
0x149: {  	[hbm:s0], [sflag:s15] =	dma.local [spmem:s1], $0x2800  }
0x14a: {  	_ =	swait.ge [sflag:s16], $0x2800  }
0x14b: {  	s3 =	sadd.s32 $0x1, s3;
	s31 =	rddreg [dreg:$0x5]  }
0x14c: {  	p0 =	sne.s32 s3, s31  }
.Ltmp4:
0x14d: {  	_ = 	snop;
	(pc) =	sbr.rel @p0 .LBB2_1-.Ltmp4, $3  }
0x14e: {  	_ =	sdelay $0x1  }
0x14f: {  	[sflag:s16] =	ssyncset.done $0x0  }
0x150: {  	s14 =	smov.u32 s15;
	[sflag:s16] =	ssyncadd.s32 $0xFFFFD800  }
0x151: {  	_ =	sfence.sel $0x180000  }
0x152: {  	[bflag:$0x0] =	sbarrier.arrive $0xFFFF  }
0x153: {  	_ =	strace $0x9000004A  }
0x154: {  	s0 =	stileid.u32;
	[bflag:$0x2] =	sbarrier.arrive $0xFFFF  }
0x155: {  	p0 =	sne.s32 s0, $0x0;
	s0 =	rddreg [dreg:$0x2]  }
0x156: {  	s0 =	sadd.s32 @!p0 $0x100000, s0  }
0x157: {  	[sflag:s0] =	ssyncadd.tile.s32 @!p0 $0x1;
	_ =	shalt  }
.Lfunc_end2:
_tile_overlayer_lowered:
.L_overlay_start_2:
0x158: {  	(tag) =	ssettag $0x2  }
0x159: {  	s0 =	rddreg [dreg:$0x0];
	s2 =	stileid.u32  }
0x15a: {  	s1 =	rddreg [dreg:$0x1];
	p0 =	sne.s32 s2, $0x0  }
0x15b: {  	s3 =	rddreg [dreg:$0x2];
	[bflag:$0x3] =	sbarrier.arrive $0xFFFF;
	s2 =	simm.s32 @!p0 $0x1C05  }
0x15c: {  	[timem:s3], [sflag:s2] =	dma.local @!p0 [hbm:s0], s1  }
0x15d: {  	s0 =	simm.s32 @!p0 $0x5  }
0x15e: {  	_ =	swait.ge @!p0 [sflag:s0], s1  }
0x15f: {  	s1 =	ssub.s32 @!p0 $0x0, s1;
	[sflag:s0] =	ssyncset.done @!p0 $0x0  }
0x160: {  	[sflag:s0] =	ssyncadd.s32 @!p0 s1  }
0x161: {  	[bflag:$0x3] =	sbarrier.arrive $0xFFFF  }
0x162: {  	_ =	shalt  }

// kernel: kernel.24.cloned.1.call-start
scs
__scs_entry_jumppad:
0x0: {  	(pc) =	sbr.rel $0x88, $3  }
0x1: {  	(tag) =	ssettag $0x0;
	lr =	simm.s32 $0x1  }
0x2: {  	[smem:$0x3F94] =	sst lr;
	_ =	strace $0xD0000000  }
0x3: {  	_ = 	snop  }
0x4: {  	_ = 	snop  }
0x5: {  	_ = 	snop  }
0x6: {  	_ = 	snop  }
0x7: {  	_ = 	snop  }
__scs_overlays_trampoline_lowered:
0x8: {  	[smem:$0x3FA3] =	sst s0  }
0x9: {  	[smem:$0x3FA4] =	sst s1  }
0xa: {  	[smem:$0x3FA5] =	sst s2  }
0xb: {  	[smem:$0x3FA6] =	sst s3  }
0xc: {  	[smem:$0x3FA7] =	sst s4  }
0xd: {  	[smem:$0x3FA8] =	sst s5  }
0xe: {  	[smem:$0x3FA9] =	sst s6  }
0xf: {  	[smem:$0x3FAA] =	sst s7  }
0x10: {  	[smem:$0x3FAB] =	sst s8  }
0x11: {  	[smem:$0x3FAC] =	sst s9;
	s0 =	simm.s32 @!p0 $0x0  }
0x12: {  	s1 =	sld [smem:$0x3F92];
	s0 =	simm.s32 @p0 $0x1  }
0x13: {  	[smem:$0x3FAD] =	sst s0;
	s0 =	simm.s32 @!p1 $0x0  }
0x14: {  	s2 =	sld [smem:$0x3F91];
	s0 =	simm.s32 @p1 $0x1  }
0x15: {  	[smem:$0x3FAE] =	sst s0;
	s0 =	simm.s32 @!p2 $0x0  }
0x16: {  	s3 =	sld [smem:$0x3FDB];
	s0 =	simm.s32 @p2 $0x1  }
0x17: {  	s4 =	simm.s32 $0x1BF5;
	[smem:$0x3FB0] =	sst s0  }
0x18: {  	s0 =	sld [smem:$0x3F93];
	_ =	swait.ge [sflag:s4], $0x0  }
0x19: {  	s7 =	sld [smem:$0x3F94]  }
0x1a: {  	s8 =	sadd.s32 $0xFFFFE003, lr  }
0x1b: {  	s9 =	sadd.s32 $0xFFFFFEF7, lr;
	s5 =	simm.s32 $0xFFFFFFFF;
	p2 =	slt.u32 s8, $0xFFFFF086  }
0x1c: {  	p1 =	slt.u32 s9, $0xF7A;
	s5 =	simm.s32 @!p2 $0x0  }
0x1d: {  	s5 =	simm.s32 @p1 $0x1;
	p0 =	seq.s32 s7, s2  }
0x1e: {  	s7 =	smul.u32 @!p0 $0xF7A, s2;
	p2 =	seq.s32 @!p0 s5, $0x0  }
0x1f: {  	s9 =	smul.u32 $0xF7A, s1;
	s8 =	simm.s32 @!p0 $0x1BF5;
	p2 =	por !p2, p0  }
0x20: {  	[sflag:s8] =	ssyncset.s32 @!p0 $0xFFFFF086;
	s6 =	sadd.s32 @!p0 s3, s7;
	s7 =	simm.s32 @!p0 $0x108  }
0x21: {  	s3 =	sadd.s32 s3, s9;
	s6 =	sadd.s32 @!p0 $0x88, s6;
	s7 =	simm.s32 @p2 $0x1082  }
0x22: {  	[simem:s7], [sflag:s8] =	dma.local @!p0 [hbm:s6], $0xF7A  }
0x23: {  	s9 =	sor.u32 $0xD0000000, s2;
	s6 =	simm.s32 $0x108;
	_ =	swait.ge @!p0 [sflag:s8], $0x0  }
0x24: {  	s3 =	sadd.s32 $0x88, s3;
	s6 =	simm.s32 @!p1 $0x1082;
	[sflag:s4] =	ssyncset.s32 $0xFFFFF086  }
0x25: {  	[simem:s6], [sflag:s4] =	dma.local [hbm:s3], $0xF7A  }
0x26: {  	[smem:$0x3F94] =	sst s1;
	(tag) =	ssettag s2;
	_ =	strace s9  }
0x27: {  	s1 =	sld [smem:$0x3FA4]  }
0x28: {  	s2 =	sld [smem:$0x3FA5]  }
0x29: {  	s4 =	sld [smem:$0x3FA7]  }
0x2a: {  	p0 =	seq.s32 s5, $0x0;
	s5 =	sld [smem:$0x3FA8]  }
0x2b: {  	s6 =	sld [smem:$0x3FA9]  }
0x2c: {  	s7 =	sld [smem:$0x3FAA]  }
0x2d: {  	s3 =	simm.s32 $0x108;
	s8 =	sld [smem:$0x3FAB]  }
0x2e: {  	s3 =	simm.s32 @!p0 $0x1082;
	s9 =	sld [smem:$0x3FAC]  }
0x2f: {  	lr =	sadd.s32 s0, s3;
	s0 =	sld [smem:$0x3FA3]  }
0x30: {  	s3 =	sld [smem:$0x3FA6]  }
0x31: {  	[smem:$0x3FAF] =	sst s10  }
0x32: {  	s10 =	sld [smem:$0x3FAD];
	_ =	sdelay $0x3  }
0x33: {  	p0 =	seq.s32 s10, $0x1;
	s10 =	sld [smem:$0x3FAF];
	_ =	sdelay $0x3  }
0x34: {  	[smem:$0x3FAF] =	sst s10  }
0x35: {  	s10 =	sld [smem:$0x3FAE];
	_ =	sdelay $0x3  }
0x36: {  	p1 =	seq.s32 s10, $0x1;
	s10 =	sld [smem:$0x3FAF];
	_ =	sdelay $0x3  }
0x37: {  	[smem:$0x3FAF] =	sst s10  }
0x38: {  	s10 =	sld [smem:$0x3FB0]  }
0x39: {  	_ = 	snop;
	(pc) =	sbr.ind lr, $3  }
0x3a: {  	_ = 	snop  }
0x3b: {  	_ = 	snop  }
0x3c: {  	p2 =	seq.s32 s10, $0x1;
	s10 =	sld [smem:$0x3FAF]  }
0x3d: {  	_ =	shalt  }
0x3e: {  	_ =	shalt  }
0x3f: {  	_ =	shalt  }
0x40: {  	_ =	shalt  }
0x41: {  	_ =	shalt  }
0x42: {  	_ =	shalt  }
0x43: {  	_ =	shalt  }
0x44: {  	_ =	shalt  }
0x45: {  	_ =	shalt  }
0x46: {  	_ =	shalt  }
0x47: {  	_ =	shalt  }
0x48: {  	_ =	shalt  }
0x49: {  	_ =	shalt  }
0x4a: {  	_ =	shalt  }
0x4b: {  	_ =	shalt  }
0x4c: {  	_ =	shalt  }
0x4d: {  	_ =	shalt  }
0x4e: {  	_ =	shalt  }
0x4f: {  	_ =	shalt  }
0x50: {  	_ =	shalt  }
0x51: {  	_ =	shalt  }
0x52: {  	_ =	shalt  }
0x53: {  	_ =	shalt  }
0x54: {  	_ =	shalt  }
0x55: {  	_ =	shalt  }
0x56: {  	_ =	shalt  }
0x57: {  	_ =	shalt  }
0x58: {  	_ =	shalt  }
0x59: {  	_ =	shalt  }
0x5a: {  	_ =	shalt  }
0x5b: {  	_ =	shalt  }
0x5c: {  	_ =	shalt  }
0x5d: {  	_ =	shalt  }
0x5e: {  	_ =	shalt  }
0x5f: {  	_ =	shalt  }
0x60: {  	_ =	shalt  }
0x61: {  	_ =	shalt  }
0x62: {  	_ =	shalt  }
0x63: {  	_ =	shalt  }
0x64: {  	_ =	shalt  }
0x65: {  	_ =	shalt  }
0x66: {  	_ =	shalt  }
0x67: {  	_ =	shalt  }
0x68: {  	_ =	shalt  }
0x69: {  	_ =	shalt  }
0x6a: {  	_ =	shalt  }
0x6b: {  	_ =	shalt  }
0x6c: {  	_ =	shalt  }
0x6d: {  	_ =	shalt  }
0x6e: {  	_ =	shalt  }
0x6f: {  	_ =	shalt  }
0x70: {  	_ =	shalt  }
0x71: {  	_ =	shalt  }
0x72: {  	_ =	shalt  }
0x73: {  	_ =	shalt  }
0x74: {  	_ =	shalt  }
0x75: {  	_ =	shalt  }
0x76: {  	_ =	shalt  }
0x77: {  	_ =	shalt  }
0x78: {  	_ =	shalt  }
0x79: {  	_ =	shalt  }
0x7a: {  	_ =	shalt  }
0x7b: {  	_ =	shalt  }
0x7c: {  	_ =	shalt  }
0x7d: {  	_ =	shalt  }
0x7e: {  	_ =	shalt  }
0x7f: {  	_ =	shalt  }
0x80: {  	_ =	shalt  }
0x81: {  	_ =	shalt  }
0x82: {  	_ =	shalt  }
0x83: {  	_ =	shalt  }
0x84: {  	_ =	shalt  }
0x85: {  	_ =	shalt  }
0x86: {  	_ =	shalt  }
0x87: {  	_ =	shalt  }
.Lfunc_end0:
.L_simem_size_0:
called_computation.2_lowered:
.L_overlay_start_0:
0x88: {  	s2 =	sld [smem:$0x3FD9]  }
0x89: {  	s3 =	sld [smem:$0x3FFE];
	_ =	sdelay $0x1  }
0x8a: {  	s1 =	srdreg.scid  }
0x8b: {  	s0 =	sand.u32 $0x1, s1  }
0x8c: {  	s16 =	sshll.u32 s0, $0xA;
	s2 =	sadd.s32 s3, s2  }
0x8d: {  	s2 =	sadd.s32 s2, s16  }
0x8e: {  	[smem:$0x3FBB] =	sst s2  }
0x8f: {  	_ = 	snop  }
0x90: {  	(tm) =	ssettm $0x1  }
0x91: {  	s17 =	sld [smem:$0x3FFB];
	_ =	sdelay $0x3  }
0x92: {  	_ =	strace s17  }
0x93: {  	s2 =	sld [smem:$0x3FFC];
	_ =	sdelay $0x3  }
0x94: {  	_ =	strace s2  }
0x95: {  	s2 =	sld [smem:$0x3FFD];
	_ =	sdelay $0x3  }
0x96: {  	_ =	strace s2  }
0x97: {  	_ =	strace $0x8FFFFFFF  }
0x98: {  	s18 =	sld [smem:$0x3FDB];
	_ =	sdelay $0x1  }
0x99: {  	s19 =	simm.s32 $_scs_section_size  }
0x9a: {  	s4 =	simm.s32 $_size__tile_overlayer_lowered;
	s5 =	simm.s32 $_tile_overlayer_lowered  }
0x9b: {  	s22 =	simm.s32 $0x1BFF;
	s21 =	sshll.u32 s5, $0x1;
	s2 =	sadd.s32 s19, s18  }
0x9c: {  	s6 =	simm.s32 $0x0;
	s20 =	sshll.u32 s4, $0x1;
	s4 =	sadd.s32 s21, s2  }
0x9d: {  	[timem:s6], [sflag:s22] =	dma.local [hbm:s4], s20  }
0x9e: {  	_ =	swait.ge [sflag:s22], s20  }
0x9f: {  	s3 =	ssub.s32 $0x0, s20;
	[sflag:s22] =	ssyncset.done $0x0  }
0xa0: {  	[sflag:s22] =	ssyncadd.s32 s3;
	_ =	sdelay $0x1  }
0xa1: {  	s23 =	simm.s32 $0x1B8B  }
0xa2: {  	_ =	swait.ge [sflag:s23], $0x1  }
0xa3: {  	[sflag:s23] =	ssyncset.done $0x0  }
0xa4: {  	s25 =	simm.s32 $0x1B8E;
	s24 =	sld [smem:$0x3FFE];
	[sflag:s23] =	ssyncadd.s32 $0xFFFFFFFF  }
0xa5: {  	s26 =	simm.s32 $execute0_lowered;
	[smem:$0x3FD2] =	sst s25  }
0xa6: {  	s4 =	sshll.u32 s26, $0x1;
	_ =	strace $0x8000004C;
	[dreg:$0x1] =	wrdreg $0xFFFFFFFF  }
0xa7: {  	s28 =	simm.s32 $_size_execute0_lowered;
	s2 =	sadd.s32 s2, s4;
	[dreg:$0x0] =	wrdreg $0x0  }
0xa8: {  	s4 =	sshll.u32 s28, $0x1;
	[dreg:$0x2] =	wrdreg s2  }
0xa9: {  	[dreg:$0x3] =	wrdreg s4  }
0xaa: {  	[dreg:$0x4] =	wrdreg $0xC0  }
0xab: {  	_ =	task [dreg:s6], $0x5FFFF  }
0xac: {  	[dreg:$0x1] =	wrdreg $0xFFFFFFFF  }
0xad: {  	[dreg:$0x0] =	wrdreg $0x60  }
0xae: {  	[dreg:$0x2] =	wrdreg s24  }
0xaf: {  	[dreg:$0x3] =	wrdreg $0xA0000  }
0xb0: {  	[dreg:$0x4] =	wrdreg $0x9  }
0xb1: {  	_ =	task.clear_ibuf [dreg:s6], $0x5FFFF;
	_ =	strace $0x9000004C  }
0xb2: {  	s29 =	simm.s32 $0x9;
	_ =	strace $0x8000004E  }
0xb3: {  	_ =	swait.ge [sflag:s29], $0x1  }
0xb4: {  	[sflag:s29] =	ssyncadd.s32 $0xFFFFFFFF  }
0xb5: {  	_ =	strace $0x9000004E  }
0xb6: {  	_ =	sfence  }
0xb7: {  	s30 =	sld [smem:$0x0];
	_ =	sdelay $0x2  }
0xb8: {  	s31 =	sshll.u32 s1, $0xD;
	s1 =	sshrl.u32 s1, $0x2  }
0xb9: {  	s3 =	sand.u32 $0x4000, s31;
	s1 =	sadd.s32 s1, s30  }
0xba: {  	s0 =	sor.u32 s3, s0;
	s1 =	sshll.u32 s1, $0x11  }
0xbb: {  	s0 =	sor.u32 s1, s0  }
0xbc: {  	s0 =	sadd.s32 $0x8F2B, s0  }
0xbd: {  	[sflag:s0] =	ssyncadd.remote.s32 $0x1  }
0xbe: {  	_ =	sfence.sel $0xFFFF  }
0xbf: {  	[dreg:$0x0] =	wrdreg $0xFFFFFFFF;
	(pc) =	sbr.abs _section_cstart, $3  }
0xc0: {  	[dreg:$0x1] =	wrdreg $0xFFFFFFFF  }
0xc1: {  	_ =	task.clear_ibuf [dreg:s6], $0x2FFFF;
	_ =	strace $0x9FFFFFFF  }
0xc2: {  	(tm) =	ssettm $0x7FFFFFFF  }
0xc3: {  	_ =	shalt  }
tec
execute0_lowered:
.L_overlay_start_1:
0x0: {  	(tag) =	ssettag $0x1  }
0x1: {  	s0 =	rddreg [dreg:$0x0]  }
0x2: {  	s2 =	rddreg [dreg:$0x1];
	s3 =	simm.s32 $0x0  }
0x3: {  	s14 =	stileid.u32;
	s1 =	srdreg.scid;
	s16 =	simm.s32 $0x5  }
0x4: {  	s17 =	simm.s32 $0x1000;
	s18 =	simm.s32 $0x40;
	s19 =	simm.s32 $0x2000  }
0x5: {  	s20 =	simm.s32 $0x6000;
	s21 =	simm.s32 $0x4000;
	s22 =	simm.s32 $0x8000  }
0x6: {  	s23 =	simm.s32 $0x1;
	s29 =	simm.s32 $0x0;
	[smem:$0x7FF] =	sst s3  }
0x7: {  	s8 =	smul.u32 $0x14000, s14;
	s1 =	sand.u32 $0x1, s1;
	s4 =	sadd.s32 $0xA200, s0  }
0x8: {  	s5 =	sadd.s32 $0xA1C000, s0;
	s6 =	sadd.s32 $0x4EC800, s0;
	s11 =	smul.u32 $0x50000, s14  }
0x9: {  	s7 =	sadd.s32 $0x500800, s0;
	s26 =	smul.u32 $0x5000, s14;
	s28 =	sshll.u32 s14, $0x6  }
0xa: {  	_ =	strace $0x8000004D;
	s9 =	smul.u32 $0x140000, s1;
	s24 =	ssub.s32 $0x2, s1  }
0xb: {  	s25 =	smul.u32 $0x50000, s1;
	s1 =	sshll.u32 s1, $0x4;
	s10 =	sshrl.u32 s8, $0x3  }
0xc: {  	s12 =	sshrl.u32 s24, $0x1;
	s11 =	sshrl.u32 s11, $0x2;
	s1 =	sor.u32 s14, s1  }
0xd: {  	s14 =	sor.u32 $0x1C05, s28;
	s8 =	sadd.s32 s8, s9;
	s10 =	sadd.s32 s10, s0  }
0xe: {  	s9 =	ssub.s32 s24, s12;
	s13 =	sadd.s32 s11, s2;
	s11 =	smul.u32 $0xA0, s1  }
0xf: {  	s12 =	sadd.s32 $0xA1C400, s0;
	s24 =	simm.s32 $0x3;
	s10 =	sadd.s32 $0x32200, s10  }
0x10: {  	s8 =	sshrl.u32 s8, $0x3;
	s31 =	smax.u32 s9, $0x1;
	[dreg:$0x3] =	wrdreg s10  }
0x11: {  	s1 =	sshrl.u32 s13, $0x3;
	s8 =	sadd.s32 s8, s0;
	[dreg:$0x5] =	wrdreg s31  }
0x12: {  	s10 =	sadd.s32 s26, s25;
	[dreg:$0x6] =	wrdreg s1;
	s30 =	sadd.s32 $0x81400, s8  }
0x13: {  	s25 =	simm.s32 $0x2;
	s26 =	simm.s32 $0x4;
	[dreg:$0x4] =	wrdreg s30  }
.LBB2_1:
0x14: {  	s0 =	rddreg [dreg:$0x3]  }
0x15: {  	[spmem:s1], [sflag:s14] =	dma.local [hbm:s0], $0x2800  }
0x16: {  	_ =	swait.ge [sflag:s16], $0x2800  }
0x17: {  	[sflag:s16] =	ssyncset.done $0x0  }
0x18: {  	[sflag:s16] =	ssyncadd.s32 $0xFFFFD800  }
0x19: {  	s15 =	smov.u32 s14;
	s28 =	simm.s32 $0x0;
	[bflag:$0x0] =	sbarrier.arrive $0xFFFF  }
.LBB2_2:
0x1a: {  	s0 =	sshll.u32 s28, $0xC  }
0x1b: {  	s0 =	sadd.s32 s0, s10  }
0x1c: {  	s0 =	sshrl.u32 s0, $0x3  }
0x1d: {  	s1 =	sadd.s32 s6, s0  }
0x1e: {  	[tilespmem:s29], [sflag:$0x5] =	stream.linear.gather [hbm4b:s1+s29], $0x1000, $0x38;
	[tilespmem:$0x1E000] =	vst v63  }
0x1f: {  	_ =	swait.ge [sflag:s16], $0x1000  }
0x20: {  	[sflag:s16] =	ssyncset.done $0x0  }
0x21: {  	s0 =	sadd.s32 s7, s0;
	[sflag:s16] =	ssyncadd.s32 $0xFFFFF000  }
0x22: {  	[tilespmem:s17], [sflag:$0x5] =	stream.linear.gather [hbm4b:s0+s29], $0x1000, $0x38;
	[tilespmem:$0x1E000] =	vst v63  }
0x23: {  	s14 =	sshll.u32 s28, $0x5;
	_ =	swait.ge [sflag:s16], $0x1000  }
0x24: {  	s30 =	sadd.s32 s11, s14;
	[sflag:s16] =	ssyncset.done $0x0  }
0x25: {  	s0 =	sshll.u32 s30, $0xA;
	[sflag:s16] =	ssyncadd.s32 $0xFFFFF000  }
0x26: {  	[tilespmem:s19], [sflag:$0x1] =	stream.indirect.gather [hbm4b:s4+s18], $0x80, s29, s18, $0xb8;
	[tilespmem:$0x1E000] =	vst v63  }
0x27: {  	s31 =	simm.s32 $0x0;
	s0 =	sadd.s32 s5, s0  }
0x28: {  	[tilespmem:s20], [sflag:$0x3] =	stream.linear.gather [hbm4b:s0+s29], $0x2000, $0x38;
	[tilespmem:$0x1E000] =	vst v63  }
.LBB2_3:
0x29: {  	s1 =	sshllo.u32 s31, $0x1;
	s8 =	sshll.u32 s31, $0x1  }
0x2a: {  	s0 =	sshll.u32 s1, $0x9;
	s8 =	sadd.s32 s30, s8  }
0x2b: {  	s0 =	sshrl.u32 s0, $0x2;
	s8 =	sshll.u32 s8, $0xA  }
0x2c: {  	[tilespmem:s21], [sflag:$0x2] =	stream.indirect.gather [hbm4b:s4+s18], $0x80, s0, s18, $0xb8;
	[tilespmem:$0x1E000] =	vst v63  }
0x2d: {  	s8 =	sadd.s32 s8, s12  }
0x2e: {  	[tilespmem:s22], [sflag:$0x4] =	stream.linear.gather [hbm4b:s8+s29], $0x2000, $0x38;
	[tilespmem:$0x1E000] =	vst v63  }
0x2f: {  	_ =	swait.ge [sflag:s23], $0x2000  }
0x30: {  	[sflag:s23] =	ssyncset.done $0x0  }
0x31: {  	[sflag:s23] =	ssyncadd.s32 $0xFFFFE000  }
0x32: {  	_ =	swait.ge [sflag:s24], $0x2000  }
0x33: {  	[sflag:s24] =	ssyncset.done $0x0  }
0x34: {  	s8 =	simm.s32 $0x0;
	[sflag:s24] =	ssyncadd.s32 $0xFFFFE000  }
0x35: {  	v0 =	vld [tilespmem:s8+$0x6020]  }
0x36: {  	v1 =	vld [tilespmem:s8+$0x6040]  }
0x37: {  	v4 =	vld [tilespmem:s8+$0x6060]  }
0x38: {  	v5 =	vld [tilespmem:s8+$0x6070]  }
0x39: {  	v2 =	vld [tilespmem:s8+$0x6050]  }
0x3a: {  	v3 =	vld [tilespmem:s8+$0x2050]  }
0x3b: {  	v6 =	vld [tilespmem:s8+$0x2040]  }
0x3c: {  	v7 =	vld [tilespmem:s8+$0x2070]  }
0x3d: {  	v8 =	vld [tilespmem:s8+$0x2060]  }
0x3e: {  	v9 =	vld [tilespmem:s8+$0x2020]  }
0x3f: {  	v2 =	vadd.f32 v2, v3  }
0x40: {  	v3 =	vadd.f32 v1, v6  }
0x41: {  	v6 =	vadd.f32 v5, v7;
	v7 =	vld [tilespmem:s8+$0x6030];
	v1 =	vsub.f32 $0.0e+00, v2  }
0x42: {  	v5 =	vadd.f32 v4, v8;
	v4 =	vld [tilespmem:s8+$0x2030];
	v12 =	vsub.f32 $0.0e+00, v3  }
0x43: {  	v10 =	vld [tilespmem:s8+$0x6010];
	v8 =	vmul.f32 $1.442695020e+00, v1;
	v1 =	vadd.f32 v0, v9;
	v0 =	vsub.f32 $0.0e+00, v6  }
0x44: {  	v11 =	vld [tilespmem:s8+$0x6000];
	v13 =	vsub.f32 $0.0e+00, v5;
	v12 =	vmul.f32 $1.442695020e+00, v12  }
0x45: {  	v9 =	vld [tilespmem:s8+$0x2010];
	(erf) = vpow2.f32 v8;
	v8 =	vsub.f32 $0.0e+00, v1;
	v0 =	vmul.f32 $1.442695020e+00, v0  }
0x46: {  	v14 =	vld [tilespmem:s8+$0x2000];
	v63 =	vmul.f32 $1.442695020e+00, v13;
	(erf) = vpow2.f32 v12  }
0x47: {  	v7 =	vadd.f32 v7, v4;
	v8 =	vmul.f32 $1.442695020e+00, v8;
	(erf) = vpow2.f32 v0  }
0x48: {  	(erf) = vpow2.f32 v63  }
0x49: {  	(erf) = vpow2.f32 v8;
	v8 =	vsub.f32 $0.0e+00, v7  }
0x4a: {  	v4 =	vadd.f32 v10, v9  }
0x4b: {  	v0 =	vadd.f32 v11, v14;
	v8 =	vmul.f32 $1.442695020e+00, v8  }
0x4c: {  	v9 =	vsub.f32 $0.0e+00, v4  }
0x4d: {  	v10 =	vsub.f32 $0.0e+00, v0  }
0x4e: {  	v9 =	vmul.f32 $1.442695020e+00, v9  }
0x4f: {  	v10 =	vmul.f32 $1.442695020e+00, v10;
	(erf) = vpow2.f32 v8;
	v8 =	vpop (erf)  }
0x50: {  	(erf) = vpow2.f32 v9;
	v8 =	vadd.f32 $1.000000000e+00, v8  }
0x51: {  	(erf) = vpow2.f32 v10  }
0x52: {  	v9 =	vpop (erf);
	(erf) = vrcp.f32 v8  }
0x53: {  	v9 =	vadd.f32 $1.000000000e+00, v9  }
0x54: {  	v10 =	vpop (erf)  }
0x55: {  	(erf) = vrcp.f32 v9;
	v8 =	vpop (erf)  }
0x56: {  	s14 =	simm.s32 $0x200;
	s13 =	simm.s32 $0x400;
	v9 =	vadd.f32 $1.000000000e+00, v10;
	v8 =	vadd.f32 $1.000000000e+00, v8;
	v10 =	vpop (erf)  }
.LBB2_4:
0x57: {  	p0 =	sne.s32 s13, $0x7E00  }
0x58: {  	s9 =	sshra.s32 s14, $0x2;
	v10 =	vadd.f32 $1.000000000e+00, v10;
	v11 =	vpop (erf);
	(erf) = vrcp.f32 v9;
	s14 =	smov.u32 s13;
	s13 =	sadd.s32 $0x200, s13  }
0x59: {  	v9 =	vld [tilespmem:s9+$0x6020];
	v14 =	vadd.f32 $1.000000000e+00, v11;
	v12 =	vpop (erf);
	(erf) = vrcp.f32 v8  }
0x5a: {  	v8 =	vld [tilespmem:s9+$0x6040];
	v12 =	vadd.f32 $1.000000000e+00, v12;
	v13 =	vpop (erf);
	(erf) = vrcp.f32 v10  }
0x5b: {  	v10 =	vld [tilespmem:s9+$0x6060];
	v13 =	vadd.f32 $1.000000000e+00, v13;
	(erf) = vrcp.f32 v14;
	v11 =	vpop (erf)  }
0x5c: {  	v14 =	vld [tilespmem:s9+$0x6070];
	v15 =	vmul.f32 v11, v2;
	(erf) = vrcp.f32 v12  }
0x5d: {  	v11 =	vld [tilespmem:s9+$0x6050];
	(erf) = vrcp.f32 v13  }
0x5e: {  	v12 =	vld [tilespmem:s9+$0x6010];
	[tilespmem:s8+$0x2050] =	vst v15;
	v2 =	vpop (erf)  }
0x5f: {  	v13 =	vld [tilespmem:s9+$0x2050];
	v3 =	vmul.f32 v2, v3;
	_ =	sdelay $0x1  }
0x60: {  	[tilespmem:s8+$0x2040] =	vst v3;
	v2 =	vpop (erf)  }
0x61: {  	v3 =	vld [tilespmem:s9+$0x2040];
	v18 =	vmul.f32 v2, v6;
	v2 =	vpop (erf)  }
0x62: {  	v15 =	vld [tilespmem:s9+$0x6000];
	v19 =	vmul.f32 v2, v5;
	v16 =	vpop (erf)  }
0x63: {  	v17 =	vld [tilespmem:s9+$0x6030];
	v2 =	vadd.f32 v11, v13;
	v16 =	vmul.f32 v16, v1;
	[tilespmem:s8+$0x2070] =	vst v18;
	v6 =	vpop (erf)  }
0x64: {  	v11 =	vld [tilespmem:s9+$0x2070];
	v6 =	vmul.f32 v6, v7;
	[tilespmem:s8+$0x2060] =	vst v19;
	v5 =	vpop (erf)  }
0x65: {  	v7 =	vsub.f32 $0.0e+00, v2;
	v13 =	vld [tilespmem:s9+$0x2060];
	v4 =	vmul.f32 v5, v4;
	[tilespmem:s8+$0x2020] =	vst v16;
	v1 =	vpop (erf)  }
0x66: {  	v16 =	vld [tilespmem:s9+$0x2020];
	v3 =	vadd.f32 v8, v3;
	v0 =	vmul.f32 v1, v0;
	[tilespmem:s8+$0x2030] =	vst v6  }
0x67: {  	v8 =	vld [tilespmem:s9+$0x2030];
	v1 =	vmul.f32 $1.442695020e+00, v7;
	[tilespmem:s8+$0x2010] =	vst v4  }
0x68: {  	v4 =	vld [tilespmem:s9+$0x2010];
	v5 =	vsub.f32 $0.0e+00, v3;
	[tilespmem:s8+$0x2000] =	vst v0;
	s8 =	smov.u32 s9  }
0x69: {  	v0 =	vld [tilespmem:s8+$0x2000];
	v6 =	vadd.f32 v14, v11;
	(erf) = vpow2.f32 v1  }
0x6a: {  	v11 =	vmul.f32 $1.442695020e+00, v5;
	v5 =	vadd.f32 v10, v13  }
0x6b: {  	v1 =	vadd.f32 v9, v16;
	v9 =	vsub.f32 $0.0e+00, v6  }
0x6c: {  	v7 =	vadd.f32 v17, v8;
	v8 =	vsub.f32 $0.0e+00, v5;
	(erf) = vpow2.f32 v11  }
0x6d: {  	v4 =	vadd.f32 v12, v4;
	v10 =	vsub.f32 $0.0e+00, v1;
	v9 =	vmul.f32 $1.442695020e+00, v9  }
0x6e: {  	v0 =	vadd.f32 v15, v0;
	v11 =	vsub.f32 $0.0e+00, v7;
	v8 =	vmul.f32 $1.442695020e+00, v8  }
0x6f: {  	v12 =	vsub.f32 $0.0e+00, v4;
	v13 =	vmul.f32 $1.442695020e+00, v10;
	(erf) = vpow2.f32 v9  }
0x70: {  	v9 =	vsub.f32 $0.0e+00, v0;
	v11 =	vmul.f32 $1.442695020e+00, v11;
	(erf) = vpow2.f32 v8  }
0x71: {  	v8 =	vmul.f32 $1.442695020e+00, v12;
	(erf) = vpow2.f32 v13  }
0x72: {  	v9 =	vmul.f32 $1.442695020e+00, v9;
	(erf) = vpow2.f32 v11;
	v10 =	vpop (erf)  }
0x73: {  	v10 =	vadd.f32 $1.000000000e+00, v10;
	(erf) = vpow2.f32 v8  }
0x74: {  	(erf) = vpow2.f32 v9  }
0x75: {  	v8 =	vpop (erf);
	(erf) = vrcp.f32 v10  }
.Ltmp0:
0x76: {  	v9 =	vadd.f32 $1.000000000e+00, v8;
	(pc) =	sbr.rel @p0 .LBB2_4-.Ltmp0, $4  }
0x77: {  	_ = 	snop  }
0x78: {  	(erf) = vrcp.f32 v9;
	v8 =	vpop (erf)  }
0x79: {  	v9 =	vadd.f32 $1.000000000e+00, v8;
	v8 =	vpop (erf)  }
0x7a: {  	v8 =	vadd.f32 $1.000000000e+00, v8;
	v10 =	vpop (erf)  }
0x7b: {  	_ = 	snop  }
0x7c: {  	s13 =	sshra.s32 s14, $0x2;
	v11 =	vpop (erf)  }
0x7d: {  	(erf) = vrcp.f32 v9;
	v9 =	vld [tilespmem:s13+$0x6020];
	v12 =	vpop (erf)  }
0x7e: {  	v13 =	vld [tilespmem:s13+$0x6040];
	(erf) = vrcp.f32 v8;
	v8 =	vpop (erf)  }
0x7f: {  	v14 =	vld [tilespmem:s13+$0x6060];
	v15 =	vpop (erf)  }
0x80: {  	v10 =	vadd.f32 $1.000000000e+00, v10;
	v16 =	vld [tilespmem:s13+$0x6070];
	v2 =	vmul.f32 v15, v2  }
0x81: {  	v57 =	vld [tilespmem:s13+$0x6010];
	v17 =	vpop (erf)  }
0x82: {  	(erf) = vrcp.f32 v10;
	v10 =	vld [tilespmem:s13+$0x6050];
	[tilespmem:s8+$0x2050] =	vst v2;
	v2 =	vmul.f32 v17, v3  }
0x83: {  	v11 =	vadd.f32 $1.000000000e+00, v11;
	_ =	sdelay $0x1  }
0x84: {  	(erf) = vrcp.f32 v11;
	v11 =	vadd.f32 $1.000000000e+00, v12  }
0x85: {  	v8 =	vadd.f32 $1.000000000e+00, v8;
	v3 =	vld [tilespmem:s13+$0x2050];
	[tilespmem:s8+$0x2040] =	vst v2;
	v2 =	vpop (erf)  }
0x86: {  	(erf) = vrcp.f32 v11;
	v2 =	vmul.f32 v2, v6  }
0x87: {  	(erf) = vrcp.f32 v8  }
0x88: {  	v11 =	vld [tilespmem:s13+$0x2040]  }
0x89: {  	v58 =	vld [tilespmem:s13+$0x6030];
	v8 =	vpop (erf)  }
0x8a: {  	v6 =	vld [tilespmem:s13+$0x6000];
	[tilespmem:s8+$0x2070] =	vst v2;
	v2 =	vpop (erf)  }
0x8b: {  	v1 =	vmul.f32 v2, v1  }
0x8c: {  	v5 =	vmul.f32 v8, v5  }
0x8d: {  	v2 =	vpop (erf)  }
0x8e: {  	v8 =	vld [tilespmem:s13+$0x2070];
	[tilespmem:s8+$0x2060] =	vst v5;
	v2 =	vmul.f32 v2, v7  }
0x8f: {  	v5 =	vld [tilespmem:s13+$0x2060];
	[tilespmem:s8+$0x2020] =	vst v1;
	v1 =	vpop (erf)  }
0x90: {  	v7 =	vld [tilespmem:s13+$0x2020];
	[tilespmem:s8+$0x2030] =	vst v2;
	v2 =	vadd.f32 v10, v3;
	v1 =	vmul.f32 v1, v4;
	v3 =	vpop (erf)  }
0x91: {  	v0 =	vmul.f32 v3, v0  }
0x92: {  	v10 =	vadd.f32 v13, v11;
	v4 =	vld [tilespmem:s13+$0x2030];
	[tilespmem:s8+$0x2010] =	vst v1;
	v1 =	vsub.f32 $0.0e+00, v2  }
0x93: {  	v3 =	vld [tilespmem:s13+$0x2010];
	[tilespmem:s8+$0x2000] =	vst v0  }
0x94: {  	v11 =	vsub.f32 $0.0e+00, v10;
	v0 =	vmul.f32 $1.442695020e+00, v1;
	v1 =	vld [tilespmem:s13+$0x2000]  }
0x95: {  	v8 =	vadd.f32 v16, v8  }
0x96: {  	v5 =	vadd.f32 v14, v5;
	v11 =	vmul.f32 $1.442695020e+00, v11  }
0x97: {  	(erf) = vpow2.f32 v0;
	v0 =	vadd.f32 v9, v7;
	v7 =	vsub.f32 $0.0e+00, v8  }
0x98: {  	v4 =	vadd.f32 v58, v4;
	v9 =	vsub.f32 $0.0e+00, v5;
	(erf) = vpow2.f32 v11  }
0x99: {  	v11 =	vsub.f32 $0.0e+00, v0;
	v7 =	vmul.f32 $1.442695020e+00, v7;
	v1 =	vadd.f32 v6, v1  }
0x9a: {  	v3 =	vadd.f32 v57, v3;
	v9 =	vmul.f32 $1.442695020e+00, v9;
	v6 =	vsub.f32 $0.0e+00, v4  }
0x9b: {  	v11 =	vmul.f32 $1.442695020e+00, v11;
	(erf) = vpow2.f32 v7;
	v7 =	vsub.f32 $0.0e+00, v1  }
0x9c: {  	v59 =	vsub.f32 $0.0e+00, v3;
	v6 =	vmul.f32 $1.442695020e+00, v6;
	(erf) = vpow2.f32 v9  }
0x9d: {  	(erf) = vpow2.f32 v11;
	v7 =	vmul.f32 $1.442695020e+00, v7  }
0x9e: {  	v9 =	vmul.f32 $1.442695020e+00, v59;
	(erf) = vpow2.f32 v6;
	_ =	sdelay $0x1  }
0x9f: {  	(erf) = vpow2.f32 v9;
	v6 =	vpop (erf)  }
0xa0: {  	(erf) = vpow2.f32 v7;
	v6 =	vadd.f32 $1.000000000e+00, v6;
	v7 =	vpop (erf)  }
0xa1: {  	v7 =	vadd.f32 $1.000000000e+00, v7  }
0xa2: {  	(erf) = vrcp.f32 v6  }
0xa3: {  	v9 =	vpop (erf);
	(erf) = vrcp.f32 v7  }
0xa4: {  	v6 =	vadd.f32 $1.000000000e+00, v9;
	v9 =	vpop (erf)  }
0xa5: {  	v7 =	vadd.f32 $1.000000000e+00, v9;
	v9 =	vpop (erf)  }
0xa6: {  	v9 =	vadd.f32 $1.000000000e+00, v9;
	v11 =	vpop (erf);
	(erf) = vrcp.f32 v6  }
0xa7: {  	v6 =	vadd.f32 $1.000000000e+00, v11;
	(erf) = vrcp.f32 v7  }
0xa8: {  	(erf) = vrcp.f32 v9  }
0xa9: {  	v11 =	vpop (erf)  }
0xaa: {  	v7 =	vadd.f32 $1.000000000e+00, v11;
	v11 =	vpop (erf)  }
0xab: {  	v9 =	vadd.f32 $1.000000000e+00, v11;
	(erf) = vrcp.f32 v6;
	v6 =	vpop (erf)  }
0xac: {  	(erf) = vrcp.f32 v7;
	v2 =	vmul.f32 v6, v2;
	v6 =	vpop (erf)  }
0xad: {  	(erf) = vrcp.f32 v9;
	v6 =	vmul.f32 v6, v10;
	_ =	sdelay $0x1  }
0xae: {  	v7 =	vpop (erf)  }
0xaf: {  	[tilespmem:s13+$0x2050] =	vst v2;
	v2 =	vmul.f32 v7, v8;
	v7 =	vpop (erf)  }
0xb0: {  	[tilespmem:s13+$0x2040] =	vst v6;
	v6 =	vpop (erf)  }
0xb1: {  	v0 =	vmul.f32 v6, v0  }
0xb2: {  	v5 =	vmul.f32 v7, v5  }
0xb3: {  	[tilespmem:s13+$0x2070] =	vst v2;
	v2 =	vpop (erf)  }
0xb4: {  	[tilespmem:s13+$0x2060] =	vst v5;
	v2 =	vmul.f32 v2, v4;
	v4 =	vpop (erf)  }
0xb5: {  	[tilespmem:s13+$0x2020] =	vst v0;
	v3 =	vmul.f32 v4, v3;
	v0 =	vpop (erf)  }
0xb6: {  	s8 =	sshll.u32 s31, $0xA;
	[tilespmem:s13+$0x2030] =	vst v2;
	v0 =	vmul.f32 v0, v1  }
0xb7: {  	s9 =	sshrl.u32 s8, $0x2;
	[tilespmem:s13+$0x2010] =	vst v3  }
0xb8: {  	p0 =	seq.s32 s31, $0xF;
	s9 =	sadd.s32 $0x1000, s9;
	[tilespmem:s13+$0x2000] =	vst v0  }
0xb9: {  	[spmem:s2] =	stream.indirect.scatter.add.f32 [tilespmem:s19], [sflag:$0x5], $0x80, s9, s18, $0xb8;
	[tilespmem:$0x1E000] =	vst v63  }
0xba: {  	s1 =	sadd.s32 @!p0 s30, s1;
	s8 =	sshrl.u32 @!p0 s8, $0x2;
	_ =	swait.ge [sflag:s16], $0x2000  }
0xbb: {  	s1 =	sshll.u32 @!p0 s1, $0xA;
	s8 =	sadd.s32 @!p0 $0x100, s8;
	[sflag:s16] =	ssyncset.done $0x0  }
0xbc: {  	s13 =	simm.s32 @!p0 $0x2000;
	s9 =	simm.s32 @!p0 $0x40;
	[sflag:s16] =	ssyncadd.s32 $0xFFFFE000  }
0xbd: {  	[tilespmem:s13], [sflag:$0x1] =	stream.indirect.gather @!p0 [hbm4b:s4+s9], $0x80, s8, s9, $0xb8;
	[tilespmem:$0x1E000] =	vst v63  }
0xbe: {  	s1 =	sadd.s32 @!p0 s1, s12;
	s8 =	simm.s32 @!p0 $0x0;
	s9 =	simm.s32 @!p0 $0x6000  }
0xbf: {  	[tilespmem:s9], [sflag:$0x3] =	stream.linear.gather @!p0 [hbm4b:s1+s8], $0x2000, $0x38;
	[tilespmem:$0x1E000] =	vst v63  }
0xc0: {  	_ =	swait.ge [sflag:s25], $0x2000  }
0xc1: {  	[sflag:s25] =	ssyncset.done $0x0  }
0xc2: {  	[sflag:s25] =	ssyncadd.s32 $0xFFFFE000  }
0xc3: {  	_ =	swait.ge [sflag:s26], $0x2000  }
0xc4: {  	[sflag:s26] =	ssyncset.done $0x0  }
0xc5: {  	s1 =	simm.s32 $0x0;
	[sflag:s26] =	ssyncadd.s32 $0xFFFFE000  }
0xc6: {  	v0 =	vld [tilespmem:s1+$0x8020]  }
0xc7: {  	v1 =	vld [tilespmem:s1+$0x8040]  }
0xc8: {  	v4 =	vld [tilespmem:s1+$0x8060]  }
0xc9: {  	v5 =	vld [tilespmem:s1+$0x8070]  }
0xca: {  	v2 =	vld [tilespmem:s1+$0x8050]  }
0xcb: {  	v3 =	vld [tilespmem:s1+$0x4050]  }
0xcc: {  	v6 =	vld [tilespmem:s1+$0x4040]  }
0xcd: {  	v7 =	vld [tilespmem:s1+$0x4070]  }
0xce: {  	v8 =	vld [tilespmem:s1+$0x4060]  }
0xcf: {  	v9 =	vld [tilespmem:s1+$0x4020]  }
0xd0: {  	v2 =	vadd.f32 v2, v3  }
0xd1: {  	v3 =	vadd.f32 v1, v6  }
0xd2: {  	v6 =	vadd.f32 v5, v7;
	v7 =	vld [tilespmem:s1+$0x8030];
	v1 =	vsub.f32 $0.0e+00, v2  }
0xd3: {  	v5 =	vadd.f32 v4, v8;
	v4 =	vld [tilespmem:s1+$0x4030];
	v60 =	vsub.f32 $0.0e+00, v3  }
0xd4: {  	v10 =	vld [tilespmem:s1+$0x8010];
	v8 =	vmul.f32 $1.442695020e+00, v1;
	v1 =	vadd.f32 v0, v9;
	v0 =	vsub.f32 $0.0e+00, v6  }
0xd5: {  	v61 =	vsub.f32 $0.0e+00, v5;
	v9 =	vld [tilespmem:s1+$0x4010];
	v12 =	vmul.f32 $1.442695020e+00, v60  }
0xd6: {  	v11 =	vld [tilespmem:s1+$0x8000];
	(erf) = vpow2.f32 v8;
	v8 =	vsub.f32 $0.0e+00, v1;
	v0 =	vmul.f32 $1.442695020e+00, v0  }
0xd7: {  	v62 =	vld [tilespmem:s1+$0x4000];
	v63 =	vmul.f32 $1.442695020e+00, v61;
	(erf) = vpow2.f32 v12  }
0xd8: {  	v7 =	vadd.f32 v7, v4;
	v8 =	vmul.f32 $1.442695020e+00, v8;
	(erf) = vpow2.f32 v0  }
0xd9: {  	(erf) = vpow2.f32 v63  }
0xda: {  	v4 =	vadd.f32 v10, v9;
	(erf) = vpow2.f32 v8;
	v8 =	vsub.f32 $0.0e+00, v7;
	_ =	sdelay $0x1  }
0xdb: {  	v0 =	vadd.f32 v11, v62;
	v9 =	vsub.f32 $0.0e+00, v4;
	v8 =	vmul.f32 $1.442695020e+00, v8;
	_ =	sdelay $0x1  }
0xdc: {  	v10 =	vsub.f32 $0.0e+00, v0;
	v9 =	vmul.f32 $1.442695020e+00, v9;
	_ =	sdelay $0x1  }
0xdd: {  	v10 =	vmul.f32 $1.442695020e+00, v10;
	(erf) = vpow2.f32 v8;
	v8 =	vpop (erf)  }
0xde: {  	(erf) = vpow2.f32 v9;
	v8 =	vadd.f32 $1.000000000e+00, v8  }
0xdf: {  	v9 =	vpop (erf);
	(erf) = vpow2.f32 v10  }
0xe0: {  	(erf) = vrcp.f32 v8  }
0xe1: {  	v9 =	vadd.f32 $1.000000000e+00, v9  }
0xe2: {  	v10 =	vpop (erf)  }
0xe3: {  	(erf) = vrcp.f32 v9;
	v8 =	vpop (erf)  }
0xe4: {  	s13 =	simm.s32 $0x200;
	s8 =	simm.s32 $0x400;
	v9 =	vadd.f32 $1.000000000e+00, v10;
	v8 =	vadd.f32 $1.000000000e+00, v8;
	v10 =	vpop (erf)  }
.LBB2_6:
0xe5: {  	p0 =	sne.s32 s8, $0x7E00  }
0xe6: {  	s9 =	sshra.s32 s13, $0x2;
	v10 =	vadd.f32 $1.000000000e+00, v10;
	v11 =	vpop (erf);
	(erf) = vrcp.f32 v9;
	s13 =	smov.u32 s8;
	s8 =	sadd.s32 $0x200, s8  }
0xe7: {  	v9 =	vld [tilespmem:s9+$0x8020];
	v14 =	vadd.f32 $1.000000000e+00, v11;
	v12 =	vpop (erf);
	(erf) = vrcp.f32 v8  }
0xe8: {  	v8 =	vld [tilespmem:s9+$0x8040];
	v12 =	vadd.f32 $1.000000000e+00, v12;
	v13 =	vpop (erf);
	(erf) = vrcp.f32 v10  }
0xe9: {  	v10 =	vld [tilespmem:s9+$0x8060];
	v13 =	vadd.f32 $1.000000000e+00, v13;
	(erf) = vrcp.f32 v14;
	v11 =	vpop (erf)  }
0xea: {  	v14 =	vld [tilespmem:s9+$0x8070];
	v15 =	vmul.f32 v11, v2;
	(erf) = vrcp.f32 v12  }
0xeb: {  	v11 =	vld [tilespmem:s9+$0x8050];
	(erf) = vrcp.f32 v13  }
0xec: {  	v12 =	vld [tilespmem:s9+$0x8010];
	[tilespmem:s1+$0x4050] =	vst v15;
	v2 =	vpop (erf)  }
0xed: {  	v13 =	vld [tilespmem:s9+$0x4050];
	v3 =	vmul.f32 v2, v3;
	_ =	sdelay $0x1  }
0xee: {  	[tilespmem:s1+$0x4040] =	vst v3;
	v2 =	vpop (erf)  }
0xef: {  	v3 =	vld [tilespmem:s9+$0x4040];
	v18 =	vmul.f32 v2, v6;
	v2 =	vpop (erf)  }
0xf0: {  	v15 =	vld [tilespmem:s9+$0x8000];
	v19 =	vmul.f32 v2, v5;
	v16 =	vpop (erf)  }
0xf1: {  	v17 =	vld [tilespmem:s9+$0x8030];
	v2 =	vadd.f32 v11, v13;
	v16 =	vmul.f32 v16, v1;
	[tilespmem:s1+$0x4070] =	vst v18;
	v6 =	vpop (erf)  }
0xf2: {  	v11 =	vld [tilespmem:s9+$0x4070];
	v6 =	vmul.f32 v6, v7;
	[tilespmem:s1+$0x4060] =	vst v19;
	v5 =	vpop (erf)  }
0xf3: {  	v7 =	vsub.f32 $0.0e+00, v2;
	v13 =	vld [tilespmem:s9+$0x4060];
	v4 =	vmul.f32 v5, v4;
	[tilespmem:s1+$0x4020] =	vst v16;
	v1 =	vpop (erf)  }
0xf4: {  	v16 =	vld [tilespmem:s9+$0x4020];
	v3 =	vadd.f32 v8, v3;
	v0 =	vmul.f32 v1, v0;
	[tilespmem:s1+$0x4030] =	vst v6  }
0xf5: {  	v8 =	vld [tilespmem:s9+$0x4030];
	v1 =	vmul.f32 $1.442695020e+00, v7;
	[tilespmem:s1+$0x4010] =	vst v4  }
0xf6: {  	v4 =	vld [tilespmem:s9+$0x4010];
	v5 =	vsub.f32 $0.0e+00, v3;
	[tilespmem:s1+$0x4000] =	vst v0;
	s1 =	smov.u32 s9  }
0xf7: {  	v0 =	vld [tilespmem:s1+$0x4000];
	v6 =	vadd.f32 v14, v11;
	(erf) = vpow2.f32 v1  }
0xf8: {  	v11 =	vmul.f32 $1.442695020e+00, v5;
	v5 =	vadd.f32 v10, v13  }
0xf9: {  	v1 =	vadd.f32 v9, v16;
	v9 =	vsub.f32 $0.0e+00, v6  }
0xfa: {  	v7 =	vadd.f32 v17, v8;
	v8 =	vsub.f32 $0.0e+00, v5;
	(erf) = vpow2.f32 v11  }
0xfb: {  	v4 =	vadd.f32 v12, v4;
	v10 =	vsub.f32 $0.0e+00, v1;
	v9 =	vmul.f32 $1.442695020e+00, v9  }
0xfc: {  	v0 =	vadd.f32 v15, v0;
	v11 =	vsub.f32 $0.0e+00, v7;
	v8 =	vmul.f32 $1.442695020e+00, v8  }
0xfd: {  	v12 =	vsub.f32 $0.0e+00, v4;
	v13 =	vmul.f32 $1.442695020e+00, v10;
	(erf) = vpow2.f32 v9  }
0xfe: {  	v9 =	vsub.f32 $0.0e+00, v0;
	v11 =	vmul.f32 $1.442695020e+00, v11;
	(erf) = vpow2.f32 v8  }
0xff: {  	v8 =	vmul.f32 $1.442695020e+00, v12;
	(erf) = vpow2.f32 v13  }
0x100: {  	v9 =	vmul.f32 $1.442695020e+00, v9;
	(erf) = vpow2.f32 v11;
	v10 =	vpop (erf)  }
0x101: {  	v10 =	vadd.f32 $1.000000000e+00, v10;
	(erf) = vpow2.f32 v8  }
0x102: {  	(erf) = vpow2.f32 v9  }
0x103: {  	v8 =	vpop (erf);
	(erf) = vrcp.f32 v10  }
.Ltmp1:
0x104: {  	v9 =	vadd.f32 $1.000000000e+00, v8;
	(pc) =	sbr.rel @p0 .LBB2_6-.Ltmp1, $4  }
0x105: {  	_ = 	snop  }
0x106: {  	(erf) = vrcp.f32 v9;
	v8 =	vpop (erf)  }
0x107: {  	v9 =	vadd.f32 $1.000000000e+00, v8;
	v8 =	vpop (erf)  }
0x108: {  	v8 =	vadd.f32 $1.000000000e+00, v8;
	v10 =	vpop (erf)  }
0x109: {  	(erf) = vrcp.f32 v9;
	_ =	sdelay $0x3  }
0x10a: {  	v11 =	vpop (erf);
	v10 =	vadd.f32 $1.000000000e+00, v10  }
0x10b: {  	v12 =	vpop (erf);
	(erf) = vrcp.f32 v8;
	v11 =	vadd.f32 $1.000000000e+00, v11  }
0x10c: {  	s8 =	sshra.s32 s13, $0x2;
	v58 =	vpop (erf);
	(erf) = vrcp.f32 v10;
	v61 =	vadd.f32 $1.000000000e+00, v12  }
0x10d: {  	v57 =	vld [tilespmem:s8+$0x8020];
	v15 =	vpop (erf);
	(erf) = vrcp.f32 v11;
	v8 =	vadd.f32 $1.000000000e+00, v58  }
0x10e: {  	v13 =	vld [tilespmem:s8+$0x8040];
	(erf) = vrcp.f32 v61;
	v17 =	vpop (erf)  }
0x10f: {  	v14 =	vld [tilespmem:s8+$0x8060];
	v12 =	vpop (erf);
	(erf) = vrcp.f32 v8  }
0x110: {  	v16 =	vld [tilespmem:s8+$0x8070];
	v2 =	vmul.f32 v15, v2  }
0x111: {  	v59 =	vld [tilespmem:s8+$0x8050];
	v62 =	vmul.f32 v17, v3  }
0x112: {  	v60 =	vld [tilespmem:s8+$0x8010];
	[tilespmem:s1+$0x4050] =	vst v2  }
0x113: {  	v63 =	vld [tilespmem:s8+$0x4050];
	[tilespmem:s1+$0x4040] =	vst v62  }
0x114: {  	v17 =	vld [tilespmem:s8+$0x4040];
	v2 =	vmul.f32 v12, v6;
	v19 =	vpop (erf)  }
0x115: {  	v18 =	vld [tilespmem:s8+$0x8000];
	v5 =	vmul.f32 v19, v5;
	v21 =	vpop (erf)  }
0x116: {  	v20 =	vld [tilespmem:s8+$0x8030];
	[tilespmem:s1+$0x4070] =	vst v2;
	v1 =	vmul.f32 v21, v1;
	v23 =	vpop (erf)  }
0x117: {  	v22 =	vld [tilespmem:s8+$0x4070];
	[tilespmem:s1+$0x4060] =	vst v5;
	v2 =	vmul.f32 v23, v7;
	v24 =	vpop (erf)  }
0x118: {  	v26 =	vadd.f32 v59, v63;
	v5 =	vld [tilespmem:s8+$0x4060];
	[tilespmem:s1+$0x4020] =	vst v1;
	v1 =	vmul.f32 v24, v4;
	v27 =	vpop (erf)  }
0x119: {  	v25 =	vld [tilespmem:s8+$0x4020];
	[tilespmem:s1+$0x4030] =	vst v2;
	v29 =	vadd.f32 v13, v17;
	v0 =	vmul.f32 v27, v0  }
0x11a: {  	v30 =	vsub.f32 $0.0e+00, v26;
	v28 =	vld [tilespmem:s8+$0x4030];
	[tilespmem:s1+$0x4010] =	vst v1  }
0x11b: {  	v31 =	vld [tilespmem:s8+$0x4010];
	v11 =	vsub.f32 $0.0e+00, v29;
	[tilespmem:s1+$0x4000] =	vst v0  }
0x11c: {  	v32 =	vmul.f32 $1.442695020e+00, v30;
	v8 =	vadd.f32 v16, v22;
	v33 =	vld [tilespmem:s8+$0x4000]  }
0x11d: {  	v11 =	vmul.f32 $1.442695020e+00, v11;
	v5 =	vadd.f32 v14, v5  }
0x11e: {  	(erf) = vpow2.f32 v32;
	v34 =	vadd.f32 v57, v25;
	v35 =	vsub.f32 $0.0e+00, v8  }
0x11f: {  	v4 =	vadd.f32 v20, v28;
	v36 =	vsub.f32 $0.0e+00, v5;
	(erf) = vpow2.f32 v11  }
0x120: {  	v3 =	vadd.f32 v60, v31;
	v37 =	vsub.f32 $0.0e+00, v34;
	v7 =	vmul.f32 $1.442695020e+00, v35  }
0x121: {  	v38 =	vsub.f32 $0.0e+00, v4;
	v9 =	vmul.f32 $1.442695020e+00, v36;
	v1 =	vadd.f32 v18, v33  }
0x122: {  	v39 =	vsub.f32 $0.0e+00, v3;
	v11 =	vmul.f32 $1.442695020e+00, v37;
	(erf) = vpow2.f32 v7  }
0x123: {  	v6 =	vmul.f32 $1.442695020e+00, v38;
	(erf) = vpow2.f32 v9;
	v40 =	vsub.f32 $0.0e+00, v1  }
0x124: {  	v41 =	vmul.f32 $1.442695020e+00, v39;
	(erf) = vpow2.f32 v11  }
0x125: {  	(erf) = vpow2.f32 v6;
	v7 =	vmul.f32 $1.442695020e+00, v40  }
0x126: {  	(erf) = vpow2.f32 v41  }
0x127: {  	(erf) = vpow2.f32 v7;
	_ =	sdelay $0x1  }
0x128: {  	v42 =	vpop (erf)  }
0x129: {  	v6 =	vadd.f32 $1.000000000e+00, v42;
	v43 =	vpop (erf)  }
0x12a: {  	v7 =	vadd.f32 $1.000000000e+00, v43;
	v44 =	vpop (erf)  }
0x12b: {  	(erf) = vrcp.f32 v6;
	v45 =	vadd.f32 $1.000000000e+00, v44;
	v46 =	vpop (erf)  }
0x12c: {  	(erf) = vrcp.f32 v7;
	v47 =	vadd.f32 $1.000000000e+00, v46;
	v48 =	vpop (erf)  }
0x12d: {  	v9 =	vadd.f32 $1.000000000e+00, v48;
	v49 =	vpop (erf);
	(erf) = vrcp.f32 v45  }
0x12e: {  	v50 =	vadd.f32 $1.000000000e+00, v49;
	v51 =	vpop (erf);
	(erf) = vrcp.f32 v47  }
0x12f: {  	v52 =	vadd.f32 $1.000000000e+00, v51;
	(erf) = vrcp.f32 v9;
	v53 =	vpop (erf)  }
0x130: {  	(erf) = vrcp.f32 v50;
	v54 =	vadd.f32 $1.000000000e+00, v53  }
0x131: {  	(erf) = vrcp.f32 v52  }
0x132: {  	(erf) = vrcp.f32 v54;
	_ =	sdelay $0x1  }
0x133: {  	v55 =	vpop (erf)  }
0x134: {  	v2 =	vmul.f32 v55, v26;
	v56 =	vpop (erf)  }
0x135: {  	v6 =	vmul.f32 v56, v29;
	v57 =	vpop (erf)  }
0x136: {  	[tilespmem:s8+$0x4050] =	vst v2;
	v58 =	vmul.f32 v57, v8;
	v59 =	vpop (erf)  }
0x137: {  	[tilespmem:s8+$0x4040] =	vst v6;
	v5 =	vmul.f32 v59, v5;
	v60 =	vpop (erf)  }
0x138: {  	v0 =	vmul.f32 v60, v34;
	[tilespmem:s8+$0x4070] =	vst v58;
	v61 =	vpop (erf)  }
0x139: {  	v2 =	vmul.f32 v61, v4;
	[tilespmem:s8+$0x4060] =	vst v5;
	v62 =	vpop (erf)  }
0x13a: {  	v3 =	vmul.f32 v62, v3;
	[tilespmem:s8+$0x4020] =	vst v0;
	v63 =	vpop (erf)  }
0x13b: {  	s31 =	sadd.s32 $0x1, s31;
	[tilespmem:s8+$0x4030] =	vst v2;
	v0 =	vmul.f32 v63, v1  }
0x13c: {  	p0 =	sne.s32 s31, $0x10;
	[tilespmem:s8+$0x4010] =	vst v3  }
.Ltmp2:
0x13d: {  	s0 =	sadd.s32 $0x1000, s0;
	[tilespmem:s8+$0x4000] =	vst v0;
	(pc) =	sbr.rel @p0 .LBB2_3-.Ltmp2, $4  }
0x13e: {  	[spmem:s2] =	stream.indirect.scatter.add.f32 [tilespmem:s21], [sflag:$0x5], $0x80, s0, s18, $0xb8;
	[tilespmem:$0x1E000] =	vst v63  }
0x13f: {  	_ =	swait.ge [sflag:s16], $0x2000  }
0x140: {  	[sflag:s16] =	ssyncset.done $0x0  }
0x141: {  	[sflag:s16] =	ssyncadd.s32 $0xFFFFE000  }
0x142: {  	s28 =	sadd.s32 $0x1, s28  }
0x143: {  	p0 =	sne.s32 s28, $0x5  }
.Ltmp3:
0x144: {  	_ = 	snop;
	(pc) =	sbr.rel @p0 .LBB2_2-.Ltmp3, $1  }
0x145: {  	_ =	sdelay $0x3  }
0x146: {  	[bflag:$0x0] =	sbarrier.arrive $0xFFFF  }
0x147: {  	s0 =	rddreg [dreg:$0x4]  }
0x148: {  	s1 =	rddreg [dreg:$0x6]  }
0x149: {  	[hbm:s0], [sflag:s15] =	dma.local [spmem:s1], $0x2800  }
0x14a: {  	_ =	swait.ge [sflag:s16], $0x2800  }
0x14b: {  	s3 =	sadd.s32 $0x1, s3;
	s31 =	rddreg [dreg:$0x5]  }
0x14c: {  	p0 =	sne.s32 s3, s31  }
.Ltmp4:
0x14d: {  	_ = 	snop;
	(pc) =	sbr.rel @p0 .LBB2_1-.Ltmp4, $3  }
0x14e: {  	_ =	sdelay $0x1  }
0x14f: {  	[sflag:s16] =	ssyncset.done $0x0  }
0x150: {  	s14 =	smov.u32 s15;
	[sflag:s16] =	ssyncadd.s32 $0xFFFFD800  }
0x151: {  	_ =	sfence.sel $0x180000  }
0x152: {  	[bflag:$0x0] =	sbarrier.arrive $0xFFFF  }
0x153: {  	_ =	strace $0x9000004D  }
0x154: {  	s0 =	stileid.u32;
	[bflag:$0x2] =	sbarrier.arrive $0xFFFF  }
0x155: {  	p0 =	sne.s32 s0, $0x0;
	s0 =	rddreg [dreg:$0x2]  }
0x156: {  	s0 =	sadd.s32 @!p0 $0x100000, s0  }
0x157: {  	[sflag:s0] =	ssyncadd.tile.s32 @!p0 $0x1;
	_ =	shalt  }
.Lfunc_end2:
_tile_overlayer_lowered:
.L_overlay_start_2:
0x158: {  	(tag) =	ssettag $0x2  }
0x159: {  	s0 =	rddreg [dreg:$0x0];
	s2 =	stileid.u32  }
0x15a: {  	s1 =	rddreg [dreg:$0x1];
	p0 =	sne.s32 s2, $0x0  }
0x15b: {  	s3 =	rddreg [dreg:$0x2];
	[bflag:$0x3] =	sbarrier.arrive $0xFFFF;
	s2 =	simm.s32 @!p0 $0x1C05  }
0x15c: {  	[timem:s3], [sflag:s2] =	dma.local @!p0 [hbm:s0], s1  }
0x15d: {  	s0 =	simm.s32 @!p0 $0x5  }
0x15e: {  	_ =	swait.ge @!p0 [sflag:s0], s1  }
0x15f: {  	s1 =	ssub.s32 @!p0 $0x0, s1;
	[sflag:s0] =	ssyncset.done @!p0 $0x0  }
0x160: {  	[sflag:s0] =	ssyncadd.s32 @!p0 s1  }
0x161: {  	[bflag:$0x3] =	sbarrier.arrive $0xFFFF  }
0x162: {  	_ =	shalt  }

// kernel: kernel.27.cloned.1.call-start
scs
__scs_entry_jumppad:
0x0: {  	(pc) =	sbr.rel $0x88, $3  }
0x1: {  	(tag) =	ssettag $0x0;
	lr =	simm.s32 $0x1  }
0x2: {  	[smem:$0x3F94] =	sst lr;
	_ =	strace $0xD0000000  }
0x3: {  	_ = 	snop  }
0x4: {  	_ = 	snop  }
0x5: {  	_ = 	snop  }
0x6: {  	_ = 	snop  }
0x7: {  	_ = 	snop  }
__scs_overlays_trampoline_lowered:
0x8: {  	[smem:$0x3FA3] =	sst s0  }
0x9: {  	[smem:$0x3FA4] =	sst s1  }
0xa: {  	[smem:$0x3FA5] =	sst s2  }
0xb: {  	[smem:$0x3FA6] =	sst s3  }
0xc: {  	[smem:$0x3FA7] =	sst s4  }
0xd: {  	[smem:$0x3FA8] =	sst s5  }
0xe: {  	[smem:$0x3FA9] =	sst s6  }
0xf: {  	[smem:$0x3FAA] =	sst s7  }
0x10: {  	[smem:$0x3FAB] =	sst s8  }
0x11: {  	[smem:$0x3FAC] =	sst s9;
	s0 =	simm.s32 @!p0 $0x0  }
0x12: {  	s1 =	sld [smem:$0x3F92];
	s0 =	simm.s32 @p0 $0x1  }
0x13: {  	[smem:$0x3FAD] =	sst s0;
	s0 =	simm.s32 @!p1 $0x0  }
0x14: {  	s2 =	sld [smem:$0x3F91];
	s0 =	simm.s32 @p1 $0x1  }
0x15: {  	[smem:$0x3FAE] =	sst s0;
	s0 =	simm.s32 @!p2 $0x0  }
0x16: {  	s3 =	sld [smem:$0x3FDB];
	s0 =	simm.s32 @p2 $0x1  }
0x17: {  	s4 =	simm.s32 $0x1BF5;
	[smem:$0x3FB0] =	sst s0  }
0x18: {  	s0 =	sld [smem:$0x3F93];
	_ =	swait.ge [sflag:s4], $0x0  }
0x19: {  	s7 =	sld [smem:$0x3F94]  }
0x1a: {  	s8 =	sadd.s32 $0xFFFFE003, lr  }
0x1b: {  	s9 =	sadd.s32 $0xFFFFFEF7, lr;
	s5 =	simm.s32 $0xFFFFFFFF;
	p2 =	slt.u32 s8, $0xFFFFF086  }
0x1c: {  	p1 =	slt.u32 s9, $0xF7A;
	s5 =	simm.s32 @!p2 $0x0  }
0x1d: {  	s5 =	simm.s32 @p1 $0x1;
	p0 =	seq.s32 s7, s2  }
0x1e: {  	s7 =	smul.u32 @!p0 $0xF7A, s2;
	p2 =	seq.s32 @!p0 s5, $0x0  }
0x1f: {  	s9 =	smul.u32 $0xF7A, s1;
	s8 =	simm.s32 @!p0 $0x1BF5;
	p2 =	por !p2, p0  }
0x20: {  	[sflag:s8] =	ssyncset.s32 @!p0 $0xFFFFF086;
	s6 =	sadd.s32 @!p0 s3, s7;
	s7 =	simm.s32 @!p0 $0x108  }
0x21: {  	s3 =	sadd.s32 s3, s9;
	s6 =	sadd.s32 @!p0 $0x88, s6;
	s7 =	simm.s32 @p2 $0x1082  }
0x22: {  	[simem:s7], [sflag:s8] =	dma.local @!p0 [hbm:s6], $0xF7A  }
0x23: {  	s9 =	sor.u32 $0xD0000000, s2;
	s6 =	simm.s32 $0x108;
	_ =	swait.ge @!p0 [sflag:s8], $0x0  }
0x24: {  	s3 =	sadd.s32 $0x88, s3;
	s6 =	simm.s32 @!p1 $0x1082;
	[sflag:s4] =	ssyncset.s32 $0xFFFFF086  }
0x25: {  	[simem:s6], [sflag:s4] =	dma.local [hbm:s3], $0xF7A  }
0x26: {  	[smem:$0x3F94] =	sst s1;
	(tag) =	ssettag s2;
	_ =	strace s9  }
0x27: {  	s1 =	sld [smem:$0x3FA4]  }
0x28: {  	s2 =	sld [smem:$0x3FA5]  }
0x29: {  	s4 =	sld [smem:$0x3FA7]  }
0x2a: {  	p0 =	seq.s32 s5, $0x0;
	s5 =	sld [smem:$0x3FA8]  }
0x2b: {  	s6 =	sld [smem:$0x3FA9]  }
0x2c: {  	s7 =	sld [smem:$0x3FAA]  }
0x2d: {  	s3 =	simm.s32 $0x108;
	s8 =	sld [smem:$0x3FAB]  }
0x2e: {  	s3 =	simm.s32 @!p0 $0x1082;
	s9 =	sld [smem:$0x3FAC]  }
0x2f: {  	lr =	sadd.s32 s0, s3;
	s0 =	sld [smem:$0x3FA3]  }
0x30: {  	s3 =	sld [smem:$0x3FA6]  }
0x31: {  	[smem:$0x3FAF] =	sst s10  }
0x32: {  	s10 =	sld [smem:$0x3FAD];
	_ =	sdelay $0x3  }
0x33: {  	p0 =	seq.s32 s10, $0x1;
	s10 =	sld [smem:$0x3FAF];
	_ =	sdelay $0x3  }
0x34: {  	[smem:$0x3FAF] =	sst s10  }
0x35: {  	s10 =	sld [smem:$0x3FAE];
	_ =	sdelay $0x3  }
0x36: {  	p1 =	seq.s32 s10, $0x1;
	s10 =	sld [smem:$0x3FAF];
	_ =	sdelay $0x3  }
0x37: {  	[smem:$0x3FAF] =	sst s10  }
0x38: {  	s10 =	sld [smem:$0x3FB0]  }
0x39: {  	_ = 	snop;
	(pc) =	sbr.ind lr, $3  }
0x3a: {  	_ = 	snop  }
0x3b: {  	_ = 	snop  }
0x3c: {  	p2 =	seq.s32 s10, $0x1;
	s10 =	sld [smem:$0x3FAF]  }
0x3d: {  	_ =	shalt  }
0x3e: {  	_ =	shalt  }
0x3f: {  	_ =	shalt  }
0x40: {  	_ =	shalt  }
0x41: {  	_ =	shalt  }
0x42: {  	_ =	shalt  }
0x43: {  	_ =	shalt  }
0x44: {  	_ =	shalt  }
0x45: {  	_ =	shalt  }
0x46: {  	_ =	shalt  }
0x47: {  	_ =	shalt  }
0x48: {  	_ =	shalt  }
0x49: {  	_ =	shalt  }
0x4a: {  	_ =	shalt  }
0x4b: {  	_ =	shalt  }
0x4c: {  	_ =	shalt  }
0x4d: {  	_ =	shalt  }
0x4e: {  	_ =	shalt  }
0x4f: {  	_ =	shalt  }
0x50: {  	_ =	shalt  }
0x51: {  	_ =	shalt  }
0x52: {  	_ =	shalt  }
0x53: {  	_ =	shalt  }
0x54: {  	_ =	shalt  }
0x55: {  	_ =	shalt  }
0x56: {  	_ =	shalt  }
0x57: {  	_ =	shalt  }
0x58: {  	_ =	shalt  }
0x59: {  	_ =	shalt  }
0x5a: {  	_ =	shalt  }
0x5b: {  	_ =	shalt  }
0x5c: {  	_ =	shalt  }
0x5d: {  	_ =	shalt  }
0x5e: {  	_ =	shalt  }
0x5f: {  	_ =	shalt  }
0x60: {  	_ =	shalt  }
0x61: {  	_ =	shalt  }
0x62: {  	_ =	shalt  }
0x63: {  	_ =	shalt  }
0x64: {  	_ =	shalt  }
0x65: {  	_ =	shalt  }
0x66: {  	_ =	shalt  }
0x67: {  	_ =	shalt  }
0x68: {  	_ =	shalt  }
0x69: {  	_ =	shalt  }
0x6a: {  	_ =	shalt  }
0x6b: {  	_ =	shalt  }
0x6c: {  	_ =	shalt  }
0x6d: {  	_ =	shalt  }
0x6e: {  	_ =	shalt  }
0x6f: {  	_ =	shalt  }
0x70: {  	_ =	shalt  }
0x71: {  	_ =	shalt  }
0x72: {  	_ =	shalt  }
0x73: {  	_ =	shalt  }
0x74: {  	_ =	shalt  }
0x75: {  	_ =	shalt  }
0x76: {  	_ =	shalt  }
0x77: {  	_ =	shalt  }
0x78: {  	_ =	shalt  }
0x79: {  	_ =	shalt  }
0x7a: {  	_ =	shalt  }
0x7b: {  	_ =	shalt  }
0x7c: {  	_ =	shalt  }
0x7d: {  	_ =	shalt  }
0x7e: {  	_ =	shalt  }
0x7f: {  	_ =	shalt  }
0x80: {  	_ =	shalt  }
0x81: {  	_ =	shalt  }
0x82: {  	_ =	shalt  }
0x83: {  	_ =	shalt  }
0x84: {  	_ =	shalt  }
0x85: {  	_ =	shalt  }
0x86: {  	_ =	shalt  }
0x87: {  	_ =	shalt  }
.Lfunc_end0:
.L_simem_size_0:
called_computation.3_lowered:
.L_overlay_start_0:
0x88: {  	s2 =	sld [smem:$0x3FD9]  }
0x89: {  	s3 =	sld [smem:$0x3FFE];
	_ =	sdelay $0x1  }
0x8a: {  	s1 =	srdreg.scid  }
0x8b: {  	s0 =	sand.u32 $0x1, s1  }
0x8c: {  	s16 =	sshll.u32 s0, $0xA;
	s2 =	sadd.s32 s3, s2  }
0x8d: {  	s2 =	sadd.s32 s2, s16  }
0x8e: {  	[smem:$0x3FBB] =	sst s2  }
0x8f: {  	_ = 	snop  }
0x90: {  	(tm) =	ssettm $0x1  }
0x91: {  	s17 =	sld [smem:$0x3FFB];
	_ =	sdelay $0x3  }
0x92: {  	_ =	strace s17  }
0x93: {  	s2 =	sld [smem:$0x3FFC];
	_ =	sdelay $0x3  }
0x94: {  	_ =	strace s2  }
0x95: {  	s2 =	sld [smem:$0x3FFD];
	_ =	sdelay $0x3  }
0x96: {  	_ =	strace s2  }
0x97: {  	_ =	strace $0x8FFFFFFF  }
0x98: {  	s18 =	sld [smem:$0x3FDB];
	_ =	sdelay $0x1  }
0x99: {  	s19 =	simm.s32 $_scs_section_size  }
0x9a: {  	s4 =	simm.s32 $_size__tile_overlayer_lowered;
	s5 =	simm.s32 $_tile_overlayer_lowered  }
0x9b: {  	s22 =	simm.s32 $0x1BFF;
	s21 =	sshll.u32 s5, $0x1;
	s2 =	sadd.s32 s19, s18  }
0x9c: {  	s6 =	simm.s32 $0x0;
	s20 =	sshll.u32 s4, $0x1;
	s4 =	sadd.s32 s21, s2  }
0x9d: {  	[timem:s6], [sflag:s22] =	dma.local [hbm:s4], s20  }
0x9e: {  	_ =	swait.ge [sflag:s22], s20  }
0x9f: {  	s3 =	ssub.s32 $0x0, s20;
	[sflag:s22] =	ssyncset.done $0x0  }
0xa0: {  	[sflag:s22] =	ssyncadd.s32 s3;
	_ =	sdelay $0x1  }
0xa1: {  	s23 =	simm.s32 $0x1B8B  }
0xa2: {  	_ =	swait.ge [sflag:s23], $0x1  }
0xa3: {  	[sflag:s23] =	ssyncset.done $0x0  }
0xa4: {  	s25 =	simm.s32 $0x1B8E;
	s24 =	sld [smem:$0x3FFE];
	[sflag:s23] =	ssyncadd.s32 $0xFFFFFFFF  }
0xa5: {  	s26 =	simm.s32 $execute0_lowered;
	[smem:$0x3FD2] =	sst s25  }
0xa6: {  	s4 =	sshll.u32 s26, $0x1;
	_ =	strace $0x8000004F;
	[dreg:$0x1] =	wrdreg $0xFFFFFFFF  }
0xa7: {  	s28 =	simm.s32 $_size_execute0_lowered;
	s2 =	sadd.s32 s2, s4;
	[dreg:$0x0] =	wrdreg $0x0  }
0xa8: {  	s4 =	sshll.u32 s28, $0x1;
	[dreg:$0x2] =	wrdreg s2  }
0xa9: {  	[dreg:$0x3] =	wrdreg s4  }
0xaa: {  	[dreg:$0x4] =	wrdreg $0xC0  }
0xab: {  	_ =	task [dreg:s6], $0x5FFFF  }
0xac: {  	[dreg:$0x1] =	wrdreg $0xFFFFFFFF  }
0xad: {  	[dreg:$0x0] =	wrdreg $0x60  }
0xae: {  	[dreg:$0x2] =	wrdreg s24  }
0xaf: {  	[dreg:$0x3] =	wrdreg $0xA0000  }
0xb0: {  	[dreg:$0x4] =	wrdreg $0x9  }
0xb1: {  	_ =	task.clear_ibuf [dreg:s6], $0x5FFFF;
	_ =	strace $0x9000004F  }
0xb2: {  	s29 =	simm.s32 $0x9;
	_ =	strace $0x80000051  }
0xb3: {  	_ =	swait.ge [sflag:s29], $0x1  }
0xb4: {  	[sflag:s29] =	ssyncadd.s32 $0xFFFFFFFF  }
0xb5: {  	_ =	strace $0x90000051  }
0xb6: {  	_ =	sfence  }
0xb7: {  	s30 =	sld [smem:$0x0];
	_ =	sdelay $0x2  }
0xb8: {  	s31 =	sshll.u32 s1, $0xD;
	s1 =	sshrl.u32 s1, $0x2  }
0xb9: {  	s3 =	sand.u32 $0x4000, s31;
	s1 =	sadd.s32 s1, s30  }
0xba: {  	s0 =	sor.u32 s3, s0;
	s1 =	sshll.u32 s1, $0x11  }
0xbb: {  	s0 =	sor.u32 s1, s0  }
0xbc: {  	s0 =	sadd.s32 $0x8F2B, s0  }
0xbd: {  	[sflag:s0] =	ssyncadd.remote.s32 $0x1  }
0xbe: {  	_ =	sfence.sel $0xFFFF  }
0xbf: {  	[dreg:$0x0] =	wrdreg $0xFFFFFFFF;
	(pc) =	sbr.abs _section_cstart, $3  }
0xc0: {  	[dreg:$0x1] =	wrdreg $0xFFFFFFFF  }
0xc1: {  	_ =	task.clear_ibuf [dreg:s6], $0x2FFFF;
	_ =	strace $0x9FFFFFFF  }
0xc2: {  	(tm) =	ssettm $0x7FFFFFFF  }
0xc3: {  	_ =	shalt  }
tec
execute0_lowered:
.L_overlay_start_1:
0x0: {  	(tag) =	ssettag $0x1  }
0x1: {  	s0 =	rddreg [dreg:$0x0]  }
0x2: {  	s2 =	rddreg [dreg:$0x1];
	s3 =	simm.s32 $0x0  }
0x3: {  	s14 =	stileid.u32;
	s1 =	srdreg.scid;
	s16 =	simm.s32 $0x5  }
0x4: {  	s17 =	simm.s32 $0x1000;
	s18 =	simm.s32 $0x40;
	s19 =	simm.s32 $0x2000  }
0x5: {  	s20 =	simm.s32 $0x6000;
	s21 =	simm.s32 $0x4000;
	s22 =	simm.s32 $0x8000  }
0x6: {  	s23 =	simm.s32 $0x1;
	s29 =	simm.s32 $0x0;
	[smem:$0x7FF] =	sst s3  }
0x7: {  	s8 =	smul.u32 $0x14000, s14;
	s1 =	sand.u32 $0x1, s1;
	s4 =	sadd.s32 $0x9C00, s0  }
0x8: {  	s5 =	sadd.s32 $0xF1C000, s0;
	s6 =	sadd.s32 $0x4EC800, s0;
	s11 =	smul.u32 $0x50000, s14  }
0x9: {  	s7 =	sadd.s32 $0x500800, s0;
	s26 =	smul.u32 $0x5000, s14;
	s28 =	sshll.u32 s14, $0x6  }
0xa: {  	_ =	strace $0x80000050;
	s9 =	smul.u32 $0x140000, s1;
	s24 =	ssub.s32 $0x2, s1  }
0xb: {  	s25 =	smul.u32 $0x50000, s1;
	s1 =	sshll.u32 s1, $0x4;
	s10 =	sshrl.u32 s8, $0x3  }
0xc: {  	s12 =	sshrl.u32 s24, $0x1;
	s11 =	sshrl.u32 s11, $0x2;
	s1 =	sor.u32 s14, s1  }
0xd: {  	s14 =	sor.u32 $0x1C05, s28;
	s8 =	sadd.s32 s8, s9;
	s10 =	sadd.s32 s10, s0  }
0xe: {  	s9 =	ssub.s32 s24, s12;
	s13 =	sadd.s32 s11, s2;
	s11 =	smul.u32 $0xA0, s1  }
0xf: {  	s12 =	sadd.s32 $0xF1C400, s0;
	s24 =	simm.s32 $0x3;
	s10 =	sadd.s32 $0x32200, s10  }
0x10: {  	s8 =	sshrl.u32 s8, $0x3;
	s31 =	smax.u32 s9, $0x1;
	[dreg:$0x3] =	wrdreg s10  }
0x11: {  	s1 =	sshrl.u32 s13, $0x3;
	s8 =	sadd.s32 s8, s0;
	[dreg:$0x5] =	wrdreg s31  }
0x12: {  	s10 =	sadd.s32 s26, s25;
	[dreg:$0x6] =	wrdreg s1;
	s30 =	sadd.s32 $0x81400, s8  }
0x13: {  	s25 =	simm.s32 $0x2;
	s26 =	simm.s32 $0x4;
	[dreg:$0x4] =	wrdreg s30  }
.LBB2_1:
0x14: {  	s0 =	rddreg [dreg:$0x3]  }
0x15: {  	[spmem:s1], [sflag:s14] =	dma.local [hbm:s0], $0x2800  }
0x16: {  	_ =	swait.ge [sflag:s16], $0x2800  }
0x17: {  	[sflag:s16] =	ssyncset.done $0x0  }
0x18: {  	[sflag:s16] =	ssyncadd.s32 $0xFFFFD800  }
0x19: {  	s15 =	smov.u32 s14;
	s28 =	simm.s32 $0x0;
	[bflag:$0x0] =	sbarrier.arrive $0xFFFF  }
.LBB2_2:
0x1a: {  	s0 =	sshll.u32 s28, $0xC  }
0x1b: {  	s0 =	sadd.s32 s0, s10  }
0x1c: {  	s0 =	sshrl.u32 s0, $0x3  }
0x1d: {  	s1 =	sadd.s32 s6, s0  }
0x1e: {  	[tilespmem:s29], [sflag:$0x5] =	stream.linear.gather [hbm4b:s1+s29], $0x1000, $0x38;
	[tilespmem:$0x1E000] =	vst v63  }
0x1f: {  	_ =	swait.ge [sflag:s16], $0x1000  }
0x20: {  	[sflag:s16] =	ssyncset.done $0x0  }
0x21: {  	s0 =	sadd.s32 s7, s0;
	[sflag:s16] =	ssyncadd.s32 $0xFFFFF000  }
0x22: {  	[tilespmem:s17], [sflag:$0x5] =	stream.linear.gather [hbm4b:s0+s29], $0x1000, $0x38;
	[tilespmem:$0x1E000] =	vst v63  }
0x23: {  	s14 =	sshll.u32 s28, $0x5;
	_ =	swait.ge [sflag:s16], $0x1000  }
0x24: {  	s30 =	sadd.s32 s11, s14;
	[sflag:s16] =	ssyncset.done $0x0  }
0x25: {  	s0 =	sshll.u32 s30, $0xA;
	[sflag:s16] =	ssyncadd.s32 $0xFFFFF000  }
0x26: {  	[tilespmem:s19], [sflag:$0x1] =	stream.indirect.gather [hbm4b:s4+s18], $0x80, s29, s18, $0xb8;
	[tilespmem:$0x1E000] =	vst v63  }
0x27: {  	s31 =	simm.s32 $0x0;
	s0 =	sadd.s32 s5, s0  }
0x28: {  	[tilespmem:s20], [sflag:$0x3] =	stream.linear.gather [hbm4b:s0+s29], $0x2000, $0x38;
	[tilespmem:$0x1E000] =	vst v63  }
.LBB2_3:
0x29: {  	s1 =	sshllo.u32 s31, $0x1;
	s8 =	sshll.u32 s31, $0x1  }
0x2a: {  	s0 =	sshll.u32 s1, $0x9;
	s8 =	sadd.s32 s30, s8  }
0x2b: {  	s0 =	sshrl.u32 s0, $0x2;
	s8 =	sshll.u32 s8, $0xA  }
0x2c: {  	[tilespmem:s21], [sflag:$0x2] =	stream.indirect.gather [hbm4b:s4+s18], $0x80, s0, s18, $0xb8;
	[tilespmem:$0x1E000] =	vst v63  }
0x2d: {  	s8 =	sadd.s32 s8, s12  }
0x2e: {  	[tilespmem:s22], [sflag:$0x4] =	stream.linear.gather [hbm4b:s8+s29], $0x2000, $0x38;
	[tilespmem:$0x1E000] =	vst v63  }
0x2f: {  	_ =	swait.ge [sflag:s23], $0x2000  }
0x30: {  	[sflag:s23] =	ssyncset.done $0x0  }
0x31: {  	[sflag:s23] =	ssyncadd.s32 $0xFFFFE000  }
0x32: {  	_ =	swait.ge [sflag:s24], $0x2000  }
0x33: {  	[sflag:s24] =	ssyncset.done $0x0  }
0x34: {  	s8 =	simm.s32 $0x0;
	[sflag:s24] =	ssyncadd.s32 $0xFFFFE000  }
0x35: {  	v0 =	vld [tilespmem:s8+$0x6020]  }
0x36: {  	v1 =	vld [tilespmem:s8+$0x6040]  }
0x37: {  	v4 =	vld [tilespmem:s8+$0x6060]  }
0x38: {  	v5 =	vld [tilespmem:s8+$0x6070]  }
0x39: {  	v2 =	vld [tilespmem:s8+$0x6050]  }
0x3a: {  	v3 =	vld [tilespmem:s8+$0x2050]  }
0x3b: {  	v6 =	vld [tilespmem:s8+$0x2040]  }
0x3c: {  	v7 =	vld [tilespmem:s8+$0x2070]  }
0x3d: {  	v8 =	vld [tilespmem:s8+$0x2060]  }
0x3e: {  	v9 =	vld [tilespmem:s8+$0x2020]  }
0x3f: {  	v2 =	vadd.f32 v2, v3  }
0x40: {  	v3 =	vadd.f32 v1, v6  }
0x41: {  	v6 =	vadd.f32 v5, v7;
	v7 =	vld [tilespmem:s8+$0x6030];
	v1 =	vsub.f32 $0.0e+00, v2  }
0x42: {  	v5 =	vadd.f32 v4, v8;
	v4 =	vld [tilespmem:s8+$0x2030];
	v12 =	vsub.f32 $0.0e+00, v3  }
0x43: {  	v10 =	vld [tilespmem:s8+$0x6010];
	v8 =	vmul.f32 $1.442695020e+00, v1;
	v1 =	vadd.f32 v0, v9;
	v0 =	vsub.f32 $0.0e+00, v6  }
0x44: {  	v11 =	vld [tilespmem:s8+$0x6000];
	v13 =	vsub.f32 $0.0e+00, v5;
	v12 =	vmul.f32 $1.442695020e+00, v12  }
0x45: {  	v9 =	vld [tilespmem:s8+$0x2010];
	(erf) = vpow2.f32 v8;
	v8 =	vsub.f32 $0.0e+00, v1;
	v0 =	vmul.f32 $1.442695020e+00, v0  }
0x46: {  	v14 =	vld [tilespmem:s8+$0x2000];
	v63 =	vmul.f32 $1.442695020e+00, v13;
	(erf) = vpow2.f32 v12  }
0x47: {  	v7 =	vadd.f32 v7, v4;
	v8 =	vmul.f32 $1.442695020e+00, v8;
	(erf) = vpow2.f32 v0  }
0x48: {  	(erf) = vpow2.f32 v63  }
0x49: {  	(erf) = vpow2.f32 v8;
	v8 =	vsub.f32 $0.0e+00, v7  }
0x4a: {  	v4 =	vadd.f32 v10, v9  }
0x4b: {  	v0 =	vadd.f32 v11, v14;
	v8 =	vmul.f32 $1.442695020e+00, v8  }
0x4c: {  	v9 =	vsub.f32 $0.0e+00, v4  }
0x4d: {  	v10 =	vsub.f32 $0.0e+00, v0  }
0x4e: {  	v9 =	vmul.f32 $1.442695020e+00, v9  }
0x4f: {  	v10 =	vmul.f32 $1.442695020e+00, v10;
	(erf) = vpow2.f32 v8;
	v8 =	vpop (erf)  }
0x50: {  	(erf) = vpow2.f32 v9;
	v8 =	vadd.f32 $1.000000000e+00, v8  }
0x51: {  	(erf) = vpow2.f32 v10  }
0x52: {  	v9 =	vpop (erf);
	(erf) = vrcp.f32 v8  }
0x53: {  	v9 =	vadd.f32 $1.000000000e+00, v9  }
0x54: {  	v10 =	vpop (erf)  }
0x55: {  	(erf) = vrcp.f32 v9;
	v8 =	vpop (erf)  }
0x56: {  	s14 =	simm.s32 $0x200;
	s13 =	simm.s32 $0x400;
	v9 =	vadd.f32 $1.000000000e+00, v10;
	v8 =	vadd.f32 $1.000000000e+00, v8;
	v10 =	vpop (erf)  }
.LBB2_4:
0x57: {  	p0 =	sne.s32 s13, $0x7E00  }
0x58: {  	s9 =	sshra.s32 s14, $0x2;
	v10 =	vadd.f32 $1.000000000e+00, v10;
	v11 =	vpop (erf);
	(erf) = vrcp.f32 v9;
	s14 =	smov.u32 s13;
	s13 =	sadd.s32 $0x200, s13  }
0x59: {  	v9 =	vld [tilespmem:s9+$0x6020];
	v14 =	vadd.f32 $1.000000000e+00, v11;
	v12 =	vpop (erf);
	(erf) = vrcp.f32 v8  }
0x5a: {  	v8 =	vld [tilespmem:s9+$0x6040];
	v12 =	vadd.f32 $1.000000000e+00, v12;
	v13 =	vpop (erf);
	(erf) = vrcp.f32 v10  }
0x5b: {  	v10 =	vld [tilespmem:s9+$0x6060];
	v13 =	vadd.f32 $1.000000000e+00, v13;
	(erf) = vrcp.f32 v14;
	v11 =	vpop (erf)  }
0x5c: {  	v14 =	vld [tilespmem:s9+$0x6070];
	v15 =	vmul.f32 v11, v2;
	(erf) = vrcp.f32 v12  }
0x5d: {  	v11 =	vld [tilespmem:s9+$0x6050];
	(erf) = vrcp.f32 v13  }
0x5e: {  	v12 =	vld [tilespmem:s9+$0x6010];
	[tilespmem:s8+$0x2050] =	vst v15;
	v2 =	vpop (erf)  }
0x5f: {  	v13 =	vld [tilespmem:s9+$0x2050];
	v3 =	vmul.f32 v2, v3;
	_ =	sdelay $0x1  }
0x60: {  	[tilespmem:s8+$0x2040] =	vst v3;
	v2 =	vpop (erf)  }
0x61: {  	v3 =	vld [tilespmem:s9+$0x2040];
	v18 =	vmul.f32 v2, v6;
	v2 =	vpop (erf)  }
0x62: {  	v15 =	vld [tilespmem:s9+$0x6000];
	v19 =	vmul.f32 v2, v5;
	v16 =	vpop (erf)  }
0x63: {  	v17 =	vld [tilespmem:s9+$0x6030];
	v2 =	vadd.f32 v11, v13;
	v16 =	vmul.f32 v16, v1;
	[tilespmem:s8+$0x2070] =	vst v18;
	v6 =	vpop (erf)  }
0x64: {  	v11 =	vld [tilespmem:s9+$0x2070];
	v6 =	vmul.f32 v6, v7;
	[tilespmem:s8+$0x2060] =	vst v19;
	v5 =	vpop (erf)  }
0x65: {  	v7 =	vsub.f32 $0.0e+00, v2;
	v13 =	vld [tilespmem:s9+$0x2060];
	v4 =	vmul.f32 v5, v4;
	[tilespmem:s8+$0x2020] =	vst v16;
	v1 =	vpop (erf)  }
0x66: {  	v16 =	vld [tilespmem:s9+$0x2020];
	v3 =	vadd.f32 v8, v3;
	v0 =	vmul.f32 v1, v0;
	[tilespmem:s8+$0x2030] =	vst v6  }
0x67: {  	v8 =	vld [tilespmem:s9+$0x2030];
	v1 =	vmul.f32 $1.442695020e+00, v7;
	[tilespmem:s8+$0x2010] =	vst v4  }
0x68: {  	v4 =	vld [tilespmem:s9+$0x2010];
	v5 =	vsub.f32 $0.0e+00, v3;
	[tilespmem:s8+$0x2000] =	vst v0;
	s8 =	smov.u32 s9  }
0x69: {  	v0 =	vld [tilespmem:s8+$0x2000];
	v6 =	vadd.f32 v14, v11;
	(erf) = vpow2.f32 v1  }
0x6a: {  	v11 =	vmul.f32 $1.442695020e+00, v5;
	v5 =	vadd.f32 v10, v13  }
0x6b: {  	v1 =	vadd.f32 v9, v16;
	v9 =	vsub.f32 $0.0e+00, v6  }
0x6c: {  	v7 =	vadd.f32 v17, v8;
	v8 =	vsub.f32 $0.0e+00, v5;
	(erf) = vpow2.f32 v11  }
0x6d: {  	v4 =	vadd.f32 v12, v4;
	v10 =	vsub.f32 $0.0e+00, v1;
	v9 =	vmul.f32 $1.442695020e+00, v9  }
0x6e: {  	v0 =	vadd.f32 v15, v0;
	v11 =	vsub.f32 $0.0e+00, v7;
	v8 =	vmul.f32 $1.442695020e+00, v8  }
0x6f: {  	v12 =	vsub.f32 $0.0e+00, v4;
	v13 =	vmul.f32 $1.442695020e+00, v10;
	(erf) = vpow2.f32 v9  }
0x70: {  	v9 =	vsub.f32 $0.0e+00, v0;
	v11 =	vmul.f32 $1.442695020e+00, v11;
	(erf) = vpow2.f32 v8  }
0x71: {  	v8 =	vmul.f32 $1.442695020e+00, v12;
	(erf) = vpow2.f32 v13  }
0x72: {  	v9 =	vmul.f32 $1.442695020e+00, v9;
	(erf) = vpow2.f32 v11;
	v10 =	vpop (erf)  }
0x73: {  	v10 =	vadd.f32 $1.000000000e+00, v10;
	(erf) = vpow2.f32 v8  }
0x74: {  	(erf) = vpow2.f32 v9  }
0x75: {  	v8 =	vpop (erf);
	(erf) = vrcp.f32 v10  }
.Ltmp0:
0x76: {  	v9 =	vadd.f32 $1.000000000e+00, v8;
	(pc) =	sbr.rel @p0 .LBB2_4-.Ltmp0, $4  }
0x77: {  	_ = 	snop  }
0x78: {  	(erf) = vrcp.f32 v9;
	v8 =	vpop (erf)  }
0x79: {  	v9 =	vadd.f32 $1.000000000e+00, v8;
	v8 =	vpop (erf)  }
0x7a: {  	v8 =	vadd.f32 $1.000000000e+00, v8;
	v10 =	vpop (erf)  }
0x7b: {  	_ = 	snop  }
0x7c: {  	s13 =	sshra.s32 s14, $0x2;
	v11 =	vpop (erf)  }
0x7d: {  	(erf) = vrcp.f32 v9;
	v9 =	vld [tilespmem:s13+$0x6020];
	v12 =	vpop (erf)  }
0x7e: {  	v13 =	vld [tilespmem:s13+$0x6040];
	(erf) = vrcp.f32 v8;
	v8 =	vpop (erf)  }
0x7f: {  	v14 =	vld [tilespmem:s13+$0x6060];
	v15 =	vpop (erf)  }
0x80: {  	v10 =	vadd.f32 $1.000000000e+00, v10;
	v16 =	vld [tilespmem:s13+$0x6070];
	v2 =	vmul.f32 v15, v2  }
0x81: {  	v57 =	vld [tilespmem:s13+$0x6010];
	v17 =	vpop (erf)  }
0x82: {  	(erf) = vrcp.f32 v10;
	v10 =	vld [tilespmem:s13+$0x6050];
	[tilespmem:s8+$0x2050] =	vst v2;
	v2 =	vmul.f32 v17, v3  }
0x83: {  	v11 =	vadd.f32 $1.000000000e+00, v11;
	_ =	sdelay $0x1  }
0x84: {  	(erf) = vrcp.f32 v11;
	v11 =	vadd.f32 $1.000000000e+00, v12  }
0x85: {  	v8 =	vadd.f32 $1.000000000e+00, v8;
	v3 =	vld [tilespmem:s13+$0x2050];
	[tilespmem:s8+$0x2040] =	vst v2;
	v2 =	vpop (erf)  }
0x86: {  	(erf) = vrcp.f32 v11;
	v2 =	vmul.f32 v2, v6  }
0x87: {  	(erf) = vrcp.f32 v8  }
0x88: {  	v11 =	vld [tilespmem:s13+$0x2040]  }
0x89: {  	v58 =	vld [tilespmem:s13+$0x6030];
	v8 =	vpop (erf)  }
0x8a: {  	v6 =	vld [tilespmem:s13+$0x6000];
	[tilespmem:s8+$0x2070] =	vst v2;
	v2 =	vpop (erf)  }
0x8b: {  	v1 =	vmul.f32 v2, v1  }
0x8c: {  	v5 =	vmul.f32 v8, v5  }
0x8d: {  	v2 =	vpop (erf)  }
0x8e: {  	v8 =	vld [tilespmem:s13+$0x2070];
	[tilespmem:s8+$0x2060] =	vst v5;
	v2 =	vmul.f32 v2, v7  }
0x8f: {  	v5 =	vld [tilespmem:s13+$0x2060];
	[tilespmem:s8+$0x2020] =	vst v1;
	v1 =	vpop (erf)  }
0x90: {  	v7 =	vld [tilespmem:s13+$0x2020];
	[tilespmem:s8+$0x2030] =	vst v2;
	v2 =	vadd.f32 v10, v3;
	v1 =	vmul.f32 v1, v4;
	v3 =	vpop (erf)  }
0x91: {  	v0 =	vmul.f32 v3, v0  }
0x92: {  	v10 =	vadd.f32 v13, v11;
	v4 =	vld [tilespmem:s13+$0x2030];
	[tilespmem:s8+$0x2010] =	vst v1;
	v1 =	vsub.f32 $0.0e+00, v2  }
0x93: {  	v3 =	vld [tilespmem:s13+$0x2010];
	[tilespmem:s8+$0x2000] =	vst v0  }
0x94: {  	v11 =	vsub.f32 $0.0e+00, v10;
	v0 =	vmul.f32 $1.442695020e+00, v1;
	v1 =	vld [tilespmem:s13+$0x2000]  }
0x95: {  	v8 =	vadd.f32 v16, v8  }
0x96: {  	v5 =	vadd.f32 v14, v5;
	v11 =	vmul.f32 $1.442695020e+00, v11  }
0x97: {  	(erf) = vpow2.f32 v0;
	v0 =	vadd.f32 v9, v7;
	v7 =	vsub.f32 $0.0e+00, v8  }
0x98: {  	v4 =	vadd.f32 v58, v4;
	v9 =	vsub.f32 $0.0e+00, v5;
	(erf) = vpow2.f32 v11  }
0x99: {  	v11 =	vsub.f32 $0.0e+00, v0;
	v7 =	vmul.f32 $1.442695020e+00, v7;
	v1 =	vadd.f32 v6, v1  }
0x9a: {  	v3 =	vadd.f32 v57, v3;
	v9 =	vmul.f32 $1.442695020e+00, v9;
	v6 =	vsub.f32 $0.0e+00, v4  }
0x9b: {  	v11 =	vmul.f32 $1.442695020e+00, v11;
	(erf) = vpow2.f32 v7;
	v7 =	vsub.f32 $0.0e+00, v1  }
0x9c: {  	v59 =	vsub.f32 $0.0e+00, v3;
	v6 =	vmul.f32 $1.442695020e+00, v6;
	(erf) = vpow2.f32 v9  }
0x9d: {  	(erf) = vpow2.f32 v11;
	v7 =	vmul.f32 $1.442695020e+00, v7  }
0x9e: {  	v9 =	vmul.f32 $1.442695020e+00, v59;
	(erf) = vpow2.f32 v6;
	_ =	sdelay $0x1  }
0x9f: {  	(erf) = vpow2.f32 v9;
	v6 =	vpop (erf)  }
0xa0: {  	(erf) = vpow2.f32 v7;
	v6 =	vadd.f32 $1.000000000e+00, v6;
	v7 =	vpop (erf)  }
0xa1: {  	v7 =	vadd.f32 $1.000000000e+00, v7  }
0xa2: {  	(erf) = vrcp.f32 v6  }
0xa3: {  	v9 =	vpop (erf);
	(erf) = vrcp.f32 v7  }
0xa4: {  	v6 =	vadd.f32 $1.000000000e+00, v9;
	v9 =	vpop (erf)  }
0xa5: {  	v7 =	vadd.f32 $1.000000000e+00, v9;
	v9 =	vpop (erf)  }
0xa6: {  	v9 =	vadd.f32 $1.000000000e+00, v9;
	v11 =	vpop (erf);
	(erf) = vrcp.f32 v6  }
0xa7: {  	v6 =	vadd.f32 $1.000000000e+00, v11;
	(erf) = vrcp.f32 v7  }
0xa8: {  	(erf) = vrcp.f32 v9  }
0xa9: {  	v11 =	vpop (erf)  }
0xaa: {  	v7 =	vadd.f32 $1.000000000e+00, v11;
	v11 =	vpop (erf)  }
0xab: {  	v9 =	vadd.f32 $1.000000000e+00, v11;
	(erf) = vrcp.f32 v6;
	v6 =	vpop (erf)  }
0xac: {  	(erf) = vrcp.f32 v7;
	v2 =	vmul.f32 v6, v2;
	v6 =	vpop (erf)  }
0xad: {  	(erf) = vrcp.f32 v9;
	v6 =	vmul.f32 v6, v10;
	_ =	sdelay $0x1  }
0xae: {  	v7 =	vpop (erf)  }
0xaf: {  	[tilespmem:s13+$0x2050] =	vst v2;
	v2 =	vmul.f32 v7, v8;
	v7 =	vpop (erf)  }
0xb0: {  	[tilespmem:s13+$0x2040] =	vst v6;
	v6 =	vpop (erf)  }
0xb1: {  	v0 =	vmul.f32 v6, v0  }
0xb2: {  	v5 =	vmul.f32 v7, v5  }
0xb3: {  	[tilespmem:s13+$0x2070] =	vst v2;
	v2 =	vpop (erf)  }
0xb4: {  	[tilespmem:s13+$0x2060] =	vst v5;
	v2 =	vmul.f32 v2, v4;
	v4 =	vpop (erf)  }
0xb5: {  	[tilespmem:s13+$0x2020] =	vst v0;
	v3 =	vmul.f32 v4, v3;
	v0 =	vpop (erf)  }
0xb6: {  	s8 =	sshll.u32 s31, $0xA;
	[tilespmem:s13+$0x2030] =	vst v2;
	v0 =	vmul.f32 v0, v1  }
0xb7: {  	s9 =	sshrl.u32 s8, $0x2;
	[tilespmem:s13+$0x2010] =	vst v3  }
0xb8: {  	p0 =	seq.s32 s31, $0xF;
	s9 =	sadd.s32 $0x1000, s9;
	[tilespmem:s13+$0x2000] =	vst v0  }
0xb9: {  	[spmem:s2] =	stream.indirect.scatter.add.f32 [tilespmem:s19], [sflag:$0x5], $0x80, s9, s18, $0xb8;
	[tilespmem:$0x1E000] =	vst v63  }
0xba: {  	s1 =	sadd.s32 @!p0 s30, s1;
	s8 =	sshrl.u32 @!p0 s8, $0x2;
	_ =	swait.ge [sflag:s16], $0x2000  }
0xbb: {  	s1 =	sshll.u32 @!p0 s1, $0xA;
	s8 =	sadd.s32 @!p0 $0x100, s8;
	[sflag:s16] =	ssyncset.done $0x0  }
0xbc: {  	s13 =	simm.s32 @!p0 $0x2000;
	s9 =	simm.s32 @!p0 $0x40;
	[sflag:s16] =	ssyncadd.s32 $0xFFFFE000  }
0xbd: {  	[tilespmem:s13], [sflag:$0x1] =	stream.indirect.gather @!p0 [hbm4b:s4+s9], $0x80, s8, s9, $0xb8;
	[tilespmem:$0x1E000] =	vst v63  }
0xbe: {  	s1 =	sadd.s32 @!p0 s1, s12;
	s8 =	simm.s32 @!p0 $0x0;
	s9 =	simm.s32 @!p0 $0x6000  }
0xbf: {  	[tilespmem:s9], [sflag:$0x3] =	stream.linear.gather @!p0 [hbm4b:s1+s8], $0x2000, $0x38;
	[tilespmem:$0x1E000] =	vst v63  }
0xc0: {  	_ =	swait.ge [sflag:s25], $0x2000  }
0xc1: {  	[sflag:s25] =	ssyncset.done $0x0  }
0xc2: {  	[sflag:s25] =	ssyncadd.s32 $0xFFFFE000  }
0xc3: {  	_ =	swait.ge [sflag:s26], $0x2000  }
0xc4: {  	[sflag:s26] =	ssyncset.done $0x0  }
0xc5: {  	s1 =	simm.s32 $0x0;
	[sflag:s26] =	ssyncadd.s32 $0xFFFFE000  }
0xc6: {  	v0 =	vld [tilespmem:s1+$0x8020]  }
0xc7: {  	v1 =	vld [tilespmem:s1+$0x8040]  }
0xc8: {  	v4 =	vld [tilespmem:s1+$0x8060]  }
0xc9: {  	v5 =	vld [tilespmem:s1+$0x8070]  }
0xca: {  	v2 =	vld [tilespmem:s1+$0x8050]  }
0xcb: {  	v3 =	vld [tilespmem:s1+$0x4050]  }
0xcc: {  	v6 =	vld [tilespmem:s1+$0x4040]  }
0xcd: {  	v7 =	vld [tilespmem:s1+$0x4070]  }
0xce: {  	v8 =	vld [tilespmem:s1+$0x4060]  }
0xcf: {  	v9 =	vld [tilespmem:s1+$0x4020]  }
0xd0: {  	v2 =	vadd.f32 v2, v3  }
0xd1: {  	v3 =	vadd.f32 v1, v6  }
0xd2: {  	v6 =	vadd.f32 v5, v7;
	v7 =	vld [tilespmem:s1+$0x8030];
	v1 =	vsub.f32 $0.0e+00, v2  }
0xd3: {  	v5 =	vadd.f32 v4, v8;
	v4 =	vld [tilespmem:s1+$0x4030];
	v60 =	vsub.f32 $0.0e+00, v3  }
0xd4: {  	v10 =	vld [tilespmem:s1+$0x8010];
	v8 =	vmul.f32 $1.442695020e+00, v1;
	v1 =	vadd.f32 v0, v9;
	v0 =	vsub.f32 $0.0e+00, v6  }
0xd5: {  	v61 =	vsub.f32 $0.0e+00, v5;
	v9 =	vld [tilespmem:s1+$0x4010];
	v12 =	vmul.f32 $1.442695020e+00, v60  }
0xd6: {  	v11 =	vld [tilespmem:s1+$0x8000];
	(erf) = vpow2.f32 v8;
	v8 =	vsub.f32 $0.0e+00, v1;
	v0 =	vmul.f32 $1.442695020e+00, v0  }
0xd7: {  	v62 =	vld [tilespmem:s1+$0x4000];
	v63 =	vmul.f32 $1.442695020e+00, v61;
	(erf) = vpow2.f32 v12  }
0xd8: {  	v7 =	vadd.f32 v7, v4;
	v8 =	vmul.f32 $1.442695020e+00, v8;
	(erf) = vpow2.f32 v0  }
0xd9: {  	(erf) = vpow2.f32 v63  }
0xda: {  	v4 =	vadd.f32 v10, v9;
	(erf) = vpow2.f32 v8;
	v8 =	vsub.f32 $0.0e+00, v7;
	_ =	sdelay $0x1  }
0xdb: {  	v0 =	vadd.f32 v11, v62;
	v9 =	vsub.f32 $0.0e+00, v4;
	v8 =	vmul.f32 $1.442695020e+00, v8;
	_ =	sdelay $0x1  }
0xdc: {  	v10 =	vsub.f32 $0.0e+00, v0;
	v9 =	vmul.f32 $1.442695020e+00, v9;
	_ =	sdelay $0x1  }
0xdd: {  	v10 =	vmul.f32 $1.442695020e+00, v10;
	(erf) = vpow2.f32 v8;
	v8 =	vpop (erf)  }
0xde: {  	(erf) = vpow2.f32 v9;
	v8 =	vadd.f32 $1.000000000e+00, v8  }
0xdf: {  	v9 =	vpop (erf);
	(erf) = vpow2.f32 v10  }
0xe0: {  	(erf) = vrcp.f32 v8  }
0xe1: {  	v9 =	vadd.f32 $1.000000000e+00, v9  }
0xe2: {  	v10 =	vpop (erf)  }
0xe3: {  	(erf) = vrcp.f32 v9;
	v8 =	vpop (erf)  }
0xe4: {  	s13 =	simm.s32 $0x200;
	s8 =	simm.s32 $0x400;
	v9 =	vadd.f32 $1.000000000e+00, v10;
	v8 =	vadd.f32 $1.000000000e+00, v8;
	v10 =	vpop (erf)  }
.LBB2_6:
0xe5: {  	p0 =	sne.s32 s8, $0x7E00  }
0xe6: {  	s9 =	sshra.s32 s13, $0x2;
	v10 =	vadd.f32 $1.000000000e+00, v10;
	v11 =	vpop (erf);
	(erf) = vrcp.f32 v9;
	s13 =	smov.u32 s8;
	s8 =	sadd.s32 $0x200, s8  }
0xe7: {  	v9 =	vld [tilespmem:s9+$0x8020];
	v14 =	vadd.f32 $1.000000000e+00, v11;
	v12 =	vpop (erf);
	(erf) = vrcp.f32 v8  }
0xe8: {  	v8 =	vld [tilespmem:s9+$0x8040];
	v12 =	vadd.f32 $1.000000000e+00, v12;
	v13 =	vpop (erf);
	(erf) = vrcp.f32 v10  }
0xe9: {  	v10 =	vld [tilespmem:s9+$0x8060];
	v13 =	vadd.f32 $1.000000000e+00, v13;
	(erf) = vrcp.f32 v14;
	v11 =	vpop (erf)  }
0xea: {  	v14 =	vld [tilespmem:s9+$0x8070];
	v15 =	vmul.f32 v11, v2;
	(erf) = vrcp.f32 v12  }
0xeb: {  	v11 =	vld [tilespmem:s9+$0x8050];
	(erf) = vrcp.f32 v13  }
0xec: {  	v12 =	vld [tilespmem:s9+$0x8010];
	[tilespmem:s1+$0x4050] =	vst v15;
	v2 =	vpop (erf)  }
0xed: {  	v13 =	vld [tilespmem:s9+$0x4050];
	v3 =	vmul.f32 v2, v3;
	_ =	sdelay $0x1  }
0xee: {  	[tilespmem:s1+$0x4040] =	vst v3;
	v2 =	vpop (erf)  }
0xef: {  	v3 =	vld [tilespmem:s9+$0x4040];
	v18 =	vmul.f32 v2, v6;
	v2 =	vpop (erf)  }
0xf0: {  	v15 =	vld [tilespmem:s9+$0x8000];
	v19 =	vmul.f32 v2, v5;
	v16 =	vpop (erf)  }
0xf1: {  	v17 =	vld [tilespmem:s9+$0x8030];
	v2 =	vadd.f32 v11, v13;
	v16 =	vmul.f32 v16, v1;
	[tilespmem:s1+$0x4070] =	vst v18;
	v6 =	vpop (erf)  }
0xf2: {  	v11 =	vld [tilespmem:s9+$0x4070];
	v6 =	vmul.f32 v6, v7;
	[tilespmem:s1+$0x4060] =	vst v19;
	v5 =	vpop (erf)  }
0xf3: {  	v7 =	vsub.f32 $0.0e+00, v2;
	v13 =	vld [tilespmem:s9+$0x4060];
	v4 =	vmul.f32 v5, v4;
	[tilespmem:s1+$0x4020] =	vst v16;
	v1 =	vpop (erf)  }
0xf4: {  	v16 =	vld [tilespmem:s9+$0x4020];
	v3 =	vadd.f32 v8, v3;
	v0 =	vmul.f32 v1, v0;
	[tilespmem:s1+$0x4030] =	vst v6  }
0xf5: {  	v8 =	vld [tilespmem:s9+$0x4030];
	v1 =	vmul.f32 $1.442695020e+00, v7;
	[tilespmem:s1+$0x4010] =	vst v4  }
0xf6: {  	v4 =	vld [tilespmem:s9+$0x4010];
	v5 =	vsub.f32 $0.0e+00, v3;
	[tilespmem:s1+$0x4000] =	vst v0;
	s1 =	smov.u32 s9  }
0xf7: {  	v0 =	vld [tilespmem:s1+$0x4000];
	v6 =	vadd.f32 v14, v11;
	(erf) = vpow2.f32 v1  }
0xf8: {  	v11 =	vmul.f32 $1.442695020e+00, v5;
	v5 =	vadd.f32 v10, v13  }
0xf9: {  	v1 =	vadd.f32 v9, v16;
	v9 =	vsub.f32 $0.0e+00, v6  }
0xfa: {  	v7 =	vadd.f32 v17, v8;
	v8 =	vsub.f32 $0.0e+00, v5;
	(erf) = vpow2.f32 v11  }
0xfb: {  	v4 =	vadd.f32 v12, v4;
	v10 =	vsub.f32 $0.0e+00, v1;
	v9 =	vmul.f32 $1.442695020e+00, v9  }
0xfc: {  	v0 =	vadd.f32 v15, v0;
	v11 =	vsub.f32 $0.0e+00, v7;
	v8 =	vmul.f32 $1.442695020e+00, v8  }
0xfd: {  	v12 =	vsub.f32 $0.0e+00, v4;
	v13 =	vmul.f32 $1.442695020e+00, v10;
	(erf) = vpow2.f32 v9  }
0xfe: {  	v9 =	vsub.f32 $0.0e+00, v0;
	v11 =	vmul.f32 $1.442695020e+00, v11;
	(erf) = vpow2.f32 v8  }
0xff: {  	v8 =	vmul.f32 $1.442695020e+00, v12;
	(erf) = vpow2.f32 v13  }
0x100: {  	v9 =	vmul.f32 $1.442695020e+00, v9;
	(erf) = vpow2.f32 v11;
	v10 =	vpop (erf)  }
0x101: {  	v10 =	vadd.f32 $1.000000000e+00, v10;
	(erf) = vpow2.f32 v8  }
0x102: {  	(erf) = vpow2.f32 v9  }
0x103: {  	v8 =	vpop (erf);
	(erf) = vrcp.f32 v10  }
.Ltmp1:
0x104: {  	v9 =	vadd.f32 $1.000000000e+00, v8;
	(pc) =	sbr.rel @p0 .LBB2_6-.Ltmp1, $4  }
0x105: {  	_ = 	snop  }
0x106: {  	(erf) = vrcp.f32 v9;
	v8 =	vpop (erf)  }
0x107: {  	v9 =	vadd.f32 $1.000000000e+00, v8;
	v8 =	vpop (erf)  }
0x108: {  	v8 =	vadd.f32 $1.000000000e+00, v8;
	v10 =	vpop (erf)  }
0x109: {  	(erf) = vrcp.f32 v9;
	_ =	sdelay $0x3  }
0x10a: {  	v11 =	vpop (erf);
	v10 =	vadd.f32 $1.000000000e+00, v10  }
0x10b: {  	v12 =	vpop (erf);
	(erf) = vrcp.f32 v8;
	v11 =	vadd.f32 $1.000000000e+00, v11  }
0x10c: {  	s8 =	sshra.s32 s13, $0x2;
	v58 =	vpop (erf);
	(erf) = vrcp.f32 v10;
	v61 =	vadd.f32 $1.000000000e+00, v12  }
0x10d: {  	v57 =	vld [tilespmem:s8+$0x8020];
	v15 =	vpop (erf);
	(erf) = vrcp.f32 v11;
	v8 =	vadd.f32 $1.000000000e+00, v58  }
0x10e: {  	v13 =	vld [tilespmem:s8+$0x8040];
	(erf) = vrcp.f32 v61;
	v17 =	vpop (erf)  }
0x10f: {  	v14 =	vld [tilespmem:s8+$0x8060];
	v12 =	vpop (erf);
	(erf) = vrcp.f32 v8  }
0x110: {  	v16 =	vld [tilespmem:s8+$0x8070];
	v2 =	vmul.f32 v15, v2  }
0x111: {  	v59 =	vld [tilespmem:s8+$0x8050];
	v62 =	vmul.f32 v17, v3  }
0x112: {  	v60 =	vld [tilespmem:s8+$0x8010];
	[tilespmem:s1+$0x4050] =	vst v2  }
0x113: {  	v63 =	vld [tilespmem:s8+$0x4050];
	[tilespmem:s1+$0x4040] =	vst v62  }
0x114: {  	v17 =	vld [tilespmem:s8+$0x4040];
	v2 =	vmul.f32 v12, v6;
	v19 =	vpop (erf)  }
0x115: {  	v18 =	vld [tilespmem:s8+$0x8000];
	v5 =	vmul.f32 v19, v5;
	v21 =	vpop (erf)  }
0x116: {  	v20 =	vld [tilespmem:s8+$0x8030];
	[tilespmem:s1+$0x4070] =	vst v2;
	v1 =	vmul.f32 v21, v1;
	v23 =	vpop (erf)  }
0x117: {  	v22 =	vld [tilespmem:s8+$0x4070];
	[tilespmem:s1+$0x4060] =	vst v5;
	v2 =	vmul.f32 v23, v7;
	v24 =	vpop (erf)  }
0x118: {  	v26 =	vadd.f32 v59, v63;
	v5 =	vld [tilespmem:s8+$0x4060];
	[tilespmem:s1+$0x4020] =	vst v1;
	v1 =	vmul.f32 v24, v4;
	v27 =	vpop (erf)  }
0x119: {  	v25 =	vld [tilespmem:s8+$0x4020];
	[tilespmem:s1+$0x4030] =	vst v2;
	v29 =	vadd.f32 v13, v17;
	v0 =	vmul.f32 v27, v0  }
0x11a: {  	v30 =	vsub.f32 $0.0e+00, v26;
	v28 =	vld [tilespmem:s8+$0x4030];
	[tilespmem:s1+$0x4010] =	vst v1  }
0x11b: {  	v31 =	vld [tilespmem:s8+$0x4010];
	v11 =	vsub.f32 $0.0e+00, v29;
	[tilespmem:s1+$0x4000] =	vst v0  }
0x11c: {  	v32 =	vmul.f32 $1.442695020e+00, v30;
	v8 =	vadd.f32 v16, v22;
	v33 =	vld [tilespmem:s8+$0x4000]  }
0x11d: {  	v11 =	vmul.f32 $1.442695020e+00, v11;
	v5 =	vadd.f32 v14, v5  }
0x11e: {  	(erf) = vpow2.f32 v32;
	v34 =	vadd.f32 v57, v25;
	v35 =	vsub.f32 $0.0e+00, v8  }
0x11f: {  	v4 =	vadd.f32 v20, v28;
	v36 =	vsub.f32 $0.0e+00, v5;
	(erf) = vpow2.f32 v11  }
0x120: {  	v3 =	vadd.f32 v60, v31;
	v37 =	vsub.f32 $0.0e+00, v34;
	v7 =	vmul.f32 $1.442695020e+00, v35  }
0x121: {  	v38 =	vsub.f32 $0.0e+00, v4;
	v9 =	vmul.f32 $1.442695020e+00, v36;
	v1 =	vadd.f32 v18, v33  }
0x122: {  	v39 =	vsub.f32 $0.0e+00, v3;
	v11 =	vmul.f32 $1.442695020e+00, v37;
	(erf) = vpow2.f32 v7  }
0x123: {  	v6 =	vmul.f32 $1.442695020e+00, v38;
	(erf) = vpow2.f32 v9;
	v40 =	vsub.f32 $0.0e+00, v1  }
0x124: {  	v41 =	vmul.f32 $1.442695020e+00, v39;
	(erf) = vpow2.f32 v11  }
0x125: {  	(erf) = vpow2.f32 v6;
	v7 =	vmul.f32 $1.442695020e+00, v40  }
0x126: {  	(erf) = vpow2.f32 v41  }
0x127: {  	(erf) = vpow2.f32 v7;
	_ =	sdelay $0x1  }
0x128: {  	v42 =	vpop (erf)  }
0x129: {  	v6 =	vadd.f32 $1.000000000e+00, v42;
	v43 =	vpop (erf)  }
0x12a: {  	v7 =	vadd.f32 $1.000000000e+00, v43;
	v44 =	vpop (erf)  }
0x12b: {  	(erf) = vrcp.f32 v6;
	v45 =	vadd.f32 $1.000000000e+00, v44;
	v46 =	vpop (erf)  }
0x12c: {  	(erf) = vrcp.f32 v7;
	v47 =	vadd.f32 $1.000000000e+00, v46;
	v48 =	vpop (erf)  }
0x12d: {  	v9 =	vadd.f32 $1.000000000e+00, v48;
	v49 =	vpop (erf);
	(erf) = vrcp.f32 v45  }
0x12e: {  	v50 =	vadd.f32 $1.000000000e+00, v49;
	v51 =	vpop (erf);
	(erf) = vrcp.f32 v47  }
0x12f: {  	v52 =	vadd.f32 $1.000000000e+00, v51;
	(erf) = vrcp.f32 v9;
	v53 =	vpop (erf)  }
0x130: {  	(erf) = vrcp.f32 v50;
	v54 =	vadd.f32 $1.000000000e+00, v53  }
0x131: {  	(erf) = vrcp.f32 v52  }
0x132: {  	(erf) = vrcp.f32 v54;
	_ =	sdelay $0x1  }
0x133: {  	v55 =	vpop (erf)  }
0x134: {  	v2 =	vmul.f32 v55, v26;
	v56 =	vpop (erf)  }
0x135: {  	v6 =	vmul.f32 v56, v29;
	v57 =	vpop (erf)  }
0x136: {  	[tilespmem:s8+$0x4050] =	vst v2;
	v58 =	vmul.f32 v57, v8;
	v59 =	vpop (erf)  }
0x137: {  	[tilespmem:s8+$0x4040] =	vst v6;
	v5 =	vmul.f32 v59, v5;
	v60 =	vpop (erf)  }
0x138: {  	v0 =	vmul.f32 v60, v34;
	[tilespmem:s8+$0x4070] =	vst v58;
	v61 =	vpop (erf)  }
0x139: {  	v2 =	vmul.f32 v61, v4;
	[tilespmem:s8+$0x4060] =	vst v5;
	v62 =	vpop (erf)  }
0x13a: {  	v3 =	vmul.f32 v62, v3;
	[tilespmem:s8+$0x4020] =	vst v0;
	v63 =	vpop (erf)  }
0x13b: {  	s31 =	sadd.s32 $0x1, s31;
	[tilespmem:s8+$0x4030] =	vst v2;
	v0 =	vmul.f32 v63, v1  }
0x13c: {  	p0 =	sne.s32 s31, $0x10;
	[tilespmem:s8+$0x4010] =	vst v3  }
.Ltmp2:
0x13d: {  	s0 =	sadd.s32 $0x1000, s0;
	[tilespmem:s8+$0x4000] =	vst v0;
	(pc) =	sbr.rel @p0 .LBB2_3-.Ltmp2, $4  }
0x13e: {  	[spmem:s2] =	stream.indirect.scatter.add.f32 [tilespmem:s21], [sflag:$0x5], $0x80, s0, s18, $0xb8;
	[tilespmem:$0x1E000] =	vst v63  }
0x13f: {  	_ =	swait.ge [sflag:s16], $0x2000  }
0x140: {  	[sflag:s16] =	ssyncset.done $0x0  }
0x141: {  	[sflag:s16] =	ssyncadd.s32 $0xFFFFE000  }
0x142: {  	s28 =	sadd.s32 $0x1, s28  }
0x143: {  	p0 =	sne.s32 s28, $0x5  }
.Ltmp3:
0x144: {  	_ = 	snop;
	(pc) =	sbr.rel @p0 .LBB2_2-.Ltmp3, $1  }
0x145: {  	_ =	sdelay $0x3  }
0x146: {  	[bflag:$0x0] =	sbarrier.arrive $0xFFFF  }
0x147: {  	s0 =	rddreg [dreg:$0x4]  }
0x148: {  	s1 =	rddreg [dreg:$0x6]  }
0x149: {  	[hbm:s0], [sflag:s15] =	dma.local [spmem:s1], $0x2800  }
0x14a: {  	_ =	swait.ge [sflag:s16], $0x2800  }
0x14b: {  	s3 =	sadd.s32 $0x1, s3;
	s31 =	rddreg [dreg:$0x5]  }
0x14c: {  	p0 =	sne.s32 s3, s31  }
.Ltmp4:
0x14d: {  	_ = 	snop;
	(pc) =	sbr.rel @p0 .LBB2_1-.Ltmp4, $3  }
0x14e: {  	_ =	sdelay $0x1  }
0x14f: {  	[sflag:s16] =	ssyncset.done $0x0  }
0x150: {  	s14 =	smov.u32 s15;
	[sflag:s16] =	ssyncadd.s32 $0xFFFFD800  }
0x151: {  	_ =	sfence.sel $0x180000  }
0x152: {  	[bflag:$0x0] =	sbarrier.arrive $0xFFFF  }
0x153: {  	_ =	strace $0x90000050  }
0x154: {  	s0 =	stileid.u32;
	[bflag:$0x2] =	sbarrier.arrive $0xFFFF  }
0x155: {  	p0 =	sne.s32 s0, $0x0;
	s0 =	rddreg [dreg:$0x2]  }
0x156: {  	s0 =	sadd.s32 @!p0 $0x100000, s0  }
0x157: {  	[sflag:s0] =	ssyncadd.tile.s32 @!p0 $0x1;
	_ =	shalt  }
.Lfunc_end2:
_tile_overlayer_lowered:
.L_overlay_start_2:
0x158: {  	(tag) =	ssettag $0x2  }
0x159: {  	s0 =	rddreg [dreg:$0x0];
	s2 =	stileid.u32  }
0x15a: {  	s1 =	rddreg [dreg:$0x1];
	p0 =	sne.s32 s2, $0x0  }
0x15b: {  	s3 =	rddreg [dreg:$0x2];
	[bflag:$0x3] =	sbarrier.arrive $0xFFFF;
	s2 =	simm.s32 @!p0 $0x1C05  }
0x15c: {  	[timem:s3], [sflag:s2] =	dma.local @!p0 [hbm:s0], s1  }
0x15d: {  	s0 =	simm.s32 @!p0 $0x5  }
0x15e: {  	_ =	swait.ge @!p0 [sflag:s0], s1  }
0x15f: {  	s1 =	ssub.s32 @!p0 $0x0, s1;
	[sflag:s0] =	ssyncset.done @!p0 $0x0  }
0x160: {  	[sflag:s0] =	ssyncadd.s32 @!p0 s1  }
0x161: {  	[bflag:$0x3] =	sbarrier.arrive $0xFFFF  }
0x162: {  	_ =	shalt  }

</sc_bundles>
